<compile_context>
chip_gen: v7x
topology: tpu7x:2x2x1
jax: 0.10.2.dev20260603
libtpu: 0.0.44.dev20260713+nightly
codegen_flags: <defaults>
</compile_context>

<pallas_src>
import functools

import jax
import jax.numpy as jnp
from jax import lax
from jax.experimental import pallas as pl
from jax.experimental.pallas import tpu as pltpu
from jax.experimental.pallas import tpu_sc as plsc

N_SEG = 100000
M_ELEM = 6400000
K = 16
NW = 32
SEG_PER_W = 3128
SEG_LAST = N_SEG - (NW - 1) * SEG_PER_W
YLOC = 3136
CHUNK = 16384
NB = 48

def _merge_top16(top, piece):
    ps, _ = plsc.sort_key_val(piece, piece, descending=True)
    m = jnp.maximum(top, jnp.flip(ps, 0))
    ts, _ = plsc.sort_key_val(m, m, descending=True)
    return ts


def _negv():
    return jnp.full((K,), -jnp.inf, dtype=jnp.float32)


def _sort_pool_body(e_hbm, yv_hbm, w_hbm, out_hbm,
                    ids_v, vals_v, yloc, wk_v, tmp_ids, idx_v, probe_v,
                    sem0, sem1):
    wid = lax.axis_index("c") * 16 + lax.axis_index("s")
    pltpu.sync_copy(w_hbm, wk_v)
    iota = lax.iota(jnp.int32, K)
    lane0 = iota == 0

    w_raw = wk_v[...]
    wsrt, _ = plsc.sort_key_val(w_raw, w_raw, descending=True)
    w_exp = jnp.exp(w_raw - wsrt[0])
    wk = w_exp / jnp.sum(w_exp)

    s0 = wid * SEG_PER_W
    s1m1 = jnp.minimum(s0 + SEG_PER_W, N_SEG) - 1

    big = jnp.int32(2 ** 30)
    iota1 = iota + 1
    tgt_a = s0
    tgt_b = s0 + SEG_PER_W

    def bs_body(i, st):
        lo_a, hi_a, lo_b, hi_b = st
        wa = hi_a - lo_a
        wb = hi_b - lo_b
        qa = lo_a + (iota1 * wa) // K
        qb = lo_b + (iota1 * wb) // K
        idx_v[pl.ds(0, K)] = jnp.minimum(qa, M_ELEM - 1)
        idx_v[pl.ds(K, K)] = jnp.minimum(qb, M_ELEM - 1)
        pltpu.async_copy(e_hbm.at[idx_v], probe_v, sem0).wait()
        va = jnp.where(qa >= M_ELEM, big, probe_v[pl.ds(0, K)])
        vb = jnp.where(qb >= M_ELEM, big, probe_v[pl.ds(K, K)])
        ca = jnp.sum((va < tgt_a).astype(jnp.int32))
        cb = jnp.sum((vb < tgt_b).astype(jnp.int32))
        new_hi_a = lo_a + ((ca + 1) * wa) // K
        new_lo_a = lo_a + jnp.where(ca > 0, (ca * wa) // K + 1, 0)
        new_hi_b = lo_b + ((cb + 1) * wb) // K
        new_lo_b = lo_b + jnp.where(cb > 0, (cb * wb) // K + 1, 0)
        return new_lo_a, new_hi_a, new_lo_b, new_hi_b

    start, _, end, _ = lax.fori_loop(
        0, 7, bs_body, (jnp.int32(0), jnp.int32(M_ELEM),
                        jnp.int32(0), jnp.int32(M_ELEM)))

    def zero_body(i, c):
        yloc[pl.ds(i * K, K)] = jnp.zeros((K,), jnp.float32)
        return c

    lax.fori_loop(0, YLOC // K, zero_body, 0)

    def flush_val(top):
        return jnp.sum(jnp.where(top == _negv(), 0.0, top) * wk)

    start8 = start // 8 * 8
    n_chunks = (end - start8 + CHUNK - 1) // CHUNK

    sems = (sem0, sem1)

    def _chunk_start(k):
        return jnp.minimum(start8 + k * CHUNK, M_ELEM - CHUNK)

    def _dma_pair(k, slot):
        cs = _chunk_start(k)
        off = slot * CHUNK
        a = pltpu.make_async_copy(
            e_hbm.at[pl.ds(cs, CHUNK)], ids_v.at[pl.ds(off, CHUNK)], sems[slot])
        b = pltpu.make_async_copy(
            yv_hbm.at[pl.ds(cs, CHUNK)], vals_v.at[pl.ds(off, CHUNK)], sems[slot])
        return a, b

    def _start_dma(k, slot):
        a, b = _dma_pair(k, slot)
        a.start()
        b.start()

    def chunk_body(k, slot, carry):
        a, b = _dma_pair(k, slot)
        a.wait()
        b.wait()
        nominal = start8 + k * CHUNK
        cstart = _chunk_start(k)
        boff = slot * CHUNK
        lo = jnp.maximum(start, nominal)

        def one_vec(v, ids_raw, vals_raw, ps_asc, cur, top):
            base = cstart + v * K
            all_valid = (base >= lo) & (base + K <= end)
            uniform = (ids_raw[0] == cur) & (ids_raw[K - 1] == cur)

            def fast(cur, top):
                m = jnp.maximum(top, ps_asc)
                ts, _ = plsc.sort_key_val(m, m, descending=True)
                return cur, ts

            def slow(cur, top):
                gidx = base + iota
                valid = (gidx >= lo) & (gidx < end)
                vals_m = jnp.where(valid, vals_raw, -jnp.inf)
                ids_fill = jnp.where(valid, ids_raw, cur).astype(jnp.float32)
                srt, _ = plsc.sort_key_val(ids_fill, ids_fill, descending=True)
                mx = srt[0].astype(jnp.int32)
                ids_t = jnp.where(valid, ids_raw, jnp.where(gidx < lo, cur, mx))
                tmp_ids[pl.ds(0, K)] = ids_t

                def wcond(st):
                    return st[0] < K

                def wbody(st):
                    pos, cur, top = st
                    seg = tmp_ids[pl.ds(pos, K)][0]
                    mask = ids_t == seg
                    n = jnp.sum(mask.astype(jnp.int32))
                    piece = jnp.where(mask, vals_m, -jnp.inf)
                    do_flush = seg != cur
                    contrib = flush_val(top)
                    plsc.store_scatter(
                        yloc,
                        (jnp.full((K,), cur - s0, jnp.int32),),
                        jnp.full((K,), contrib, jnp.float32),
                        mask=lane0 & do_flush,
                    )
                    top = jnp.where(do_flush, _negv(), top)
                    cur = jnp.where(do_flush, seg, cur)
                    top = _merge_top16(top, piece)
                    return pos + n, cur, top

                _, cur, top = lax.while_loop(
                    wcond, wbody, (jnp.int32(0), cur, top))
                return cur, top

            return lax.cond(all_valid & uniform, fast, slow, cur, top)

        def pair_body(u, c2):
            cur, top = c2
            b0 = boff + (2 * u) * K
            ids0 = ids_v[pl.ds(b0, K)]
            vals0 = vals_v[pl.ds(b0, K)]
            ids1 = ids_v[pl.ds(b0 + K, K)]
            vals1 = vals_v[pl.ds(b0 + K, K)]
            ps0, _ = plsc.sort_key_val(vals0, vals0, descending=True)
            ps1a, _ = plsc.sort_key_val(vals1, vals1, descending=False)
            base0 = cstart + (2 * u) * K
            pair_valid = (base0 >= lo) & (base0 + 2 * K <= end)
            pair_fast = pair_valid & (ids0[0] == cur) & (ids1[K - 1] == cur)

            def fastpair(cur, top):
                m01 = jnp.maximum(ps0, ps1a)
                ps01a, _ = plsc.sort_key_val(m01, m01, descending=False)
                m = jnp.maximum(top, ps01a)
                ts, _ = plsc.sort_key_val(m, m, descending=True)
                return cur, ts

            def pervec(cur, top):
                cur, top = one_vec(2 * u, ids0, vals0, jnp.flip(ps0, 0),
                                   cur, top)
                cur, top = one_vec(2 * u + 1, ids1, vals1, ps1a, cur, top)
                return cur, top

            return lax.cond(pair_fast, fastpair, pervec, cur, top)

        def pair2_body(w, c2):
            c2 = pair_body(2 * w, c2)
            return pair_body(2 * w + 1, c2)

        return lax.fori_loop(0, CHUNK // (4 * K), pair2_body, carry)

    @pl.when(n_chunks > 0)
    def _():
        _start_dma(0, 0)

    def pair_body(p, carry):
        for b in range(2):
            k = 2 * p + b

            def go(c, k=k, b=b):
                @pl.when(k + 1 < n_chunks)
                def _():
                    _start_dma(k + 1, 1 - b)

                return chunk_body(k, b, c)

            carry = lax.cond(k < n_chunks, go, lambda c: c, carry)
        return carry

    n_pairs = (n_chunks + 1) // 2
    cur, top = lax.fori_loop(0, n_pairs, pair_body, (s0, _negv()))
    plsc.store_scatter(
        yloc,
        (jnp.full((K,), cur - s0, jnp.int32),),
        jnp.full((K,), flush_val(top), jnp.float32),
        mask=lane0,
    )

    @pl.when(wid != NW - 1)
    def _():
        pltpu.sync_copy(yloc.at[pl.ds(0, SEG_PER_W)],
                        out_hbm.at[pl.ds(s0, SEG_PER_W)])

    @pl.when(wid == NW - 1)
    def _():
        pltpu.sync_copy(yloc.at[pl.ds(0, SEG_LAST)],
                        out_hbm.at[pl.ds(s0, SEG_LAST)])


@functools.lru_cache(maxsize=1)
def _build_sc_kernel():
    mesh = plsc.VectorSubcoreMesh(core_axis_name="c", subcore_axis_name="s")
    return pl.kernel(
        _sort_pool_body,
        out_type=jax.ShapeDtypeStruct((N_SEG,), jnp.float32),
        mesh=mesh,
        compiler_params=pltpu.CompilerParams(needs_layout_passes=False),
        scratch_types=[
            pltpu.VMEM((2 * CHUNK,), jnp.int32),
            pltpu.VMEM((2 * CHUNK,), jnp.float32),
            pltpu.VMEM((YLOC,), jnp.float32),
            pltpu.VMEM((K,), jnp.float32),
            pltpu.VMEM((2 * K,), jnp.int32),
            pltpu.VMEM((2 * K,), jnp.int32),
            pltpu.VMEM((2 * K,), jnp.int32),
            pltpu.SemaphoreType.DMA,
            pltpu.SemaphoreType.DMA,
        ],
    )


def kernel(e_map, v_count, Y, W):
    del v_count
    yf = jnp.squeeze(Y, -1)
    return _build_sc_kernel()(e_map, yf, W.astype(jnp.float32))

# --- scband reference (transcript-rebuilt; emitter-appended) ---
"""Pipeline reference for scband-sort-pooling-21921513079205 (READ-ONLY COPY).

The authoritative reference and input builder live on the scoring server;
editing this copy changes nothing except your own understanding.
"""

import jax, jax.numpy as jnp
import numpy as np

K_POOL = 16
N_SEG = 100000
M_ELEM = 6400000

def setup_inputs(seed: int = 0):
    key = jax.random.key(seed)
    k1, k2 = jax.random.split(key)
    e_map = jnp.sort(jax.random.randint(k1, (M_ELEM,), 0, N_SEG, dtype=jnp.int32))
    v_count = jnp.zeros((N_SEG,), dtype=jnp.int32)
    Y = jax.random.normal(k2, (M_ELEM, 1), dtype=jnp.float32)
    W = jnp.ones((K_POOL,), dtype=jnp.float32)
    return {"e_map": e_map, "v_count": v_count, "Y": Y, "W": W}

def reference(e_map, v_count, Y, W):
    # call(io): inputs[-2]=e_map (sorted segment ids), inputs[-1]=v_count (len N), Y=[M,1]
    Yf = jnp.squeeze(Y, axis=-1)
    N = v_count.shape[0]
    # ragged row splits from sorted segment ids
    counts = jnp.bincount(e_map, length=N)
    row_starts = jnp.concatenate([jnp.zeros((1,), dtype=counts.dtype), jnp.cumsum(counts)[:-1]])
    rank = jnp.arange(e_map.shape[0], dtype=counts.dtype) - row_starts[e_map]
    max_len = counts.max()
    k_pool = jnp.minimum(K_POOL, max_len)
    # sort values descending within each segment (e_map stays sorted; lexsort is stable)
    order = jnp.lexsort((-Yf, e_map))
    Ys = Yf[order]
    # per-segment top-K_POOL: ranks >= K_POOL are dropped out-of-bounds
    dense = jnp.full((N, K_POOL), -jnp.inf, dtype=Yf.dtype)
    Y_top = dense.at[e_map, rank].set(Ys, mode='drop')
    idx = jnp.arange(K_POOL, dtype=counts.dtype)
    logits = jnp.where(idx < k_pool, W, -jnp.inf)
    Wk = jax.nn.softmax(logits)
    Y_w = jnp.where(jnp.isinf(Y_top), 0.0, Y_top) * Wk
    y = jnp.sum(Y_w, axis=-1)
    return y

if __name__ == "__main__":
    import jax
    _d = setup_inputs()
    print(jax.jit(kernel)(*tuple(_d.values())))

</pallas_src>

<mosaic_0001>
#map = affine_map<(d0, d1) -> (0)>
module attributes {stable_mosaic.version = 14 : i64} {
  func.func @_sort_pool_body(%arg0: i32, %arg1: i32, %arg2: memref<6400000xi32, #tpu.memory_space<hbm>>, %arg3: memref<6400000xf32, #tpu.memory_space<hbm>>, %arg4: memref<16xf32, #tpu.memory_space<hbm>>, %arg5: memref<100000xf32, #tpu.memory_space<hbm>>, %arg6: memref<32768xi32, #tpu.memory_space<vmem>>, %arg7: memref<32768xf32, #tpu.memory_space<vmem>>, %arg8: memref<3136xf32, #tpu.memory_space<vmem>>, %arg9: memref<16xf32, #tpu.memory_space<vmem>>, %arg10: memref<32xi32, #tpu.memory_space<vmem>>, %arg11: memref<32xi32, #tpu.memory_space<vmem>>, %arg12: memref<32xi32, #tpu.memory_space<vmem>>, %arg13: memref<!tpu.dma_semaphore, #tpu.memory_space<semaphore_mem>>, %arg14: memref<!tpu.dma_semaphore, #tpu.memory_space<semaphore_mem>>) attributes {dimension_semantics = [#tpu.dimension_semantics<core_parallel>, #tpu.dimension_semantics<subcore_parallel>], iteration_bounds = array<i64: 2, 16>, scalar_prefetch = 0 : i64, scratch_operands = 9 : i64, tpu.core_type = #tpu.core_type<sc_vector_subcore>, window_params = [{transform_indices = #map}, {transform_indices = #map}, {transform_indices = #map}, {transform_indices = #map}]} {
    %mul3A = arith.constant 16 : i32
    %mul3A_0 = arith.muli %arg0, %mul3A : i32
    %add3A = arith.addi %mul3A_0, %arg1 : i32
    "tpu.region"() ({
      %run_scoped3A = tpu.sem_alloc : memref<!tpu.dma_semaphore, #tpu.memory_space<semaphore_mem>>
      tpu.enqueue_dma source(%arg4 : memref<16xf32, #tpu.memory_space<hbm>>) target(%arg9 : memref<16xf32, #tpu.memory_space<vmem>>) target_semaphore(%run_scoped3A : memref<!tpu.dma_semaphore, #tpu.memory_space<semaphore_mem>>)
      tpu.wait_dma2 semaphore(%run_scoped3A : memref<!tpu.dma_semaphore, #tpu.memory_space<semaphore_mem>>) src(%arg4 : memref<16xf32, #tpu.memory_space<hbm>>) dst(%arg9 : memref<16xf32, #tpu.memory_space<vmem>>)
      tpu.yield
    }) : () -> ()
    %iota3A = tpu.iota {dimensions = array<i32: 0>} : vector<16xi32>
    %eq3A = arith.constant 0 : i32
    %eq3A_1 = vector.broadcast %eq3A : i32 to vector<16xi32>
    %eq3A_2 = arith.cmpi eq, %iota3A, %eq3A_1 : vector<16xi32>
    %get3A = arith.constant 0 : index
    %get3A_3 = tpu.vector_load %arg9[%get3A] {strides = array<i32>} : memref<16xf32, #tpu.memory_space<vmem>>, vector<16xf32>,
    %masked_sort3A = arith.constant dense<true> : vector<16xi1>
    %masked_sort3A_4, %masked_sort3A_5, %masked_sort3A_6 = tpu.sort %get3A_3, %get3A_3 masked %masked_sort3A {descending = true} : (vector<16xf32>, vector<16xf32>, vector<16xi1>) -> (vector<16xi1>, vector<16xf32>, vector<16xf32>)
    %slice3A = vector.extract_strided_slice %masked_sort3A_5 {offsets = [0], sizes = [1], strides = [1]} : vector<16xf32> to vector<1xf32>
    %squeeze3A = vector.extract %slice3A[0] : f32 from vector<1xf32>
    %sub3A = vector.broadcast %squeeze3A : f32 to vector<16xf32>
    %sub3A_7 = arith.subf %get3A_3, %sub3A : vector<16xf32>
    %exp3A = math.exp %sub3A_7 : vector<16xf32>
    %reduce_sum3A = arith.constant true
    %reduce_sum3A_8 = vector.broadcast %reduce_sum3A : i1 to vector<16xi1>
    %reduce_sum3A_9 = tpu.scan <sum>, %exp3A masked %reduce_sum3A_8 : vector<16xf32>, vector<16xi1> -> vector<16xf32>
    %reduce_sum3A_10 = vector.extract %reduce_sum3A_9[15] : f32 from vector<16xf32>
    %div3A = vector.broadcast %reduce_sum3A_10 : f32 to vector<16xf32>
    %div3A_11 = arith.divf %exp3A, %div3A : vector<16xf32>
    %mul3A_12 = arith.constant 3128 : i32
    %mul3A_13 = arith.muli %add3A, %mul3A_12 : i32
    %add3A_14 = arith.constant 3128 : i32
    %add3A_15 = arith.addi %mul3A_13, %add3A_14 : i32
    %min3A = arith.constant 100000 : i32
    %min3A_16 = arith.minsi %add3A_15, %min3A : i32
    %sub3A_17 = arith.constant 1 : i32
    %sub3A_18 = arith.subi %min3A_16, %sub3A_17 : i32
    %add3A_19 = arith.constant 1 : i32
    %add3A_20 = vector.broadcast %add3A_19 : i32 to vector<16xi32>
    %add3A_21 = arith.addi %iota3A, %add3A_20 : vector<16xi32>
    %add3A_22 = arith.constant 3128 : i32
    %add3A_23 = arith.addi %mul3A_13, %add3A_22 : i32
    %scan3A = arith.constant 1073741824 : i32
    %scan3A_24 = arith.constant 0 : i32
    %scan3A_25 = arith.constant 6400000 : i32
    %scan3A_26 = arith.constant 0 : i32
    %scan3A_27 = arith.constant 6400000 : i32
    %scan3A_28 = arith.constant 0 : i32
    %scan3A_29 = arith.constant 7 : i32
    %scan3A_30 = arith.addi %scan3A_28, %scan3A_29 : i32
    %scan3A_31 = arith.constant 1 : i32
    %scan3A_32:4 = scf.for %scan3A_152 = %scan3A_28 to %scan3A_30 step %scan3A_31 iter_args(%scan3A_153 = %scan3A_24, %scan3A_154 = %scan3A_25, %scan3A_155 = %scan3A_26, %scan3A_156 = %scan3A_27) -> (i32, i32, i32, i32)  : i32 {
      %sub3A_157 = arith.subi %scan3A_154, %scan3A_153 : i32
      %sub3A_158 = arith.subi %scan3A_156, %scan3A_155 : i32
      %mul3A_159 = vector.broadcast %sub3A_157 : i32 to vector<16xi32>
      %mul3A_160 = arith.muli %add3A_21, %mul3A_159 : vector<16xi32>
      %jit3A_161 = arith.constant 16 : i32
      %div3A_162 = vector.broadcast %jit3A_161 : i32 to vector<16xi32>
      %div3A_163 = arith.divsi %mul3A_160, %div3A_162 : vector<16xi32>
      %sign3A_164 = arith.constant 0 : i32
      %sign3A_165 = vector.broadcast %sign3A_164 : i32 to vector<16xi32>
      %sign3A_166 = arith.cmpi sgt, %mul3A_160, %sign3A_165 : vector<16xi32>
      %sign3A_167 = arith.extui %sign3A_166 : vector<16xi1> to vector<16xi32>
      %sign3A_168 = arith.constant 0 : i32
      %sign3A_169 = vector.broadcast %sign3A_168 : i32 to vector<16xi32>
      %sign3A_170 = arith.cmpi slt, %mul3A_160, %sign3A_169 : vector<16xi32>
      %sign3A_171 = arith.extui %sign3A_170 : vector<16xi1> to vector<16xi32>
      %sign3A_172 = arith.subi %sign3A_167, %sign3A_171 : vector<16xi32>
      %sign3A_173 = arith.constant 0 : i32
      %sign3A_174 = arith.cmpi sgt, %jit3A_161, %sign3A_173 : i32
      %sign3A_175 = arith.extui %sign3A_174 : i1 to i32
      %sign3A_176 = arith.constant 0 : i32
      %sign3A_177 = arith.cmpi slt, %jit3A_161, %sign3A_176 : i32
      %sign3A_178 = arith.extui %sign3A_177 : i1 to i32
      %sign3A_179 = arith.subi %sign3A_175, %sign3A_178 : i32
      %ne3A_180 = vector.broadcast %sign3A_179 : i32 to vector<16xi32>
      %ne3A_181 = arith.cmpi ne, %sign3A_172, %ne3A_180 : vector<16xi32>
      %rem3A_182 = vector.broadcast %jit3A_161 : i32 to vector<16xi32>
      %rem3A_183 = arith.remsi %mul3A_160, %rem3A_182 : vector<16xi32>
      %ne3A_184 = arith.constant 0 : i32
      %ne3A_185 = vector.broadcast %ne3A_184 : i32 to vector<16xi32>
      %ne3A_186 = arith.cmpi ne, %rem3A_183, %ne3A_185 : vector<16xi32>
      %and3A_187 = arith.andi %ne3A_181, %ne3A_186 : vector<16xi1>
      %sub3A_188 = arith.constant 1 : i32
      %sub3A_189 = vector.broadcast %sub3A_188 : i32 to vector<16xi32>
      %sub3A_190 = arith.subi %div3A_163, %sub3A_189 : vector<16xi32>
      %select_n3A_191 = arith.select %and3A_187, %sub3A_190, %div3A_163 : vector<16xi1>, vector<16xi32>
      %add3A_192 = vector.broadcast %scan3A_153 : i32 to vector<16xi32>
      %add3A_193 = arith.addi %add3A_192, %select_n3A_191 : vector<16xi32>
      %mul3A_194 = vector.broadcast %sub3A_158 : i32 to vector<16xi32>
      %mul3A_195 = arith.muli %add3A_21, %mul3A_194 : vector<16xi32>
      %jit3A_196 = arith.constant 16 : i32
      %div3A_197 = vector.broadcast %jit3A_196 : i32 to vector<16xi32>
      %div3A_198 = arith.divsi %mul3A_195, %div3A_197 : vector<16xi32>
      %sign3A_199 = arith.constant 0 : i32
      %sign3A_200 = vector.broadcast %sign3A_199 : i32 to vector<16xi32>
      %sign3A_201 = arith.cmpi sgt, %mul3A_195, %sign3A_200 : vector<16xi32>
      %sign3A_202 = arith.extui %sign3A_201 : vector<16xi1> to vector<16xi32>
      %sign3A_203 = arith.constant 0 : i32
      %sign3A_204 = vector.broadcast %sign3A_203 : i32 to vector<16xi32>
      %sign3A_205 = arith.cmpi slt, %mul3A_195, %sign3A_204 : vector<16xi32>
      %sign3A_206 = arith.extui %sign3A_205 : vector<16xi1> to vector<16xi32>
      %sign3A_207 = arith.subi %sign3A_202, %sign3A_206 : vector<16xi32>
      %sign3A_208 = arith.constant 0 : i32
      %sign3A_209 = arith.cmpi sgt, %jit3A_196, %sign3A_208 : i32
      %sign3A_210 = arith.extui %sign3A_209 : i1 to i32
      %sign3A_211 = arith.constant 0 : i32
      %sign3A_212 = arith.cmpi slt, %jit3A_196, %sign3A_211 : i32
      %sign3A_213 = arith.extui %sign3A_212 : i1 to i32
      %sign3A_214 = arith.subi %sign3A_210, %sign3A_213 : i32
      %ne3A_215 = vector.broadcast %sign3A_214 : i32 to vector<16xi32>
      %ne3A_216 = arith.cmpi ne, %sign3A_207, %ne3A_215 : vector<16xi32>
      %rem3A_217 = vector.broadcast %jit3A_196 : i32 to vector<16xi32>
      %rem3A_218 = arith.remsi %mul3A_195, %rem3A_217 : vector<16xi32>
      %ne3A_219 = arith.constant 0 : i32
      %ne3A_220 = vector.broadcast %ne3A_219 : i32 to vector<16xi32>
      %ne3A_221 = arith.cmpi ne, %rem3A_218, %ne3A_220 : vector<16xi32>
      %and3A_222 = arith.andi %ne3A_216, %ne3A_221 : vector<16xi1>
      %sub3A_223 = arith.constant 1 : i32
      %sub3A_224 = vector.broadcast %sub3A_223 : i32 to vector<16xi32>
      %sub3A_225 = arith.subi %div3A_198, %sub3A_224 : vector<16xi32>
      %select_n3A_226 = arith.select %and3A_222, %sub3A_225, %div3A_198 : vector<16xi1>, vector<16xi32>
      %add3A_227 = vector.broadcast %scan3A_155 : i32 to vector<16xi32>
      %add3A_228 = arith.addi %add3A_227, %select_n3A_226 : vector<16xi32>
      %min3A_229 = arith.constant 6399999 : i32
      %min3A_230 = vector.broadcast %min3A_229 : i32 to vector<16xi32>
      %min3A_231 = arith.minsi %add3A_193, %min3A_230 : vector<16xi32>
      %swap3A = arith.constant 0 : index
      %swap3A_232 = tpu.vector_load %arg11[%swap3A] {strides = array<i32>} : memref<32xi32, #tpu.memory_space<vmem>>, vector<16xi32>,
      tpu.vector_store %arg11[%swap3A], %min3A_231 {strides = array<i32>} : memref<32xi32, #tpu.memory_space<vmem>>, vector<16xi32>,
      %min3A_233 = arith.constant 6399999 : i32
      %min3A_234 = vector.broadcast %min3A_233 : i32 to vector<16xi32>
      %min3A_235 = arith.minsi %add3A_228, %min3A_234 : vector<16xi32>
      %swap3A_236 = arith.constant 16 : index
      %swap3A_237 = tpu.vector_load %arg11[%swap3A_236] {strides = array<i32>} : memref<32xi32, #tpu.memory_space<vmem>>, vector<16xi32>,
      tpu.vector_store %arg11[%swap3A_236], %min3A_235 {strides = array<i32>} : memref<32xi32, #tpu.memory_space<vmem>>, vector<16xi32>,
      %dma_start3A = arith.constant 0 : i32
      %dma_start3A_238 = tpu.memref_slice %arg2[%dma_start3A] : memref<6400000xi32, #tpu.memory_space<hbm>> -> memref<6400000xi32, #tpu.memory_space<hbm>>
      tpu.enqueue_indirect_dma source(%dma_start3A_238 : memref<6400000xi32, #tpu.memory_space<hbm>>) target(%arg12 : memref<32xi32, #tpu.memory_space<vmem>>) offsets(%arg11 : memref<32xi32, #tpu.memory_space<vmem>>) semaphore(%arg13 : memref<!tpu.dma_semaphore, #tpu.memory_space<semaphore_mem>>)
      %dma_wait3A = arith.constant 0 : i32
      %dma_wait3A_239 = tpu.memref_slice %arg2[%dma_wait3A] : memref<6400000xi32, #tpu.memory_space<hbm>> -> memref<6400000xi32, #tpu.memory_space<hbm>>
      tpu.wait_indirect_dma semaphore(%arg13 : memref<!tpu.dma_semaphore, #tpu.memory_space<semaphore_mem>>) src(%dma_wait3A_239 : memref<6400000xi32, #tpu.memory_space<hbm>>) dst(%arg12 : memref<32xi32, #tpu.memory_space<vmem>>)
      %ge3A = arith.constant 6400000 : i32
      %ge3A_240 = vector.broadcast %ge3A : i32 to vector<16xi32>
      %ge3A_241 = arith.cmpi sge, %add3A_193, %ge3A_240 : vector<16xi32>
      %get3A_242 = arith.constant 0 : index
      %get3A_243 = tpu.vector_load %arg12[%get3A_242] {strides = array<i32>} : memref<32xi32, #tpu.memory_space<vmem>>, vector<16xi32>,
      %broadcast_in_dim3A_244 = vector.broadcast %scan3A : i32 to vector<16xi32>
      %select_n3A_245 = arith.select %ge3A_241, %broadcast_in_dim3A_244, %get3A_243 : vector<16xi1>, vector<16xi32>
      %ge3A_246 = arith.constant 6400000 : i32
      %ge3A_247 = vector.broadcast %ge3A_246 : i32 to vector<16xi32>
      %ge3A_248 = arith.cmpi sge, %add3A_228, %ge3A_247 : vector<16xi32>
      %get3A_249 = arith.constant 16 : index
      %get3A_250 = tpu.vector_load %arg12[%get3A_249] {strides = array<i32>} : memref<32xi32, #tpu.memory_space<vmem>>, vector<16xi32>,
      %broadcast_in_dim3A_251 = vector.broadcast %scan3A : i32 to vector<16xi32>
      %select_n3A_252 = arith.select %ge3A_248, %broadcast_in_dim3A_251, %get3A_250 : vector<16xi1>, vector<16xi32>
      %lt3A = vector.broadcast %mul3A_13 : i32 to vector<16xi32>
      %lt3A_253 = arith.cmpi slt, %select_n3A_245, %lt3A : vector<16xi32>
      %convert_element_type3A_254 = arith.extui %lt3A_253 : vector<16xi1> to vector<16xi32>
      %reduce_sum3A_255 = arith.constant true
      %reduce_sum3A_256 = vector.broadcast %reduce_sum3A_255 : i1 to vector<16xi1>
      %reduce_sum3A_257 = tpu.scan <sum>, %convert_element_type3A_254 masked %reduce_sum3A_256 : vector<16xi32>, vector<16xi1> -> vector<16xi32>
      %reduce_sum3A_258 = vector.extract %reduce_sum3A_257[15] : i32 from vector<16xi32>
      %lt3A_259 = vector.broadcast %add3A_23 : i32 to vector<16xi32>
      %lt3A_260 = arith.cmpi slt, %select_n3A_252, %lt3A_259 : vector<16xi32>
      %convert_element_type3A_261 = arith.extui %lt3A_260 : vector<16xi1> to vector<16xi32>
      %reduce_sum3A_262 = arith.constant true
      %reduce_sum3A_263 = vector.broadcast %reduce_sum3A_262 : i1 to vector<16xi1>
      %reduce_sum3A_264 = tpu.scan <sum>, %convert_element_type3A_261 masked %reduce_sum3A_263 : vector<16xi32>, vector<16xi1> -> vector<16xi32>
      %reduce_sum3A_265 = vector.extract %reduce_sum3A_264[15] : i32 from vector<16xi32>
      %add3A_266 = arith.constant 1 : i32
      %add3A_267 = arith.addi %reduce_sum3A_258, %add3A_266 : i32
      %mul3A_268 = arith.muli %add3A_267, %sub3A_157 : i32
      %jit3A_269 = arith.constant 16 : i32
      %div3A_270 = arith.divsi %mul3A_268, %jit3A_269 : i32
      %sign3A_271 = arith.constant 0 : i32
      %sign3A_272 = arith.cmpi sgt, %mul3A_268, %sign3A_271 : i32
      %sign3A_273 = arith.extui %sign3A_272 : i1 to i32
      %sign3A_274 = arith.constant 0 : i32
      %sign3A_275 = arith.cmpi slt, %mul3A_268, %sign3A_274 : i32
      %sign3A_276 = arith.extui %sign3A_275 : i1 to i32
      %sign3A_277 = arith.subi %sign3A_273, %sign3A_276 : i32
      %sign3A_278 = arith.constant 0 : i32
      %sign3A_279 = arith.cmpi sgt, %jit3A_269, %sign3A_278 : i32
      %sign3A_280 = arith.extui %sign3A_279 : i1 to i32
      %sign3A_281 = arith.constant 0 : i32
      %sign3A_282 = arith.cmpi slt, %jit3A_269, %sign3A_281 : i32
      %sign3A_283 = arith.extui %sign3A_282 : i1 to i32
      %sign3A_284 = arith.subi %sign3A_280, %sign3A_283 : i32
      %ne3A_285 = arith.cmpi ne, %sign3A_277, %sign3A_284 : i32
      %rem3A_286 = arith.remsi %mul3A_268, %jit3A_269 : i32
      %ne3A_287 = arith.constant 0 : i32
      %ne3A_288 = arith.cmpi ne, %rem3A_286, %ne3A_287 : i32
      %and3A_289 = arith.andi %ne3A_285, %ne3A_288 : i1
      %sub3A_290 = arith.constant 1 : i32
      %sub3A_291 = arith.subi %div3A_270, %sub3A_290 : i32
      %select_n3A_292 = arith.select %and3A_289, %sub3A_291, %div3A_270 : i32
      %add3A_293 = arith.addi %scan3A_153, %select_n3A_292 : i32
      %gt3A_294 = arith.constant 0 : i32
      %gt3A_295 = arith.cmpi sgt, %reduce_sum3A_258, %gt3A_294 : i32
      %mul3A_296 = arith.muli %reduce_sum3A_258, %sub3A_157 : i32
      %jit3A_297 = arith.constant 16 : i32
      %div3A_298 = arith.divsi %mul3A_296, %jit3A_297 : i32
      %sign3A_299 = arith.constant 0 : i32
      %sign3A_300 = arith.cmpi sgt, %mul3A_296, %sign3A_299 : i32
      %sign3A_301 = arith.extui %sign3A_300 : i1 to i32
      %sign3A_302 = arith.constant 0 : i32
      %sign3A_303 = arith.cmpi slt, %mul3A_296, %sign3A_302 : i32
      %sign3A_304 = arith.extui %sign3A_303 : i1 to i32
      %sign3A_305 = arith.subi %sign3A_301, %sign3A_304 : i32
      %sign3A_306 = arith.constant 0 : i32
      %sign3A_307 = arith.cmpi sgt, %jit3A_297, %sign3A_306 : i32
      %sign3A_308 = arith.extui %sign3A_307 : i1 to i32
      %sign3A_309 = arith.constant 0 : i32
      %sign3A_310 = arith.cmpi slt, %jit3A_297, %sign3A_309 : i32
      %sign3A_311 = arith.extui %sign3A_310 : i1 to i32
      %sign3A_312 = arith.subi %sign3A_308, %sign3A_311 : i32
      %ne3A_313 = arith.cmpi ne, %sign3A_305, %sign3A_312 : i32
      %rem3A_314 = arith.remsi %mul3A_296, %jit3A_297 : i32
      %ne3A_315 = arith.constant 0 : i32
      %ne3A_316 = arith.cmpi ne, %rem3A_314, %ne3A_315 : i32
      %and3A_317 = arith.andi %ne3A_313, %ne3A_316 : i1
      %sub3A_318 = arith.constant 1 : i32
      %sub3A_319 = arith.subi %div3A_298, %sub3A_318 : i32
      %select_n3A_320 = arith.select %and3A_317, %sub3A_319, %div3A_298 : i32
      %add3A_321 = arith.constant 1 : i32
      %add3A_322 = arith.addi %select_n3A_320, %add3A_321 : i32
      %jit3A_323 = arith.constant 0 : i32
      %select_n3A_324 = arith.select %gt3A_295, %add3A_322, %jit3A_323 : i32
      %add3A_325 = arith.addi %scan3A_153, %select_n3A_324 : i32
      %add3A_326 = arith.constant 1 : i32
      %add3A_327 = arith.addi %reduce_sum3A_265, %add3A_326 : i32
      %mul3A_328 = arith.muli %add3A_327, %sub3A_158 : i32
      %jit3A_329 = arith.constant 16 : i32
      %div3A_330 = arith.divsi %mul3A_328, %jit3A_329 : i32
      %sign3A_331 = arith.constant 0 : i32
      %sign3A_332 = arith.cmpi sgt, %mul3A_328, %sign3A_331 : i32
      %sign3A_333 = arith.extui %sign3A_332 : i1 to i32
      %sign3A_334 = arith.constant 0 : i32
      %sign3A_335 = arith.cmpi slt, %mul3A_328, %sign3A_334 : i32
      %sign3A_336 = arith.extui %sign3A_335 : i1 to i32
      %sign3A_337 = arith.subi %sign3A_333, %sign3A_336 : i32
      %sign3A_338 = arith.constant 0 : i32
      %sign3A_339 = arith.cmpi sgt, %jit3A_329, %sign3A_338 : i32
      %sign3A_340 = arith.extui %sign3A_339 : i1 to i32
      %sign3A_341 = arith.constant 0 : i32
      %sign3A_342 = arith.cmpi slt, %jit3A_329, %sign3A_341 : i32
      %sign3A_343 = arith.extui %sign3A_342 : i1 to i32
      %sign3A_344 = arith.subi %sign3A_340, %sign3A_343 : i32
      %ne3A_345 = arith.cmpi ne, %sign3A_337, %sign3A_344 : i32
      %rem3A_346 = arith.remsi %mul3A_328, %jit3A_329 : i32
      %ne3A_347 = arith.constant 0 : i32
      %ne3A_348 = arith.cmpi ne, %rem3A_346, %ne3A_347 : i32
      %and3A_349 = arith.andi %ne3A_345, %ne3A_348 : i1
      %sub3A_350 = arith.constant 1 : i32
      %sub3A_351 = arith.subi %div3A_330, %sub3A_350 : i32
      %select_n3A_352 = arith.select %and3A_349, %sub3A_351, %div3A_330 : i32
      %add3A_353 = arith.addi %scan3A_155, %select_n3A_352 : i32
      %gt3A_354 = arith.constant 0 : i32
      %gt3A_355 = arith.cmpi sgt, %reduce_sum3A_265, %gt3A_354 : i32
      %mul3A_356 = arith.muli %reduce_sum3A_265, %sub3A_158 : i32
      %jit3A_357 = arith.constant 16 : i32
      %div3A_358 = arith.divsi %mul3A_356, %jit3A_357 : i32
      %sign3A_359 = arith.constant 0 : i32
      %sign3A_360 = arith.cmpi sgt, %mul3A_356, %sign3A_359 : i32
      %sign3A_361 = arith.extui %sign3A_360 : i1 to i32
      %sign3A_362 = arith.constant 0 : i32
      %sign3A_363 = arith.cmpi slt, %mul3A_356, %sign3A_362 : i32
      %sign3A_364 = arith.extui %sign3A_363 : i1 to i32
      %sign3A_365 = arith.subi %sign3A_361, %sign3A_364 : i32
      %sign3A_366 = arith.constant 0 : i32
      %sign3A_367 = arith.cmpi sgt, %jit3A_357, %sign3A_366 : i32
      %sign3A_368 = arith.extui %sign3A_367 : i1 to i32
      %sign3A_369 = arith.constant 0 : i32
      %sign3A_370 = arith.cmpi slt, %jit3A_357, %sign3A_369 : i32
      %sign3A_371 = arith.extui %sign3A_370 : i1 to i32
      %sign3A_372 = arith.subi %sign3A_368, %sign3A_371 : i32
      %ne3A_373 = arith.cmpi ne, %sign3A_365, %sign3A_372 : i32
      %rem3A_374 = arith.remsi %mul3A_356, %jit3A_357 : i32
      %ne3A_375 = arith.constant 0 : i32
      %ne3A_376 = arith.cmpi ne, %rem3A_374, %ne3A_375 : i32
      %and3A_377 = arith.andi %ne3A_373, %ne3A_376 : i1
      %sub3A_378 = arith.constant 1 : i32
      %sub3A_379 = arith.subi %div3A_358, %sub3A_378 : i32
      %select_n3A_380 = arith.select %and3A_377, %sub3A_379, %div3A_358 : i32
      %add3A_381 = arith.constant 1 : i32
      %add3A_382 = arith.addi %select_n3A_380, %add3A_381 : i32
      %jit3A_383 = arith.constant 0 : i32
      %select_n3A_384 = arith.select %gt3A_355, %add3A_382, %jit3A_383 : i32
      %add3A_385 = arith.addi %scan3A_155, %select_n3A_384 : i32
      scf.yield %add3A_325, %add3A_293, %add3A_385, %add3A_353 : i32, i32, i32, i32
    }
    %scan3A_33 = arith.constant 7 : i32
    %scan3A_34 = arith.constant 0 : i32
    %scan3A_35 = arith.constant 0 : i32
    %scan3A_36 = arith.constant 196 : i32
    %scan3A_37 = arith.addi %scan3A_35, %scan3A_36 : i32
    %scan3A_38 = arith.constant 1 : i32
    scf.for %scan3A_152 = %scan3A_35 to %scan3A_37 step %scan3A_38  : i32 {
      %broadcast_in_dim3A_153 = arith.constant 0.000000e+00 : f32
      %broadcast_in_dim3A_154 = vector.broadcast %broadcast_in_dim3A_153 : f32 to vector<16xf32>
      %mul3A_155 = arith.constant 16 : i32
      %mul3A_156 = arith.muli %scan3A_152, %mul3A_155 : i32
      %swap3A = arith.index_cast %mul3A_156 : i32 to index
      %swap3A_157 = tpu.vector_load %arg8[%swap3A] {strides = array<i32>} : memref<3136xf32, #tpu.memory_space<vmem>>, vector<16xf32>,
      tpu.vector_store %arg8[%swap3A], %broadcast_in_dim3A_154 {strides = array<i32>} : memref<3136xf32, #tpu.memory_space<vmem>>, vector<16xf32>,
    }
    %scan3A_39 = arith.constant 196 : i32
    %jit3A = arith.constant 8 : i32
    %div3A_40 = arith.divsi %scan3A_32#0, %jit3A : i32
    %sign3A = arith.constant 0 : i32
    %sign3A_41 = arith.cmpi sgt, %scan3A_32#0, %sign3A : i32
    %sign3A_42 = arith.extui %sign3A_41 : i1 to i32
    %sign3A_43 = arith.constant 0 : i32
    %sign3A_44 = arith.cmpi slt, %scan3A_32#0, %sign3A_43 : i32
    %sign3A_45 = arith.extui %sign3A_44 : i1 to i32
    %sign3A_46 = arith.subi %sign3A_42, %sign3A_45 : i32
    %sign3A_47 = arith.constant 0 : i32
    %sign3A_48 = arith.cmpi sgt, %jit3A, %sign3A_47 : i32
    %sign3A_49 = arith.extui %sign3A_48 : i1 to i32
    %sign3A_50 = arith.constant 0 : i32
    %sign3A_51 = arith.cmpi slt, %jit3A, %sign3A_50 : i32
    %sign3A_52 = arith.extui %sign3A_51 : i1 to i32
    %sign3A_53 = arith.subi %sign3A_49, %sign3A_52 : i32
    %ne3A = arith.cmpi ne, %sign3A_46, %sign3A_53 : i32
    %rem3A = arith.remsi %scan3A_32#0, %jit3A : i32
    %ne3A_54 = arith.constant 0 : i32
    %ne3A_55 = arith.cmpi ne, %rem3A, %ne3A_54 : i32
    %and3A = arith.andi %ne3A, %ne3A_55 : i1
    %sub3A_56 = arith.constant 1 : i32
    %sub3A_57 = arith.subi %div3A_40, %sub3A_56 : i32
    %select_n3A = arith.select %and3A, %sub3A_57, %div3A_40 : i32
    %mul3A_58 = arith.constant 8 : i32
    %mul3A_59 = arith.muli %select_n3A, %mul3A_58 : i32
    %sub3A_60 = arith.subi %scan3A_32#2, %mul3A_59 : i32
    %add3A_61 = arith.constant 16384 : i32
    %add3A_62 = arith.addi %sub3A_60, %add3A_61 : i32
    %sub3A_63 = arith.constant 1 : i32
    %sub3A_64 = arith.subi %add3A_62, %sub3A_63 : i32
    %jit3A_65 = arith.constant 16384 : i32
    %div3A_66 = arith.divsi %sub3A_64, %jit3A_65 : i32
    %sign3A_67 = arith.constant 0 : i32
    %sign3A_68 = arith.cmpi sgt, %sub3A_64, %sign3A_67 : i32
    %sign3A_69 = arith.extui %sign3A_68 : i1 to i32
    %sign3A_70 = arith.constant 0 : i32
    %sign3A_71 = arith.cmpi slt, %sub3A_64, %sign3A_70 : i32
    %sign3A_72 = arith.extui %sign3A_71 : i1 to i32
    %sign3A_73 = arith.subi %sign3A_69, %sign3A_72 : i32
    %sign3A_74 = arith.constant 0 : i32
    %sign3A_75 = arith.cmpi sgt, %jit3A_65, %sign3A_74 : i32
    %sign3A_76 = arith.extui %sign3A_75 : i1 to i32
    %sign3A_77 = arith.constant 0 : i32
    %sign3A_78 = arith.cmpi slt, %jit3A_65, %sign3A_77 : i32
    %sign3A_79 = arith.extui %sign3A_78 : i1 to i32
    %sign3A_80 = arith.subi %sign3A_76, %sign3A_79 : i32
    %ne3A_81 = arith.cmpi ne, %sign3A_73, %sign3A_80 : i32
    %rem3A_82 = arith.remsi %sub3A_64, %jit3A_65 : i32
    %ne3A_83 = arith.constant 0 : i32
    %ne3A_84 = arith.cmpi ne, %rem3A_82, %ne3A_83 : i32
    %and3A_85 = arith.andi %ne3A_81, %ne3A_84 : i1
    %sub3A_86 = arith.constant 1 : i32
    %sub3A_87 = arith.subi %div3A_66, %sub3A_86 : i32
    %select_n3A_88 = arith.select %and3A_85, %sub3A_87, %div3A_66 : i32
    %gt3A = arith.constant 0 : i32
    %gt3A_89 = arith.cmpi sgt, %select_n3A_88, %gt3A : i32
    %convert_element_type3A = arith.extui %gt3A_89 : i1 to i32
    %cond3A = arith.constant 0 : i32
    %cond3A_90 = arith.cmpi ne, %convert_element_type3A, %cond3A : i32
    scf.if %cond3A_90 {
      %add3A_152 = arith.constant 0 : i32
      %add3A_153 = arith.addi %mul3A_59, %add3A_152 : i32
      %min3A_154 = arith.constant 6383616 : i32
      %min3A_155 = arith.minsi %add3A_153, %min3A_154 : i32
      %dma_start3A = arith.constant 0 : i32
      %dma_start3A_156 = tpu.memref_slice %arg6[%dma_start3A] : memref<32768xi32, #tpu.memory_space<vmem>> -> memref<16384xi32, #tpu.memory_space<vmem>>
      %dma_start3A_157 = tpu.memref_slice %arg2[%min3A_155] : memref<6400000xi32, #tpu.memory_space<hbm>> -> memref<16384xi32, #tpu.memory_space<hbm>>
      %dma_start3A_158 = arith.constant 0 : i32
      %dma_start3A_159 = tpu.memref_slice %arg6[%dma_start3A_158] : memref<32768xi32, #tpu.memory_space<vmem>> -> memref<16384xi32, #tpu.memory_space<vmem>>
      %dma_start3A_160 = tpu.memref_slice %arg2[%min3A_155] : memref<6400000xi32, #tpu.memory_space<hbm>> -> memref<16384xi32, #tpu.memory_space<hbm>>
      tpu.enqueue_dma source(%dma_start3A_160 : memref<16384xi32, #tpu.memory_space<hbm>>) target(%dma_start3A_159 : memref<16384xi32, #tpu.memory_space<vmem>>) target_semaphore(%arg13 : memref<!tpu.dma_semaphore, #tpu.memory_space<semaphore_mem>>)
      %dma_start3A_161 = arith.constant 0 : i32
      %dma_start3A_162 = tpu.memref_slice %arg7[%dma_start3A_161] : memref<32768xf32, #tpu.memory_space<vmem>> -> memref<16384xf32, #tpu.memory_space<vmem>>
      %dma_start3A_163 = tpu.memref_slice %arg3[%min3A_155] : memref<6400000xf32, #tpu.memory_space<hbm>> -> memref<16384xf32, #tpu.memory_space<hbm>>
      %dma_start3A_164 = arith.constant 0 : i32
      %dma_start3A_165 = tpu.memref_slice %arg7[%dma_start3A_164] : memref<32768xf32, #tpu.memory_space<vmem>> -> memref<16384xf32, #tpu.memory_space<vmem>>
      %dma_start3A_166 = tpu.memref_slice %arg3[%min3A_155] : memref<6400000xf32, #tpu.memory_space<hbm>> -> memref<16384xf32, #tpu.memory_space<hbm>>
      tpu.enqueue_dma source(%dma_start3A_166 : memref<16384xf32, #tpu.memory_space<hbm>>) target(%dma_start3A_165 : memref<16384xf32, #tpu.memory_space<vmem>>) target_semaphore(%arg13 : memref<!tpu.dma_semaphore, #tpu.memory_space<semaphore_mem>>)
    } else {
    }
    %add3A_91 = arith.constant 1 : i32
    %add3A_92 = arith.addi %select_n3A_88, %add3A_91 : i32
    %jit3A_93 = arith.constant 2 : i32
    %div3A_94 = arith.divsi %add3A_92, %jit3A_93 : i32
    %sign3A_95 = arith.constant 0 : i32
    %sign3A_96 = arith.cmpi sgt, %add3A_92, %sign3A_95 : i32
    %sign3A_97 = arith.extui %sign3A_96 : i1 to i32
    %sign3A_98 = arith.constant 0 : i32
    %sign3A_99 = arith.cmpi slt, %add3A_92, %sign3A_98 : i32
    %sign3A_100 = arith.extui %sign3A_99 : i1 to i32
    %sign3A_101 = arith.subi %sign3A_97, %sign3A_100 : i32
    %sign3A_102 = arith.constant 0 : i32
    %sign3A_103 = arith.cmpi sgt, %jit3A_93, %sign3A_102 : i32
    %sign3A_104 = arith.extui %sign3A_103 : i1 to i32
    %sign3A_105 = arith.constant 0 : i32
    %sign3A_106 = arith.cmpi slt, %jit3A_93, %sign3A_105 : i32
    %sign3A_107 = arith.extui %sign3A_106 : i1 to i32
    %sign3A_108 = arith.subi %sign3A_104, %sign3A_107 : i32
    %ne3A_109 = arith.cmpi ne, %sign3A_101, %sign3A_108 : i32
    %rem3A_110 = arith.remsi %add3A_92, %jit3A_93 : i32
    %ne3A_111 = arith.constant 0 : i32
    %ne3A_112 = arith.cmpi ne, %rem3A_110, %ne3A_111 : i32
    %and3A_113 = arith.andi %ne3A_109, %ne3A_112 : i1
    %sub3A_114 = arith.constant 1 : i32
    %sub3A_115 = arith.subi %div3A_94, %sub3A_114 : i32
    %select_n3A_116 = arith.select %and3A_113, %sub3A_115, %div3A_94 : i32
    %broadcast_in_dim3A = arith.constant 0xFF800000 : f32
    %broadcast_in_dim3A_117 = vector.broadcast %broadcast_in_dim3A : f32 to vector<16xf32>
    %while3A = arith.constant 0 : i32
    %while3A_118 = arith.subi %select_n3A_116, %while3A : i32
    %while3A_119 = arith.addi %while3A, %while3A_118 : i32
    %while3A_120 = arith.constant 1 : i32
    %while3A_121 = arith.divsi %while3A_118, %while3A_120 : i32
    %while3A_122 = arith.muli %while3A_121, %while3A_120 : i32
    %while3A_123 = arith.addi %while3A, %while3A_122 : i32
    %while3A_124 = arith.constant 1 : i32
    %while3A_125:2 = scf.for %while3A_152 = %while3A to %while3A_123 step %while3A_124 iter_args(%while3A_153 = %mul3A_13, %while3A_154 = %broadcast_in_dim3A_117) -> (i32, vector<16xf32>)  : i32 {
      %mul3A_155 = arith.constant 2 : i32
      %mul3A_156 = arith.muli %mul3A_155, %while3A_152 : i32
      %add3A_157 = arith.constant 0 : i32
      %add3A_158 = arith.addi %mul3A_156, %add3A_157 : i32
      %lt3A = arith.cmpi slt, %add3A_158, %select_n3A_88 : i32
      %convert_element_type3A_159 = arith.extui %lt3A : i1 to i32
      %cond3A_160 = arith.constant 0 : i32
      %cond3A_161 = arith.cmpi ne, %convert_element_type3A_159, %cond3A_160 : i32
      %cond3A_162:2 = scf.if %cond3A_161 -> (i32, vector<16xf32>) {
        %add3A_172 = arith.constant 1 : i32
        %add3A_173 = arith.addi %add3A_158, %add3A_172 : i32
        %lt3A_174 = arith.cmpi slt, %add3A_173, %select_n3A_88 : i32
        %convert_element_type3A_175 = arith.extui %lt3A_174 : i1 to i32
        %cond3A_176 = arith.constant 0 : i32
        %cond3A_177 = arith.cmpi ne, %convert_element_type3A_175, %cond3A_176 : i32
        scf.if %cond3A_177 {
          %add3A_208 = arith.constant 1 : i32
          %add3A_209 = arith.addi %add3A_158, %add3A_208 : i32
          %mul3A_210 = arith.constant 16384 : i32
          %mul3A_211 = arith.muli %add3A_209, %mul3A_210 : i32
          %add3A_212 = arith.addi %mul3A_59, %mul3A_211 : i32
          %min3A_213 = arith.constant 6383616 : i32
          %min3A_214 = arith.minsi %add3A_212, %min3A_213 : i32
          %dma_start3A = arith.constant 16384 : i32
          %dma_start3A_215 = tpu.memref_slice %arg6[%dma_start3A] : memref<32768xi32, #tpu.memory_space<vmem>> -> memref<16384xi32, #tpu.memory_space<vmem>>
          %dma_start3A_216 = tpu.memref_slice %arg2[%min3A_214] : memref<6400000xi32, #tpu.memory_space<hbm>> -> memref<16384xi32, #tpu.memory_space<hbm>>
          %dma_start3A_217 = arith.constant 16384 : i32
          %dma_start3A_218 = tpu.memref_slice %arg6[%dma_start3A_217] : memref<32768xi32, #tpu.memory_space<vmem>> -> memref<16384xi32, #tpu.memory_space<vmem>>
          %dma_start3A_219 = tpu.memref_slice %arg2[%min3A_214] : memref<6400000xi32, #tpu.memory_space<hbm>> -> memref<16384xi32, #tpu.memory_space<hbm>>
          tpu.enqueue_dma source(%dma_start3A_219 : memref<16384xi32, #tpu.memory_space<hbm>>) target(%dma_start3A_218 : memref<16384xi32, #tpu.memory_space<vmem>>) target_semaphore(%arg14 : memref<!tpu.dma_semaphore, #tpu.memory_space<semaphore_mem>>)
          %dma_start3A_220 = arith.constant 16384 : i32
          %dma_start3A_221 = tpu.memref_slice %arg7[%dma_start3A_220] : memref<32768xf32, #tpu.memory_space<vmem>> -> memref<16384xf32, #tpu.memory_space<vmem>>
          %dma_start3A_222 = tpu.memref_slice %arg3[%min3A_214] : memref<6400000xf32, #tpu.memory_space<hbm>> -> memref<16384xf32, #tpu.memory_space<hbm>>
          %dma_start3A_223 = arith.constant 16384 : i32
          %dma_start3A_224 = tpu.memref_slice %arg7[%dma_start3A_223] : memref<32768xf32, #tpu.memory_space<vmem>> -> memref<16384xf32, #tpu.memory_space<vmem>>
          %dma_start3A_225 = tpu.memref_slice %arg3[%min3A_214] : memref<6400000xf32, #tpu.memory_space<hbm>> -> memref<16384xf32, #tpu.memory_space<hbm>>
          tpu.enqueue_dma source(%dma_start3A_225 : memref<16384xf32, #tpu.memory_space<hbm>>) target(%dma_start3A_224 : memref<16384xf32, #tpu.memory_space<vmem>>) target_semaphore(%arg14 : memref<!tpu.dma_semaphore, #tpu.memory_space<semaphore_mem>>)
        } else {
        }
        %mul3A_178 = arith.constant 16384 : i32
        %mul3A_179 = arith.muli %add3A_158, %mul3A_178 : i32
        %add3A_180 = arith.addi %mul3A_59, %mul3A_179 : i32
        %min3A_181 = arith.constant 6383616 : i32
        %min3A_182 = arith.minsi %add3A_180, %min3A_181 : i32
        %dma_wait3A = arith.constant 0 : i32
        %dma_wait3A_183 = tpu.memref_slice %arg6[%dma_wait3A] : memref<32768xi32, #tpu.memory_space<vmem>> -> memref<16384xi32, #tpu.memory_space<vmem>>
        %dma_wait3A_184 = tpu.memref_slice %arg2[%min3A_182] : memref<6400000xi32, #tpu.memory_space<hbm>> -> memref<16384xi32, #tpu.memory_space<hbm>>
        %dma_wait3A_185 = arith.constant 0 : i32
        %dma_wait3A_186 = tpu.memref_slice %arg6[%dma_wait3A_185] : memref<32768xi32, #tpu.memory_space<vmem>> -> memref<16384xi32, #tpu.memory_space<vmem>>
        %dma_wait3A_187 = tpu.memref_slice %arg2[%min3A_182] : memref<6400000xi32, #tpu.memory_space<hbm>> -> memref<16384xi32, #tpu.memory_space<hbm>>
        tpu.wait_dma2 semaphore(%arg13 : memref<!tpu.dma_semaphore, #tpu.memory_space<semaphore_mem>>) src(%dma_wait3A_187 : memref<16384xi32, #tpu.memory_space<hbm>>) dst(%dma_wait3A_186 : memref<16384xi32, #tpu.memory_space<vmem>>)
        %dma_wait3A_188 = arith.constant 0 : i32
        %dma_wait3A_189 = tpu.memref_slice %arg7[%dma_wait3A_188] : memref<32768xf32, #tpu.memory_space<vmem>> -> memref<16384xf32, #tpu.memory_space<vmem>>
        %dma_wait3A_190 = tpu.memref_slice %arg3[%min3A_182] : memref<6400000xf32, #tpu.memory_space<hbm>> -> memref<16384xf32, #tpu.memory_space<hbm>>
        %dma_wait3A_191 = arith.constant 0 : i32
        %dma_wait3A_192 = tpu.memref_slice %arg7[%dma_wait3A_191] : memref<32768xf32, #tpu.memory_space<vmem>> -> memref<16384xf32, #tpu.memory_space<vmem>>
        %dma_wait3A_193 = tpu.memref_slice %arg3[%min3A_182] : memref<6400000xf32, #tpu.memory_space<hbm>> -> memref<16384xf32, #tpu.memory_space<hbm>>
        tpu.wait_dma2 semaphore(%arg13 : memref<!tpu.dma_semaphore, #tpu.memory_space<semaphore_mem>>) src(%dma_wait3A_193 : memref<16384xf32, #tpu.memory_space<hbm>>) dst(%dma_wait3A_192 : memref<16384xf32, #tpu.memory_space<vmem>>)
        %mul3A_194 = arith.constant 16384 : i32
        %mul3A_195 = arith.muli %add3A_158, %mul3A_194 : i32
        %add3A_196 = arith.addi %mul3A_59, %mul3A_195 : i32
        %mul3A_197 = arith.constant 16384 : i32
        %mul3A_198 = arith.muli %add3A_158, %mul3A_197 : i32
        %add3A_199 = arith.addi %mul3A_59, %mul3A_198 : i32
        %min3A_200 = arith.constant 6383616 : i32
        %min3A_201 = arith.minsi %add3A_199, %min3A_200 : i32
        %max3A = arith.maxsi %scan3A_32#0, %add3A_196 : i32
        %scan3A_202 = arith.constant 0 : i32
        %scan3A_203 = arith.constant 256 : i32
        %scan3A_204 = arith.addi %scan3A_202, %scan3A_203 : i32
        %scan3A_205 = arith.constant 1 : i32
        %scan3A_206:2 = scf.for %scan3A_208 = %scan3A_202 to %scan3A_204 step %scan3A_205 iter_args(%scan3A_209 = %while3A_153, %scan3A_210 = %while3A_154) -> (i32, vector<16xf32>)  : i32 {
          %mul3A_211 = arith.constant 2 : i32
          %mul3A_212 = arith.muli %mul3A_211, %scan3A_208 : i32
          %mul3A_213 = arith.constant 2 : i32
          %mul3A_214 = arith.muli %mul3A_213, %mul3A_212 : i32
          %mul3A_215 = arith.constant 16 : i32
          %mul3A_216 = arith.muli %mul3A_214, %mul3A_215 : i32
          %add3A_217 = arith.constant 0 : i32
          %add3A_218 = arith.addi %add3A_217, %mul3A_216 : i32
          %get3A_219 = arith.index_cast %add3A_218 : i32 to index
          %get3A_220 = tpu.vector_load %arg6[%get3A_219] {strides = array<i32>} : memref<32768xi32, #tpu.memory_space<vmem>>, vector<16xi32>,
          %get3A_221 = arith.index_cast %add3A_218 : i32 to index
          %get3A_222 = tpu.vector_load %arg7[%get3A_221] {strides = array<i32>} : memref<32768xf32, #tpu.memory_space<vmem>>, vector<16xf32>,
          %add3A_223 = arith.constant 16 : i32
          %add3A_224 = arith.addi %add3A_218, %add3A_223 : i32
          %get3A_225 = arith.index_cast %add3A_224 : i32 to index
          %get3A_226 = tpu.vector_load %arg6[%get3A_225] {strides = array<i32>} : memref<32768xi32, #tpu.memory_space<vmem>>, vector<16xi32>,
          %add3A_227 = arith.constant 16 : i32
          %add3A_228 = arith.addi %add3A_218, %add3A_227 : i32
          %get3A_229 = arith.index_cast %add3A_228 : i32 to index
          %get3A_230 = tpu.vector_load %arg7[%get3A_229] {strides = array<i32>} : memref<32768xf32, #tpu.memory_space<vmem>>, vector<16xf32>,
          %masked_sort3A_231 = arith.constant dense<true> : vector<16xi1>
          %masked_sort3A_232, %masked_sort3A_233, %masked_sort3A_234 = tpu.sort %get3A_222, %get3A_222 masked %masked_sort3A_231 {descending = true} : (vector<16xf32>, vector<16xf32>, vector<16xi1>) -> (vector<16xi1>, vector<16xf32>, vector<16xf32>)
          %masked_sort3A_235 = arith.constant dense<true> : vector<16xi1>
          %masked_sort3A_236, %masked_sort3A_237, %masked_sort3A_238 = tpu.sort %get3A_230, %get3A_230 masked %masked_sort3A_235 : (vector<16xf32>, vector<16xf32>, vector<16xi1>) -> (vector<16xi1>, vector<16xf32>, vector<16xf32>)
          %mul3A_239 = arith.constant 2 : i32
          %mul3A_240 = arith.muli %mul3A_239, %mul3A_212 : i32
          %mul3A_241 = arith.constant 16 : i32
          %mul3A_242 = arith.muli %mul3A_240, %mul3A_241 : i32
          %add3A_243 = arith.addi %min3A_201, %mul3A_242 : i32
          %ge3A = arith.cmpi sge, %add3A_243, %max3A : i32
          %add3A_244 = arith.constant 32 : i32
          %add3A_245 = arith.addi %add3A_243, %add3A_244 : i32
          %le3A = arith.cmpi sle, %add3A_245, %scan3A_32#2 : i32
          %and3A_246 = arith.andi %ge3A, %le3A : i1
          %slice3A_247 = vector.extract_strided_slice %get3A_220 {offsets = [0], sizes = [1], strides = [1]} : vector<16xi32> to vector<1xi32>
          %squeeze3A_248 = vector.extract %slice3A_247[0] : i32 from vector<1xi32>
          %eq3A_249 = arith.cmpi eq, %squeeze3A_248, %scan3A_209 : i32
          %and3A_250 = arith.andi %and3A_246, %eq3A_249 : i1
          %slice3A_251 = vector.extract_strided_slice %get3A_226 {offsets = [15], sizes = [1], strides = [1]} : vector<16xi32> to vector<1xi32>
          %squeeze3A_252 = vector.extract %slice3A_251[0] : i32 from vector<1xi32>
          %eq3A_253 = arith.cmpi eq, %squeeze3A_252, %scan3A_209 : i32
          %and3A_254 = arith.andi %and3A_250, %eq3A_253 : i1
          %convert_element_type3A_255 = arith.extui %and3A_254 : i1 to i32
          %cond3A_256 = arith.constant 0 : i32
          %cond3A_257 = arith.cmpi ne, %convert_element_type3A_255, %cond3A_256 : i32
          %cond3A_258:2 = scf.if %cond3A_257 -> (i32, vector<16xf32>) {
            %max3A_311 = arith.maximumf %masked_sort3A_233, %masked_sort3A_237 : vector<16xf32>
            %masked_sort3A_312 = arith.constant dense<true> : vector<16xi1>
            %masked_sort3A_313, %masked_sort3A_314, %masked_sort3A_315 = tpu.sort %max3A_311, %max3A_311 masked %masked_sort3A_312 : (vector<16xf32>, vector<16xf32>, vector<16xi1>) -> (vector<16xi1>, vector<16xf32>, vector<16xf32>)
            %max3A_316 = arith.maximumf %scan3A_210, %masked_sort3A_314 : vector<16xf32>
            %masked_sort3A_317 = arith.constant dense<true> : vector<16xi1>
            %masked_sort3A_318, %masked_sort3A_319, %masked_sort3A_320 = tpu.sort %max3A_316, %max3A_316 masked %masked_sort3A_317 {descending = true} : (vector<16xf32>, vector<16xf32>, vector<16xi1>) -> (vector<16xi1>, vector<16xf32>, vector<16xf32>)
            scf.yield %scan3A_209, %masked_sort3A_319 : i32, vector<16xf32>
          } else {
            %mul3A_311 = arith.constant 2 : i32
            %mul3A_312 = arith.muli %mul3A_311, %mul3A_212 : i32
            %rev3A = arith.constant 15 : i32
            %rev3A_313 = vector.broadcast %rev3A : i32 to vector<16xi32>
            %rev3A_314 = tpu.iota {dimensions = array<i32: 0>} : vector<16xi32>
            %rev3A_315 = arith.subi %rev3A_313, %rev3A_314 : vector<16xi32>
            %rev3A_316 = tpu.dynamic_gather %masked_sort3A_233[%rev3A_315] in [0] : vector<16xf32>, vector<16xi32> -> vector<16xf32>
            %mul3A_317 = arith.constant 16 : i32
            %mul3A_318 = arith.muli %mul3A_312, %mul3A_317 : i32
            %add3A_319 = arith.addi %min3A_201, %mul3A_318 : i32
            %ge3A_320 = arith.cmpi sge, %add3A_319, %max3A : i32
            %add3A_321 = arith.constant 16 : i32
            %add3A_322 = arith.addi %add3A_319, %add3A_321 : i32
            %le3A_323 = arith.cmpi sle, %add3A_322, %scan3A_32#2 : i32
            %and3A_324 = arith.andi %ge3A_320, %le3A_323 : i1
            %slice3A_325 = vector.extract_strided_slice %get3A_220 {offsets = [0], sizes = [1], strides = [1]} : vector<16xi32> to vector<1xi32>
            %squeeze3A_326 = vector.extract %slice3A_325[0] : i32 from vector<1xi32>
            %eq3A_327 = arith.cmpi eq, %squeeze3A_326, %scan3A_209 : i32
            %slice3A_328 = vector.extract_strided_slice %get3A_220 {offsets = [15], sizes = [1], strides = [1]} : vector<16xi32> to vector<1xi32>
            %squeeze3A_329 = vector.extract %slice3A_328[0] : i32 from vector<1xi32>
            %eq3A_330 = arith.cmpi eq, %squeeze3A_329, %scan3A_209 : i32
            %and3A_331 = arith.andi %eq3A_327, %eq3A_330 : i1
            %and3A_332 = arith.andi %and3A_324, %and3A_331 : i1
            %convert_element_type3A_333 = arith.extui %and3A_332 : i1 to i32
            %cond3A_334 = arith.constant 0 : i32
            %cond3A_335 = arith.cmpi ne, %convert_element_type3A_333, %cond3A_334 : i32
            %cond3A_336:2 = scf.if %cond3A_335 -> (i32, vector<16xf32>) {
              %max3A_361 = arith.maximumf %scan3A_210, %rev3A_316 : vector<16xf32>
              %masked_sort3A_362 = arith.constant dense<true> : vector<16xi1>
              %masked_sort3A_363, %masked_sort3A_364, %masked_sort3A_365 = tpu.sort %max3A_361, %max3A_361 masked %masked_sort3A_362 {descending = true} : (vector<16xf32>, vector<16xf32>, vector<16xi1>) -> (vector<16xi1>, vector<16xf32>, vector<16xf32>)
              scf.yield %scan3A_209, %masked_sort3A_364 : i32, vector<16xf32>
            } else {
              %add3A_361 = vector.broadcast %add3A_319 : i32 to vector<16xi32>
              %add3A_362 = arith.addi %add3A_361, %iota3A : vector<16xi32>
              %ge3A_363 = vector.broadcast %max3A : i32 to vector<16xi32>
              %ge3A_364 = arith.cmpi sge, %add3A_362, %ge3A_363 : vector<16xi32>
              %lt3A_365 = vector.broadcast %scan3A_32#2 : i32 to vector<16xi32>
              %lt3A_366 = arith.cmpi slt, %add3A_362, %lt3A_365 : vector<16xi32>
              %and3A_367 = arith.andi %ge3A_364, %lt3A_366 : vector<16xi1>
              %jit3A_368 = arith.constant 0xFF800000 : f32
              %broadcast_in_dim3A_369 = vector.broadcast %jit3A_368 : f32 to vector<16xf32>
              %select_n3A_370 = arith.select %and3A_367, %get3A_222, %broadcast_in_dim3A_369 : vector<16xi1>, vector<16xf32>
              %broadcast_in_dim3A_371 = vector.broadcast %scan3A_209 : i32 to vector<16xi32>
              %select_n3A_372 = arith.select %and3A_367, %get3A_220, %broadcast_in_dim3A_371 : vector<16xi1>, vector<16xi32>
              %convert_element_type3A_373 = arith.sitofp %select_n3A_372 : vector<16xi32> to vector<16xf32>
              %masked_sort3A_374 = arith.constant dense<true> : vector<16xi1>
              %masked_sort3A_375, %masked_sort3A_376, %masked_sort3A_377 = tpu.sort %convert_element_type3A_373, %convert_element_type3A_373 masked %masked_sort3A_374 {descending = true} : (vector<16xf32>, vector<16xf32>, vector<16xi1>) -> (vector<16xi1>, vector<16xf32>, vector<16xf32>)
              %slice3A_378 = vector.extract_strided_slice %masked_sort3A_376 {offsets = [0], sizes = [1], strides = [1]} : vector<16xf32> to vector<1xf32>
              %squeeze3A_379 = vector.extract %slice3A_378[0] : f32 from vector<1xf32>
              %convert_element_type3A_380 = arith.fptosi %squeeze3A_379 : f32 to i32
              %lt3A_381 = vector.broadcast %max3A : i32 to vector<16xi32>
              %lt3A_382 = arith.cmpi slt, %add3A_362, %lt3A_381 : vector<16xi32>
              %broadcast_in_dim3A_383 = vector.broadcast %scan3A_209 : i32 to vector<16xi32>
              %broadcast_in_dim3A_384 = vector.broadcast %convert_element_type3A_380 : i32 to vector<16xi32>
              %select_n3A_385 = arith.select %lt3A_382, %broadcast_in_dim3A_383, %broadcast_in_dim3A_384 : vector<16xi1>, vector<16xi32>
              %select_n3A_386 = arith.select %and3A_367, %get3A_220, %select_n3A_385 : vector<16xi1>, vector<16xi32>
              %swap3A = arith.constant 0 : index
              %swap3A_387 = tpu.vector_load %arg10[%swap3A] {strides = array<i32>} : memref<32xi32, #tpu.memory_space<vmem>>, vector<16xi32>,
              tpu.vector_store %arg10[%swap3A], %select_n3A_386 {strides = array<i32>} : memref<32xi32, #tpu.memory_space<vmem>>, vector<16xi32>,
              %while3A_388 = arith.constant 0 : i32
              %while3A_389:3 = scf.while (%while3A_390 = %while3A_388, %while3A_391 = %scan3A_209, %while3A_392 = %scan3A_210) : (i32, i32, vector<16xf32>) -> (i32, i32, vector<16xf32>) {
                %lt3A_393 = arith.constant 16 : i32
                %lt3A_394 = arith.cmpi slt, %while3A_390, %lt3A_393 : i32
                scf.condition(%lt3A_394) %while3A_390, %while3A_391, %while3A_392 : i32, i32, vector<16xf32>
              } do {
              ^bb0(%while3A_390: i32, %while3A_391: i32, %while3A_392: vector<16xf32>):
                %get3A_393 = arith.index_cast %while3A_390 : i32 to index
                %get3A_394 = tpu.vector_load %arg10[%get3A_393] {strides = array<i32>} : memref<32xi32, #tpu.memory_space<vmem>>, vector<16xi32>,
                %slice3A_395 = vector.extract_strided_slice %get3A_394 {offsets = [0], sizes = [1], strides = [1]} : vector<16xi32> to vector<1xi32>
                %squeeze3A_396 = vector.extract %slice3A_395[0] : i32 from vector<1xi32>
                %eq3A_397 = vector.broadcast %squeeze3A_396 : i32 to vector<16xi32>
                %eq3A_398 = arith.cmpi eq, %select_n3A_386, %eq3A_397 : vector<16xi32>
                %convert_element_type3A_399 = arith.extui %eq3A_398 : vector<16xi1> to vector<16xi32>
                %reduce_sum3A_400 = arith.constant true
                %reduce_sum3A_401 = vector.broadcast %reduce_sum3A_400 : i1 to vector<16xi1>
                %reduce_sum3A_402 = tpu.scan <sum>, %convert_element_type3A_399 masked %reduce_sum3A_401 : vector<16xi32>, vector<16xi1> -> vector<16xi32>
                %reduce_sum3A_403 = vector.extract %reduce_sum3A_402[15] : i32 from vector<16xi32>
                %jit3A_404 = arith.constant 0xFF800000 : f32
                %broadcast_in_dim3A_405 = vector.broadcast %jit3A_404 : f32 to vector<16xf32>
                %select_n3A_406 = arith.select %eq3A_398, %select_n3A_370, %broadcast_in_dim3A_405 : vector<16xi1>, vector<16xf32>
                %ne3A_407 = arith.cmpi ne, %squeeze3A_396, %while3A_391 : i32
                %broadcast_in_dim3A_408 = arith.constant 0xFF800000 : f32
                %broadcast_in_dim3A_409 = vector.broadcast %broadcast_in_dim3A_408 : f32 to vector<16xf32>
                %eq3A_410 = arith.cmpf oeq, %while3A_392, %broadcast_in_dim3A_409 : vector<16xf32>
                %jit3A_411 = arith.constant 0.000000e+00 : f32
                %broadcast_in_dim3A_412 = vector.broadcast %jit3A_411 : f32 to vector<16xf32>
                %select_n3A_413 = arith.select %eq3A_410, %broadcast_in_dim3A_412, %while3A_392 : vector<16xi1>, vector<16xf32>
                %mul3A_414 = arith.mulf %select_n3A_413, %div3A_11 : vector<16xf32>
                %reduce_sum3A_415 = arith.constant true
                %reduce_sum3A_416 = vector.broadcast %reduce_sum3A_415 : i1 to vector<16xi1>
                %reduce_sum3A_417 = tpu.scan <sum>, %mul3A_414 masked %reduce_sum3A_416 : vector<16xf32>, vector<16xi1> -> vector<16xf32>
                %reduce_sum3A_418 = vector.extract %reduce_sum3A_417[15] : f32 from vector<16xf32>
                %sub3A_419 = arith.subi %while3A_391, %mul3A_13 : i32
                %broadcast_in_dim3A_420 = vector.broadcast %sub3A_419 : i32 to vector<16xi32>
                %broadcast_in_dim3A_421 = vector.broadcast %reduce_sum3A_418 : f32 to vector<16xf32>
                %and3A_422 = vector.broadcast %ne3A_407 : i1 to vector<16xi1>
                %and3A_423 = arith.andi %eq3A_2, %and3A_422 : vector<16xi1>
                tpu.vector_store_idx %arg8[%broadcast_in_dim3A_420], %broadcast_in_dim3A_421 masked %and3A_423 : memref<3136xf32, #tpu.memory_space<vmem>>[vector<16xi32>], vector<16xf32>, vector<16xi1>
                %broadcast_in_dim3A_424 = arith.constant 0xFF800000 : f32
                %broadcast_in_dim3A_425 = vector.broadcast %broadcast_in_dim3A_424 : f32 to vector<16xf32>
                %select_n3A_426 = arith.select %ne3A_407, %broadcast_in_dim3A_425, %while3A_392 : vector<16xf32>
                %select_n3A_427 = arith.select %ne3A_407, %squeeze3A_396, %while3A_391 : i32
                %masked_sort3A_428 = arith.constant dense<true> : vector<16xi1>
                %masked_sort3A_429, %masked_sort3A_430, %masked_sort3A_431 = tpu.sort %select_n3A_406, %select_n3A_406 masked %masked_sort3A_428 {descending = true} : (vector<16xf32>, vector<16xf32>, vector<16xi1>) -> (vector<16xi1>, vector<16xf32>, vector<16xf32>)
                %rev3A_432 = arith.constant 15 : i32
                %rev3A_433 = vector.broadcast %rev3A_432 : i32 to vector<16xi32>
                %rev3A_434 = tpu.iota {dimensions = array<i32: 0>} : vector<16xi32>
                %rev3A_435 = arith.subi %rev3A_433, %rev3A_434 : vector<16xi32>
                %rev3A_436 = tpu.dynamic_gather %masked_sort3A_430[%rev3A_435] in [0] : vector<16xf32>, vector<16xi32> -> vector<16xf32>
                %max3A_437 = arith.maximumf %select_n3A_426, %rev3A_436 : vector<16xf32>
                %masked_sort3A_438 = arith.constant dense<true> : vector<16xi1>
                %masked_sort3A_439, %masked_sort3A_440, %masked_sort3A_441 = tpu.sort %max3A_437, %max3A_437 masked %masked_sort3A_438 {descending = true} : (vector<16xf32>, vector<16xf32>, vector<16xi1>) -> (vector<16xi1>, vector<16xf32>, vector<16xf32>)
                %add3A_442 = arith.addi %while3A_390, %reduce_sum3A_403 : i32
                scf.yield %add3A_442, %select_n3A_427, %masked_sort3A_440 : i32, i32, vector<16xf32>
              }
              scf.yield %while3A_389#1, %while3A_389#2 : i32, vector<16xf32>
            }
            %mul3A_337 = arith.constant 2 : i32
            %mul3A_338 = arith.muli %mul3A_337, %mul3A_212 : i32
            %add3A_339 = arith.constant 1 : i32
            %add3A_340 = arith.addi %mul3A_338, %add3A_339 : i32
            %mul3A_341 = arith.constant 16 : i32
            %mul3A_342 = arith.muli %add3A_340, %mul3A_341 : i32
            %add3A_343 = arith.addi %min3A_201, %mul3A_342 : i32
            %ge3A_344 = arith.cmpi sge, %add3A_343, %max3A : i32
            %add3A_345 = arith.constant 16 : i32
            %add3A_346 = arith.addi %add3A_343, %add3A_345 : i32
            %le3A_347 = arith.cmpi sle, %add3A_346, %scan3A_32#2 : i32
            %and3A_348 = arith.andi %ge3A_344, %le3A_347 : i1
            %slice3A_349 = vector.extract_strided_slice %get3A_226 {offsets = [0], sizes = [1], strides = [1]} : vector<16xi32> to vector<1xi32>
            %squeeze3A_350 = vector.extract %slice3A_349[0] : i32 from vector<1xi32>
            %eq3A_351 = arith.cmpi eq, %squeeze3A_350, %cond3A_336#0 : i32
            %slice3A_352 = vector.extract_strided_slice %get3A_226 {offsets = [15], sizes = [1], strides = [1]} : vector<16xi32> to vector<1xi32>
            %squeeze3A_353 = vector.extract %slice3A_352[0] : i32 from vector<1xi32>
            %eq3A_354 = arith.cmpi eq, %squeeze3A_353, %cond3A_336#0 : i32
            %and3A_355 = arith.andi %eq3A_351, %eq3A_354 : i1
            %and3A_356 = arith.andi %and3A_348, %and3A_355 : i1
            %convert_element_type3A_357 = arith.extui %and3A_356 : i1 to i32
            %cond3A_358 = arith.constant 0 : i32
            %cond3A_359 = arith.cmpi ne, %convert_element_type3A_357, %cond3A_358 : i32
            %cond3A_360:2 = scf.if %cond3A_359 -> (i32, vector<16xf32>) {
              %max3A_361 = arith.maximumf %cond3A_336#1, %masked_sort3A_237 : vector<16xf32>
              %masked_sort3A_362 = arith.constant dense<true> : vector<16xi1>
              %masked_sort3A_363, %masked_sort3A_364, %masked_sort3A_365 = tpu.sort %max3A_361, %max3A_361 masked %masked_sort3A_362 {descending = true} : (vector<16xf32>, vector<16xf32>, vector<16xi1>) -> (vector<16xi1>, vector<16xf32>, vector<16xf32>)
              scf.yield %cond3A_336#0, %masked_sort3A_364 : i32, vector<16xf32>
            } else {
              %add3A_361 = vector.broadcast %add3A_343 : i32 to vector<16xi32>
              %add3A_362 = arith.addi %add3A_361, %iota3A : vector<16xi32>
              %ge3A_363 = vector.broadcast %max3A : i32 to vector<16xi32>
              %ge3A_364 = arith.cmpi sge, %add3A_362, %ge3A_363 : vector<16xi32>
              %lt3A_365 = vector.broadcast %scan3A_32#2 : i32 to vector<16xi32>
              %lt3A_366 = arith.cmpi slt, %add3A_362, %lt3A_365 : vector<16xi32>
              %and3A_367 = arith.andi %ge3A_364, %lt3A_366 : vector<16xi1>
              %jit3A_368 = arith.constant 0xFF800000 : f32
              %broadcast_in_dim3A_369 = vector.broadcast %jit3A_368 : f32 to vector<16xf32>
              %select_n3A_370 = arith.select %and3A_367, %get3A_230, %broadcast_in_dim3A_369 : vector<16xi1>, vector<16xf32>
              %broadcast_in_dim3A_371 = vector.broadcast %cond3A_336#0 : i32 to vector<16xi32>
              %select_n3A_372 = arith.select %and3A_367, %get3A_226, %broadcast_in_dim3A_371 : vector<16xi1>, vector<16xi32>
              %convert_element_type3A_373 = arith.sitofp %select_n3A_372 : vector<16xi32> to vector<16xf32>
              %masked_sort3A_374 = arith.constant dense<true> : vector<16xi1>
              %masked_sort3A_375, %masked_sort3A_376, %masked_sort3A_377 = tpu.sort %convert_element_type3A_373, %convert_element_type3A_373 masked %masked_sort3A_374 {descending = true} : (vector<16xf32>, vector<16xf32>, vector<16xi1>) -> (vector<16xi1>, vector<16xf32>, vector<16xf32>)
              %slice3A_378 = vector.extract_strided_slice %masked_sort3A_376 {offsets = [0], sizes = [1], strides = [1]} : vector<16xf32> to vector<1xf32>
              %squeeze3A_379 = vector.extract %slice3A_378[0] : f32 from vector<1xf32>
              %convert_element_type3A_380 = arith.fptosi %squeeze3A_379 : f32 to i32
              %lt3A_381 = vector.broadcast %max3A : i32 to vector<16xi32>
              %lt3A_382 = arith.cmpi slt, %add3A_362, %lt3A_381 : vector<16xi32>
              %broadcast_in_dim3A_383 = vector.broadcast %cond3A_336#0 : i32 to vector<16xi32>
              %broadcast_in_dim3A_384 = vector.broadcast %convert_element_type3A_380 : i32 to vector<16xi32>
              %select_n3A_385 = arith.select %lt3A_382, %broadcast_in_dim3A_383, %broadcast_in_dim3A_384 : vector<16xi1>, vector<16xi32>
              %select_n3A_386 = arith.select %and3A_367, %get3A_226, %select_n3A_385 : vector<16xi1>, vector<16xi32>
              %swap3A = arith.constant 0 : index
              %swap3A_387 = tpu.vector_load %arg10[%swap3A] {strides = array<i32>} : memref<32xi32, #tpu.memory_space<vmem>>, vector<16xi32>,
              tpu.vector_store %arg10[%swap3A], %select_n3A_386 {strides = array<i32>} : memref<32xi32, #tpu.memory_space<vmem>>, vector<16xi32>,
              %while3A_388 = arith.constant 0 : i32
              %while3A_389:3 = scf.while (%while3A_390 = %while3A_388, %while3A_391 = %cond3A_336#0, %while3A_392 = %cond3A_336#1) : (i32, i32, vector<16xf32>) -> (i32, i32, vector<16xf32>) {
                %lt3A_393 = arith.constant 16 : i32
                %lt3A_394 = arith.cmpi slt, %while3A_390, %lt3A_393 : i32
                scf.condition(%lt3A_394) %while3A_390, %while3A_391, %while3A_392 : i32, i32, vector<16xf32>
              } do {
              ^bb0(%while3A_390: i32, %while3A_391: i32, %while3A_392: vector<16xf32>):
                %get3A_393 = arith.index_cast %while3A_390 : i32 to index
                %get3A_394 = tpu.vector_load %arg10[%get3A_393] {strides = array<i32>} : memref<32xi32, #tpu.memory_space<vmem>>, vector<16xi32>,
                %slice3A_395 = vector.extract_strided_slice %get3A_394 {offsets = [0], sizes = [1], strides = [1]} : vector<16xi32> to vector<1xi32>
                %squeeze3A_396 = vector.extract %slice3A_395[0] : i32 from vector<1xi32>
                %eq3A_397 = vector.broadcast %squeeze3A_396 : i32 to vector<16xi32>
                %eq3A_398 = arith.cmpi eq, %select_n3A_386, %eq3A_397 : vector<16xi32>
                %convert_element_type3A_399 = arith.extui %eq3A_398 : vector<16xi1> to vector<16xi32>
                %reduce_sum3A_400 = arith.constant true
                %reduce_sum3A_401 = vector.broadcast %reduce_sum3A_400 : i1 to vector<16xi1>
                %reduce_sum3A_402 = tpu.scan <sum>, %convert_element_type3A_399 masked %reduce_sum3A_401 : vector<16xi32>, vector<16xi1> -> vector<16xi32>
                %reduce_sum3A_403 = vector.extract %reduce_sum3A_402[15] : i32 from vector<16xi32>
                %jit3A_404 = arith.constant 0xFF800000 : f32
                %broadcast_in_dim3A_405 = vector.broadcast %jit3A_404 : f32 to vector<16xf32>
                %select_n3A_406 = arith.select %eq3A_398, %select_n3A_370, %broadcast_in_dim3A_405 : vector<16xi1>, vector<16xf32>
                %ne3A_407 = arith.cmpi ne, %squeeze3A_396, %while3A_391 : i32
                %broadcast_in_dim3A_408 = arith.constant 0xFF800000 : f32
                %broadcast_in_dim3A_409 = vector.broadcast %broadcast_in_dim3A_408 : f32 to vector<16xf32>
                %eq3A_410 = arith.cmpf oeq, %while3A_392, %broadcast_in_dim3A_409 : vector<16xf32>
                %jit3A_411 = arith.constant 0.000000e+00 : f32
                %broadcast_in_dim3A_412 = vector.broadcast %jit3A_411 : f32 to vector<16xf32>
                %select_n3A_413 = arith.select %eq3A_410, %broadcast_in_dim3A_412, %while3A_392 : vector<16xi1>, vector<16xf32>
                %mul3A_414 = arith.mulf %select_n3A_413, %div3A_11 : vector<16xf32>
                %reduce_sum3A_415 = arith.constant true
                %reduce_sum3A_416 = vector.broadcast %reduce_sum3A_415 : i1 to vector<16xi1>
                %reduce_sum3A_417 = tpu.scan <sum>, %mul3A_414 masked %reduce_sum3A_416 : vector<16xf32>, vector<16xi1> -> vector<16xf32>
                %reduce_sum3A_418 = vector.extract %reduce_sum3A_417[15] : f32 from vector<16xf32>
                %sub3A_419 = arith.subi %while3A_391, %mul3A_13 : i32
                %broadcast_in_dim3A_420 = vector.broadcast %sub3A_419 : i32 to vector<16xi32>
                %broadcast_in_dim3A_421 = vector.broadcast %reduce_sum3A_418 : f32 to vector<16xf32>
                %and3A_422 = vector.broadcast %ne3A_407 : i1 to vector<16xi1>
                %and3A_423 = arith.andi %eq3A_2, %and3A_422 : vector<16xi1>
                tpu.vector_store_idx %arg8[%broadcast_in_dim3A_420], %broadcast_in_dim3A_421 masked %and3A_423 : memref<3136xf32, #tpu.memory_space<vmem>>[vector<16xi32>], vector<16xf32>, vector<16xi1>
                %broadcast_in_dim3A_424 = arith.constant 0xFF800000 : f32
                %broadcast_in_dim3A_425 = vector.broadcast %broadcast_in_dim3A_424 : f32 to vector<16xf32>
                %select_n3A_426 = arith.select %ne3A_407, %broadcast_in_dim3A_425, %while3A_392 : vector<16xf32>
                %select_n3A_427 = arith.select %ne3A_407, %squeeze3A_396, %while3A_391 : i32
                %masked_sort3A_428 = arith.constant dense<true> : vector<16xi1>
                %masked_sort3A_429, %masked_sort3A_430, %masked_sort3A_431 = tpu.sort %select_n3A_406, %select_n3A_406 masked %masked_sort3A_428 {descending = true} : (vector<16xf32>, vector<16xf32>, vector<16xi1>) -> (vector<16xi1>, vector<16xf32>, vector<16xf32>)
                %rev3A_432 = arith.constant 15 : i32
                %rev3A_433 = vector.broadcast %rev3A_432 : i32 to vector<16xi32>
                %rev3A_434 = tpu.iota {dimensions = array<i32: 0>} : vector<16xi32>
                %rev3A_435 = arith.subi %rev3A_433, %rev3A_434 : vector<16xi32>
                %rev3A_436 = tpu.dynamic_gather %masked_sort3A_430[%rev3A_435] in [0] : vector<16xf32>, vector<16xi32> -> vector<16xf32>
                %max3A_437 = arith.maximumf %select_n3A_426, %rev3A_436 : vector<16xf32>
                %masked_sort3A_438 = arith.constant dense<true> : vector<16xi1>
                %masked_sort3A_439, %masked_sort3A_440, %masked_sort3A_441 = tpu.sort %max3A_437, %max3A_437 masked %masked_sort3A_438 {descending = true} : (vector<16xf32>, vector<16xf32>, vector<16xi1>) -> (vector<16xi1>, vector<16xf32>, vector<16xf32>)
                %add3A_442 = arith.addi %while3A_390, %reduce_sum3A_403 : i32
                scf.yield %add3A_442, %select_n3A_427, %masked_sort3A_440 : i32, i32, vector<16xf32>
              }
              scf.yield %while3A_389#1, %while3A_389#2 : i32, vector<16xf32>
            }
            scf.yield %cond3A_360#0, %cond3A_360#1 : i32, vector<16xf32>
          }
          %mul3A_259 = arith.constant 2 : i32
          %mul3A_260 = arith.muli %mul3A_259, %scan3A_208 : i32
          %add3A_261 = arith.constant 1 : i32
          %add3A_262 = arith.addi %mul3A_260, %add3A_261 : i32
          %mul3A_263 = arith.constant 2 : i32
          %mul3A_264 = arith.muli %mul3A_263, %add3A_262 : i32
          %mul3A_265 = arith.constant 16 : i32
          %mul3A_266 = arith.muli %mul3A_264, %mul3A_265 : i32
          %add3A_267 = arith.constant 0 : i32
          %add3A_268 = arith.addi %add3A_267, %mul3A_266 : i32
          %get3A_269 = arith.index_cast %add3A_268 : i32 to index
          %get3A_270 = tpu.vector_load %arg6[%get3A_269] {strides = array<i32>} : memref<32768xi32, #tpu.memory_space<vmem>>, vector<16xi32>,
          %get3A_271 = arith.index_cast %add3A_268 : i32 to index
          %get3A_272 = tpu.vector_load %arg7[%get3A_271] {strides = array<i32>} : memref<32768xf32, #tpu.memory_space<vmem>>, vector<16xf32>,
          %add3A_273 = arith.constant 16 : i32
          %add3A_274 = arith.addi %add3A_268, %add3A_273 : i32
          %get3A_275 = arith.index_cast %add3A_274 : i32 to index
          %get3A_276 = tpu.vector_load %arg6[%get3A_275] {strides = array<i32>} : memref<32768xi32, #tpu.memory_space<vmem>>, vector<16xi32>,
          %add3A_277 = arith.constant 16 : i32
          %add3A_278 = arith.addi %add3A_268, %add3A_277 : i32
          %get3A_279 = arith.index_cast %add3A_278 : i32 to index
          %get3A_280 = tpu.vector_load %arg7[%get3A_279] {strides = array<i32>} : memref<32768xf32, #tpu.memory_space<vmem>>, vector<16xf32>,
          %masked_sort3A_281 = arith.constant dense<true> : vector<16xi1>
          %masked_sort3A_282, %masked_sort3A_283, %masked_sort3A_284 = tpu.sort %get3A_272, %get3A_272 masked %masked_sort3A_281 {descending = true} : (vector<16xf32>, vector<16xf32>, vector<16xi1>) -> (vector<16xi1>, vector<16xf32>, vector<16xf32>)
          %masked_sort3A_285 = arith.constant dense<true> : vector<16xi1>
          %masked_sort3A_286, %masked_sort3A_287, %masked_sort3A_288 = tpu.sort %get3A_280, %get3A_280 masked %masked_sort3A_285 : (vector<16xf32>, vector<16xf32>, vector<16xi1>) -> (vector<16xi1>, vector<16xf32>, vector<16xf32>)
          %mul3A_289 = arith.constant 2 : i32
          %mul3A_290 = arith.muli %mul3A_289, %add3A_262 : i32
          %mul3A_291 = arith.constant 16 : i32
          %mul3A_292 = arith.muli %mul3A_290, %mul3A_291 : i32
          %add3A_293 = arith.addi %min3A_201, %mul3A_292 : i32
          %ge3A_294 = arith.cmpi sge, %add3A_293, %max3A : i32
          %add3A_295 = arith.constant 32 : i32
          %add3A_296 = arith.addi %add3A_293, %add3A_295 : i32
          %le3A_297 = arith.cmpi sle, %add3A_296, %scan3A_32#2 : i32
          %and3A_298 = arith.andi %ge3A_294, %le3A_297 : i1
          %slice3A_299 = vector.extract_strided_slice %get3A_270 {offsets = [0], sizes = [1], strides = [1]} : vector<16xi32> to vector<1xi32>
          %squeeze3A_300 = vector.extract %slice3A_299[0] : i32 from vector<1xi32>
          %eq3A_301 = arith.cmpi eq, %squeeze3A_300, %cond3A_258#0 : i32
          %and3A_302 = arith.andi %and3A_298, %eq3A_301 : i1
          %slice3A_303 = vector.extract_strided_slice %get3A_276 {offsets = [15], sizes = [1], strides = [1]} : vector<16xi32> to vector<1xi32>
          %squeeze3A_304 = vector.extract %slice3A_303[0] : i32 from vector<1xi32>
          %eq3A_305 = arith.cmpi eq, %squeeze3A_304, %cond3A_258#0 : i32
          %and3A_306 = arith.andi %and3A_302, %eq3A_305 : i1
          %convert_element_type3A_307 = arith.extui %and3A_306 : i1 to i32
          %cond3A_308 = arith.constant 0 : i32
          %cond3A_309 = arith.cmpi ne, %convert_element_type3A_307, %cond3A_308 : i32
          %cond3A_310:2 = scf.if %cond3A_309 -> (i32, vector<16xf32>) {
            %max3A_311 = arith.maximumf %masked_sort3A_283, %masked_sort3A_287 : vector<16xf32>
            %masked_sort3A_312 = arith.constant dense<true> : vector<16xi1>
            %masked_sort3A_313, %masked_sort3A_314, %masked_sort3A_315 = tpu.sort %max3A_311, %max3A_311 masked %masked_sort3A_312 : (vector<16xf32>, vector<16xf32>, vector<16xi1>) -> (vector<16xi1>, vector<16xf32>, vector<16xf32>)
            %max3A_316 = arith.maximumf %cond3A_258#1, %masked_sort3A_314 : vector<16xf32>
            %masked_sort3A_317 = arith.constant dense<true> : vector<16xi1>
            %masked_sort3A_318, %masked_sort3A_319, %masked_sort3A_320 = tpu.sort %max3A_316, %max3A_316 masked %masked_sort3A_317 {descending = true} : (vector<16xf32>, vector<16xf32>, vector<16xi1>) -> (vector<16xi1>, vector<16xf32>, vector<16xf32>)
            scf.yield %cond3A_258#0, %masked_sort3A_319 : i32, vector<16xf32>
          } else {
            %mul3A_311 = arith.constant 2 : i32
            %mul3A_312 = arith.muli %mul3A_311, %add3A_262 : i32
            %rev3A = arith.constant 15 : i32
            %rev3A_313 = vector.broadcast %rev3A : i32 to vector<16xi32>
            %rev3A_314 = tpu.iota {dimensions = array<i32: 0>} : vector<16xi32>
            %rev3A_315 = arith.subi %rev3A_313, %rev3A_314 : vector<16xi32>
            %rev3A_316 = tpu.dynamic_gather %masked_sort3A_283[%rev3A_315] in [0] : vector<16xf32>, vector<16xi32> -> vector<16xf32>
            %mul3A_317 = arith.constant 16 : i32
            %mul3A_318 = arith.muli %mul3A_312, %mul3A_317 : i32
            %add3A_319 = arith.addi %min3A_201, %mul3A_318 : i32
            %ge3A_320 = arith.cmpi sge, %add3A_319, %max3A : i32
            %add3A_321 = arith.constant 16 : i32
            %add3A_322 = arith.addi %add3A_319, %add3A_321 : i32
            %le3A_323 = arith.cmpi sle, %add3A_322, %scan3A_32#2 : i32
            %and3A_324 = arith.andi %ge3A_320, %le3A_323 : i1
            %slice3A_325 = vector.extract_strided_slice %get3A_270 {offsets = [0], sizes = [1], strides = [1]} : vector<16xi32> to vector<1xi32>
            %squeeze3A_326 = vector.extract %slice3A_325[0] : i32 from vector<1xi32>
            %eq3A_327 = arith.cmpi eq, %squeeze3A_326, %cond3A_258#0 : i32
            %slice3A_328 = vector.extract_strided_slice %get3A_270 {offsets = [15], sizes = [1], strides = [1]} : vector<16xi32> to vector<1xi32>
            %squeeze3A_329 = vector.extract %slice3A_328[0] : i32 from vector<1xi32>
            %eq3A_330 = arith.cmpi eq, %squeeze3A_329, %cond3A_258#0 : i32
            %and3A_331 = arith.andi %eq3A_327, %eq3A_330 : i1
            %and3A_332 = arith.andi %and3A_324, %and3A_331 : i1
            %convert_element_type3A_333 = arith.extui %and3A_332 : i1 to i32
            %cond3A_334 = arith.constant 0 : i32
            %cond3A_335 = arith.cmpi ne, %convert_element_type3A_333, %cond3A_334 : i32
            %cond3A_336:2 = scf.if %cond3A_335 -> (i32, vector<16xf32>) {
              %max3A_361 = arith.maximumf %cond3A_258#1, %rev3A_316 : vector<16xf32>
              %masked_sort3A_362 = arith.constant dense<true> : vector<16xi1>
              %masked_sort3A_363, %masked_sort3A_364, %masked_sort3A_365 = tpu.sort %max3A_361, %max3A_361 masked %masked_sort3A_362 {descending = true} : (vector<16xf32>, vector<16xf32>, vector<16xi1>) -> (vector<16xi1>, vector<16xf32>, vector<16xf32>)
              scf.yield %cond3A_258#0, %masked_sort3A_364 : i32, vector<16xf32>
            } else {
              %add3A_361 = vector.broadcast %add3A_319 : i32 to vector<16xi32>
              %add3A_362 = arith.addi %add3A_361, %iota3A : vector<16xi32>
              %ge3A_363 = vector.broadcast %max3A : i32 to vector<16xi32>
              %ge3A_364 = arith.cmpi sge, %add3A_362, %ge3A_363 : vector<16xi32>
              %lt3A_365 = vector.broadcast %scan3A_32#2 : i32 to vector<16xi32>
              %lt3A_366 = arith.cmpi slt, %add3A_362, %lt3A_365 : vector<16xi32>
              %and3A_367 = arith.andi %ge3A_364, %lt3A_366 : vector<16xi1>
              %jit3A_368 = arith.constant 0xFF800000 : f32
              %broadcast_in_dim3A_369 = vector.broadcast %jit3A_368 : f32 to vector<16xf32>
              %select_n3A_370 = arith.select %and3A_367, %get3A_272, %broadcast_in_dim3A_369 : vector<16xi1>, vector<16xf32>
              %broadcast_in_dim3A_371 = vector.broadcast %cond3A_258#0 : i32 to vector<16xi32>
              %select_n3A_372 = arith.select %and3A_367, %get3A_270, %broadcast_in_dim3A_371 : vector<16xi1>, vector<16xi32>
              %convert_element_type3A_373 = arith.sitofp %select_n3A_372 : vector<16xi32> to vector<16xf32>
              %masked_sort3A_374 = arith.constant dense<true> : vector<16xi1>
              %masked_sort3A_375, %masked_sort3A_376, %masked_sort3A_377 = tpu.sort %convert_element_type3A_373, %convert_element_type3A_373 masked %masked_sort3A_374 {descending = true} : (vector<16xf32>, vector<16xf32>, vector<16xi1>) -> (vector<16xi1>, vector<16xf32>, vector<16xf32>)
              %slice3A_378 = vector.extract_strided_slice %masked_sort3A_376 {offsets = [0], sizes = [1], strides = [1]} : vector<16xf32> to vector<1xf32>
              %squeeze3A_379 = vector.extract %slice3A_378[0] : f32 from vector<1xf32>
              %convert_element_type3A_380 = arith.fptosi %squeeze3A_379 : f32 to i32
              %lt3A_381 = vector.broadcast %max3A : i32 to vector<16xi32>
              %lt3A_382 = arith.cmpi slt, %add3A_362, %lt3A_381 : vector<16xi32>
              %broadcast_in_dim3A_383 = vector.broadcast %cond3A_258#0 : i32 to vector<16xi32>
              %broadcast_in_dim3A_384 = vector.broadcast %convert_element_type3A_380 : i32 to vector<16xi32>
              %select_n3A_385 = arith.select %lt3A_382, %broadcast_in_dim3A_383, %broadcast_in_dim3A_384 : vector<16xi1>, vector<16xi32>
              %select_n3A_386 = arith.select %and3A_367, %get3A_270, %select_n3A_385 : vector<16xi1>, vector<16xi32>
              %swap3A = arith.constant 0 : index
              %swap3A_387 = tpu.vector_load %arg10[%swap3A] {strides = array<i32>} : memref<32xi32, #tpu.memory_space<vmem>>, vector<16xi32>,
              tpu.vector_store %arg10[%swap3A], %select_n3A_386 {strides = array<i32>} : memref<32xi32, #tpu.memory_space<vmem>>, vector<16xi32>,
              %while3A_388 = arith.constant 0 : i32
              %while3A_389:3 = scf.while (%while3A_390 = %while3A_388, %while3A_391 = %cond3A_258#0, %while3A_392 = %cond3A_258#1) : (i32, i32, vector<16xf32>) -> (i32, i32, vector<16xf32>) {
                %lt3A_393 = arith.constant 16 : i32
                %lt3A_394 = arith.cmpi slt, %while3A_390, %lt3A_393 : i32
                scf.condition(%lt3A_394) %while3A_390, %while3A_391, %while3A_392 : i32, i32, vector<16xf32>
              } do {
              ^bb0(%while3A_390: i32, %while3A_391: i32, %while3A_392: vector<16xf32>):
                %get3A_393 = arith.index_cast %while3A_390 : i32 to index
                %get3A_394 = tpu.vector_load %arg10[%get3A_393] {strides = array<i32>} : memref<32xi32, #tpu.memory_space<vmem>>, vector<16xi32>,
                %slice3A_395 = vector.extract_strided_slice %get3A_394 {offsets = [0], sizes = [1], strides = [1]} : vector<16xi32> to vector<1xi32>
                %squeeze3A_396 = vector.extract %slice3A_395[0] : i32 from vector<1xi32>
                %eq3A_397 = vector.broadcast %squeeze3A_396 : i32 to vector<16xi32>
                %eq3A_398 = arith.cmpi eq, %select_n3A_386, %eq3A_397 : vector<16xi32>
                %convert_element_type3A_399 = arith.extui %eq3A_398 : vector<16xi1> to vector<16xi32>
                %reduce_sum3A_400 = arith.constant true
                %reduce_sum3A_401 = vector.broadcast %reduce_sum3A_400 : i1 to vector<16xi1>
                %reduce_sum3A_402 = tpu.scan <sum>, %convert_element_type3A_399 masked %reduce_sum3A_401 : vector<16xi32>, vector<16xi1> -> vector<16xi32>
                %reduce_sum3A_403 = vector.extract %reduce_sum3A_402[15] : i32 from vector<16xi32>
                %jit3A_404 = arith.constant 0xFF800000 : f32
                %broadcast_in_dim3A_405 = vector.broadcast %jit3A_404 : f32 to vector<16xf32>
                %select_n3A_406 = arith.select %eq3A_398, %select_n3A_370, %broadcast_in_dim3A_405 : vector<16xi1>, vector<16xf32>
                %ne3A_407 = arith.cmpi ne, %squeeze3A_396, %while3A_391 : i32
                %broadcast_in_dim3A_408 = arith.constant 0xFF800000 : f32
                %broadcast_in_dim3A_409 = vector.broadcast %broadcast_in_dim3A_408 : f32 to vector<16xf32>
                %eq3A_410 = arith.cmpf oeq, %while3A_392, %broadcast_in_dim3A_409 : vector<16xf32>
                %jit3A_411 = arith.constant 0.000000e+00 : f32
                %broadcast_in_dim3A_412 = vector.broadcast %jit3A_411 : f32 to vector<16xf32>
                %select_n3A_413 = arith.select %eq3A_410, %broadcast_in_dim3A_412, %while3A_392 : vector<16xi1>, vector<16xf32>
                %mul3A_414 = arith.mulf %select_n3A_413, %div3A_11 : vector<16xf32>
                %reduce_sum3A_415 = arith.constant true
                %reduce_sum3A_416 = vector.broadcast %reduce_sum3A_415 : i1 to vector<16xi1>
                %reduce_sum3A_417 = tpu.scan <sum>, %mul3A_414 masked %reduce_sum3A_416 : vector<16xf32>, vector<16xi1> -> vector<16xf32>
                %reduce_sum3A_418 = vector.extract %reduce_sum3A_417[15] : f32 from vector<16xf32>
                %sub3A_419 = arith.subi %while3A_391, %mul3A_13 : i32
                %broadcast_in_dim3A_420 = vector.broadcast %sub3A_419 : i32 to vector<16xi32>
                %broadcast_in_dim3A_421 = vector.broadcast %reduce_sum3A_418 : f32 to vector<16xf32>
                %and3A_422 = vector.broadcast %ne3A_407 : i1 to vector<16xi1>
                %and3A_423 = arith.andi %eq3A_2, %and3A_422 : vector<16xi1>
                tpu.vector_store_idx %arg8[%broadcast_in_dim3A_420], %broadcast_in_dim3A_421 masked %and3A_423 : memref<3136xf32, #tpu.memory_space<vmem>>[vector<16xi32>], vector<16xf32>, vector<16xi1>
                %broadcast_in_dim3A_424 = arith.constant 0xFF800000 : f32
                %broadcast_in_dim3A_425 = vector.broadcast %broadcast_in_dim3A_424 : f32 to vector<16xf32>
                %select_n3A_426 = arith.select %ne3A_407, %broadcast_in_dim3A_425, %while3A_392 : vector<16xf32>
                %select_n3A_427 = arith.select %ne3A_407, %squeeze3A_396, %while3A_391 : i32
                %masked_sort3A_428 = arith.constant dense<true> : vector<16xi1>
                %masked_sort3A_429, %masked_sort3A_430, %masked_sort3A_431 = tpu.sort %select_n3A_406, %select_n3A_406 masked %masked_sort3A_428 {descending = true} : (vector<16xf32>, vector<16xf32>, vector<16xi1>) -> (vector<16xi1>, vector<16xf32>, vector<16xf32>)
                %rev3A_432 = arith.constant 15 : i32
                %rev3A_433 = vector.broadcast %rev3A_432 : i32 to vector<16xi32>
                %rev3A_434 = tpu.iota {dimensions = array<i32: 0>} : vector<16xi32>
                %rev3A_435 = arith.subi %rev3A_433, %rev3A_434 : vector<16xi32>
                %rev3A_436 = tpu.dynamic_gather %masked_sort3A_430[%rev3A_435] in [0] : vector<16xf32>, vector<16xi32> -> vector<16xf32>
                %max3A_437 = arith.maximumf %select_n3A_426, %rev3A_436 : vector<16xf32>
                %masked_sort3A_438 = arith.constant dense<true> : vector<16xi1>
                %masked_sort3A_439, %masked_sort3A_440, %masked_sort3A_441 = tpu.sort %max3A_437, %max3A_437 masked %masked_sort3A_438 {descending = true} : (vector<16xf32>, vector<16xf32>, vector<16xi1>) -> (vector<16xi1>, vector<16xf32>, vector<16xf32>)
                %add3A_442 = arith.addi %while3A_390, %reduce_sum3A_403 : i32
                scf.yield %add3A_442, %select_n3A_427, %masked_sort3A_440 : i32, i32, vector<16xf32>
              }
              scf.yield %while3A_389#1, %while3A_389#2 : i32, vector<16xf32>
            }
            %mul3A_337 = arith.constant 2 : i32
            %mul3A_338 = arith.muli %mul3A_337, %add3A_262 : i32
            %add3A_339 = arith.constant 1 : i32
            %add3A_340 = arith.addi %mul3A_338, %add3A_339 : i32
            %mul3A_341 = arith.constant 16 : i32
            %mul3A_342 = arith.muli %add3A_340, %mul3A_341 : i32
            %add3A_343 = arith.addi %min3A_201, %mul3A_342 : i32
            %ge3A_344 = arith.cmpi sge, %add3A_343, %max3A : i32
            %add3A_345 = arith.constant 16 : i32
            %add3A_346 = arith.addi %add3A_343, %add3A_345 : i32
            %le3A_347 = arith.cmpi sle, %add3A_346, %scan3A_32#2 : i32
            %and3A_348 = arith.andi %ge3A_344, %le3A_347 : i1
            %slice3A_349 = vector.extract_strided_slice %get3A_276 {offsets = [0], sizes = [1], strides = [1]} : vector<16xi32> to vector<1xi32>
            %squeeze3A_350 = vector.extract %slice3A_349[0] : i32 from vector<1xi32>
            %eq3A_351 = arith.cmpi eq, %squeeze3A_350, %cond3A_336#0 : i32
            %slice3A_352 = vector.extract_strided_slice %get3A_276 {offsets = [15], sizes = [1], strides = [1]} : vector<16xi32> to vector<1xi32>
            %squeeze3A_353 = vector.extract %slice3A_352[0] : i32 from vector<1xi32>
            %eq3A_354 = arith.cmpi eq, %squeeze3A_353, %cond3A_336#0 : i32
            %and3A_355 = arith.andi %eq3A_351, %eq3A_354 : i1
            %and3A_356 = arith.andi %and3A_348, %and3A_355 : i1
            %convert_element_type3A_357 = arith.extui %and3A_356 : i1 to i32
            %cond3A_358 = arith.constant 0 : i32
            %cond3A_359 = arith.cmpi ne, %convert_element_type3A_357, %cond3A_358 : i32
            %cond3A_360:2 = scf.if %cond3A_359 -> (i32, vector<16xf32>) {
              %max3A_361 = arith.maximumf %cond3A_336#1, %masked_sort3A_287 : vector<16xf32>
              %masked_sort3A_362 = arith.constant dense<true> : vector<16xi1>
              %masked_sort3A_363, %masked_sort3A_364, %masked_sort3A_365 = tpu.sort %max3A_361, %max3A_361 masked %masked_sort3A_362 {descending = true} : (vector<16xf32>, vector<16xf32>, vector<16xi1>) -> (vector<16xi1>, vector<16xf32>, vector<16xf32>)
              scf.yield %cond3A_336#0, %masked_sort3A_364 : i32, vector<16xf32>
            } else {
              %add3A_361 = vector.broadcast %add3A_343 : i32 to vector<16xi32>
              %add3A_362 = arith.addi %add3A_361, %iota3A : vector<16xi32>
              %ge3A_363 = vector.broadcast %max3A : i32 to vector<16xi32>
              %ge3A_364 = arith.cmpi sge, %add3A_362, %ge3A_363 : vector<16xi32>
              %lt3A_365 = vector.broadcast %scan3A_32#2 : i32 to vector<16xi32>
              %lt3A_366 = arith.cmpi slt, %add3A_362, %lt3A_365 : vector<16xi32>
              %and3A_367 = arith.andi %ge3A_364, %lt3A_366 : vector<16xi1>
              %jit3A_368 = arith.constant 0xFF800000 : f32
              %broadcast_in_dim3A_369 = vector.broadcast %jit3A_368 : f32 to vector<16xf32>
              %select_n3A_370 = arith.select %and3A_367, %get3A_280, %broadcast_in_dim3A_369 : vector<16xi1>, vector<16xf32>
              %broadcast_in_dim3A_371 = vector.broadcast %cond3A_336#0 : i32 to vector<16xi32>
              %select_n3A_372 = arith.select %and3A_367, %get3A_276, %broadcast_in_dim3A_371 : vector<16xi1>, vector<16xi32>
              %convert_element_type3A_373 = arith.sitofp %select_n3A_372 : vector<16xi32> to vector<16xf32>
              %masked_sort3A_374 = arith.constant dense<true> : vector<16xi1>
              %masked_sort3A_375, %masked_sort3A_376, %masked_sort3A_377 = tpu.sort %convert_element_type3A_373, %convert_element_type3A_373 masked %masked_sort3A_374 {descending = true} : (vector<16xf32>, vector<16xf32>, vector<16xi1>) -> (vector<16xi1>, vector<16xf32>, vector<16xf32>)
              %slice3A_378 = vector.extract_strided_slice %masked_sort3A_376 {offsets = [0], sizes = [1], strides = [1]} : vector<16xf32> to vector<1xf32>
              %squeeze3A_379 = vector.extract %slice3A_378[0] : f32 from vector<1xf32>
              %convert_element_type3A_380 = arith.fptosi %squeeze3A_379 : f32 to i32
              %lt3A_381 = vector.broadcast %max3A : i32 to vector<16xi32>
              %lt3A_382 = arith.cmpi slt, %add3A_362, %lt3A_381 : vector<16xi32>
              %broadcast_in_dim3A_383 = vector.broadcast %cond3A_336#0 : i32 to vector<16xi32>
              %broadcast_in_dim3A_384 = vector.broadcast %convert_element_type3A_380 : i32 to vector<16xi32>
              %select_n3A_385 = arith.select %lt3A_382, %broadcast_in_dim3A_383, %broadcast_in_dim3A_384 : vector<16xi1>, vector<16xi32>
              %select_n3A_386 = arith.select %and3A_367, %get3A_276, %select_n3A_385 : vector<16xi1>, vector<16xi32>
              %swap3A = arith.constant 0 : index
              %swap3A_387 = tpu.vector_load %arg10[%swap3A] {strides = array<i32>} : memref<32xi32, #tpu.memory_space<vmem>>, vector<16xi32>,
              tpu.vector_store %arg10[%swap3A], %select_n3A_386 {strides = array<i32>} : memref<32xi32, #tpu.memory_space<vmem>>, vector<16xi32>,
              %while3A_388 = arith.constant 0 : i32
              %while3A_389:3 = scf.while (%while3A_390 = %while3A_388, %while3A_391 = %cond3A_336#0, %while3A_392 = %cond3A_336#1) : (i32, i32, vector<16xf32>) -> (i32, i32, vector<16xf32>) {
                %lt3A_393 = arith.constant 16 : i32
                %lt3A_394 = arith.cmpi slt, %while3A_390, %lt3A_393 : i32
                scf.condition(%lt3A_394) %while3A_390, %while3A_391, %while3A_392 : i32, i32, vector<16xf32>
              } do {
              ^bb0(%while3A_390: i32, %while3A_391: i32, %while3A_392: vector<16xf32>):
                %get3A_393 = arith.index_cast %while3A_390 : i32 to index
                %get3A_394 = tpu.vector_load %arg10[%get3A_393] {strides = array<i32>} : memref<32xi32, #tpu.memory_space<vmem>>, vector<16xi32>,
                %slice3A_395 = vector.extract_strided_slice %get3A_394 {offsets = [0], sizes = [1], strides = [1]} : vector<16xi32> to vector<1xi32>
                %squeeze3A_396 = vector.extract %slice3A_395[0] : i32 from vector<1xi32>
                %eq3A_397 = vector.broadcast %squeeze3A_396 : i32 to vector<16xi32>
                %eq3A_398 = arith.cmpi eq, %select_n3A_386, %eq3A_397 : vector<16xi32>
                %convert_element_type3A_399 = arith.extui %eq3A_398 : vector<16xi1> to vector<16xi32>
                %reduce_sum3A_400 = arith.constant true
                %reduce_sum3A_401 = vector.broadcast %reduce_sum3A_400 : i1 to vector<16xi1>
                %reduce_sum3A_402 = tpu.scan <sum>, %convert_element_type3A_399 masked %reduce_sum3A_401 : vector<16xi32>, vector<16xi1> -> vector<16xi32>
                %reduce_sum3A_403 = vector.extract %reduce_sum3A_402[15] : i32 from vector<16xi32>
                %jit3A_404 = arith.constant 0xFF800000 : f32
                %broadcast_in_dim3A_405 = vector.broadcast %jit3A_404 : f32 to vector<16xf32>
                %select_n3A_406 = arith.select %eq3A_398, %select_n3A_370, %broadcast_in_dim3A_405 : vector<16xi1>, vector<16xf32>
                %ne3A_407 = arith.cmpi ne, %squeeze3A_396, %while3A_391 : i32
                %broadcast_in_dim3A_408 = arith.constant 0xFF800000 : f32
                %broadcast_in_dim3A_409 = vector.broadcast %broadcast_in_dim3A_408 : f32 to vector<16xf32>
                %eq3A_410 = arith.cmpf oeq, %while3A_392, %broadcast_in_dim3A_409 : vector<16xf32>
                %jit3A_411 = arith.constant 0.000000e+00 : f32
                %broadcast_in_dim3A_412 = vector.broadcast %jit3A_411 : f32 to vector<16xf32>
                %select_n3A_413 = arith.select %eq3A_410, %broadcast_in_dim3A_412, %while3A_392 : vector<16xi1>, vector<16xf32>
                %mul3A_414 = arith.mulf %select_n3A_413, %div3A_11 : vector<16xf32>
                %reduce_sum3A_415 = arith.constant true
                %reduce_sum3A_416 = vector.broadcast %reduce_sum3A_415 : i1 to vector<16xi1>
                %reduce_sum3A_417 = tpu.scan <sum>, %mul3A_414 masked %reduce_sum3A_416 : vector<16xf32>, vector<16xi1> -> vector<16xf32>
                %reduce_sum3A_418 = vector.extract %reduce_sum3A_417[15] : f32 from vector<16xf32>
                %sub3A_419 = arith.subi %while3A_391, %mul3A_13 : i32
                %broadcast_in_dim3A_420 = vector.broadcast %sub3A_419 : i32 to vector<16xi32>
                %broadcast_in_dim3A_421 = vector.broadcast %reduce_sum3A_418 : f32 to vector<16xf32>
                %and3A_422 = vector.broadcast %ne3A_407 : i1 to vector<16xi1>
                %and3A_423 = arith.andi %eq3A_2, %and3A_422 : vector<16xi1>
                tpu.vector_store_idx %arg8[%broadcast_in_dim3A_420], %broadcast_in_dim3A_421 masked %and3A_423 : memref<3136xf32, #tpu.memory_space<vmem>>[vector<16xi32>], vector<16xf32>, vector<16xi1>
                %broadcast_in_dim3A_424 = arith.constant 0xFF800000 : f32
                %broadcast_in_dim3A_425 = vector.broadcast %broadcast_in_dim3A_424 : f32 to vector<16xf32>
                %select_n3A_426 = arith.select %ne3A_407, %broadcast_in_dim3A_425, %while3A_392 : vector<16xf32>
                %select_n3A_427 = arith.select %ne3A_407, %squeeze3A_396, %while3A_391 : i32
                %masked_sort3A_428 = arith.constant dense<true> : vector<16xi1>
                %masked_sort3A_429, %masked_sort3A_430, %masked_sort3A_431 = tpu.sort %select_n3A_406, %select_n3A_406 masked %masked_sort3A_428 {descending = true} : (vector<16xf32>, vector<16xf32>, vector<16xi1>) -> (vector<16xi1>, vector<16xf32>, vector<16xf32>)
                %rev3A_432 = arith.constant 15 : i32
                %rev3A_433 = vector.broadcast %rev3A_432 : i32 to vector<16xi32>
                %rev3A_434 = tpu.iota {dimensions = array<i32: 0>} : vector<16xi32>
                %rev3A_435 = arith.subi %rev3A_433, %rev3A_434 : vector<16xi32>
                %rev3A_436 = tpu.dynamic_gather %masked_sort3A_430[%rev3A_435] in [0] : vector<16xf32>, vector<16xi32> -> vector<16xf32>
                %max3A_437 = arith.maximumf %select_n3A_426, %rev3A_436 : vector<16xf32>
                %masked_sort3A_438 = arith.constant dense<true> : vector<16xi1>
                %masked_sort3A_439, %masked_sort3A_440, %masked_sort3A_441 = tpu.sort %max3A_437, %max3A_437 masked %masked_sort3A_438 {descending = true} : (vector<16xf32>, vector<16xf32>, vector<16xi1>) -> (vector<16xi1>, vector<16xf32>, vector<16xf32>)
                %add3A_442 = arith.addi %while3A_390, %reduce_sum3A_403 : i32
                scf.yield %add3A_442, %select_n3A_427, %masked_sort3A_440 : i32, i32, vector<16xf32>
              }
              scf.yield %while3A_389#1, %while3A_389#2 : i32, vector<16xf32>
            }
            scf.yield %cond3A_360#0, %cond3A_360#1 : i32, vector<16xf32>
          }
          scf.yield %cond3A_310#0, %cond3A_310#1 : i32, vector<16xf32>
        }
        %scan3A_207 = arith.constant 256 : i32
        scf.yield %scan3A_206#0, %scan3A_206#1 : i32, vector<16xf32>
      } else {
        scf.yield %while3A_153, %while3A_154 : i32, vector<16xf32>
      }
      %mul3A_163 = arith.constant 2 : i32
      %mul3A_164 = arith.muli %mul3A_163, %while3A_152 : i32
      %add3A_165 = arith.constant 1 : i32
      %add3A_166 = arith.addi %mul3A_164, %add3A_165 : i32
      %lt3A_167 = arith.cmpi slt, %add3A_166, %select_n3A_88 : i32
      %convert_element_type3A_168 = arith.extui %lt3A_167 : i1 to i32
      %cond3A_169 = arith.constant 0 : i32
      %cond3A_170 = arith.cmpi ne, %convert_element_type3A_168, %cond3A_169 : i32
      %cond3A_171:2 = scf.if %cond3A_170 -> (i32, vector<16xf32>) {
        %add3A_172 = arith.constant 1 : i32
        %add3A_173 = arith.addi %add3A_166, %add3A_172 : i32
        %lt3A_174 = arith.cmpi slt, %add3A_173, %select_n3A_88 : i32
        %convert_element_type3A_175 = arith.extui %lt3A_174 : i1 to i32
        %cond3A_176 = arith.constant 0 : i32
        %cond3A_177 = arith.cmpi ne, %convert_element_type3A_175, %cond3A_176 : i32
        scf.if %cond3A_177 {
          %add3A_208 = arith.constant 1 : i32
          %add3A_209 = arith.addi %add3A_166, %add3A_208 : i32
          %mul3A_210 = arith.constant 16384 : i32
          %mul3A_211 = arith.muli %add3A_209, %mul3A_210 : i32
          %add3A_212 = arith.addi %mul3A_59, %mul3A_211 : i32
          %min3A_213 = arith.constant 6383616 : i32
          %min3A_214 = arith.minsi %add3A_212, %min3A_213 : i32
          %dma_start3A = arith.constant 0 : i32
          %dma_start3A_215 = tpu.memref_slice %arg6[%dma_start3A] : memref<32768xi32, #tpu.memory_space<vmem>> -> memref<16384xi32, #tpu.memory_space<vmem>>
          %dma_start3A_216 = tpu.memref_slice %arg2[%min3A_214] : memref<6400000xi32, #tpu.memory_space<hbm>> -> memref<16384xi32, #tpu.memory_space<hbm>>
          %dma_start3A_217 = arith.constant 0 : i32
          %dma_start3A_218 = tpu.memref_slice %arg6[%dma_start3A_217] : memref<32768xi32, #tpu.memory_space<vmem>> -> memref<16384xi32, #tpu.memory_space<vmem>>
          %dma_start3A_219 = tpu.memref_slice %arg2[%min3A_214] : memref<6400000xi32, #tpu.memory_space<hbm>> -> memref<16384xi32, #tpu.memory_space<hbm>>
          tpu.enqueue_dma source(%dma_start3A_219 : memref<16384xi32, #tpu.memory_space<hbm>>) target(%dma_start3A_218 : memref<16384xi32, #tpu.memory_space<vmem>>) target_semaphore(%arg13 : memref<!tpu.dma_semaphore, #tpu.memory_space<semaphore_mem>>)
          %dma_start3A_220 = arith.constant 0 : i32
          %dma_start3A_221 = tpu.memref_slice %arg7[%dma_start3A_220] : memref<32768xf32, #tpu.memory_space<vmem>> -> memref<16384xf32, #tpu.memory_space<vmem>>
          %dma_start3A_222 = tpu.memref_slice %arg3[%min3A_214] : memref<6400000xf32, #tpu.memory_space<hbm>> -> memref<16384xf32, #tpu.memory_space<hbm>>
          %dma_start3A_223 = arith.constant 0 : i32
          %dma_start3A_224 = tpu.memref_slice %arg7[%dma_start3A_223] : memref<32768xf32, #tpu.memory_space<vmem>> -> memref<16384xf32, #tpu.memory_space<vmem>>
          %dma_start3A_225 = tpu.memref_slice %arg3[%min3A_214] : memref<6400000xf32, #tpu.memory_space<hbm>> -> memref<16384xf32, #tpu.memory_space<hbm>>
          tpu.enqueue_dma source(%dma_start3A_225 : memref<16384xf32, #tpu.memory_space<hbm>>) target(%dma_start3A_224 : memref<16384xf32, #tpu.memory_space<vmem>>) target_semaphore(%arg13 : memref<!tpu.dma_semaphore, #tpu.memory_space<semaphore_mem>>)
        } else {
        }
        %mul3A_178 = arith.constant 16384 : i32
        %mul3A_179 = arith.muli %add3A_166, %mul3A_178 : i32
        %add3A_180 = arith.addi %mul3A_59, %mul3A_179 : i32
        %min3A_181 = arith.constant 6383616 : i32
        %min3A_182 = arith.minsi %add3A_180, %min3A_181 : i32
        %dma_wait3A = arith.constant 16384 : i32
        %dma_wait3A_183 = tpu.memref_slice %arg6[%dma_wait3A] : memref<32768xi32, #tpu.memory_space<vmem>> -> memref<16384xi32, #tpu.memory_space<vmem>>
        %dma_wait3A_184 = tpu.memref_slice %arg2[%min3A_182] : memref<6400000xi32, #tpu.memory_space<hbm>> -> memref<16384xi32, #tpu.memory_space<hbm>>
        %dma_wait3A_185 = arith.constant 16384 : i32
        %dma_wait3A_186 = tpu.memref_slice %arg6[%dma_wait3A_185] : memref<32768xi32, #tpu.memory_space<vmem>> -> memref<16384xi32, #tpu.memory_space<vmem>>
        %dma_wait3A_187 = tpu.memref_slice %arg2[%min3A_182] : memref<6400000xi32, #tpu.memory_space<hbm>> -> memref<16384xi32, #tpu.memory_space<hbm>>
        tpu.wait_dma2 semaphore(%arg14 : memref<!tpu.dma_semaphore, #tpu.memory_space<semaphore_mem>>) src(%dma_wait3A_187 : memref<16384xi32, #tpu.memory_space<hbm>>) dst(%dma_wait3A_186 : memref<16384xi32, #tpu.memory_space<vmem>>)
        %dma_wait3A_188 = arith.constant 16384 : i32
        %dma_wait3A_189 = tpu.memref_slice %arg7[%dma_wait3A_188] : memref<32768xf32, #tpu.memory_space<vmem>> -> memref<16384xf32, #tpu.memory_space<vmem>>
        %dma_wait3A_190 = tpu.memref_slice %arg3[%min3A_182] : memref<6400000xf32, #tpu.memory_space<hbm>> -> memref<16384xf32, #tpu.memory_space<hbm>>
        %dma_wait3A_191 = arith.constant 16384 : i32
        %dma_wait3A_192 = tpu.memref_slice %arg7[%dma_wait3A_191] : memref<32768xf32, #tpu.memory_space<vmem>> -> memref<16384xf32, #tpu.memory_space<vmem>>
        %dma_wait3A_193 = tpu.memref_slice %arg3[%min3A_182] : memref<6400000xf32, #tpu.memory_space<hbm>> -> memref<16384xf32, #tpu.memory_space<hbm>>
        tpu.wait_dma2 semaphore(%arg14 : memref<!tpu.dma_semaphore, #tpu.memory_space<semaphore_mem>>) src(%dma_wait3A_193 : memref<16384xf32, #tpu.memory_space<hbm>>) dst(%dma_wait3A_192 : memref<16384xf32, #tpu.memory_space<vmem>>)
        %mul3A_194 = arith.constant 16384 : i32
        %mul3A_195 = arith.muli %add3A_166, %mul3A_194 : i32
        %add3A_196 = arith.addi %mul3A_59, %mul3A_195 : i32
        %mul3A_197 = arith.constant 16384 : i32
        %mul3A_198 = arith.muli %add3A_166, %mul3A_197 : i32
        %add3A_199 = arith.addi %mul3A_59, %mul3A_198 : i32
        %min3A_200 = arith.constant 6383616 : i32
        %min3A_201 = arith.minsi %add3A_199, %min3A_200 : i32
        %max3A = arith.maxsi %scan3A_32#0, %add3A_196 : i32
        %scan3A_202 = arith.constant 0 : i32
        %scan3A_203 = arith.constant 256 : i32
        %scan3A_204 = arith.addi %scan3A_202, %scan3A_203 : i32
        %scan3A_205 = arith.constant 1 : i32
        %scan3A_206:2 = scf.for %scan3A_208 = %scan3A_202 to %scan3A_204 step %scan3A_205 iter_args(%scan3A_209 = %cond3A_162#0, %scan3A_210 = %cond3A_162#1) -> (i32, vector<16xf32>)  : i32 {
          %mul3A_211 = arith.constant 2 : i32
          %mul3A_212 = arith.muli %mul3A_211, %scan3A_208 : i32
          %mul3A_213 = arith.constant 2 : i32
          %mul3A_214 = arith.muli %mul3A_213, %mul3A_212 : i32
          %mul3A_215 = arith.constant 16 : i32
          %mul3A_216 = arith.muli %mul3A_214, %mul3A_215 : i32
          %add3A_217 = arith.constant 16384 : i32
          %add3A_218 = arith.addi %add3A_217, %mul3A_216 : i32
          %get3A_219 = arith.index_cast %add3A_218 : i32 to index
          %get3A_220 = tpu.vector_load %arg6[%get3A_219] {strides = array<i32>} : memref<32768xi32, #tpu.memory_space<vmem>>, vector<16xi32>,
          %get3A_221 = arith.index_cast %add3A_218 : i32 to index
          %get3A_222 = tpu.vector_load %arg7[%get3A_221] {strides = array<i32>} : memref<32768xf32, #tpu.memory_space<vmem>>, vector<16xf32>,
          %add3A_223 = arith.constant 16 : i32
          %add3A_224 = arith.addi %add3A_218, %add3A_223 : i32
          %get3A_225 = arith.index_cast %add3A_224 : i32 to index
          %get3A_226 = tpu.vector_load %arg6[%get3A_225] {strides = array<i32>} : memref<32768xi32, #tpu.memory_space<vmem>>, vector<16xi32>,
          %add3A_227 = arith.constant 16 : i32
          %add3A_228 = arith.addi %add3A_218, %add3A_227 : i32
          %get3A_229 = arith.index_cast %add3A_228 : i32 to index
          %get3A_230 = tpu.vector_load %arg7[%get3A_229] {strides = array<i32>} : memref<32768xf32, #tpu.memory_space<vmem>>, vector<16xf32>,
          %masked_sort3A_231 = arith.constant dense<true> : vector<16xi1>
          %masked_sort3A_232, %masked_sort3A_233, %masked_sort3A_234 = tpu.sort %get3A_222, %get3A_222 masked %masked_sort3A_231 {descending = true} : (vector<16xf32>, vector<16xf32>, vector<16xi1>) -> (vector<16xi1>, vector<16xf32>, vector<16xf32>)
          %masked_sort3A_235 = arith.constant dense<true> : vector<16xi1>
          %masked_sort3A_236, %masked_sort3A_237, %masked_sort3A_238 = tpu.sort %get3A_230, %get3A_230 masked %masked_sort3A_235 : (vector<16xf32>, vector<16xf32>, vector<16xi1>) -> (vector<16xi1>, vector<16xf32>, vector<16xf32>)
          %mul3A_239 = arith.constant 2 : i32
          %mul3A_240 = arith.muli %mul3A_239, %mul3A_212 : i32
          %mul3A_241 = arith.constant 16 : i32
          %mul3A_242 = arith.muli %mul3A_240, %mul3A_241 : i32
          %add3A_243 = arith.addi %min3A_201, %mul3A_242 : i32
          %ge3A = arith.cmpi sge, %add3A_243, %max3A : i32
          %add3A_244 = arith.constant 32 : i32
          %add3A_245 = arith.addi %add3A_243, %add3A_244 : i32
          %le3A = arith.cmpi sle, %add3A_245, %scan3A_32#2 : i32
          %and3A_246 = arith.andi %ge3A, %le3A : i1
          %slice3A_247 = vector.extract_strided_slice %get3A_220 {offsets = [0], sizes = [1], strides = [1]} : vector<16xi32> to vector<1xi32>
          %squeeze3A_248 = vector.extract %slice3A_247[0] : i32 from vector<1xi32>
          %eq3A_249 = arith.cmpi eq, %squeeze3A_248, %scan3A_209 : i32
          %and3A_250 = arith.andi %and3A_246, %eq3A_249 : i1
          %slice3A_251 = vector.extract_strided_slice %get3A_226 {offsets = [15], sizes = [1], strides = [1]} : vector<16xi32> to vector<1xi32>
          %squeeze3A_252 = vector.extract %slice3A_251[0] : i32 from vector<1xi32>
          %eq3A_253 = arith.cmpi eq, %squeeze3A_252, %scan3A_209 : i32
          %and3A_254 = arith.andi %and3A_250, %eq3A_253 : i1
          %convert_element_type3A_255 = arith.extui %and3A_254 : i1 to i32
          %cond3A_256 = arith.constant 0 : i32
          %cond3A_257 = arith.cmpi ne, %convert_element_type3A_255, %cond3A_256 : i32
          %cond3A_258:2 = scf.if %cond3A_257 -> (i32, vector<16xf32>) {
            %max3A_311 = arith.maximumf %masked_sort3A_233, %masked_sort3A_237 : vector<16xf32>
            %masked_sort3A_312 = arith.constant dense<true> : vector<16xi1>
            %masked_sort3A_313, %masked_sort3A_314, %masked_sort3A_315 = tpu.sort %max3A_311, %max3A_311 masked %masked_sort3A_312 : (vector<16xf32>, vector<16xf32>, vector<16xi1>) -> (vector<16xi1>, vector<16xf32>, vector<16xf32>)
            %max3A_316 = arith.maximumf %scan3A_210, %masked_sort3A_314 : vector<16xf32>
            %masked_sort3A_317 = arith.constant dense<true> : vector<16xi1>
            %masked_sort3A_318, %masked_sort3A_319, %masked_sort3A_320 = tpu.sort %max3A_316, %max3A_316 masked %masked_sort3A_317 {descending = true} : (vector<16xf32>, vector<16xf32>, vector<16xi1>) -> (vector<16xi1>, vector<16xf32>, vector<16xf32>)
            scf.yield %scan3A_209, %masked_sort3A_319 : i32, vector<16xf32>
          } else {
            %mul3A_311 = arith.constant 2 : i32
            %mul3A_312 = arith.muli %mul3A_311, %mul3A_212 : i32
            %rev3A = arith.constant 15 : i32
            %rev3A_313 = vector.broadcast %rev3A : i32 to vector<16xi32>
            %rev3A_314 = tpu.iota {dimensions = array<i32: 0>} : vector<16xi32>
            %rev3A_315 = arith.subi %rev3A_313, %rev3A_314 : vector<16xi32>
            %rev3A_316 = tpu.dynamic_gather %masked_sort3A_233[%rev3A_315] in [0] : vector<16xf32>, vector<16xi32> -> vector<16xf32>
            %mul3A_317 = arith.constant 16 : i32
            %mul3A_318 = arith.muli %mul3A_312, %mul3A_317 : i32
            %add3A_319 = arith.addi %min3A_201, %mul3A_318 : i32
            %ge3A_320 = arith.cmpi sge, %add3A_319, %max3A : i32
            %add3A_321 = arith.constant 16 : i32
            %add3A_322 = arith.addi %add3A_319, %add3A_321 : i32
            %le3A_323 = arith.cmpi sle, %add3A_322, %scan3A_32#2 : i32
            %and3A_324 = arith.andi %ge3A_320, %le3A_323 : i1
            %slice3A_325 = vector.extract_strided_slice %get3A_220 {offsets = [0], sizes = [1], strides = [1]} : vector<16xi32> to vector<1xi32>
            %squeeze3A_326 = vector.extract %slice3A_325[0] : i32 from vector<1xi32>
            %eq3A_327 = arith.cmpi eq, %squeeze3A_326, %scan3A_209 : i32
            %slice3A_328 = vector.extract_strided_slice %get3A_220 {offsets = [15], sizes = [1], strides = [1]} : vector<16xi32> to vector<1xi32>
            %squeeze3A_329 = vector.extract %slice3A_328[0] : i32 from vector<1xi32>
            %eq3A_330 = arith.cmpi eq, %squeeze3A_329, %scan3A_209 : i32
            %and3A_331 = arith.andi %eq3A_327, %eq3A_330 : i1
            %and3A_332 = arith.andi %and3A_324, %and3A_331 : i1
            %convert_element_type3A_333 = arith.extui %and3A_332 : i1 to i32
            %cond3A_334 = arith.constant 0 : i32
            %cond3A_335 = arith.cmpi ne, %convert_element_type3A_333, %cond3A_334 : i32
            %cond3A_336:2 = scf.if %cond3A_335 -> (i32, vector<16xf32>) {
              %max3A_361 = arith.maximumf %scan3A_210, %rev3A_316 : vector<16xf32>
              %masked_sort3A_362 = arith.constant dense<true> : vector<16xi1>
              %masked_sort3A_363, %masked_sort3A_364, %masked_sort3A_365 = tpu.sort %max3A_361, %max3A_361 masked %masked_sort3A_362 {descending = true} : (vector<16xf32>, vector<16xf32>, vector<16xi1>) -> (vector<16xi1>, vector<16xf32>, vector<16xf32>)
              scf.yield %scan3A_209, %masked_sort3A_364 : i32, vector<16xf32>
            } else {
              %add3A_361 = vector.broadcast %add3A_319 : i32 to vector<16xi32>
              %add3A_362 = arith.addi %add3A_361, %iota3A : vector<16xi32>
              %ge3A_363 = vector.broadcast %max3A : i32 to vector<16xi32>
              %ge3A_364 = arith.cmpi sge, %add3A_362, %ge3A_363 : vector<16xi32>
              %lt3A_365 = vector.broadcast %scan3A_32#2 : i32 to vector<16xi32>
              %lt3A_366 = arith.cmpi slt, %add3A_362, %lt3A_365 : vector<16xi32>
              %and3A_367 = arith.andi %ge3A_364, %lt3A_366 : vector<16xi1>
              %jit3A_368 = arith.constant 0xFF800000 : f32
              %broadcast_in_dim3A_369 = vector.broadcast %jit3A_368 : f32 to vector<16xf32>
              %select_n3A_370 = arith.select %and3A_367, %get3A_222, %broadcast_in_dim3A_369 : vector<16xi1>, vector<16xf32>
              %broadcast_in_dim3A_371 = vector.broadcast %scan3A_209 : i32 to vector<16xi32>
              %select_n3A_372 = arith.select %and3A_367, %get3A_220, %broadcast_in_dim3A_371 : vector<16xi1>, vector<16xi32>
              %convert_element_type3A_373 = arith.sitofp %select_n3A_372 : vector<16xi32> to vector<16xf32>
              %masked_sort3A_374 = arith.constant dense<true> : vector<16xi1>
              %masked_sort3A_375, %masked_sort3A_376, %masked_sort3A_377 = tpu.sort %convert_element_type3A_373, %convert_element_type3A_373 masked %masked_sort3A_374 {descending = true} : (vector<16xf32>, vector<16xf32>, vector<16xi1>) -> (vector<16xi1>, vector<16xf32>, vector<16xf32>)
              %slice3A_378 = vector.extract_strided_slice %masked_sort3A_376 {offsets = [0], sizes = [1], strides = [1]} : vector<16xf32> to vector<1xf32>
              %squeeze3A_379 = vector.extract %slice3A_378[0] : f32 from vector<1xf32>
              %convert_element_type3A_380 = arith.fptosi %squeeze3A_379 : f32 to i32
              %lt3A_381 = vector.broadcast %max3A : i32 to vector<16xi32>
              %lt3A_382 = arith.cmpi slt, %add3A_362, %lt3A_381 : vector<16xi32>
              %broadcast_in_dim3A_383 = vector.broadcast %scan3A_209 : i32 to vector<16xi32>
              %broadcast_in_dim3A_384 = vector.broadcast %convert_element_type3A_380 : i32 to vector<16xi32>
              %select_n3A_385 = arith.select %lt3A_382, %broadcast_in_dim3A_383, %broadcast_in_dim3A_384 : vector<16xi1>, vector<16xi32>
              %select_n3A_386 = arith.select %and3A_367, %get3A_220, %select_n3A_385 : vector<16xi1>, vector<16xi32>
              %swap3A = arith.constant 0 : index
              %swap3A_387 = tpu.vector_load %arg10[%swap3A] {strides = array<i32>} : memref<32xi32, #tpu.memory_space<vmem>>, vector<16xi32>,
              tpu.vector_store %arg10[%swap3A], %select_n3A_386 {strides = array<i32>} : memref<32xi32, #tpu.memory_space<vmem>>, vector<16xi32>,
              %while3A_388 = arith.constant 0 : i32
              %while3A_389:3 = scf.while (%while3A_390 = %while3A_388, %while3A_391 = %scan3A_209, %while3A_392 = %scan3A_210) : (i32, i32, vector<16xf32>) -> (i32, i32, vector<16xf32>) {
                %lt3A_393 = arith.constant 16 : i32
                %lt3A_394 = arith.cmpi slt, %while3A_390, %lt3A_393 : i32
                scf.condition(%lt3A_394) %while3A_390, %while3A_391, %while3A_392 : i32, i32, vector<16xf32>
              } do {
              ^bb0(%while3A_390: i32, %while3A_391: i32, %while3A_392: vector<16xf32>):
                %get3A_393 = arith.index_cast %while3A_390 : i32 to index
                %get3A_394 = tpu.vector_load %arg10[%get3A_393] {strides = array<i32>} : memref<32xi32, #tpu.memory_space<vmem>>, vector<16xi32>,
                %slice3A_395 = vector.extract_strided_slice %get3A_394 {offsets = [0], sizes = [1], strides = [1]} : vector<16xi32> to vector<1xi32>
                %squeeze3A_396 = vector.extract %slice3A_395[0] : i32 from vector<1xi32>
                %eq3A_397 = vector.broadcast %squeeze3A_396 : i32 to vector<16xi32>
                %eq3A_398 = arith.cmpi eq, %select_n3A_386, %eq3A_397 : vector<16xi32>
                %convert_element_type3A_399 = arith.extui %eq3A_398 : vector<16xi1> to vector<16xi32>
                %reduce_sum3A_400 = arith.constant true
                %reduce_sum3A_401 = vector.broadcast %reduce_sum3A_400 : i1 to vector<16xi1>
                %reduce_sum3A_402 = tpu.scan <sum>, %convert_element_type3A_399 masked %reduce_sum3A_401 : vector<16xi32>, vector<16xi1> -> vector<16xi32>
                %reduce_sum3A_403 = vector.extract %reduce_sum3A_402[15] : i32 from vector<16xi32>
                %jit3A_404 = arith.constant 0xFF800000 : f32
                %broadcast_in_dim3A_405 = vector.broadcast %jit3A_404 : f32 to vector<16xf32>
                %select_n3A_406 = arith.select %eq3A_398, %select_n3A_370, %broadcast_in_dim3A_405 : vector<16xi1>, vector<16xf32>
                %ne3A_407 = arith.cmpi ne, %squeeze3A_396, %while3A_391 : i32
                %broadcast_in_dim3A_408 = arith.constant 0xFF800000 : f32
                %broadcast_in_dim3A_409 = vector.broadcast %broadcast_in_dim3A_408 : f32 to vector<16xf32>
                %eq3A_410 = arith.cmpf oeq, %while3A_392, %broadcast_in_dim3A_409 : vector<16xf32>
                %jit3A_411 = arith.constant 0.000000e+00 : f32
                %broadcast_in_dim3A_412 = vector.broadcast %jit3A_411 : f32 to vector<16xf32>
                %select_n3A_413 = arith.select %eq3A_410, %broadcast_in_dim3A_412, %while3A_392 : vector<16xi1>, vector<16xf32>
                %mul3A_414 = arith.mulf %select_n3A_413, %div3A_11 : vector<16xf32>
                %reduce_sum3A_415 = arith.constant true
                %reduce_sum3A_416 = vector.broadcast %reduce_sum3A_415 : i1 to vector<16xi1>
                %reduce_sum3A_417 = tpu.scan <sum>, %mul3A_414 masked %reduce_sum3A_416 : vector<16xf32>, vector<16xi1> -> vector<16xf32>
                %reduce_sum3A_418 = vector.extract %reduce_sum3A_417[15] : f32 from vector<16xf32>
                %sub3A_419 = arith.subi %while3A_391, %mul3A_13 : i32
                %broadcast_in_dim3A_420 = vector.broadcast %sub3A_419 : i32 to vector<16xi32>
                %broadcast_in_dim3A_421 = vector.broadcast %reduce_sum3A_418 : f32 to vector<16xf32>
                %and3A_422 = vector.broadcast %ne3A_407 : i1 to vector<16xi1>
                %and3A_423 = arith.andi %eq3A_2, %and3A_422 : vector<16xi1>
                tpu.vector_store_idx %arg8[%broadcast_in_dim3A_420], %broadcast_in_dim3A_421 masked %and3A_423 : memref<3136xf32, #tpu.memory_space<vmem>>[vector<16xi32>], vector<16xf32>, vector<16xi1>
                %broadcast_in_dim3A_424 = arith.constant 0xFF800000 : f32
                %broadcast_in_dim3A_425 = vector.broadcast %broadcast_in_dim3A_424 : f32 to vector<16xf32>
                %select_n3A_426 = arith.select %ne3A_407, %broadcast_in_dim3A_425, %while3A_392 : vector<16xf32>
                %select_n3A_427 = arith.select %ne3A_407, %squeeze3A_396, %while3A_391 : i32
                %masked_sort3A_428 = arith.constant dense<true> : vector<16xi1>
                %masked_sort3A_429, %masked_sort3A_430, %masked_sort3A_431 = tpu.sort %select_n3A_406, %select_n3A_406 masked %masked_sort3A_428 {descending = true} : (vector<16xf32>, vector<16xf32>, vector<16xi1>) -> (vector<16xi1>, vector<16xf32>, vector<16xf32>)
                %rev3A_432 = arith.constant 15 : i32
                %rev3A_433 = vector.broadcast %rev3A_432 : i32 to vector<16xi32>
                %rev3A_434 = tpu.iota {dimensions = array<i32: 0>} : vector<16xi32>
                %rev3A_435 = arith.subi %rev3A_433, %rev3A_434 : vector<16xi32>
                %rev3A_436 = tpu.dynamic_gather %masked_sort3A_430[%rev3A_435] in [0] : vector<16xf32>, vector<16xi32> -> vector<16xf32>
                %max3A_437 = arith.maximumf %select_n3A_426, %rev3A_436 : vector<16xf32>
                %masked_sort3A_438 = arith.constant dense<true> : vector<16xi1>
                %masked_sort3A_439, %masked_sort3A_440, %masked_sort3A_441 = tpu.sort %max3A_437, %max3A_437 masked %masked_sort3A_438 {descending = true} : (vector<16xf32>, vector<16xf32>, vector<16xi1>) -> (vector<16xi1>, vector<16xf32>, vector<16xf32>)
                %add3A_442 = arith.addi %while3A_390, %reduce_sum3A_403 : i32
                scf.yield %add3A_442, %select_n3A_427, %masked_sort3A_440 : i32, i32, vector<16xf32>
              }
              scf.yield %while3A_389#1, %while3A_389#2 : i32, vector<16xf32>
            }
            %mul3A_337 = arith.constant 2 : i32
            %mul3A_338 = arith.muli %mul3A_337, %mul3A_212 : i32
            %add3A_339 = arith.constant 1 : i32
            %add3A_340 = arith.addi %mul3A_338, %add3A_339 : i32
            %mul3A_341 = arith.constant 16 : i32
            %mul3A_342 = arith.muli %add3A_340, %mul3A_341 : i32
            %add3A_343 = arith.addi %min3A_201, %mul3A_342 : i32
            %ge3A_344 = arith.cmpi sge, %add3A_343, %max3A : i32
            %add3A_345 = arith.constant 16 : i32
            %add3A_346 = arith.addi %add3A_343, %add3A_345 : i32
            %le3A_347 = arith.cmpi sle, %add3A_346, %scan3A_32#2 : i32
            %and3A_348 = arith.andi %ge3A_344, %le3A_347 : i1
            %slice3A_349 = vector.extract_strided_slice %get3A_226 {offsets = [0], sizes = [1], strides = [1]} : vector<16xi32> to vector<1xi32>
            %squeeze3A_350 = vector.extract %slice3A_349[0] : i32 from vector<1xi32>
            %eq3A_351 = arith.cmpi eq, %squeeze3A_350, %cond3A_336#0 : i32
            %slice3A_352 = vector.extract_strided_slice %get3A_226 {offsets = [15], sizes = [1], strides = [1]} : vector<16xi32> to vector<1xi32>
            %squeeze3A_353 = vector.extract %slice3A_352[0] : i32 from vector<1xi32>
            %eq3A_354 = arith.cmpi eq, %squeeze3A_353, %cond3A_336#0 : i32
            %and3A_355 = arith.andi %eq3A_351, %eq3A_354 : i1
            %and3A_356 = arith.andi %and3A_348, %and3A_355 : i1
            %convert_element_type3A_357 = arith.extui %and3A_356 : i1 to i32
            %cond3A_358 = arith.constant 0 : i32
            %cond3A_359 = arith.cmpi ne, %convert_element_type3A_357, %cond3A_358 : i32
            %cond3A_360:2 = scf.if %cond3A_359 -> (i32, vector<16xf32>) {
              %max3A_361 = arith.maximumf %cond3A_336#1, %masked_sort3A_237 : vector<16xf32>
              %masked_sort3A_362 = arith.constant dense<true> : vector<16xi1>
              %masked_sort3A_363, %masked_sort3A_364, %masked_sort3A_365 = tpu.sort %max3A_361, %max3A_361 masked %masked_sort3A_362 {descending = true} : (vector<16xf32>, vector<16xf32>, vector<16xi1>) -> (vector<16xi1>, vector<16xf32>, vector<16xf32>)
              scf.yield %cond3A_336#0, %masked_sort3A_364 : i32, vector<16xf32>
            } else {
              %add3A_361 = vector.broadcast %add3A_343 : i32 to vector<16xi32>
              %add3A_362 = arith.addi %add3A_361, %iota3A : vector<16xi32>
              %ge3A_363 = vector.broadcast %max3A : i32 to vector<16xi32>
              %ge3A_364 = arith.cmpi sge, %add3A_362, %ge3A_363 : vector<16xi32>
              %lt3A_365 = vector.broadcast %scan3A_32#2 : i32 to vector<16xi32>
              %lt3A_366 = arith.cmpi slt, %add3A_362, %lt3A_365 : vector<16xi32>
              %and3A_367 = arith.andi %ge3A_364, %lt3A_366 : vector<16xi1>
              %jit3A_368 = arith.constant 0xFF800000 : f32
              %broadcast_in_dim3A_369 = vector.broadcast %jit3A_368 : f32 to vector<16xf32>
              %select_n3A_370 = arith.select %and3A_367, %get3A_230, %broadcast_in_dim3A_369 : vector<16xi1>, vector<16xf32>
              %broadcast_in_dim3A_371 = vector.broadcast %cond3A_336#0 : i32 to vector<16xi32>
              %select_n3A_372 = arith.select %and3A_367, %get3A_226, %broadcast_in_dim3A_371 : vector<16xi1>, vector<16xi32>
              %convert_element_type3A_373 = arith.sitofp %select_n3A_372 : vector<16xi32> to vector<16xf32>
              %masked_sort3A_374 = arith.constant dense<true> : vector<16xi1>
              %masked_sort3A_375, %masked_sort3A_376, %masked_sort3A_377 = tpu.sort %convert_element_type3A_373, %convert_element_type3A_373 masked %masked_sort3A_374 {descending = true} : (vector<16xf32>, vector<16xf32>, vector<16xi1>) -> (vector<16xi1>, vector<16xf32>, vector<16xf32>)
              %slice3A_378 = vector.extract_strided_slice %masked_sort3A_376 {offsets = [0], sizes = [1], strides = [1]} : vector<16xf32> to vector<1xf32>
              %squeeze3A_379 = vector.extract %slice3A_378[0] : f32 from vector<1xf32>
              %convert_element_type3A_380 = arith.fptosi %squeeze3A_379 : f32 to i32
              %lt3A_381 = vector.broadcast %max3A : i32 to vector<16xi32>
              %lt3A_382 = arith.cmpi slt, %add3A_362, %lt3A_381 : vector<16xi32>
              %broadcast_in_dim3A_383 = vector.broadcast %cond3A_336#0 : i32 to vector<16xi32>
              %broadcast_in_dim3A_384 = vector.broadcast %convert_element_type3A_380 : i32 to vector<16xi32>
              %select_n3A_385 = arith.select %lt3A_382, %broadcast_in_dim3A_383, %broadcast_in_dim3A_384 : vector<16xi1>, vector<16xi32>
              %select_n3A_386 = arith.select %and3A_367, %get3A_226, %select_n3A_385 : vector<16xi1>, vector<16xi32>
              %swap3A = arith.constant 0 : index
              %swap3A_387 = tpu.vector_load %arg10[%swap3A] {strides = array<i32>} : memref<32xi32, #tpu.memory_space<vmem>>, vector<16xi32>,
              tpu.vector_store %arg10[%swap3A], %select_n3A_386 {strides = array<i32>} : memref<32xi32, #tpu.memory_space<vmem>>, vector<16xi32>,
              %while3A_388 = arith.constant 0 : i32
              %while3A_389:3 = scf.while (%while3A_390 = %while3A_388, %while3A_391 = %cond3A_336#0, %while3A_392 = %cond3A_336#1) : (i32, i32, vector<16xf32>) -> (i32, i32, vector<16xf32>) {
                %lt3A_393 = arith.constant 16 : i32
                %lt3A_394 = arith.cmpi slt, %while3A_390, %lt3A_393 : i32
                scf.condition(%lt3A_394) %while3A_390, %while3A_391, %while3A_392 : i32, i32, vector<16xf32>
              } do {
              ^bb0(%while3A_390: i32, %while3A_391: i32, %while3A_392: vector<16xf32>):
                %get3A_393 = arith.index_cast %while3A_390 : i32 to index
                %get3A_394 = tpu.vector_load %arg10[%get3A_393] {strides = array<i32>} : memref<32xi32, #tpu.memory_space<vmem>>, vector<16xi32>,
                %slice3A_395 = vector.extract_strided_slice %get3A_394 {offsets = [0], sizes = [1], strides = [1]} : vector<16xi32> to vector<1xi32>
                %squeeze3A_396 = vector.extract %slice3A_395[0] : i32 from vector<1xi32>
                %eq3A_397 = vector.broadcast %squeeze3A_396 : i32 to vector<16xi32>
                %eq3A_398 = arith.cmpi eq, %select_n3A_386, %eq3A_397 : vector<16xi32>
                %convert_element_type3A_399 = arith.extui %eq3A_398 : vector<16xi1> to vector<16xi32>
                %reduce_sum3A_400 = arith.constant true
                %reduce_sum3A_401 = vector.broadcast %reduce_sum3A_400 : i1 to vector<16xi1>
                %reduce_sum3A_402 = tpu.scan <sum>, %convert_element_type3A_399 masked %reduce_sum3A_401 : vector<16xi32>, vector<16xi1> -> vector<16xi32>
                %reduce_sum3A_403 = vector.extract %reduce_sum3A_402[15] : i32 from vector<16xi32>
                %jit3A_404 = arith.constant 0xFF800000 : f32
                %broadcast_in_dim3A_405 = vector.broadcast %jit3A_404 : f32 to vector<16xf32>
                %select_n3A_406 = arith.select %eq3A_398, %select_n3A_370, %broadcast_in_dim3A_405 : vector<16xi1>, vector<16xf32>
                %ne3A_407 = arith.cmpi ne, %squeeze3A_396, %while3A_391 : i32
                %broadcast_in_dim3A_408 = arith.constant 0xFF800000 : f32
                %broadcast_in_dim3A_409 = vector.broadcast %broadcast_in_dim3A_408 : f32 to vector<16xf32>
                %eq3A_410 = arith.cmpf oeq, %while3A_392, %broadcast_in_dim3A_409 : vector<16xf32>
                %jit3A_411 = arith.constant 0.000000e+00 : f32
                %broadcast_in_dim3A_412 = vector.broadcast %jit3A_411 : f32 to vector<16xf32>
                %select_n3A_413 = arith.select %eq3A_410, %broadcast_in_dim3A_412, %while3A_392 : vector<16xi1>, vector<16xf32>
                %mul3A_414 = arith.mulf %select_n3A_413, %div3A_11 : vector<16xf32>
                %reduce_sum3A_415 = arith.constant true
                %reduce_sum3A_416 = vector.broadcast %reduce_sum3A_415 : i1 to vector<16xi1>
                %reduce_sum3A_417 = tpu.scan <sum>, %mul3A_414 masked %reduce_sum3A_416 : vector<16xf32>, vector<16xi1> -> vector<16xf32>
                %reduce_sum3A_418 = vector.extract %reduce_sum3A_417[15] : f32 from vector<16xf32>
                %sub3A_419 = arith.subi %while3A_391, %mul3A_13 : i32
                %broadcast_in_dim3A_420 = vector.broadcast %sub3A_419 : i32 to vector<16xi32>
                %broadcast_in_dim3A_421 = vector.broadcast %reduce_sum3A_418 : f32 to vector<16xf32>
                %and3A_422 = vector.broadcast %ne3A_407 : i1 to vector<16xi1>
                %and3A_423 = arith.andi %eq3A_2, %and3A_422 : vector<16xi1>
                tpu.vector_store_idx %arg8[%broadcast_in_dim3A_420], %broadcast_in_dim3A_421 masked %and3A_423 : memref<3136xf32, #tpu.memory_space<vmem>>[vector<16xi32>], vector<16xf32>, vector<16xi1>
                %broadcast_in_dim3A_424 = arith.constant 0xFF800000 : f32
                %broadcast_in_dim3A_425 = vector.broadcast %broadcast_in_dim3A_424 : f32 to vector<16xf32>
                %select_n3A_426 = arith.select %ne3A_407, %broadcast_in_dim3A_425, %while3A_392 : vector<16xf32>
                %select_n3A_427 = arith.select %ne3A_407, %squeeze3A_396, %while3A_391 : i32
                %masked_sort3A_428 = arith.constant dense<true> : vector<16xi1>
                %masked_sort3A_429, %masked_sort3A_430, %masked_sort3A_431 = tpu.sort %select_n3A_406, %select_n3A_406 masked %masked_sort3A_428 {descending = true} : (vector<16xf32>, vector<16xf32>, vector<16xi1>) -> (vector<16xi1>, vector<16xf32>, vector<16xf32>)
                %rev3A_432 = arith.constant 15 : i32
                %rev3A_433 = vector.broadcast %rev3A_432 : i32 to vector<16xi32>
                %rev3A_434 = tpu.iota {dimensions = array<i32: 0>} : vector<16xi32>
                %rev3A_435 = arith.subi %rev3A_433, %rev3A_434 : vector<16xi32>
                %rev3A_436 = tpu.dynamic_gather %masked_sort3A_430[%rev3A_435] in [0] : vector<16xf32>, vector<16xi32> -> vector<16xf32>
                %max3A_437 = arith.maximumf %select_n3A_426, %rev3A_436 : vector<16xf32>
                %masked_sort3A_438 = arith.constant dense<true> : vector<16xi1>
                %masked_sort3A_439, %masked_sort3A_440, %masked_sort3A_441 = tpu.sort %max3A_437, %max3A_437 masked %masked_sort3A_438 {descending = true} : (vector<16xf32>, vector<16xf32>, vector<16xi1>) -> (vector<16xi1>, vector<16xf32>, vector<16xf32>)
                %add3A_442 = arith.addi %while3A_390, %reduce_sum3A_403 : i32
                scf.yield %add3A_442, %select_n3A_427, %masked_sort3A_440 : i32, i32, vector<16xf32>
              }
              scf.yield %while3A_389#1, %while3A_389#2 : i32, vector<16xf32>
            }
            scf.yield %cond3A_360#0, %cond3A_360#1 : i32, vector<16xf32>
          }
          %mul3A_259 = arith.constant 2 : i32
          %mul3A_260 = arith.muli %mul3A_259, %scan3A_208 : i32
          %add3A_261 = arith.constant 1 : i32
          %add3A_262 = arith.addi %mul3A_260, %add3A_261 : i32
          %mul3A_263 = arith.constant 2 : i32
          %mul3A_264 = arith.muli %mul3A_263, %add3A_262 : i32
          %mul3A_265 = arith.constant 16 : i32
          %mul3A_266 = arith.muli %mul3A_264, %mul3A_265 : i32
          %add3A_267 = arith.constant 16384 : i32
          %add3A_268 = arith.addi %add3A_267, %mul3A_266 : i32
          %get3A_269 = arith.index_cast %add3A_268 : i32 to index
          %get3A_270 = tpu.vector_load %arg6[%get3A_269] {strides = array<i32>} : memref<32768xi32, #tpu.memory_space<vmem>>, vector<16xi32>,
          %get3A_271 = arith.index_cast %add3A_268 : i32 to index
          %get3A_272 = tpu.vector_load %arg7[%get3A_271] {strides = array<i32>} : memref<32768xf32, #tpu.memory_space<vmem>>, vector<16xf32>,
          %add3A_273 = arith.constant 16 : i32
          %add3A_274 = arith.addi %add3A_268, %add3A_273 : i32
          %get3A_275 = arith.index_cast %add3A_274 : i32 to index
          %get3A_276 = tpu.vector_load %arg6[%get3A_275] {strides = array<i32>} : memref<32768xi32, #tpu.memory_space<vmem>>, vector<16xi32>,
          %add3A_277 = arith.constant 16 : i32
          %add3A_278 = arith.addi %add3A_268, %add3A_277 : i32
          %get3A_279 = arith.index_cast %add3A_278 : i32 to index
          %get3A_280 = tpu.vector_load %arg7[%get3A_279] {strides = array<i32>} : memref<32768xf32, #tpu.memory_space<vmem>>, vector<16xf32>,
          %masked_sort3A_281 = arith.constant dense<true> : vector<16xi1>
          %masked_sort3A_282, %masked_sort3A_283, %masked_sort3A_284 = tpu.sort %get3A_272, %get3A_272 masked %masked_sort3A_281 {descending = true} : (vector<16xf32>, vector<16xf32>, vector<16xi1>) -> (vector<16xi1>, vector<16xf32>, vector<16xf32>)
          %masked_sort3A_285 = arith.constant dense<true> : vector<16xi1>
          %masked_sort3A_286, %masked_sort3A_287, %masked_sort3A_288 = tpu.sort %get3A_280, %get3A_280 masked %masked_sort3A_285 : (vector<16xf32>, vector<16xf32>, vector<16xi1>) -> (vector<16xi1>, vector<16xf32>, vector<16xf32>)
          %mul3A_289 = arith.constant 2 : i32
          %mul3A_290 = arith.muli %mul3A_289, %add3A_262 : i32
          %mul3A_291 = arith.constant 16 : i32
          %mul3A_292 = arith.muli %mul3A_290, %mul3A_291 : i32
          %add3A_293 = arith.addi %min3A_201, %mul3A_292 : i32
          %ge3A_294 = arith.cmpi sge, %add3A_293, %max3A : i32
          %add3A_295 = arith.constant 32 : i32
          %add3A_296 = arith.addi %add3A_293, %add3A_295 : i32
          %le3A_297 = arith.cmpi sle, %add3A_296, %scan3A_32#2 : i32
          %and3A_298 = arith.andi %ge3A_294, %le3A_297 : i1
          %slice3A_299 = vector.extract_strided_slice %get3A_270 {offsets = [0], sizes = [1], strides = [1]} : vector<16xi32> to vector<1xi32>
          %squeeze3A_300 = vector.extract %slice3A_299[0] : i32 from vector<1xi32>
          %eq3A_301 = arith.cmpi eq, %squeeze3A_300, %cond3A_258#0 : i32
          %and3A_302 = arith.andi %and3A_298, %eq3A_301 : i1
          %slice3A_303 = vector.extract_strided_slice %get3A_276 {offsets = [15], sizes = [1], strides = [1]} : vector<16xi32> to vector<1xi32>
          %squeeze3A_304 = vector.extract %slice3A_303[0] : i32 from vector<1xi32>
          %eq3A_305 = arith.cmpi eq, %squeeze3A_304, %cond3A_258#0 : i32
          %and3A_306 = arith.andi %and3A_302, %eq3A_305 : i1
          %convert_element_type3A_307 = arith.extui %and3A_306 : i1 to i32
          %cond3A_308 = arith.constant 0 : i32
          %cond3A_309 = arith.cmpi ne, %convert_element_type3A_307, %cond3A_308 : i32
          %cond3A_310:2 = scf.if %cond3A_309 -> (i32, vector<16xf32>) {
            %max3A_311 = arith.maximumf %masked_sort3A_283, %masked_sort3A_287 : vector<16xf32>
            %masked_sort3A_312 = arith.constant dense<true> : vector<16xi1>
            %masked_sort3A_313, %masked_sort3A_314, %masked_sort3A_315 = tpu.sort %max3A_311, %max3A_311 masked %masked_sort3A_312 : (vector<16xf32>, vector<16xf32>, vector<16xi1>) -> (vector<16xi1>, vector<16xf32>, vector<16xf32>)
            %max3A_316 = arith.maximumf %cond3A_258#1, %masked_sort3A_314 : vector<16xf32>
            %masked_sort3A_317 = arith.constant dense<true> : vector<16xi1>
            %masked_sort3A_318, %masked_sort3A_319, %masked_sort3A_320 = tpu.sort %max3A_316, %max3A_316 masked %masked_sort3A_317 {descending = true} : (vector<16xf32>, vector<16xf32>, vector<16xi1>) -> (vector<16xi1>, vector<16xf32>, vector<16xf32>)
            scf.yield %cond3A_258#0, %masked_sort3A_319 : i32, vector<16xf32>
          } else {
            %mul3A_311 = arith.constant 2 : i32
            %mul3A_312 = arith.muli %mul3A_311, %add3A_262 : i32
            %rev3A = arith.constant 15 : i32
            %rev3A_313 = vector.broadcast %rev3A : i32 to vector<16xi32>
            %rev3A_314 = tpu.iota {dimensions = array<i32: 0>} : vector<16xi32>
            %rev3A_315 = arith.subi %rev3A_313, %rev3A_314 : vector<16xi32>
            %rev3A_316 = tpu.dynamic_gather %masked_sort3A_283[%rev3A_315] in [0] : vector<16xf32>, vector<16xi32> -> vector<16xf32>
            %mul3A_317 = arith.constant 16 : i32
            %mul3A_318 = arith.muli %mul3A_312, %mul3A_317 : i32
            %add3A_319 = arith.addi %min3A_201, %mul3A_318 : i32
            %ge3A_320 = arith.cmpi sge, %add3A_319, %max3A : i32
            %add3A_321 = arith.constant 16 : i32
            %add3A_322 = arith.addi %add3A_319, %add3A_321 : i32
            %le3A_323 = arith.cmpi sle, %add3A_322, %scan3A_32#2 : i32
            %and3A_324 = arith.andi %ge3A_320, %le3A_323 : i1
            %slice3A_325 = vector.extract_strided_slice %get3A_270 {offsets = [0], sizes = [1], strides = [1]} : vector<16xi32> to vector<1xi32>
            %squeeze3A_326 = vector.extract %slice3A_325[0] : i32 from vector<1xi32>
            %eq3A_327 = arith.cmpi eq, %squeeze3A_326, %cond3A_258#0 : i32
            %slice3A_328 = vector.extract_strided_slice %get3A_270 {offsets = [15], sizes = [1], strides = [1]} : vector<16xi32> to vector<1xi32>
            %squeeze3A_329 = vector.extract %slice3A_328[0] : i32 from vector<1xi32>
            %eq3A_330 = arith.cmpi eq, %squeeze3A_329, %cond3A_258#0 : i32
            %and3A_331 = arith.andi %eq3A_327, %eq3A_330 : i1
            %and3A_332 = arith.andi %and3A_324, %and3A_331 : i1
            %convert_element_type3A_333 = arith.extui %and3A_332 : i1 to i32
            %cond3A_334 = arith.constant 0 : i32
            %cond3A_335 = arith.cmpi ne, %convert_element_type3A_333, %cond3A_334 : i32
            %cond3A_336:2 = scf.if %cond3A_335 -> (i32, vector<16xf32>) {
              %max3A_361 = arith.maximumf %cond3A_258#1, %rev3A_316 : vector<16xf32>
              %masked_sort3A_362 = arith.constant dense<true> : vector<16xi1>
              %masked_sort3A_363, %masked_sort3A_364, %masked_sort3A_365 = tpu.sort %max3A_361, %max3A_361 masked %masked_sort3A_362 {descending = true} : (vector<16xf32>, vector<16xf32>, vector<16xi1>) -> (vector<16xi1>, vector<16xf32>, vector<16xf32>)
              scf.yield %cond3A_258#0, %masked_sort3A_364 : i32, vector<16xf32>
            } else {
              %add3A_361 = vector.broadcast %add3A_319 : i32 to vector<16xi32>
              %add3A_362 = arith.addi %add3A_361, %iota3A : vector<16xi32>
              %ge3A_363 = vector.broadcast %max3A : i32 to vector<16xi32>
              %ge3A_364 = arith.cmpi sge, %add3A_362, %ge3A_363 : vector<16xi32>
              %lt3A_365 = vector.broadcast %scan3A_32#2 : i32 to vector<16xi32>
              %lt3A_366 = arith.cmpi slt, %add3A_362, %lt3A_365 : vector<16xi32>
              %and3A_367 = arith.andi %ge3A_364, %lt3A_366 : vector<16xi1>
              %jit3A_368 = arith.constant 0xFF800000 : f32
              %broadcast_in_dim3A_369 = vector.broadcast %jit3A_368 : f32 to vector<16xf32>
              %select_n3A_370 = arith.select %and3A_367, %get3A_272, %broadcast_in_dim3A_369 : vector<16xi1>, vector<16xf32>
              %broadcast_in_dim3A_371 = vector.broadcast %cond3A_258#0 : i32 to vector<16xi32>
              %select_n3A_372 = arith.select %and3A_367, %get3A_270, %broadcast_in_dim3A_371 : vector<16xi1>, vector<16xi32>
              %convert_element_type3A_373 = arith.sitofp %select_n3A_372 : vector<16xi32> to vector<16xf32>
              %masked_sort3A_374 = arith.constant dense<true> : vector<16xi1>
              %masked_sort3A_375, %masked_sort3A_376, %masked_sort3A_377 = tpu.sort %convert_element_type3A_373, %convert_element_type3A_373 masked %masked_sort3A_374 {descending = true} : (vector<16xf32>, vector<16xf32>, vector<16xi1>) -> (vector<16xi1>, vector<16xf32>, vector<16xf32>)
              %slice3A_378 = vector.extract_strided_slice %masked_sort3A_376 {offsets = [0], sizes = [1], strides = [1]} : vector<16xf32> to vector<1xf32>
              %squeeze3A_379 = vector.extract %slice3A_378[0] : f32 from vector<1xf32>
              %convert_element_type3A_380 = arith.fptosi %squeeze3A_379 : f32 to i32
              %lt3A_381 = vector.broadcast %max3A : i32 to vector<16xi32>
              %lt3A_382 = arith.cmpi slt, %add3A_362, %lt3A_381 : vector<16xi32>
              %broadcast_in_dim3A_383 = vector.broadcast %cond3A_258#0 : i32 to vector<16xi32>
              %broadcast_in_dim3A_384 = vector.broadcast %convert_element_type3A_380 : i32 to vector<16xi32>
              %select_n3A_385 = arith.select %lt3A_382, %broadcast_in_dim3A_383, %broadcast_in_dim3A_384 : vector<16xi1>, vector<16xi32>
              %select_n3A_386 = arith.select %and3A_367, %get3A_270, %select_n3A_385 : vector<16xi1>, vector<16xi32>
              %swap3A = arith.constant 0 : index
              %swap3A_387 = tpu.vector_load %arg10[%swap3A] {strides = array<i32>} : memref<32xi32, #tpu.memory_space<vmem>>, vector<16xi32>,
              tpu.vector_store %arg10[%swap3A], %select_n3A_386 {strides = array<i32>} : memref<32xi32, #tpu.memory_space<vmem>>, vector<16xi32>,
              %while3A_388 = arith.constant 0 : i32
              %while3A_389:3 = scf.while (%while3A_390 = %while3A_388, %while3A_391 = %cond3A_258#0, %while3A_392 = %cond3A_258#1) : (i32, i32, vector<16xf32>) -> (i32, i32, vector<16xf32>) {
                %lt3A_393 = arith.constant 16 : i32
                %lt3A_394 = arith.cmpi slt, %while3A_390, %lt3A_393 : i32
                scf.condition(%lt3A_394) %while3A_390, %while3A_391, %while3A_392 : i32, i32, vector<16xf32>
              } do {
              ^bb0(%while3A_390: i32, %while3A_391: i32, %while3A_392: vector<16xf32>):
                %get3A_393 = arith.index_cast %while3A_390 : i32 to index
                %get3A_394 = tpu.vector_load %arg10[%get3A_393] {strides = array<i32>} : memref<32xi32, #tpu.memory_space<vmem>>, vector<16xi32>,
                %slice3A_395 = vector.extract_strided_slice %get3A_394 {offsets = [0], sizes = [1], strides = [1]} : vector<16xi32> to vector<1xi32>
                %squeeze3A_396 = vector.extract %slice3A_395[0] : i32 from vector<1xi32>
                %eq3A_397 = vector.broadcast %squeeze3A_396 : i32 to vector<16xi32>
                %eq3A_398 = arith.cmpi eq, %select_n3A_386, %eq3A_397 : vector<16xi32>
                %convert_element_type3A_399 = arith.extui %eq3A_398 : vector<16xi1> to vector<16xi32>
                %reduce_sum3A_400 = arith.constant true
                %reduce_sum3A_401 = vector.broadcast %reduce_sum3A_400 : i1 to vector<16xi1>
                %reduce_sum3A_402 = tpu.scan <sum>, %convert_element_type3A_399 masked %reduce_sum3A_401 : vector<16xi32>, vector<16xi1> -> vector<16xi32>
                %reduce_sum3A_403 = vector.extract %reduce_sum3A_402[15] : i32 from vector<16xi32>
                %jit3A_404 = arith.constant 0xFF800000 : f32
                %broadcast_in_dim3A_405 = vector.broadcast %jit3A_404 : f32 to vector<16xf32>
                %select_n3A_406 = arith.select %eq3A_398, %select_n3A_370, %broadcast_in_dim3A_405 : vector<16xi1>, vector<16xf32>
                %ne3A_407 = arith.cmpi ne, %squeeze3A_396, %while3A_391 : i32
                %broadcast_in_dim3A_408 = arith.constant 0xFF800000 : f32
                %broadcast_in_dim3A_409 = vector.broadcast %broadcast_in_dim3A_408 : f32 to vector<16xf32>
                %eq3A_410 = arith.cmpf oeq, %while3A_392, %broadcast_in_dim3A_409 : vector<16xf32>
                %jit3A_411 = arith.constant 0.000000e+00 : f32
                %broadcast_in_dim3A_412 = vector.broadcast %jit3A_411 : f32 to vector<16xf32>
                %select_n3A_413 = arith.select %eq3A_410, %broadcast_in_dim3A_412, %while3A_392 : vector<16xi1>, vector<16xf32>
                %mul3A_414 = arith.mulf %select_n3A_413, %div3A_11 : vector<16xf32>
                %reduce_sum3A_415 = arith.constant true
                %reduce_sum3A_416 = vector.broadcast %reduce_sum3A_415 : i1 to vector<16xi1>
                %reduce_sum3A_417 = tpu.scan <sum>, %mul3A_414 masked %reduce_sum3A_416 : vector<16xf32>, vector<16xi1> -> vector<16xf32>
                %reduce_sum3A_418 = vector.extract %reduce_sum3A_417[15] : f32 from vector<16xf32>
                %sub3A_419 = arith.subi %while3A_391, %mul3A_13 : i32
                %broadcast_in_dim3A_420 = vector.broadcast %sub3A_419 : i32 to vector<16xi32>
                %broadcast_in_dim3A_421 = vector.broadcast %reduce_sum3A_418 : f32 to vector<16xf32>
                %and3A_422 = vector.broadcast %ne3A_407 : i1 to vector<16xi1>
                %and3A_423 = arith.andi %eq3A_2, %and3A_422 : vector<16xi1>
                tpu.vector_store_idx %arg8[%broadcast_in_dim3A_420], %broadcast_in_dim3A_421 masked %and3A_423 : memref<3136xf32, #tpu.memory_space<vmem>>[vector<16xi32>], vector<16xf32>, vector<16xi1>
                %broadcast_in_dim3A_424 = arith.constant 0xFF800000 : f32
                %broadcast_in_dim3A_425 = vector.broadcast %broadcast_in_dim3A_424 : f32 to vector<16xf32>
                %select_n3A_426 = arith.select %ne3A_407, %broadcast_in_dim3A_425, %while3A_392 : vector<16xf32>
                %select_n3A_427 = arith.select %ne3A_407, %squeeze3A_396, %while3A_391 : i32
                %masked_sort3A_428 = arith.constant dense<true> : vector<16xi1>
                %masked_sort3A_429, %masked_sort3A_430, %masked_sort3A_431 = tpu.sort %select_n3A_406, %select_n3A_406 masked %masked_sort3A_428 {descending = true} : (vector<16xf32>, vector<16xf32>, vector<16xi1>) -> (vector<16xi1>, vector<16xf32>, vector<16xf32>)
                %rev3A_432 = arith.constant 15 : i32
                %rev3A_433 = vector.broadcast %rev3A_432 : i32 to vector<16xi32>
                %rev3A_434 = tpu.iota {dimensions = array<i32: 0>} : vector<16xi32>
                %rev3A_435 = arith.subi %rev3A_433, %rev3A_434 : vector<16xi32>
                %rev3A_436 = tpu.dynamic_gather %masked_sort3A_430[%rev3A_435] in [0] : vector<16xf32>, vector<16xi32> -> vector<16xf32>
                %max3A_437 = arith.maximumf %select_n3A_426, %rev3A_436 : vector<16xf32>
                %masked_sort3A_438 = arith.constant dense<true> : vector<16xi1>
                %masked_sort3A_439, %masked_sort3A_440, %masked_sort3A_441 = tpu.sort %max3A_437, %max3A_437 masked %masked_sort3A_438 {descending = true} : (vector<16xf32>, vector<16xf32>, vector<16xi1>) -> (vector<16xi1>, vector<16xf32>, vector<16xf32>)
                %add3A_442 = arith.addi %while3A_390, %reduce_sum3A_403 : i32
                scf.yield %add3A_442, %select_n3A_427, %masked_sort3A_440 : i32, i32, vector<16xf32>
              }
              scf.yield %while3A_389#1, %while3A_389#2 : i32, vector<16xf32>
            }
            %mul3A_337 = arith.constant 2 : i32
            %mul3A_338 = arith.muli %mul3A_337, %add3A_262 : i32
            %add3A_339 = arith.constant 1 : i32
            %add3A_340 = arith.addi %mul3A_338, %add3A_339 : i32
            %mul3A_341 = arith.constant 16 : i32
            %mul3A_342 = arith.muli %add3A_340, %mul3A_341 : i32
            %add3A_343 = arith.addi %min3A_201, %mul3A_342 : i32
            %ge3A_344 = arith.cmpi sge, %add3A_343, %max3A : i32
            %add3A_345 = arith.constant 16 : i32
            %add3A_346 = arith.addi %add3A_343, %add3A_345 : i32
            %le3A_347 = arith.cmpi sle, %add3A_346, %scan3A_32#2 : i32
            %and3A_348 = arith.andi %ge3A_344, %le3A_347 : i1
            %slice3A_349 = vector.extract_strided_slice %get3A_276 {offsets = [0], sizes = [1], strides = [1]} : vector<16xi32> to vector<1xi32>
            %squeeze3A_350 = vector.extract %slice3A_349[0] : i32 from vector<1xi32>
            %eq3A_351 = arith.cmpi eq, %squeeze3A_350, %cond3A_336#0 : i32
            %slice3A_352 = vector.extract_strided_slice %get3A_276 {offsets = [15], sizes = [1], strides = [1]} : vector<16xi32> to vector<1xi32>
            %squeeze3A_353 = vector.extract %slice3A_352[0] : i32 from vector<1xi32>
            %eq3A_354 = arith.cmpi eq, %squeeze3A_353, %cond3A_336#0 : i32
            %and3A_355 = arith.andi %eq3A_351, %eq3A_354 : i1
            %and3A_356 = arith.andi %and3A_348, %and3A_355 : i1
            %convert_element_type3A_357 = arith.extui %and3A_356 : i1 to i32
            %cond3A_358 = arith.constant 0 : i32
            %cond3A_359 = arith.cmpi ne, %convert_element_type3A_357, %cond3A_358 : i32
            %cond3A_360:2 = scf.if %cond3A_359 -> (i32, vector<16xf32>) {
              %max3A_361 = arith.maximumf %cond3A_336#1, %masked_sort3A_287 : vector<16xf32>
              %masked_sort3A_362 = arith.constant dense<true> : vector<16xi1>
              %masked_sort3A_363, %masked_sort3A_364, %masked_sort3A_365 = tpu.sort %max3A_361, %max3A_361 masked %masked_sort3A_362 {descending = true} : (vector<16xf32>, vector<16xf32>, vector<16xi1>) -> (vector<16xi1>, vector<16xf32>, vector<16xf32>)
              scf.yield %cond3A_336#0, %masked_sort3A_364 : i32, vector<16xf32>
            } else {
              %add3A_361 = vector.broadcast %add3A_343 : i32 to vector<16xi32>
              %add3A_362 = arith.addi %add3A_361, %iota3A : vector<16xi32>
              %ge3A_363 = vector.broadcast %max3A : i32 to vector<16xi32>
              %ge3A_364 = arith.cmpi sge, %add3A_362, %ge3A_363 : vector<16xi32>
              %lt3A_365 = vector.broadcast %scan3A_32#2 : i32 to vector<16xi32>
              %lt3A_366 = arith.cmpi slt, %add3A_362, %lt3A_365 : vector<16xi32>
              %and3A_367 = arith.andi %ge3A_364, %lt3A_366 : vector<16xi1>
              %jit3A_368 = arith.constant 0xFF800000 : f32
              %broadcast_in_dim3A_369 = vector.broadcast %jit3A_368 : f32 to vector<16xf32>
              %select_n3A_370 = arith.select %and3A_367, %get3A_280, %broadcast_in_dim3A_369 : vector<16xi1>, vector<16xf32>
              %broadcast_in_dim3A_371 = vector.broadcast %cond3A_336#0 : i32 to vector<16xi32>
              %select_n3A_372 = arith.select %and3A_367, %get3A_276, %broadcast_in_dim3A_371 : vector<16xi1>, vector<16xi32>
              %convert_element_type3A_373 = arith.sitofp %select_n3A_372 : vector<16xi32> to vector<16xf32>
              %masked_sort3A_374 = arith.constant dense<true> : vector<16xi1>
              %masked_sort3A_375, %masked_sort3A_376, %masked_sort3A_377 = tpu.sort %convert_element_type3A_373, %convert_element_type3A_373 masked %masked_sort3A_374 {descending = true} : (vector<16xf32>, vector<16xf32>, vector<16xi1>) -> (vector<16xi1>, vector<16xf32>, vector<16xf32>)
              %slice3A_378 = vector.extract_strided_slice %masked_sort3A_376 {offsets = [0], sizes = [1], strides = [1]} : vector<16xf32> to vector<1xf32>
              %squeeze3A_379 = vector.extract %slice3A_378[0] : f32 from vector<1xf32>
              %convert_element_type3A_380 = arith.fptosi %squeeze3A_379 : f32 to i32
              %lt3A_381 = vector.broadcast %max3A : i32 to vector<16xi32>
              %lt3A_382 = arith.cmpi slt, %add3A_362, %lt3A_381 : vector<16xi32>
              %broadcast_in_dim3A_383 = vector.broadcast %cond3A_336#0 : i32 to vector<16xi32>
              %broadcast_in_dim3A_384 = vector.broadcast %convert_element_type3A_380 : i32 to vector<16xi32>
              %select_n3A_385 = arith.select %lt3A_382, %broadcast_in_dim3A_383, %broadcast_in_dim3A_384 : vector<16xi1>, vector<16xi32>
              %select_n3A_386 = arith.select %and3A_367, %get3A_276, %select_n3A_385 : vector<16xi1>, vector<16xi32>
              %swap3A = arith.constant 0 : index
              %swap3A_387 = tpu.vector_load %arg10[%swap3A] {strides = array<i32>} : memref<32xi32, #tpu.memory_space<vmem>>, vector<16xi32>,
              tpu.vector_store %arg10[%swap3A], %select_n3A_386 {strides = array<i32>} : memref<32xi32, #tpu.memory_space<vmem>>, vector<16xi32>,
              %while3A_388 = arith.constant 0 : i32
              %while3A_389:3 = scf.while (%while3A_390 = %while3A_388, %while3A_391 = %cond3A_336#0, %while3A_392 = %cond3A_336#1) : (i32, i32, vector<16xf32>) -> (i32, i32, vector<16xf32>) {
                %lt3A_393 = arith.constant 16 : i32
                %lt3A_394 = arith.cmpi slt, %while3A_390, %lt3A_393 : i32
                scf.condition(%lt3A_394) %while3A_390, %while3A_391, %while3A_392 : i32, i32, vector<16xf32>
              } do {
              ^bb0(%while3A_390: i32, %while3A_391: i32, %while3A_392: vector<16xf32>):
                %get3A_393 = arith.index_cast %while3A_390 : i32 to index
                %get3A_394 = tpu.vector_load %arg10[%get3A_393] {strides = array<i32>} : memref<32xi32, #tpu.memory_space<vmem>>, vector<16xi32>,
                %slice3A_395 = vector.extract_strided_slice %get3A_394 {offsets = [0], sizes = [1], strides = [1]} : vector<16xi32> to vector<1xi32>
                %squeeze3A_396 = vector.extract %slice3A_395[0] : i32 from vector<1xi32>
                %eq3A_397 = vector.broadcast %squeeze3A_396 : i32 to vector<16xi32>
                %eq3A_398 = arith.cmpi eq, %select_n3A_386, %eq3A_397 : vector<16xi32>
                %convert_element_type3A_399 = arith.extui %eq3A_398 : vector<16xi1> to vector<16xi32>
                %reduce_sum3A_400 = arith.constant true
                %reduce_sum3A_401 = vector.broadcast %reduce_sum3A_400 : i1 to vector<16xi1>
                %reduce_sum3A_402 = tpu.scan <sum>, %convert_element_type3A_399 masked %reduce_sum3A_401 : vector<16xi32>, vector<16xi1> -> vector<16xi32>
                %reduce_sum3A_403 = vector.extract %reduce_sum3A_402[15] : i32 from vector<16xi32>
                %jit3A_404 = arith.constant 0xFF800000 : f32
                %broadcast_in_dim3A_405 = vector.broadcast %jit3A_404 : f32 to vector<16xf32>
                %select_n3A_406 = arith.select %eq3A_398, %select_n3A_370, %broadcast_in_dim3A_405 : vector<16xi1>, vector<16xf32>
                %ne3A_407 = arith.cmpi ne, %squeeze3A_396, %while3A_391 : i32
                %broadcast_in_dim3A_408 = arith.constant 0xFF800000 : f32
                %broadcast_in_dim3A_409 = vector.broadcast %broadcast_in_dim3A_408 : f32 to vector<16xf32>
                %eq3A_410 = arith.cmpf oeq, %while3A_392, %broadcast_in_dim3A_409 : vector<16xf32>
                %jit3A_411 = arith.constant 0.000000e+00 : f32
                %broadcast_in_dim3A_412 = vector.broadcast %jit3A_411 : f32 to vector<16xf32>
                %select_n3A_413 = arith.select %eq3A_410, %broadcast_in_dim3A_412, %while3A_392 : vector<16xi1>, vector<16xf32>
                %mul3A_414 = arith.mulf %select_n3A_413, %div3A_11 : vector<16xf32>
                %reduce_sum3A_415 = arith.constant true
                %reduce_sum3A_416 = vector.broadcast %reduce_sum3A_415 : i1 to vector<16xi1>
                %reduce_sum3A_417 = tpu.scan <sum>, %mul3A_414 masked %reduce_sum3A_416 : vector<16xf32>, vector<16xi1> -> vector<16xf32>
                %reduce_sum3A_418 = vector.extract %reduce_sum3A_417[15] : f32 from vector<16xf32>
                %sub3A_419 = arith.subi %while3A_391, %mul3A_13 : i32
                %broadcast_in_dim3A_420 = vector.broadcast %sub3A_419 : i32 to vector<16xi32>
                %broadcast_in_dim3A_421 = vector.broadcast %reduce_sum3A_418 : f32 to vector<16xf32>
                %and3A_422 = vector.broadcast %ne3A_407 : i1 to vector<16xi1>
                %and3A_423 = arith.andi %eq3A_2, %and3A_422 : vector<16xi1>
                tpu.vector_store_idx %arg8[%broadcast_in_dim3A_420], %broadcast_in_dim3A_421 masked %and3A_423 : memref<3136xf32, #tpu.memory_space<vmem>>[vector<16xi32>], vector<16xf32>, vector<16xi1>
                %broadcast_in_dim3A_424 = arith.constant 0xFF800000 : f32
                %broadcast_in_dim3A_425 = vector.broadcast %broadcast_in_dim3A_424 : f32 to vector<16xf32>
                %select_n3A_426 = arith.select %ne3A_407, %broadcast_in_dim3A_425, %while3A_392 : vector<16xf32>
                %select_n3A_427 = arith.select %ne3A_407, %squeeze3A_396, %while3A_391 : i32
                %masked_sort3A_428 = arith.constant dense<true> : vector<16xi1>
                %masked_sort3A_429, %masked_sort3A_430, %masked_sort3A_431 = tpu.sort %select_n3A_406, %select_n3A_406 masked %masked_sort3A_428 {descending = true} : (vector<16xf32>, vector<16xf32>, vector<16xi1>) -> (vector<16xi1>, vector<16xf32>, vector<16xf32>)
                %rev3A_432 = arith.constant 15 : i32
                %rev3A_433 = vector.broadcast %rev3A_432 : i32 to vector<16xi32>
                %rev3A_434 = tpu.iota {dimensions = array<i32: 0>} : vector<16xi32>
                %rev3A_435 = arith.subi %rev3A_433, %rev3A_434 : vector<16xi32>
                %rev3A_436 = tpu.dynamic_gather %masked_sort3A_430[%rev3A_435] in [0] : vector<16xf32>, vector<16xi32> -> vector<16xf32>
                %max3A_437 = arith.maximumf %select_n3A_426, %rev3A_436 : vector<16xf32>
                %masked_sort3A_438 = arith.constant dense<true> : vector<16xi1>
                %masked_sort3A_439, %masked_sort3A_440, %masked_sort3A_441 = tpu.sort %max3A_437, %max3A_437 masked %masked_sort3A_438 {descending = true} : (vector<16xf32>, vector<16xf32>, vector<16xi1>) -> (vector<16xi1>, vector<16xf32>, vector<16xf32>)
                %add3A_442 = arith.addi %while3A_390, %reduce_sum3A_403 : i32
                scf.yield %add3A_442, %select_n3A_427, %masked_sort3A_440 : i32, i32, vector<16xf32>
              }
              scf.yield %while3A_389#1, %while3A_389#2 : i32, vector<16xf32>
            }
            scf.yield %cond3A_360#0, %cond3A_360#1 : i32, vector<16xf32>
          }
          scf.yield %cond3A_310#0, %cond3A_310#1 : i32, vector<16xf32>
        }
        %scan3A_207 = arith.constant 256 : i32
        scf.yield %scan3A_206#0, %scan3A_206#1 : i32, vector<16xf32>
      } else {
        scf.yield %cond3A_162#0, %cond3A_162#1 : i32, vector<16xf32>
      }
      scf.yield %cond3A_171#0, %cond3A_171#1 : i32, vector<16xf32>
    }
    %while3A_126 = arith.constant 1 : i32
    %while3A_127:2 = scf.for %while3A_152 = %while3A_123 to %while3A_119 step %while3A_126 iter_args(%while3A_153 = %while3A_125#0, %while3A_154 = %while3A_125#1) -> (i32, vector<16xf32>)  : i32 {
      %mul3A_155 = arith.constant 2 : i32
      %mul3A_156 = arith.muli %mul3A_155, %while3A_152 : i32
      %add3A_157 = arith.constant 0 : i32
      %add3A_158 = arith.addi %mul3A_156, %add3A_157 : i32
      %lt3A = arith.cmpi slt, %add3A_158, %select_n3A_88 : i32
      %convert_element_type3A_159 = arith.extui %lt3A : i1 to i32
      %cond3A_160 = arith.constant 0 : i32
      %cond3A_161 = arith.cmpi ne, %convert_element_type3A_159, %cond3A_160 : i32
      %cond3A_162:2 = scf.if %cond3A_161 -> (i32, vector<16xf32>) {
        %add3A_172 = arith.constant 1 : i32
        %add3A_173 = arith.addi %add3A_158, %add3A_172 : i32
        %lt3A_174 = arith.cmpi slt, %add3A_173, %select_n3A_88 : i32
        %convert_element_type3A_175 = arith.extui %lt3A_174 : i1 to i32
        %cond3A_176 = arith.constant 0 : i32
        %cond3A_177 = arith.cmpi ne, %convert_element_type3A_175, %cond3A_176 : i32
        scf.if %cond3A_177 {
          %add3A_208 = arith.constant 1 : i32
          %add3A_209 = arith.addi %add3A_158, %add3A_208 : i32
          %mul3A_210 = arith.constant 16384 : i32
          %mul3A_211 = arith.muli %add3A_209, %mul3A_210 : i32
          %add3A_212 = arith.addi %mul3A_59, %mul3A_211 : i32
          %min3A_213 = arith.constant 6383616 : i32
          %min3A_214 = arith.minsi %add3A_212, %min3A_213 : i32
          %dma_start3A = arith.constant 16384 : i32
          %dma_start3A_215 = tpu.memref_slice %arg6[%dma_start3A] : memref<32768xi32, #tpu.memory_space<vmem>> -> memref<16384xi32, #tpu.memory_space<vmem>>
          %dma_start3A_216 = tpu.memref_slice %arg2[%min3A_214] : memref<6400000xi32, #tpu.memory_space<hbm>> -> memref<16384xi32, #tpu.memory_space<hbm>>
          %dma_start3A_217 = arith.constant 16384 : i32
          %dma_start3A_218 = tpu.memref_slice %arg6[%dma_start3A_217] : memref<32768xi32, #tpu.memory_space<vmem>> -> memref<16384xi32, #tpu.memory_space<vmem>>
          %dma_start3A_219 = tpu.memref_slice %arg2[%min3A_214] : memref<6400000xi32, #tpu.memory_space<hbm>> -> memref<16384xi32, #tpu.memory_space<hbm>>
          tpu.enqueue_dma source(%dma_start3A_219 : memref<16384xi32, #tpu.memory_space<hbm>>) target(%dma_start3A_218 : memref<16384xi32, #tpu.memory_space<vmem>>) target_semaphore(%arg14 : memref<!tpu.dma_semaphore, #tpu.memory_space<semaphore_mem>>)
          %dma_start3A_220 = arith.constant 16384 : i32
          %dma_start3A_221 = tpu.memref_slice %arg7[%dma_start3A_220] : memref<32768xf32, #tpu.memory_space<vmem>> -> memref<16384xf32, #tpu.memory_space<vmem>>
          %dma_start3A_222 = tpu.memref_slice %arg3[%min3A_214] : memref<6400000xf32, #tpu.memory_space<hbm>> -> memref<16384xf32, #tpu.memory_space<hbm>>
          %dma_start3A_223 = arith.constant 16384 : i32
          %dma_start3A_224 = tpu.memref_slice %arg7[%dma_start3A_223] : memref<32768xf32, #tpu.memory_space<vmem>> -> memref<16384xf32, #tpu.memory_space<vmem>>
          %dma_start3A_225 = tpu.memref_slice %arg3[%min3A_214] : memref<6400000xf32, #tpu.memory_space<hbm>> -> memref<16384xf32, #tpu.memory_space<hbm>>
          tpu.enqueue_dma source(%dma_start3A_225 : memref<16384xf32, #tpu.memory_space<hbm>>) target(%dma_start3A_224 : memref<16384xf32, #tpu.memory_space<vmem>>) target_semaphore(%arg14 : memref<!tpu.dma_semaphore, #tpu.memory_space<semaphore_mem>>)
        } else {
        }
        %mul3A_178 = arith.constant 16384 : i32
        %mul3A_179 = arith.muli %add3A_158, %mul3A_178 : i32
        %add3A_180 = arith.addi %mul3A_59, %mul3A_179 : i32
        %min3A_181 = arith.constant 6383616 : i32
        %min3A_182 = arith.minsi %add3A_180, %min3A_181 : i32
        %dma_wait3A = arith.constant 0 : i32
        %dma_wait3A_183 = tpu.memref_slice %arg6[%dma_wait3A] : memref<32768xi32, #tpu.memory_space<vmem>> -> memref<16384xi32, #tpu.memory_space<vmem>>
        %dma_wait3A_184 = tpu.memref_slice %arg2[%min3A_182] : memref<6400000xi32, #tpu.memory_space<hbm>> -> memref<16384xi32, #tpu.memory_space<hbm>>
        %dma_wait3A_185 = arith.constant 0 : i32
        %dma_wait3A_186 = tpu.memref_slice %arg6[%dma_wait3A_185] : memref<32768xi32, #tpu.memory_space<vmem>> -> memref<16384xi32, #tpu.memory_space<vmem>>
        %dma_wait3A_187 = tpu.memref_slice %arg2[%min3A_182] : memref<6400000xi32, #tpu.memory_space<hbm>> -> memref<16384xi32, #tpu.memory_space<hbm>>
        tpu.wait_dma2 semaphore(%arg13 : memref<!tpu.dma_semaphore, #tpu.memory_space<semaphore_mem>>) src(%dma_wait3A_187 : memref<16384xi32, #tpu.memory_space<hbm>>) dst(%dma_wait3A_186 : memref<16384xi32, #tpu.memory_space<vmem>>)
        %dma_wait3A_188 = arith.constant 0 : i32
        %dma_wait3A_189 = tpu.memref_slice %arg7[%dma_wait3A_188] : memref<32768xf32, #tpu.memory_space<vmem>> -> memref<16384xf32, #tpu.memory_space<vmem>>
        %dma_wait3A_190 = tpu.memref_slice %arg3[%min3A_182] : memref<6400000xf32, #tpu.memory_space<hbm>> -> memref<16384xf32, #tpu.memory_space<hbm>>
        %dma_wait3A_191 = arith.constant 0 : i32
        %dma_wait3A_192 = tpu.memref_slice %arg7[%dma_wait3A_191] : memref<32768xf32, #tpu.memory_space<vmem>> -> memref<16384xf32, #tpu.memory_space<vmem>>
        %dma_wait3A_193 = tpu.memref_slice %arg3[%min3A_182] : memref<6400000xf32, #tpu.memory_space<hbm>> -> memref<16384xf32, #tpu.memory_space<hbm>>
        tpu.wait_dma2 semaphore(%arg13 : memref<!tpu.dma_semaphore, #tpu.memory_space<semaphore_mem>>) src(%dma_wait3A_193 : memref<16384xf32, #tpu.memory_space<hbm>>) dst(%dma_wait3A_192 : memref<16384xf32, #tpu.memory_space<vmem>>)
        %mul3A_194 = arith.constant 16384 : i32
        %mul3A_195 = arith.muli %add3A_158, %mul3A_194 : i32
        %add3A_196 = arith.addi %mul3A_59, %mul3A_195 : i32
        %mul3A_197 = arith.constant 16384 : i32
        %mul3A_198 = arith.muli %add3A_158, %mul3A_197 : i32
        %add3A_199 = arith.addi %mul3A_59, %mul3A_198 : i32
        %min3A_200 = arith.constant 6383616 : i32
        %min3A_201 = arith.minsi %add3A_199, %min3A_200 : i32
        %max3A = arith.maxsi %scan3A_32#0, %add3A_196 : i32
        %scan3A_202 = arith.constant 0 : i32
        %scan3A_203 = arith.constant 256 : i32
        %scan3A_204 = arith.addi %scan3A_202, %scan3A_203 : i32
        %scan3A_205 = arith.constant 1 : i32
        %scan3A_206:2 = scf.for %scan3A_208 = %scan3A_202 to %scan3A_204 step %scan3A_205 iter_args(%scan3A_209 = %while3A_153, %scan3A_210 = %while3A_154) -> (i32, vector<16xf32>)  : i32 {
          %mul3A_211 = arith.constant 2 : i32
          %mul3A_212 = arith.muli %mul3A_211, %scan3A_208 : i32
          %mul3A_213 = arith.constant 2 : i32
          %mul3A_214 = arith.muli %mul3A_213, %mul3A_212 : i32
          %mul3A_215 = arith.constant 16 : i32
          %mul3A_216 = arith.muli %mul3A_214, %mul3A_215 : i32
          %add3A_217 = arith.constant 0 : i32
          %add3A_218 = arith.addi %add3A_217, %mul3A_216 : i32
          %get3A_219 = arith.index_cast %add3A_218 : i32 to index
          %get3A_220 = tpu.vector_load %arg6[%get3A_219] {strides = array<i32>} : memref<32768xi32, #tpu.memory_space<vmem>>, vector<16xi32>,
          %get3A_221 = arith.index_cast %add3A_218 : i32 to index
          %get3A_222 = tpu.vector_load %arg7[%get3A_221] {strides = array<i32>} : memref<32768xf32, #tpu.memory_space<vmem>>, vector<16xf32>,
          %add3A_223 = arith.constant 16 : i32
          %add3A_224 = arith.addi %add3A_218, %add3A_223 : i32
          %get3A_225 = arith.index_cast %add3A_224 : i32 to index
          %get3A_226 = tpu.vector_load %arg6[%get3A_225] {strides = array<i32>} : memref<32768xi32, #tpu.memory_space<vmem>>, vector<16xi32>,
          %add3A_227 = arith.constant 16 : i32
          %add3A_228 = arith.addi %add3A_218, %add3A_227 : i32
          %get3A_229 = arith.index_cast %add3A_228 : i32 to index
          %get3A_230 = tpu.vector_load %arg7[%get3A_229] {strides = array<i32>} : memref<32768xf32, #tpu.memory_space<vmem>>, vector<16xf32>,
          %masked_sort3A_231 = arith.constant dense<true> : vector<16xi1>
          %masked_sort3A_232, %masked_sort3A_233, %masked_sort3A_234 = tpu.sort %get3A_222, %get3A_222 masked %masked_sort3A_231 {descending = true} : (vector<16xf32>, vector<16xf32>, vector<16xi1>) -> (vector<16xi1>, vector<16xf32>, vector<16xf32>)
          %masked_sort3A_235 = arith.constant dense<true> : vector<16xi1>
          %masked_sort3A_236, %masked_sort3A_237, %masked_sort3A_238 = tpu.sort %get3A_230, %get3A_230 masked %masked_sort3A_235 : (vector<16xf32>, vector<16xf32>, vector<16xi1>) -> (vector<16xi1>, vector<16xf32>, vector<16xf32>)
          %mul3A_239 = arith.constant 2 : i32
          %mul3A_240 = arith.muli %mul3A_239, %mul3A_212 : i32
          %mul3A_241 = arith.constant 16 : i32
          %mul3A_242 = arith.muli %mul3A_240, %mul3A_241 : i32
          %add3A_243 = arith.addi %min3A_201, %mul3A_242 : i32
          %ge3A = arith.cmpi sge, %add3A_243, %max3A : i32
          %add3A_244 = arith.constant 32 : i32
          %add3A_245 = arith.addi %add3A_243, %add3A_244 : i32
          %le3A = arith.cmpi sle, %add3A_245, %scan3A_32#2 : i32
          %and3A_246 = arith.andi %ge3A, %le3A : i1
          %slice3A_247 = vector.extract_strided_slice %get3A_220 {offsets = [0], sizes = [1], strides = [1]} : vector<16xi32> to vector<1xi32>
          %squeeze3A_248 = vector.extract %slice3A_247[0] : i32 from vector<1xi32>
          %eq3A_249 = arith.cmpi eq, %squeeze3A_248, %scan3A_209 : i32
          %and3A_250 = arith.andi %and3A_246, %eq3A_249 : i1
          %slice3A_251 = vector.extract_strided_slice %get3A_226 {offsets = [15], sizes = [1], strides = [1]} : vector<16xi32> to vector<1xi32>
          %squeeze3A_252 = vector.extract %slice3A_251[0] : i32 from vector<1xi32>
          %eq3A_253 = arith.cmpi eq, %squeeze3A_252, %scan3A_209 : i32
          %and3A_254 = arith.andi %and3A_250, %eq3A_253 : i1
          %convert_element_type3A_255 = arith.extui %and3A_254 : i1 to i32
          %cond3A_256 = arith.constant 0 : i32
          %cond3A_257 = arith.cmpi ne, %convert_element_type3A_255, %cond3A_256 : i32
          %cond3A_258:2 = scf.if %cond3A_257 -> (i32, vector<16xf32>) {
            %max3A_311 = arith.maximumf %masked_sort3A_233, %masked_sort3A_237 : vector<16xf32>
            %masked_sort3A_312 = arith.constant dense<true> : vector<16xi1>
            %masked_sort3A_313, %masked_sort3A_314, %masked_sort3A_315 = tpu.sort %max3A_311, %max3A_311 masked %masked_sort3A_312 : (vector<16xf32>, vector<16xf32>, vector<16xi1>) -> (vector<16xi1>, vector<16xf32>, vector<16xf32>)
            %max3A_316 = arith.maximumf %scan3A_210, %masked_sort3A_314 : vector<16xf32>
            %masked_sort3A_317 = arith.constant dense<true> : vector<16xi1>
            %masked_sort3A_318, %masked_sort3A_319, %masked_sort3A_320 = tpu.sort %max3A_316, %max3A_316 masked %masked_sort3A_317 {descending = true} : (vector<16xf32>, vector<16xf32>, vector<16xi1>) -> (vector<16xi1>, vector<16xf32>, vector<16xf32>)
            scf.yield %scan3A_209, %masked_sort3A_319 : i32, vector<16xf32>
          } else {
            %mul3A_311 = arith.constant 2 : i32
            %mul3A_312 = arith.muli %mul3A_311, %mul3A_212 : i32
            %rev3A = arith.constant 15 : i32
            %rev3A_313 = vector.broadcast %rev3A : i32 to vector<16xi32>
            %rev3A_314 = tpu.iota {dimensions = array<i32: 0>} : vector<16xi32>
            %rev3A_315 = arith.subi %rev3A_313, %rev3A_314 : vector<16xi32>
            %rev3A_316 = tpu.dynamic_gather %masked_sort3A_233[%rev3A_315] in [0] : vector<16xf32>, vector<16xi32> -> vector<16xf32>
            %mul3A_317 = arith.constant 16 : i32
            %mul3A_318 = arith.muli %mul3A_312, %mul3A_317 : i32
            %add3A_319 = arith.addi %min3A_201, %mul3A_318 : i32
            %ge3A_320 = arith.cmpi sge, %add3A_319, %max3A : i32
            %add3A_321 = arith.constant 16 : i32
            %add3A_322 = arith.addi %add3A_319, %add3A_321 : i32
            %le3A_323 = arith.cmpi sle, %add3A_322, %scan3A_32#2 : i32
            %and3A_324 = arith.andi %ge3A_320, %le3A_323 : i1
            %slice3A_325 = vector.extract_strided_slice %get3A_220 {offsets = [0], sizes = [1], strides = [1]} : vector<16xi32> to vector<1xi32>
            %squeeze3A_326 = vector.extract %slice3A_325[0] : i32 from vector<1xi32>
            %eq3A_327 = arith.cmpi eq, %squeeze3A_326, %scan3A_209 : i32
            %slice3A_328 = vector.extract_strided_slice %get3A_220 {offsets = [15], sizes = [1], strides = [1]} : vector<16xi32> to vector<1xi32>
            %squeeze3A_329 = vector.extract %slice3A_328[0] : i32 from vector<1xi32>
            %eq3A_330 = arith.cmpi eq, %squeeze3A_329, %scan3A_209 : i32
            %and3A_331 = arith.andi %eq3A_327, %eq3A_330 : i1
            %and3A_332 = arith.andi %and3A_324, %and3A_331 : i1
            %convert_element_type3A_333 = arith.extui %and3A_332 : i1 to i32
            %cond3A_334 = arith.constant 0 : i32
            %cond3A_335 = arith.cmpi ne, %convert_element_type3A_333, %cond3A_334 : i32
            %cond3A_336:2 = scf.if %cond3A_335 -> (i32, vector<16xf32>) {
              %max3A_361 = arith.maximumf %scan3A_210, %rev3A_316 : vector<16xf32>
              %masked_sort3A_362 = arith.constant dense<true> : vector<16xi1>
              %masked_sort3A_363, %masked_sort3A_364, %masked_sort3A_365 = tpu.sort %max3A_361, %max3A_361 masked %masked_sort3A_362 {descending = true} : (vector<16xf32>, vector<16xf32>, vector<16xi1>) -> (vector<16xi1>, vector<16xf32>, vector<16xf32>)
              scf.yield %scan3A_209, %masked_sort3A_364 : i32, vector<16xf32>
            } else {
              %add3A_361 = vector.broadcast %add3A_319 : i32 to vector<16xi32>
              %add3A_362 = arith.addi %add3A_361, %iota3A : vector<16xi32>
              %ge3A_363 = vector.broadcast %max3A : i32 to vector<16xi32>
              %ge3A_364 = arith.cmpi sge, %add3A_362, %ge3A_363 : vector<16xi32>
              %lt3A_365 = vector.broadcast %scan3A_32#2 : i32 to vector<16xi32>
              %lt3A_366 = arith.cmpi slt, %add3A_362, %lt3A_365 : vector<16xi32>
              %and3A_367 = arith.andi %ge3A_364, %lt3A_366 : vector<16xi1>
              %jit3A_368 = arith.constant 0xFF800000 : f32
              %broadcast_in_dim3A_369 = vector.broadcast %jit3A_368 : f32 to vector<16xf32>
              %select_n3A_370 = arith.select %and3A_367, %get3A_222, %broadcast_in_dim3A_369 : vector<16xi1>, vector<16xf32>
              %broadcast_in_dim3A_371 = vector.broadcast %scan3A_209 : i32 to vector<16xi32>
              %select_n3A_372 = arith.select %and3A_367, %get3A_220, %broadcast_in_dim3A_371 : vector<16xi1>, vector<16xi32>
              %convert_element_type3A_373 = arith.sitofp %select_n3A_372 : vector<16xi32> to vector<16xf32>
              %masked_sort3A_374 = arith.constant dense<true> : vector<16xi1>
              %masked_sort3A_375, %masked_sort3A_376, %masked_sort3A_377 = tpu.sort %convert_element_type3A_373, %convert_element_type3A_373 masked %masked_sort3A_374 {descending = true} : (vector<16xf32>, vector<16xf32>, vector<16xi1>) -> (vector<16xi1>, vector<16xf32>, vector<16xf32>)
              %slice3A_378 = vector.extract_strided_slice %masked_sort3A_376 {offsets = [0], sizes = [1], strides = [1]} : vector<16xf32> to vector<1xf32>
              %squeeze3A_379 = vector.extract %slice3A_378[0] : f32 from vector<1xf32>
              %convert_element_type3A_380 = arith.fptosi %squeeze3A_379 : f32 to i32
              %lt3A_381 = vector.broadcast %max3A : i32 to vector<16xi32>
              %lt3A_382 = arith.cmpi slt, %add3A_362, %lt3A_381 : vector<16xi32>
              %broadcast_in_dim3A_383 = vector.broadcast %scan3A_209 : i32 to vector<16xi32>
              %broadcast_in_dim3A_384 = vector.broadcast %convert_element_type3A_380 : i32 to vector<16xi32>
              %select_n3A_385 = arith.select %lt3A_382, %broadcast_in_dim3A_383, %broadcast_in_dim3A_384 : vector<16xi1>, vector<16xi32>
              %select_n3A_386 = arith.select %and3A_367, %get3A_220, %select_n3A_385 : vector<16xi1>, vector<16xi32>
              %swap3A = arith.constant 0 : index
              %swap3A_387 = tpu.vector_load %arg10[%swap3A] {strides = array<i32>} : memref<32xi32, #tpu.memory_space<vmem>>, vector<16xi32>,
              tpu.vector_store %arg10[%swap3A], %select_n3A_386 {strides = array<i32>} : memref<32xi32, #tpu.memory_space<vmem>>, vector<16xi32>,
              %while3A_388 = arith.constant 0 : i32
              %while3A_389:3 = scf.while (%while3A_390 = %while3A_388, %while3A_391 = %scan3A_209, %while3A_392 = %scan3A_210) : (i32, i32, vector<16xf32>) -> (i32, i32, vector<16xf32>) {
                %lt3A_393 = arith.constant 16 : i32
                %lt3A_394 = arith.cmpi slt, %while3A_390, %lt3A_393 : i32
                scf.condition(%lt3A_394) %while3A_390, %while3A_391, %while3A_392 : i32, i32, vector<16xf32>
              } do {
              ^bb0(%while3A_390: i32, %while3A_391: i32, %while3A_392: vector<16xf32>):
                %get3A_393 = arith.index_cast %while3A_390 : i32 to index
                %get3A_394 = tpu.vector_load %arg10[%get3A_393] {strides = array<i32>} : memref<32xi32, #tpu.memory_space<vmem>>, vector<16xi32>,
                %slice3A_395 = vector.extract_strided_slice %get3A_394 {offsets = [0], sizes = [1], strides = [1]} : vector<16xi32> to vector<1xi32>
                %squeeze3A_396 = vector.extract %slice3A_395[0] : i32 from vector<1xi32>
                %eq3A_397 = vector.broadcast %squeeze3A_396 : i32 to vector<16xi32>
                %eq3A_398 = arith.cmpi eq, %select_n3A_386, %eq3A_397 : vector<16xi32>
                %convert_element_type3A_399 = arith.extui %eq3A_398 : vector<16xi1> to vector<16xi32>
                %reduce_sum3A_400 = arith.constant true
                %reduce_sum3A_401 = vector.broadcast %reduce_sum3A_400 : i1 to vector<16xi1>
                %reduce_sum3A_402 = tpu.scan <sum>, %convert_element_type3A_399 masked %reduce_sum3A_401 : vector<16xi32>, vector<16xi1> -> vector<16xi32>
                %reduce_sum3A_403 = vector.extract %reduce_sum3A_402[15] : i32 from vector<16xi32>
                %jit3A_404 = arith.constant 0xFF800000 : f32
                %broadcast_in_dim3A_405 = vector.broadcast %jit3A_404 : f32 to vector<16xf32>
                %select_n3A_406 = arith.select %eq3A_398, %select_n3A_370, %broadcast_in_dim3A_405 : vector<16xi1>, vector<16xf32>
                %ne3A_407 = arith.cmpi ne, %squeeze3A_396, %while3A_391 : i32
                %broadcast_in_dim3A_408 = arith.constant 0xFF800000 : f32
                %broadcast_in_dim3A_409 = vector.broadcast %broadcast_in_dim3A_408 : f32 to vector<16xf32>
                %eq3A_410 = arith.cmpf oeq, %while3A_392, %broadcast_in_dim3A_409 : vector<16xf32>
                %jit3A_411 = arith.constant 0.000000e+00 : f32
                %broadcast_in_dim3A_412 = vector.broadcast %jit3A_411 : f32 to vector<16xf32>
                %select_n3A_413 = arith.select %eq3A_410, %broadcast_in_dim3A_412, %while3A_392 : vector<16xi1>, vector<16xf32>
                %mul3A_414 = arith.mulf %select_n3A_413, %div3A_11 : vector<16xf32>
                %reduce_sum3A_415 = arith.constant true
                %reduce_sum3A_416 = vector.broadcast %reduce_sum3A_415 : i1 to vector<16xi1>
                %reduce_sum3A_417 = tpu.scan <sum>, %mul3A_414 masked %reduce_sum3A_416 : vector<16xf32>, vector<16xi1> -> vector<16xf32>
                %reduce_sum3A_418 = vector.extract %reduce_sum3A_417[15] : f32 from vector<16xf32>
                %sub3A_419 = arith.subi %while3A_391, %mul3A_13 : i32
                %broadcast_in_dim3A_420 = vector.broadcast %sub3A_419 : i32 to vector<16xi32>
                %broadcast_in_dim3A_421 = vector.broadcast %reduce_sum3A_418 : f32 to vector<16xf32>
                %and3A_422 = vector.broadcast %ne3A_407 : i1 to vector<16xi1>
                %and3A_423 = arith.andi %eq3A_2, %and3A_422 : vector<16xi1>
                tpu.vector_store_idx %arg8[%broadcast_in_dim3A_420], %broadcast_in_dim3A_421 masked %and3A_423 : memref<3136xf32, #tpu.memory_space<vmem>>[vector<16xi32>], vector<16xf32>, vector<16xi1>
                %broadcast_in_dim3A_424 = arith.constant 0xFF800000 : f32
                %broadcast_in_dim3A_425 = vector.broadcast %broadcast_in_dim3A_424 : f32 to vector<16xf32>
                %select_n3A_426 = arith.select %ne3A_407, %broadcast_in_dim3A_425, %while3A_392 : vector<16xf32>
                %select_n3A_427 = arith.select %ne3A_407, %squeeze3A_396, %while3A_391 : i32
                %masked_sort3A_428 = arith.constant dense<true> : vector<16xi1>
                %masked_sort3A_429, %masked_sort3A_430, %masked_sort3A_431 = tpu.sort %select_n3A_406, %select_n3A_406 masked %masked_sort3A_428 {descending = true} : (vector<16xf32>, vector<16xf32>, vector<16xi1>) -> (vector<16xi1>, vector<16xf32>, vector<16xf32>)
                %rev3A_432 = arith.constant 15 : i32
                %rev3A_433 = vector.broadcast %rev3A_432 : i32 to vector<16xi32>
                %rev3A_434 = tpu.iota {dimensions = array<i32: 0>} : vector<16xi32>
                %rev3A_435 = arith.subi %rev3A_433, %rev3A_434 : vector<16xi32>
                %rev3A_436 = tpu.dynamic_gather %masked_sort3A_430[%rev3A_435] in [0] : vector<16xf32>, vector<16xi32> -> vector<16xf32>
                %max3A_437 = arith.maximumf %select_n3A_426, %rev3A_436 : vector<16xf32>
                %masked_sort3A_438 = arith.constant dense<true> : vector<16xi1>
                %masked_sort3A_439, %masked_sort3A_440, %masked_sort3A_441 = tpu.sort %max3A_437, %max3A_437 masked %masked_sort3A_438 {descending = true} : (vector<16xf32>, vector<16xf32>, vector<16xi1>) -> (vector<16xi1>, vector<16xf32>, vector<16xf32>)
                %add3A_442 = arith.addi %while3A_390, %reduce_sum3A_403 : i32
                scf.yield %add3A_442, %select_n3A_427, %masked_sort3A_440 : i32, i32, vector<16xf32>
              }
              scf.yield %while3A_389#1, %while3A_389#2 : i32, vector<16xf32>
            }
            %mul3A_337 = arith.constant 2 : i32
            %mul3A_338 = arith.muli %mul3A_337, %mul3A_212 : i32
            %add3A_339 = arith.constant 1 : i32
            %add3A_340 = arith.addi %mul3A_338, %add3A_339 : i32
            %mul3A_341 = arith.constant 16 : i32
            %mul3A_342 = arith.muli %add3A_340, %mul3A_341 : i32
            %add3A_343 = arith.addi %min3A_201, %mul3A_342 : i32
            %ge3A_344 = arith.cmpi sge, %add3A_343, %max3A : i32
            %add3A_345 = arith.constant 16 : i32
            %add3A_346 = arith.addi %add3A_343, %add3A_345 : i32
            %le3A_347 = arith.cmpi sle, %add3A_346, %scan3A_32#2 : i32
            %and3A_348 = arith.andi %ge3A_344, %le3A_347 : i1
            %slice3A_349 = vector.extract_strided_slice %get3A_226 {offsets = [0], sizes = [1], strides = [1]} : vector<16xi32> to vector<1xi32>
            %squeeze3A_350 = vector.extract %slice3A_349[0] : i32 from vector<1xi32>
            %eq3A_351 = arith.cmpi eq, %squeeze3A_350, %cond3A_336#0 : i32
            %slice3A_352 = vector.extract_strided_slice %get3A_226 {offsets = [15], sizes = [1], strides = [1]} : vector<16xi32> to vector<1xi32>
            %squeeze3A_353 = vector.extract %slice3A_352[0] : i32 from vector<1xi32>
            %eq3A_354 = arith.cmpi eq, %squeeze3A_353, %cond3A_336#0 : i32
            %and3A_355 = arith.andi %eq3A_351, %eq3A_354 : i1
            %and3A_356 = arith.andi %and3A_348, %and3A_355 : i1
            %convert_element_type3A_357 = arith.extui %and3A_356 : i1 to i32
            %cond3A_358 = arith.constant 0 : i32
            %cond3A_359 = arith.cmpi ne, %convert_element_type3A_357, %cond3A_358 : i32
            %cond3A_360:2 = scf.if %cond3A_359 -> (i32, vector<16xf32>) {
              %max3A_361 = arith.maximumf %cond3A_336#1, %masked_sort3A_237 : vector<16xf32>
              %masked_sort3A_362 = arith.constant dense<true> : vector<16xi1>
              %masked_sort3A_363, %masked_sort3A_364, %masked_sort3A_365 = tpu.sort %max3A_361, %max3A_361 masked %masked_sort3A_362 {descending = true} : (vector<16xf32>, vector<16xf32>, vector<16xi1>) -> (vector<16xi1>, vector<16xf32>, vector<16xf32>)
              scf.yield %cond3A_336#0, %masked_sort3A_364 : i32, vector<16xf32>
            } else {
              %add3A_361 = vector.broadcast %add3A_343 : i32 to vector<16xi32>
              %add3A_362 = arith.addi %add3A_361, %iota3A : vector<16xi32>
              %ge3A_363 = vector.broadcast %max3A : i32 to vector<16xi32>
              %ge3A_364 = arith.cmpi sge, %add3A_362, %ge3A_363 : vector<16xi32>
              %lt3A_365 = vector.broadcast %scan3A_32#2 : i32 to vector<16xi32>
              %lt3A_366 = arith.cmpi slt, %add3A_362, %lt3A_365 : vector<16xi32>
              %and3A_367 = arith.andi %ge3A_364, %lt3A_366 : vector<16xi1>
              %jit3A_368 = arith.constant 0xFF800000 : f32
              %broadcast_in_dim3A_369 = vector.broadcast %jit3A_368 : f32 to vector<16xf32>
              %select_n3A_370 = arith.select %and3A_367, %get3A_230, %broadcast_in_dim3A_369 : vector<16xi1>, vector<16xf32>
              %broadcast_in_dim3A_371 = vector.broadcast %cond3A_336#0 : i32 to vector<16xi32>
              %select_n3A_372 = arith.select %and3A_367, %get3A_226, %broadcast_in_dim3A_371 : vector<16xi1>, vector<16xi32>
              %convert_element_type3A_373 = arith.sitofp %select_n3A_372 : vector<16xi32> to vector<16xf32>
              %masked_sort3A_374 = arith.constant dense<true> : vector<16xi1>
              %masked_sort3A_375, %masked_sort3A_376, %masked_sort3A_377 = tpu.sort %convert_element_type3A_373, %convert_element_type3A_373 masked %masked_sort3A_374 {descending = true} : (vector<16xf32>, vector<16xf32>, vector<16xi1>) -> (vector<16xi1>, vector<16xf32>, vector<16xf32>)
              %slice3A_378 = vector.extract_strided_slice %masked_sort3A_376 {offsets = [0], sizes = [1], strides = [1]} : vector<16xf32> to vector<1xf32>
              %squeeze3A_379 = vector.extract %slice3A_378[0] : f32 from vector<1xf32>
              %convert_element_type3A_380 = arith.fptosi %squeeze3A_379 : f32 to i32
              %lt3A_381 = vector.broadcast %max3A : i32 to vector<16xi32>
              %lt3A_382 = arith.cmpi slt, %add3A_362, %lt3A_381 : vector<16xi32>
              %broadcast_in_dim3A_383 = vector.broadcast %cond3A_336#0 : i32 to vector<16xi32>
              %broadcast_in_dim3A_384 = vector.broadcast %convert_element_type3A_380 : i32 to vector<16xi32>
              %select_n3A_385 = arith.select %lt3A_382, %broadcast_in_dim3A_383, %broadcast_in_dim3A_384 : vector<16xi1>, vector<16xi32>
              %select_n3A_386 = arith.select %and3A_367, %get3A_226, %select_n3A_385 : vector<16xi1>, vector<16xi32>
              %swap3A = arith.constant 0 : index
              %swap3A_387 = tpu.vector_load %arg10[%swap3A] {strides = array<i32>} : memref<32xi32, #tpu.memory_space<vmem>>, vector<16xi32>,
              tpu.vector_store %arg10[%swap3A], %select_n3A_386 {strides = array<i32>} : memref<32xi32, #tpu.memory_space<vmem>>, vector<16xi32>,
              %while3A_388 = arith.constant 0 : i32
              %while3A_389:3 = scf.while (%while3A_390 = %while3A_388, %while3A_391 = %cond3A_336#0, %while3A_392 = %cond3A_336#1) : (i32, i32, vector<16xf32>) -> (i32, i32, vector<16xf32>) {
                %lt3A_393 = arith.constant 16 : i32
                %lt3A_394 = arith.cmpi slt, %while3A_390, %lt3A_393 : i32
                scf.condition(%lt3A_394) %while3A_390, %while3A_391, %while3A_392 : i32, i32, vector<16xf32>
              } do {
              ^bb0(%while3A_390: i32, %while3A_391: i32, %while3A_392: vector<16xf32>):
                %get3A_393 = arith.index_cast %while3A_390 : i32 to index
                %get3A_394 = tpu.vector_load %arg10[%get3A_393] {strides = array<i32>} : memref<32xi32, #tpu.memory_space<vmem>>, vector<16xi32>,
                %slice3A_395 = vector.extract_strided_slice %get3A_394 {offsets = [0], sizes = [1], strides = [1]} : vector<16xi32> to vector<1xi32>
                %squeeze3A_396 = vector.extract %slice3A_395[0] : i32 from vector<1xi32>
                %eq3A_397 = vector.broadcast %squeeze3A_396 : i32 to vector<16xi32>
                %eq3A_398 = arith.cmpi eq, %select_n3A_386, %eq3A_397 : vector<16xi32>
                %convert_element_type3A_399 = arith.extui %eq3A_398 : vector<16xi1> to vector<16xi32>
                %reduce_sum3A_400 = arith.constant true
                %reduce_sum3A_401 = vector.broadcast %reduce_sum3A_400 : i1 to vector<16xi1>
                %reduce_sum3A_402 = tpu.scan <sum>, %convert_element_type3A_399 masked %reduce_sum3A_401 : vector<16xi32>, vector<16xi1> -> vector<16xi32>
                %reduce_sum3A_403 = vector.extract %reduce_sum3A_402[15] : i32 from vector<16xi32>
                %jit3A_404 = arith.constant 0xFF800000 : f32
                %broadcast_in_dim3A_405 = vector.broadcast %jit3A_404 : f32 to vector<16xf32>
                %select_n3A_406 = arith.select %eq3A_398, %select_n3A_370, %broadcast_in_dim3A_405 : vector<16xi1>, vector<16xf32>
                %ne3A_407 = arith.cmpi ne, %squeeze3A_396, %while3A_391 : i32
                %broadcast_in_dim3A_408 = arith.constant 0xFF800000 : f32
                %broadcast_in_dim3A_409 = vector.broadcast %broadcast_in_dim3A_408 : f32 to vector<16xf32>
                %eq3A_410 = arith.cmpf oeq, %while3A_392, %broadcast_in_dim3A_409 : vector<16xf32>
                %jit3A_411 = arith.constant 0.000000e+00 : f32
                %broadcast_in_dim3A_412 = vector.broadcast %jit3A_411 : f32 to vector<16xf32>
                %select_n3A_413 = arith.select %eq3A_410, %broadcast_in_dim3A_412, %while3A_392 : vector<16xi1>, vector<16xf32>
                %mul3A_414 = arith.mulf %select_n3A_413, %div3A_11 : vector<16xf32>
                %reduce_sum3A_415 = arith.constant true
                %reduce_sum3A_416 = vector.broadcast %reduce_sum3A_415 : i1 to vector<16xi1>
                %reduce_sum3A_417 = tpu.scan <sum>, %mul3A_414 masked %reduce_sum3A_416 : vector<16xf32>, vector<16xi1> -> vector<16xf32>
                %reduce_sum3A_418 = vector.extract %reduce_sum3A_417[15] : f32 from vector<16xf32>
                %sub3A_419 = arith.subi %while3A_391, %mul3A_13 : i32
                %broadcast_in_dim3A_420 = vector.broadcast %sub3A_419 : i32 to vector<16xi32>
                %broadcast_in_dim3A_421 = vector.broadcast %reduce_sum3A_418 : f32 to vector<16xf32>
                %and3A_422 = vector.broadcast %ne3A_407 : i1 to vector<16xi1>
                %and3A_423 = arith.andi %eq3A_2, %and3A_422 : vector<16xi1>
                tpu.vector_store_idx %arg8[%broadcast_in_dim3A_420], %broadcast_in_dim3A_421 masked %and3A_423 : memref<3136xf32, #tpu.memory_space<vmem>>[vector<16xi32>], vector<16xf32>, vector<16xi1>
                %broadcast_in_dim3A_424 = arith.constant 0xFF800000 : f32
                %broadcast_in_dim3A_425 = vector.broadcast %broadcast_in_dim3A_424 : f32 to vector<16xf32>
                %select_n3A_426 = arith.select %ne3A_407, %broadcast_in_dim3A_425, %while3A_392 : vector<16xf32>
                %select_n3A_427 = arith.select %ne3A_407, %squeeze3A_396, %while3A_391 : i32
                %masked_sort3A_428 = arith.constant dense<true> : vector<16xi1>
                %masked_sort3A_429, %masked_sort3A_430, %masked_sort3A_431 = tpu.sort %select_n3A_406, %select_n3A_406 masked %masked_sort3A_428 {descending = true} : (vector<16xf32>, vector<16xf32>, vector<16xi1>) -> (vector<16xi1>, vector<16xf32>, vector<16xf32>)
                %rev3A_432 = arith.constant 15 : i32
                %rev3A_433 = vector.broadcast %rev3A_432 : i32 to vector<16xi32>
                %rev3A_434 = tpu.iota {dimensions = array<i32: 0>} : vector<16xi32>
                %rev3A_435 = arith.subi %rev3A_433, %rev3A_434 : vector<16xi32>
                %rev3A_436 = tpu.dynamic_gather %masked_sort3A_430[%rev3A_435] in [0] : vector<16xf32>, vector<16xi32> -> vector<16xf32>
                %max3A_437 = arith.maximumf %select_n3A_426, %rev3A_436 : vector<16xf32>
                %masked_sort3A_438 = arith.constant dense<true> : vector<16xi1>
                %masked_sort3A_439, %masked_sort3A_440, %masked_sort3A_441 = tpu.sort %max3A_437, %max3A_437 masked %masked_sort3A_438 {descending = true} : (vector<16xf32>, vector<16xf32>, vector<16xi1>) -> (vector<16xi1>, vector<16xf32>, vector<16xf32>)
                %add3A_442 = arith.addi %while3A_390, %reduce_sum3A_403 : i32
                scf.yield %add3A_442, %select_n3A_427, %masked_sort3A_440 : i32, i32, vector<16xf32>
              }
              scf.yield %while3A_389#1, %while3A_389#2 : i32, vector<16xf32>
            }
            scf.yield %cond3A_360#0, %cond3A_360#1 : i32, vector<16xf32>
          }
          %mul3A_259 = arith.constant 2 : i32
          %mul3A_260 = arith.muli %mul3A_259, %scan3A_208 : i32
          %add3A_261 = arith.constant 1 : i32
          %add3A_262 = arith.addi %mul3A_260, %add3A_261 : i32
          %mul3A_263 = arith.constant 2 : i32
          %mul3A_264 = arith.muli %mul3A_263, %add3A_262 : i32
          %mul3A_265 = arith.constant 16 : i32
          %mul3A_266 = arith.muli %mul3A_264, %mul3A_265 : i32
          %add3A_267 = arith.constant 0 : i32
          %add3A_268 = arith.addi %add3A_267, %mul3A_266 : i32
          %get3A_269 = arith.index_cast %add3A_268 : i32 to index
          %get3A_270 = tpu.vector_load %arg6[%get3A_269] {strides = array<i32>} : memref<32768xi32, #tpu.memory_space<vmem>>, vector<16xi32>,
          %get3A_271 = arith.index_cast %add3A_268 : i32 to index
          %get3A_272 = tpu.vector_load %arg7[%get3A_271] {strides = array<i32>} : memref<32768xf32, #tpu.memory_space<vmem>>, vector<16xf32>,
          %add3A_273 = arith.constant 16 : i32
          %add3A_274 = arith.addi %add3A_268, %add3A_273 : i32
          %get3A_275 = arith.index_cast %add3A_274 : i32 to index
          %get3A_276 = tpu.vector_load %arg6[%get3A_275] {strides = array<i32>} : memref<32768xi32, #tpu.memory_space<vmem>>, vector<16xi32>,
          %add3A_277 = arith.constant 16 : i32
          %add3A_278 = arith.addi %add3A_268, %add3A_277 : i32
          %get3A_279 = arith.index_cast %add3A_278 : i32 to index
          %get3A_280 = tpu.vector_load %arg7[%get3A_279] {strides = array<i32>} : memref<32768xf32, #tpu.memory_space<vmem>>, vector<16xf32>,
          %masked_sort3A_281 = arith.constant dense<true> : vector<16xi1>
          %masked_sort3A_282, %masked_sort3A_283, %masked_sort3A_284 = tpu.sort %get3A_272, %get3A_272 masked %masked_sort3A_281 {descending = true} : (vector<16xf32>, vector<16xf32>, vector<16xi1>) -> (vector<16xi1>, vector<16xf32>, vector<16xf32>)
          %masked_sort3A_285 = arith.constant dense<true> : vector<16xi1>
          %masked_sort3A_286, %masked_sort3A_287, %masked_sort3A_288 = tpu.sort %get3A_280, %get3A_280 masked %masked_sort3A_285 : (vector<16xf32>, vector<16xf32>, vector<16xi1>) -> (vector<16xi1>, vector<16xf32>, vector<16xf32>)
          %mul3A_289 = arith.constant 2 : i32
          %mul3A_290 = arith.muli %mul3A_289, %add3A_262 : i32
          %mul3A_291 = arith.constant 16 : i32
          %mul3A_292 = arith.muli %mul3A_290, %mul3A_291 : i32
          %add3A_293 = arith.addi %min3A_201, %mul3A_292 : i32
          %ge3A_294 = arith.cmpi sge, %add3A_293, %max3A : i32
          %add3A_295 = arith.constant 32 : i32
          %add3A_296 = arith.addi %add3A_293, %add3A_295 : i32
          %le3A_297 = arith.cmpi sle, %add3A_296, %scan3A_32#2 : i32
          %and3A_298 = arith.andi %ge3A_294, %le3A_297 : i1
          %slice3A_299 = vector.extract_strided_slice %get3A_270 {offsets = [0], sizes = [1], strides = [1]} : vector<16xi32> to vector<1xi32>
          %squeeze3A_300 = vector.extract %slice3A_299[0] : i32 from vector<1xi32>
          %eq3A_301 = arith.cmpi eq, %squeeze3A_300, %cond3A_258#0 : i32
          %and3A_302 = arith.andi %and3A_298, %eq3A_301 : i1
          %slice3A_303 = vector.extract_strided_slice %get3A_276 {offsets = [15], sizes = [1], strides = [1]} : vector<16xi32> to vector<1xi32>
          %squeeze3A_304 = vector.extract %slice3A_303[0] : i32 from vector<1xi32>
          %eq3A_305 = arith.cmpi eq, %squeeze3A_304, %cond3A_258#0 : i32
          %and3A_306 = arith.andi %and3A_302, %eq3A_305 : i1
          %convert_element_type3A_307 = arith.extui %and3A_306 : i1 to i32
          %cond3A_308 = arith.constant 0 : i32
          %cond3A_309 = arith.cmpi ne, %convert_element_type3A_307, %cond3A_308 : i32
          %cond3A_310:2 = scf.if %cond3A_309 -> (i32, vector<16xf32>) {
            %max3A_311 = arith.maximumf %masked_sort3A_283, %masked_sort3A_287 : vector<16xf32>
            %masked_sort3A_312 = arith.constant dense<true> : vector<16xi1>
            %masked_sort3A_313, %masked_sort3A_314, %masked_sort3A_315 = tpu.sort %max3A_311, %max3A_311 masked %masked_sort3A_312 : (vector<16xf32>, vector<16xf32>, vector<16xi1>) -> (vector<16xi1>, vector<16xf32>, vector<16xf32>)
            %max3A_316 = arith.maximumf %cond3A_258#1, %masked_sort3A_314 : vector<16xf32>
            %masked_sort3A_317 = arith.constant dense<true> : vector<16xi1>
            %masked_sort3A_318, %masked_sort3A_319, %masked_sort3A_320 = tpu.sort %max3A_316, %max3A_316 masked %masked_sort3A_317 {descending = true} : (vector<16xf32>, vector<16xf32>, vector<16xi1>) -> (vector<16xi1>, vector<16xf32>, vector<16xf32>)
            scf.yield %cond3A_258#0, %masked_sort3A_319 : i32, vector<16xf32>
          } else {
            %mul3A_311 = arith.constant 2 : i32
            %mul3A_312 = arith.muli %mul3A_311, %add3A_262 : i32
            %rev3A = arith.constant 15 : i32
            %rev3A_313 = vector.broadcast %rev3A : i32 to vector<16xi32>
            %rev3A_314 = tpu.iota {dimensions = array<i32: 0>} : vector<16xi32>
            %rev3A_315 = arith.subi %rev3A_313, %rev3A_314 : vector<16xi32>
            %rev3A_316 = tpu.dynamic_gather %masked_sort3A_283[%rev3A_315] in [0] : vector<16xf32>, vector<16xi32> -> vector<16xf32>
            %mul3A_317 = arith.constant 16 : i32
            %mul3A_318 = arith.muli %mul3A_312, %mul3A_317 : i32
            %add3A_319 = arith.addi %min3A_201, %mul3A_318 : i32
            %ge3A_320 = arith.cmpi sge, %add3A_319, %max3A : i32
            %add3A_321 = arith.constant 16 : i32
            %add3A_322 = arith.addi %add3A_319, %add3A_321 : i32
            %le3A_323 = arith.cmpi sle, %add3A_322, %scan3A_32#2 : i32
            %and3A_324 = arith.andi %ge3A_320, %le3A_323 : i1
            %slice3A_325 = vector.extract_strided_slice %get3A_270 {offsets = [0], sizes = [1], strides = [1]} : vector<16xi32> to vector<1xi32>
            %squeeze3A_326 = vector.extract %slice3A_325[0] : i32 from vector<1xi32>
            %eq3A_327 = arith.cmpi eq, %squeeze3A_326, %cond3A_258#0 : i32
            %slice3A_328 = vector.extract_strided_slice %get3A_270 {offsets = [15], sizes = [1], strides = [1]} : vector<16xi32> to vector<1xi32>
            %squeeze3A_329 = vector.extract %slice3A_328[0] : i32 from vector<1xi32>
            %eq3A_330 = arith.cmpi eq, %squeeze3A_329, %cond3A_258#0 : i32
            %and3A_331 = arith.andi %eq3A_327, %eq3A_330 : i1
            %and3A_332 = arith.andi %and3A_324, %and3A_331 : i1
            %convert_element_type3A_333 = arith.extui %and3A_332 : i1 to i32
            %cond3A_334 = arith.constant 0 : i32
            %cond3A_335 = arith.cmpi ne, %convert_element_type3A_333, %cond3A_334 : i32
            %cond3A_336:2 = scf.if %cond3A_335 -> (i32, vector<16xf32>) {
              %max3A_361 = arith.maximumf %cond3A_258#1, %rev3A_316 : vector<16xf32>
              %masked_sort3A_362 = arith.constant dense<true> : vector<16xi1>
              %masked_sort3A_363, %masked_sort3A_364, %masked_sort3A_365 = tpu.sort %max3A_361, %max3A_361 masked %masked_sort3A_362 {descending = true} : (vector<16xf32>, vector<16xf32>, vector<16xi1>) -> (vector<16xi1>, vector<16xf32>, vector<16xf32>)
              scf.yield %cond3A_258#0, %masked_sort3A_364 : i32, vector<16xf32>
            } else {
              %add3A_361 = vector.broadcast %add3A_319 : i32 to vector<16xi32>
              %add3A_362 = arith.addi %add3A_361, %iota3A : vector<16xi32>
              %ge3A_363 = vector.broadcast %max3A : i32 to vector<16xi32>
              %ge3A_364 = arith.cmpi sge, %add3A_362, %ge3A_363 : vector<16xi32>
              %lt3A_365 = vector.broadcast %scan3A_32#2 : i32 to vector<16xi32>
              %lt3A_366 = arith.cmpi slt, %add3A_362, %lt3A_365 : vector<16xi32>
              %and3A_367 = arith.andi %ge3A_364, %lt3A_366 : vector<16xi1>
              %jit3A_368 = arith.constant 0xFF800000 : f32
              %broadcast_in_dim3A_369 = vector.broadcast %jit3A_368 : f32 to vector<16xf32>
              %select_n3A_370 = arith.select %and3A_367, %get3A_272, %broadcast_in_dim3A_369 : vector<16xi1>, vector<16xf32>
              %broadcast_in_dim3A_371 = vector.broadcast %cond3A_258#0 : i32 to vector<16xi32>
              %select_n3A_372 = arith.select %and3A_367, %get3A_270, %broadcast_in_dim3A_371 : vector<16xi1>, vector<16xi32>
              %convert_element_type3A_373 = arith.sitofp %select_n3A_372 : vector<16xi32> to vector<16xf32>
              %masked_sort3A_374 = arith.constant dense<true> : vector<16xi1>
              %masked_sort3A_375, %masked_sort3A_376, %masked_sort3A_377 = tpu.sort %convert_element_type3A_373, %convert_element_type3A_373 masked %masked_sort3A_374 {descending = true} : (vector<16xf32>, vector<16xf32>, vector<16xi1>) -> (vector<16xi1>, vector<16xf32>, vector<16xf32>)
              %slice3A_378 = vector.extract_strided_slice %masked_sort3A_376 {offsets = [0], sizes = [1], strides = [1]} : vector<16xf32> to vector<1xf32>
              %squeeze3A_379 = vector.extract %slice3A_378[0] : f32 from vector<1xf32>
              %convert_element_type3A_380 = arith.fptosi %squeeze3A_379 : f32 to i32
              %lt3A_381 = vector.broadcast %max3A : i32 to vector<16xi32>
              %lt3A_382 = arith.cmpi slt, %add3A_362, %lt3A_381 : vector<16xi32>
              %broadcast_in_dim3A_383 = vector.broadcast %cond3A_258#0 : i32 to vector<16xi32>
              %broadcast_in_dim3A_384 = vector.broadcast %convert_element_type3A_380 : i32 to vector<16xi32>
              %select_n3A_385 = arith.select %lt3A_382, %broadcast_in_dim3A_383, %broadcast_in_dim3A_384 : vector<16xi1>, vector<16xi32>
              %select_n3A_386 = arith.select %and3A_367, %get3A_270, %select_n3A_385 : vector<16xi1>, vector<16xi32>
              %swap3A = arith.constant 0 : index
              %swap3A_387 = tpu.vector_load %arg10[%swap3A] {strides = array<i32>} : memref<32xi32, #tpu.memory_space<vmem>>, vector<16xi32>,
              tpu.vector_store %arg10[%swap3A], %select_n3A_386 {strides = array<i32>} : memref<32xi32, #tpu.memory_space<vmem>>, vector<16xi32>,
              %while3A_388 = arith.constant 0 : i32
              %while3A_389:3 = scf.while (%while3A_390 = %while3A_388, %while3A_391 = %cond3A_258#0, %while3A_392 = %cond3A_258#1) : (i32, i32, vector<16xf32>) -> (i32, i32, vector<16xf32>) {
                %lt3A_393 = arith.constant 16 : i32
                %lt3A_394 = arith.cmpi slt, %while3A_390, %lt3A_393 : i32
                scf.condition(%lt3A_394) %while3A_390, %while3A_391, %while3A_392 : i32, i32, vector<16xf32>
              } do {
              ^bb0(%while3A_390: i32, %while3A_391: i32, %while3A_392: vector<16xf32>):
                %get3A_393 = arith.index_cast %while3A_390 : i32 to index
                %get3A_394 = tpu.vector_load %arg10[%get3A_393] {strides = array<i32>} : memref<32xi32, #tpu.memory_space<vmem>>, vector<16xi32>,
                %slice3A_395 = vector.extract_strided_slice %get3A_394 {offsets = [0], sizes = [1], strides = [1]} : vector<16xi32> to vector<1xi32>
                %squeeze3A_396 = vector.extract %slice3A_395[0] : i32 from vector<1xi32>
                %eq3A_397 = vector.broadcast %squeeze3A_396 : i32 to vector<16xi32>
                %eq3A_398 = arith.cmpi eq, %select_n3A_386, %eq3A_397 : vector<16xi32>
                %convert_element_type3A_399 = arith.extui %eq3A_398 : vector<16xi1> to vector<16xi32>
                %reduce_sum3A_400 = arith.constant true
                %reduce_sum3A_401 = vector.broadcast %reduce_sum3A_400 : i1 to vector<16xi1>
                %reduce_sum3A_402 = tpu.scan <sum>, %convert_element_type3A_399 masked %reduce_sum3A_401 : vector<16xi32>, vector<16xi1> -> vector<16xi32>
                %reduce_sum3A_403 = vector.extract %reduce_sum3A_402[15] : i32 from vector<16xi32>
                %jit3A_404 = arith.constant 0xFF800000 : f32
                %broadcast_in_dim3A_405 = vector.broadcast %jit3A_404 : f32 to vector<16xf32>
                %select_n3A_406 = arith.select %eq3A_398, %select_n3A_370, %broadcast_in_dim3A_405 : vector<16xi1>, vector<16xf32>
                %ne3A_407 = arith.cmpi ne, %squeeze3A_396, %while3A_391 : i32
                %broadcast_in_dim3A_408 = arith.constant 0xFF800000 : f32
                %broadcast_in_dim3A_409 = vector.broadcast %broadcast_in_dim3A_408 : f32 to vector<16xf32>
                %eq3A_410 = arith.cmpf oeq, %while3A_392, %broadcast_in_dim3A_409 : vector<16xf32>
                %jit3A_411 = arith.constant 0.000000e+00 : f32
                %broadcast_in_dim3A_412 = vector.broadcast %jit3A_411 : f32 to vector<16xf32>
                %select_n3A_413 = arith.select %eq3A_410, %broadcast_in_dim3A_412, %while3A_392 : vector<16xi1>, vector<16xf32>
                %mul3A_414 = arith.mulf %select_n3A_413, %div3A_11 : vector<16xf32>
                %reduce_sum3A_415 = arith.constant true
                %reduce_sum3A_416 = vector.broadcast %reduce_sum3A_415 : i1 to vector<16xi1>
                %reduce_sum3A_417 = tpu.scan <sum>, %mul3A_414 masked %reduce_sum3A_416 : vector<16xf32>, vector<16xi1> -> vector<16xf32>
                %reduce_sum3A_418 = vector.extract %reduce_sum3A_417[15] : f32 from vector<16xf32>
                %sub3A_419 = arith.subi %while3A_391, %mul3A_13 : i32
                %broadcast_in_dim3A_420 = vector.broadcast %sub3A_419 : i32 to vector<16xi32>
                %broadcast_in_dim3A_421 = vector.broadcast %reduce_sum3A_418 : f32 to vector<16xf32>
                %and3A_422 = vector.broadcast %ne3A_407 : i1 to vector<16xi1>
                %and3A_423 = arith.andi %eq3A_2, %and3A_422 : vector<16xi1>
                tpu.vector_store_idx %arg8[%broadcast_in_dim3A_420], %broadcast_in_dim3A_421 masked %and3A_423 : memref<3136xf32, #tpu.memory_space<vmem>>[vector<16xi32>], vector<16xf32>, vector<16xi1>
                %broadcast_in_dim3A_424 = arith.constant 0xFF800000 : f32
                %broadcast_in_dim3A_425 = vector.broadcast %broadcast_in_dim3A_424 : f32 to vector<16xf32>
                %select_n3A_426 = arith.select %ne3A_407, %broadcast_in_dim3A_425, %while3A_392 : vector<16xf32>
                %select_n3A_427 = arith.select %ne3A_407, %squeeze3A_396, %while3A_391 : i32
                %masked_sort3A_428 = arith.constant dense<true> : vector<16xi1>
                %masked_sort3A_429, %masked_sort3A_430, %masked_sort3A_431 = tpu.sort %select_n3A_406, %select_n3A_406 masked %masked_sort3A_428 {descending = true} : (vector<16xf32>, vector<16xf32>, vector<16xi1>) -> (vector<16xi1>, vector<16xf32>, vector<16xf32>)
                %rev3A_432 = arith.constant 15 : i32
                %rev3A_433 = vector.broadcast %rev3A_432 : i32 to vector<16xi32>
                %rev3A_434 = tpu.iota {dimensions = array<i32: 0>} : vector<16xi32>
                %rev3A_435 = arith.subi %rev3A_433, %rev3A_434 : vector<16xi32>
                %rev3A_436 = tpu.dynamic_gather %masked_sort3A_430[%rev3A_435] in [0] : vector<16xf32>, vector<16xi32> -> vector<16xf32>
                %max3A_437 = arith.maximumf %select_n3A_426, %rev3A_436 : vector<16xf32>
                %masked_sort3A_438 = arith.constant dense<true> : vector<16xi1>
                %masked_sort3A_439, %masked_sort3A_440, %masked_sort3A_441 = tpu.sort %max3A_437, %max3A_437 masked %masked_sort3A_438 {descending = true} : (vector<16xf32>, vector<16xf32>, vector<16xi1>) -> (vector<16xi1>, vector<16xf32>, vector<16xf32>)
                %add3A_442 = arith.addi %while3A_390, %reduce_sum3A_403 : i32
                scf.yield %add3A_442, %select_n3A_427, %masked_sort3A_440 : i32, i32, vector<16xf32>
              }
              scf.yield %while3A_389#1, %while3A_389#2 : i32, vector<16xf32>
            }
            %mul3A_337 = arith.constant 2 : i32
            %mul3A_338 = arith.muli %mul3A_337, %add3A_262 : i32
            %add3A_339 = arith.constant 1 : i32
            %add3A_340 = arith.addi %mul3A_338, %add3A_339 : i32
            %mul3A_341 = arith.constant 16 : i32
            %mul3A_342 = arith.muli %add3A_340, %mul3A_341 : i32
            %add3A_343 = arith.addi %min3A_201, %mul3A_342 : i32
            %ge3A_344 = arith.cmpi sge, %add3A_343, %max3A : i32
            %add3A_345 = arith.constant 16 : i32
            %add3A_346 = arith.addi %add3A_343, %add3A_345 : i32
            %le3A_347 = arith.cmpi sle, %add3A_346, %scan3A_32#2 : i32
            %and3A_348 = arith.andi %ge3A_344, %le3A_347 : i1
            %slice3A_349 = vector.extract_strided_slice %get3A_276 {offsets = [0], sizes = [1], strides = [1]} : vector<16xi32> to vector<1xi32>
            %squeeze3A_350 = vector.extract %slice3A_349[0] : i32 from vector<1xi32>
            %eq3A_351 = arith.cmpi eq, %squeeze3A_350, %cond3A_336#0 : i32
            %slice3A_352 = vector.extract_strided_slice %get3A_276 {offsets = [15], sizes = [1], strides = [1]} : vector<16xi32> to vector<1xi32>
            %squeeze3A_353 = vector.extract %slice3A_352[0] : i32 from vector<1xi32>
            %eq3A_354 = arith.cmpi eq, %squeeze3A_353, %cond3A_336#0 : i32
            %and3A_355 = arith.andi %eq3A_351, %eq3A_354 : i1
            %and3A_356 = arith.andi %and3A_348, %and3A_355 : i1
            %convert_element_type3A_357 = arith.extui %and3A_356 : i1 to i32
            %cond3A_358 = arith.constant 0 : i32
            %cond3A_359 = arith.cmpi ne, %convert_element_type3A_357, %cond3A_358 : i32
            %cond3A_360:2 = scf.if %cond3A_359 -> (i32, vector<16xf32>) {
              %max3A_361 = arith.maximumf %cond3A_336#1, %masked_sort3A_287 : vector<16xf32>
              %masked_sort3A_362 = arith.constant dense<true> : vector<16xi1>
              %masked_sort3A_363, %masked_sort3A_364, %masked_sort3A_365 = tpu.sort %max3A_361, %max3A_361 masked %masked_sort3A_362 {descending = true} : (vector<16xf32>, vector<16xf32>, vector<16xi1>) -> (vector<16xi1>, vector<16xf32>, vector<16xf32>)
              scf.yield %cond3A_336#0, %masked_sort3A_364 : i32, vector<16xf32>
            } else {
              %add3A_361 = vector.broadcast %add3A_343 : i32 to vector<16xi32>
              %add3A_362 = arith.addi %add3A_361, %iota3A : vector<16xi32>
              %ge3A_363 = vector.broadcast %max3A : i32 to vector<16xi32>
              %ge3A_364 = arith.cmpi sge, %add3A_362, %ge3A_363 : vector<16xi32>
              %lt3A_365 = vector.broadcast %scan3A_32#2 : i32 to vector<16xi32>
              %lt3A_366 = arith.cmpi slt, %add3A_362, %lt3A_365 : vector<16xi32>
              %and3A_367 = arith.andi %ge3A_364, %lt3A_366 : vector<16xi1>
              %jit3A_368 = arith.constant 0xFF800000 : f32
              %broadcast_in_dim3A_369 = vector.broadcast %jit3A_368 : f32 to vector<16xf32>
              %select_n3A_370 = arith.select %and3A_367, %get3A_280, %broadcast_in_dim3A_369 : vector<16xi1>, vector<16xf32>
              %broadcast_in_dim3A_371 = vector.broadcast %cond3A_336#0 : i32 to vector<16xi32>
              %select_n3A_372 = arith.select %and3A_367, %get3A_276, %broadcast_in_dim3A_371 : vector<16xi1>, vector<16xi32>
              %convert_element_type3A_373 = arith.sitofp %select_n3A_372 : vector<16xi32> to vector<16xf32>
              %masked_sort3A_374 = arith.constant dense<true> : vector<16xi1>
              %masked_sort3A_375, %masked_sort3A_376, %masked_sort3A_377 = tpu.sort %convert_element_type3A_373, %convert_element_type3A_373 masked %masked_sort3A_374 {descending = true} : (vector<16xf32>, vector<16xf32>, vector<16xi1>) -> (vector<16xi1>, vector<16xf32>, vector<16xf32>)
              %slice3A_378 = vector.extract_strided_slice %masked_sort3A_376 {offsets = [0], sizes = [1], strides = [1]} : vector<16xf32> to vector<1xf32>
              %squeeze3A_379 = vector.extract %slice3A_378[0] : f32 from vector<1xf32>
              %convert_element_type3A_380 = arith.fptosi %squeeze3A_379 : f32 to i32
              %lt3A_381 = vector.broadcast %max3A : i32 to vector<16xi32>
              %lt3A_382 = arith.cmpi slt, %add3A_362, %lt3A_381 : vector<16xi32>
              %broadcast_in_dim3A_383 = vector.broadcast %cond3A_336#0 : i32 to vector<16xi32>
              %broadcast_in_dim3A_384 = vector.broadcast %convert_element_type3A_380 : i32 to vector<16xi32>
              %select_n3A_385 = arith.select %lt3A_382, %broadcast_in_dim3A_383, %broadcast_in_dim3A_384 : vector<16xi1>, vector<16xi32>
              %select_n3A_386 = arith.select %and3A_367, %get3A_276, %select_n3A_385 : vector<16xi1>, vector<16xi32>
              %swap3A = arith.constant 0 : index
              %swap3A_387 = tpu.vector_load %arg10[%swap3A] {strides = array<i32>} : memref<32xi32, #tpu.memory_space<vmem>>, vector<16xi32>,
              tpu.vector_store %arg10[%swap3A], %select_n3A_386 {strides = array<i32>} : memref<32xi32, #tpu.memory_space<vmem>>, vector<16xi32>,
              %while3A_388 = arith.constant 0 : i32
              %while3A_389:3 = scf.while (%while3A_390 = %while3A_388, %while3A_391 = %cond3A_336#0, %while3A_392 = %cond3A_336#1) : (i32, i32, vector<16xf32>) -> (i32, i32, vector<16xf32>) {
                %lt3A_393 = arith.constant 16 : i32
                %lt3A_394 = arith.cmpi slt, %while3A_390, %lt3A_393 : i32
                scf.condition(%lt3A_394) %while3A_390, %while3A_391, %while3A_392 : i32, i32, vector<16xf32>
              } do {
              ^bb0(%while3A_390: i32, %while3A_391: i32, %while3A_392: vector<16xf32>):
                %get3A_393 = arith.index_cast %while3A_390 : i32 to index
                %get3A_394 = tpu.vector_load %arg10[%get3A_393] {strides = array<i32>} : memref<32xi32, #tpu.memory_space<vmem>>, vector<16xi32>,
                %slice3A_395 = vector.extract_strided_slice %get3A_394 {offsets = [0], sizes = [1], strides = [1]} : vector<16xi32> to vector<1xi32>
                %squeeze3A_396 = vector.extract %slice3A_395[0] : i32 from vector<1xi32>
                %eq3A_397 = vector.broadcast %squeeze3A_396 : i32 to vector<16xi32>
                %eq3A_398 = arith.cmpi eq, %select_n3A_386, %eq3A_397 : vector<16xi32>
                %convert_element_type3A_399 = arith.extui %eq3A_398 : vector<16xi1> to vector<16xi32>
                %reduce_sum3A_400 = arith.constant true
                %reduce_sum3A_401 = vector.broadcast %reduce_sum3A_400 : i1 to vector<16xi1>
                %reduce_sum3A_402 = tpu.scan <sum>, %convert_element_type3A_399 masked %reduce_sum3A_401 : vector<16xi32>, vector<16xi1> -> vector<16xi32>
                %reduce_sum3A_403 = vector.extract %reduce_sum3A_402[15] : i32 from vector<16xi32>
                %jit3A_404 = arith.constant 0xFF800000 : f32
                %broadcast_in_dim3A_405 = vector.broadcast %jit3A_404 : f32 to vector<16xf32>
                %select_n3A_406 = arith.select %eq3A_398, %select_n3A_370, %broadcast_in_dim3A_405 : vector<16xi1>, vector<16xf32>
                %ne3A_407 = arith.cmpi ne, %squeeze3A_396, %while3A_391 : i32
                %broadcast_in_dim3A_408 = arith.constant 0xFF800000 : f32
                %broadcast_in_dim3A_409 = vector.broadcast %broadcast_in_dim3A_408 : f32 to vector<16xf32>
                %eq3A_410 = arith.cmpf oeq, %while3A_392, %broadcast_in_dim3A_409 : vector<16xf32>
                %jit3A_411 = arith.constant 0.000000e+00 : f32
                %broadcast_in_dim3A_412 = vector.broadcast %jit3A_411 : f32 to vector<16xf32>
                %select_n3A_413 = arith.select %eq3A_410, %broadcast_in_dim3A_412, %while3A_392 : vector<16xi1>, vector<16xf32>
                %mul3A_414 = arith.mulf %select_n3A_413, %div3A_11 : vector<16xf32>
                %reduce_sum3A_415 = arith.constant true
                %reduce_sum3A_416 = vector.broadcast %reduce_sum3A_415 : i1 to vector<16xi1>
                %reduce_sum3A_417 = tpu.scan <sum>, %mul3A_414 masked %reduce_sum3A_416 : vector<16xf32>, vector<16xi1> -> vector<16xf32>
                %reduce_sum3A_418 = vector.extract %reduce_sum3A_417[15] : f32 from vector<16xf32>
                %sub3A_419 = arith.subi %while3A_391, %mul3A_13 : i32
                %broadcast_in_dim3A_420 = vector.broadcast %sub3A_419 : i32 to vector<16xi32>
                %broadcast_in_dim3A_421 = vector.broadcast %reduce_sum3A_418 : f32 to vector<16xf32>
                %and3A_422 = vector.broadcast %ne3A_407 : i1 to vector<16xi1>
                %and3A_423 = arith.andi %eq3A_2, %and3A_422 : vector<16xi1>
                tpu.vector_store_idx %arg8[%broadcast_in_dim3A_420], %broadcast_in_dim3A_421 masked %and3A_423 : memref<3136xf32, #tpu.memory_space<vmem>>[vector<16xi32>], vector<16xf32>, vector<16xi1>
                %broadcast_in_dim3A_424 = arith.constant 0xFF800000 : f32
                %broadcast_in_dim3A_425 = vector.broadcast %broadcast_in_dim3A_424 : f32 to vector<16xf32>
                %select_n3A_426 = arith.select %ne3A_407, %broadcast_in_dim3A_425, %while3A_392 : vector<16xf32>
                %select_n3A_427 = arith.select %ne3A_407, %squeeze3A_396, %while3A_391 : i32
                %masked_sort3A_428 = arith.constant dense<true> : vector<16xi1>
                %masked_sort3A_429, %masked_sort3A_430, %masked_sort3A_431 = tpu.sort %select_n3A_406, %select_n3A_406 masked %masked_sort3A_428 {descending = true} : (vector<16xf32>, vector<16xf32>, vector<16xi1>) -> (vector<16xi1>, vector<16xf32>, vector<16xf32>)
                %rev3A_432 = arith.constant 15 : i32
                %rev3A_433 = vector.broadcast %rev3A_432 : i32 to vector<16xi32>
                %rev3A_434 = tpu.iota {dimensions = array<i32: 0>} : vector<16xi32>
                %rev3A_435 = arith.subi %rev3A_433, %rev3A_434 : vector<16xi32>
                %rev3A_436 = tpu.dynamic_gather %masked_sort3A_430[%rev3A_435] in [0] : vector<16xf32>, vector<16xi32> -> vector<16xf32>
                %max3A_437 = arith.maximumf %select_n3A_426, %rev3A_436 : vector<16xf32>
                %masked_sort3A_438 = arith.constant dense<true> : vector<16xi1>
                %masked_sort3A_439, %masked_sort3A_440, %masked_sort3A_441 = tpu.sort %max3A_437, %max3A_437 masked %masked_sort3A_438 {descending = true} : (vector<16xf32>, vector<16xf32>, vector<16xi1>) -> (vector<16xi1>, vector<16xf32>, vector<16xf32>)
                %add3A_442 = arith.addi %while3A_390, %reduce_sum3A_403 : i32
                scf.yield %add3A_442, %select_n3A_427, %masked_sort3A_440 : i32, i32, vector<16xf32>
              }
              scf.yield %while3A_389#1, %while3A_389#2 : i32, vector<16xf32>
            }
            scf.yield %cond3A_360#0, %cond3A_360#1 : i32, vector<16xf32>
          }
          scf.yield %cond3A_310#0, %cond3A_310#1 : i32, vector<16xf32>
        }
        %scan3A_207 = arith.constant 256 : i32
        scf.yield %scan3A_206#0, %scan3A_206#1 : i32, vector<16xf32>
      } else {
        scf.yield %while3A_153, %while3A_154 : i32, vector<16xf32>
      }
      %mul3A_163 = arith.constant 2 : i32
      %mul3A_164 = arith.muli %mul3A_163, %while3A_152 : i32
      %add3A_165 = arith.constant 1 : i32
      %add3A_166 = arith.addi %mul3A_164, %add3A_165 : i32
      %lt3A_167 = arith.cmpi slt, %add3A_166, %select_n3A_88 : i32
      %convert_element_type3A_168 = arith.extui %lt3A_167 : i1 to i32
      %cond3A_169 = arith.constant 0 : i32
      %cond3A_170 = arith.cmpi ne, %convert_element_type3A_168, %cond3A_169 : i32
      %cond3A_171:2 = scf.if %cond3A_170 -> (i32, vector<16xf32>) {
        %add3A_172 = arith.constant 1 : i32
        %add3A_173 = arith.addi %add3A_166, %add3A_172 : i32
        %lt3A_174 = arith.cmpi slt, %add3A_173, %select_n3A_88 : i32
        %convert_element_type3A_175 = arith.extui %lt3A_174 : i1 to i32
        %cond3A_176 = arith.constant 0 : i32
        %cond3A_177 = arith.cmpi ne, %convert_element_type3A_175, %cond3A_176 : i32
        scf.if %cond3A_177 {
          %add3A_208 = arith.constant 1 : i32
          %add3A_209 = arith.addi %add3A_166, %add3A_208 : i32
          %mul3A_210 = arith.constant 16384 : i32
          %mul3A_211 = arith.muli %add3A_209, %mul3A_210 : i32
          %add3A_212 = arith.addi %mul3A_59, %mul3A_211 : i32
          %min3A_213 = arith.constant 6383616 : i32
          %min3A_214 = arith.minsi %add3A_212, %min3A_213 : i32
          %dma_start3A = arith.constant 0 : i32
          %dma_start3A_215 = tpu.memref_slice %arg6[%dma_start3A] : memref<32768xi32, #tpu.memory_space<vmem>> -> memref<16384xi32, #tpu.memory_space<vmem>>
          %dma_start3A_216 = tpu.memref_slice %arg2[%min3A_214] : memref<6400000xi32, #tpu.memory_space<hbm>> -> memref<16384xi32, #tpu.memory_space<hbm>>
          %dma_start3A_217 = arith.constant 0 : i32
          %dma_start3A_218 = tpu.memref_slice %arg6[%dma_start3A_217] : memref<32768xi32, #tpu.memory_space<vmem>> -> memref<16384xi32, #tpu.memory_space<vmem>>
          %dma_start3A_219 = tpu.memref_slice %arg2[%min3A_214] : memref<6400000xi32, #tpu.memory_space<hbm>> -> memref<16384xi32, #tpu.memory_space<hbm>>
          tpu.enqueue_dma source(%dma_start3A_219 : memref<16384xi32, #tpu.memory_space<hbm>>) target(%dma_start3A_218 : memref<16384xi32, #tpu.memory_space<vmem>>) target_semaphore(%arg13 : memref<!tpu.dma_semaphore, #tpu.memory_space<semaphore_mem>>)
          %dma_start3A_220 = arith.constant 0 : i32
          %dma_start3A_221 = tpu.memref_slice %arg7[%dma_start3A_220] : memref<32768xf32, #tpu.memory_space<vmem>> -> memref<16384xf32, #tpu.memory_space<vmem>>
          %dma_start3A_222 = tpu.memref_slice %arg3[%min3A_214] : memref<6400000xf32, #tpu.memory_space<hbm>> -> memref<16384xf32, #tpu.memory_space<hbm>>
          %dma_start3A_223 = arith.constant 0 : i32
          %dma_start3A_224 = tpu.memref_slice %arg7[%dma_start3A_223] : memref<32768xf32, #tpu.memory_space<vmem>> -> memref<16384xf32, #tpu.memory_space<vmem>>
          %dma_start3A_225 = tpu.memref_slice %arg3[%min3A_214] : memref<6400000xf32, #tpu.memory_space<hbm>> -> memref<16384xf32, #tpu.memory_space<hbm>>
          tpu.enqueue_dma source(%dma_start3A_225 : memref<16384xf32, #tpu.memory_space<hbm>>) target(%dma_start3A_224 : memref<16384xf32, #tpu.memory_space<vmem>>) target_semaphore(%arg13 : memref<!tpu.dma_semaphore, #tpu.memory_space<semaphore_mem>>)
        } else {
        }
        %mul3A_178 = arith.constant 16384 : i32
        %mul3A_179 = arith.muli %add3A_166, %mul3A_178 : i32
        %add3A_180 = arith.addi %mul3A_59, %mul3A_179 : i32
        %min3A_181 = arith.constant 6383616 : i32
        %min3A_182 = arith.minsi %add3A_180, %min3A_181 : i32
        %dma_wait3A = arith.constant 16384 : i32
        %dma_wait3A_183 = tpu.memref_slice %arg6[%dma_wait3A] : memref<32768xi32, #tpu.memory_space<vmem>> -> memref<16384xi32, #tpu.memory_space<vmem>>
        %dma_wait3A_184 = tpu.memref_slice %arg2[%min3A_182] : memref<6400000xi32, #tpu.memory_space<hbm>> -> memref<16384xi32, #tpu.memory_space<hbm>>
        %dma_wait3A_185 = arith.constant 16384 : i32
        %dma_wait3A_186 = tpu.memref_slice %arg6[%dma_wait3A_185] : memref<32768xi32, #tpu.memory_space<vmem>> -> memref<16384xi32, #tpu.memory_space<vmem>>
        %dma_wait3A_187 = tpu.memref_slice %arg2[%min3A_182] : memref<6400000xi32, #tpu.memory_space<hbm>> -> memref<16384xi32, #tpu.memory_space<hbm>>
        tpu.wait_dma2 semaphore(%arg14 : memref<!tpu.dma_semaphore, #tpu.memory_space<semaphore_mem>>) src(%dma_wait3A_187 : memref<16384xi32, #tpu.memory_space<hbm>>) dst(%dma_wait3A_186 : memref<16384xi32, #tpu.memory_space<vmem>>)
        %dma_wait3A_188 = arith.constant 16384 : i32
        %dma_wait3A_189 = tpu.memref_slice %arg7[%dma_wait3A_188] : memref<32768xf32, #tpu.memory_space<vmem>> -> memref<16384xf32, #tpu.memory_space<vmem>>
        %dma_wait3A_190 = tpu.memref_slice %arg3[%min3A_182] : memref<6400000xf32, #tpu.memory_space<hbm>> -> memref<16384xf32, #tpu.memory_space<hbm>>
        %dma_wait3A_191 = arith.constant 16384 : i32
        %dma_wait3A_192 = tpu.memref_slice %arg7[%dma_wait3A_191] : memref<32768xf32, #tpu.memory_space<vmem>> -> memref<16384xf32, #tpu.memory_space<vmem>>
        %dma_wait3A_193 = tpu.memref_slice %arg3[%min3A_182] : memref<6400000xf32, #tpu.memory_space<hbm>> -> memref<16384xf32, #tpu.memory_space<hbm>>
        tpu.wait_dma2 semaphore(%arg14 : memref<!tpu.dma_semaphore, #tpu.memory_space<semaphore_mem>>) src(%dma_wait3A_193 : memref<16384xf32, #tpu.memory_space<hbm>>) dst(%dma_wait3A_192 : memref<16384xf32, #tpu.memory_space<vmem>>)
        %mul3A_194 = arith.constant 16384 : i32
        %mul3A_195 = arith.muli %add3A_166, %mul3A_194 : i32
        %add3A_196 = arith.addi %mul3A_59, %mul3A_195 : i32
        %mul3A_197 = arith.constant 16384 : i32
        %mul3A_198 = arith.muli %add3A_166, %mul3A_197 : i32
        %add3A_199 = arith.addi %mul3A_59, %mul3A_198 : i32
        %min3A_200 = arith.constant 6383616 : i32
        %min3A_201 = arith.minsi %add3A_199, %min3A_200 : i32
        %max3A = arith.maxsi %scan3A_32#0, %add3A_196 : i32
        %scan3A_202 = arith.constant 0 : i32
        %scan3A_203 = arith.constant 256 : i32
        %scan3A_204 = arith.addi %scan3A_202, %scan3A_203 : i32
        %scan3A_205 = arith.constant 1 : i32
        %scan3A_206:2 = scf.for %scan3A_208 = %scan3A_202 to %scan3A_204 step %scan3A_205 iter_args(%scan3A_209 = %cond3A_162#0, %scan3A_210 = %cond3A_162#1) -> (i32, vector<16xf32>)  : i32 {
          %mul3A_211 = arith.constant 2 : i32
          %mul3A_212 = arith.muli %mul3A_211, %scan3A_208 : i32
          %mul3A_213 = arith.constant 2 : i32
          %mul3A_214 = arith.muli %mul3A_213, %mul3A_212 : i32
          %mul3A_215 = arith.constant 16 : i32
          %mul3A_216 = arith.muli %mul3A_214, %mul3A_215 : i32
          %add3A_217 = arith.constant 16384 : i32
          %add3A_218 = arith.addi %add3A_217, %mul3A_216 : i32
          %get3A_219 = arith.index_cast %add3A_218 : i32 to index
          %get3A_220 = tpu.vector_load %arg6[%get3A_219] {strides = array<i32>} : memref<32768xi32, #tpu.memory_space<vmem>>, vector<16xi32>,
          %get3A_221 = arith.index_cast %add3A_218 : i32 to index
          %get3A_222 = tpu.vector_load %arg7[%get3A_221] {strides = array<i32>} : memref<32768xf32, #tpu.memory_space<vmem>>, vector<16xf32>,
          %add3A_223 = arith.constant 16 : i32
          %add3A_224 = arith.addi %add3A_218, %add3A_223 : i32
          %get3A_225 = arith.index_cast %add3A_224 : i32 to index
          %get3A_226 = tpu.vector_load %arg6[%get3A_225] {strides = array<i32>} : memref<32768xi32, #tpu.memory_space<vmem>>, vector<16xi32>,
          %add3A_227 = arith.constant 16 : i32
          %add3A_228 = arith.addi %add3A_218, %add3A_227 : i32
          %get3A_229 = arith.index_cast %add3A_228 : i32 to index
          %get3A_230 = tpu.vector_load %arg7[%get3A_229] {strides = array<i32>} : memref<32768xf32, #tpu.memory_space<vmem>>, vector<16xf32>,
          %masked_sort3A_231 = arith.constant dense<true> : vector<16xi1>
          %masked_sort3A_232, %masked_sort3A_233, %masked_sort3A_234 = tpu.sort %get3A_222, %get3A_222 masked %masked_sort3A_231 {descending = true} : (vector<16xf32>, vector<16xf32>, vector<16xi1>) -> (vector<16xi1>, vector<16xf32>, vector<16xf32>)
          %masked_sort3A_235 = arith.constant dense<true> : vector<16xi1>
          %masked_sort3A_236, %masked_sort3A_237, %masked_sort3A_238 = tpu.sort %get3A_230, %get3A_230 masked %masked_sort3A_235 : (vector<16xf32>, vector<16xf32>, vector<16xi1>) -> (vector<16xi1>, vector<16xf32>, vector<16xf32>)
          %mul3A_239 = arith.constant 2 : i32
          %mul3A_240 = arith.muli %mul3A_239, %mul3A_212 : i32
          %mul3A_241 = arith.constant 16 : i32
          %mul3A_242 = arith.muli %mul3A_240, %mul3A_241 : i32
          %add3A_243 = arith.addi %min3A_201, %mul3A_242 : i32
          %ge3A = arith.cmpi sge, %add3A_243, %max3A : i32
          %add3A_244 = arith.constant 32 : i32
          %add3A_245 = arith.addi %add3A_243, %add3A_244 : i32
          %le3A = arith.cmpi sle, %add3A_245, %scan3A_32#2 : i32
          %and3A_246 = arith.andi %ge3A, %le3A : i1
          %slice3A_247 = vector.extract_strided_slice %get3A_220 {offsets = [0], sizes = [1], strides = [1]} : vector<16xi32> to vector<1xi32>
          %squeeze3A_248 = vector.extract %slice3A_247[0] : i32 from vector<1xi32>
          %eq3A_249 = arith.cmpi eq, %squeeze3A_248, %scan3A_209 : i32
          %and3A_250 = arith.andi %and3A_246, %eq3A_249 : i1
          %slice3A_251 = vector.extract_strided_slice %get3A_226 {offsets = [15], sizes = [1], strides = [1]} : vector<16xi32> to vector<1xi32>
          %squeeze3A_252 = vector.extract %slice3A_251[0] : i32 from vector<1xi32>
          %eq3A_253 = arith.cmpi eq, %squeeze3A_252, %scan3A_209 : i32
          %and3A_254 = arith.andi %and3A_250, %eq3A_253 : i1
          %convert_element_type3A_255 = arith.extui %and3A_254 : i1 to i32
          %cond3A_256 = arith.constant 0 : i32
          %cond3A_257 = arith.cmpi ne, %convert_element_type3A_255, %cond3A_256 : i32
          %cond3A_258:2 = scf.if %cond3A_257 -> (i32, vector<16xf32>) {
            %max3A_311 = arith.maximumf %masked_sort3A_233, %masked_sort3A_237 : vector<16xf32>
            %masked_sort3A_312 = arith.constant dense<true> : vector<16xi1>
            %masked_sort3A_313, %masked_sort3A_314, %masked_sort3A_315 = tpu.sort %max3A_311, %max3A_311 masked %masked_sort3A_312 : (vector<16xf32>, vector<16xf32>, vector<16xi1>) -> (vector<16xi1>, vector<16xf32>, vector<16xf32>)
            %max3A_316 = arith.maximumf %scan3A_210, %masked_sort3A_314 : vector<16xf32>
            %masked_sort3A_317 = arith.constant dense<true> : vector<16xi1>
            %masked_sort3A_318, %masked_sort3A_319, %masked_sort3A_320 = tpu.sort %max3A_316, %max3A_316 masked %masked_sort3A_317 {descending = true} : (vector<16xf32>, vector<16xf32>, vector<16xi1>) -> (vector<16xi1>, vector<16xf32>, vector<16xf32>)
            scf.yield %scan3A_209, %masked_sort3A_319 : i32, vector<16xf32>
          } else {
            %mul3A_311 = arith.constant 2 : i32
            %mul3A_312 = arith.muli %mul3A_311, %mul3A_212 : i32
            %rev3A = arith.constant 15 : i32
            %rev3A_313 = vector.broadcast %rev3A : i32 to vector<16xi32>
            %rev3A_314 = tpu.iota {dimensions = array<i32: 0>} : vector<16xi32>
            %rev3A_315 = arith.subi %rev3A_313, %rev3A_314 : vector<16xi32>
            %rev3A_316 = tpu.dynamic_gather %masked_sort3A_233[%rev3A_315] in [0] : vector<16xf32>, vector<16xi32> -> vector<16xf32>
            %mul3A_317 = arith.constant 16 : i32
            %mul3A_318 = arith.muli %mul3A_312, %mul3A_317 : i32
            %add3A_319 = arith.addi %min3A_201, %mul3A_318 : i32
            %ge3A_320 = arith.cmpi sge, %add3A_319, %max3A : i32
            %add3A_321 = arith.constant 16 : i32
            %add3A_322 = arith.addi %add3A_319, %add3A_321 : i32
            %le3A_323 = arith.cmpi sle, %add3A_322, %scan3A_32#2 : i32
            %and3A_324 = arith.andi %ge3A_320, %le3A_323 : i1
            %slice3A_325 = vector.extract_strided_slice %get3A_220 {offsets = [0], sizes = [1], strides = [1]} : vector<16xi32> to vector<1xi32>
            %squeeze3A_326 = vector.extract %slice3A_325[0] : i32 from vector<1xi32>
            %eq3A_327 = arith.cmpi eq, %squeeze3A_326, %scan3A_209 : i32
            %slice3A_328 = vector.extract_strided_slice %get3A_220 {offsets = [15], sizes = [1], strides = [1]} : vector<16xi32> to vector<1xi32>
            %squeeze3A_329 = vector.extract %slice3A_328[0] : i32 from vector<1xi32>
            %eq3A_330 = arith.cmpi eq, %squeeze3A_329, %scan3A_209 : i32
            %and3A_331 = arith.andi %eq3A_327, %eq3A_330 : i1
            %and3A_332 = arith.andi %and3A_324, %and3A_331 : i1
            %convert_element_type3A_333 = arith.extui %and3A_332 : i1 to i32
            %cond3A_334 = arith.constant 0 : i32
            %cond3A_335 = arith.cmpi ne, %convert_element_type3A_333, %cond3A_334 : i32
            %cond3A_336:2 = scf.if %cond3A_335 -> (i32, vector<16xf32>) {
              %max3A_361 = arith.maximumf %scan3A_210, %rev3A_316 : vector<16xf32>
              %masked_sort3A_362 = arith.constant dense<true> : vector<16xi1>
              %masked_sort3A_363, %masked_sort3A_364, %masked_sort3A_365 = tpu.sort %max3A_361, %max3A_361 masked %masked_sort3A_362 {descending = true} : (vector<16xf32>, vector<16xf32>, vector<16xi1>) -> (vector<16xi1>, vector<16xf32>, vector<16xf32>)
              scf.yield %scan3A_209, %masked_sort3A_364 : i32, vector<16xf32>
            } else {
              %add3A_361 = vector.broadcast %add3A_319 : i32 to vector<16xi32>
              %add3A_362 = arith.addi %add3A_361, %iota3A : vector<16xi32>
              %ge3A_363 = vector.broadcast %max3A : i32 to vector<16xi32>
              %ge3A_364 = arith.cmpi sge, %add3A_362, %ge3A_363 : vector<16xi32>
              %lt3A_365 = vector.broadcast %scan3A_32#2 : i32 to vector<16xi32>
              %lt3A_366 = arith.cmpi slt, %add3A_362, %lt3A_365 : vector<16xi32>
              %and3A_367 = arith.andi %ge3A_364, %lt3A_366 : vector<16xi1>
              %jit3A_368 = arith.constant 0xFF800000 : f32
              %broadcast_in_dim3A_369 = vector.broadcast %jit3A_368 : f32 to vector<16xf32>
              %select_n3A_370 = arith.select %and3A_367, %get3A_222, %broadcast_in_dim3A_369 : vector<16xi1>, vector<16xf32>
              %broadcast_in_dim3A_371 = vector.broadcast %scan3A_209 : i32 to vector<16xi32>
              %select_n3A_372 = arith.select %and3A_367, %get3A_220, %broadcast_in_dim3A_371 : vector<16xi1>, vector<16xi32>
              %convert_element_type3A_373 = arith.sitofp %select_n3A_372 : vector<16xi32> to vector<16xf32>
              %masked_sort3A_374 = arith.constant dense<true> : vector<16xi1>
              %masked_sort3A_375, %masked_sort3A_376, %masked_sort3A_377 = tpu.sort %convert_element_type3A_373, %convert_element_type3A_373 masked %masked_sort3A_374 {descending = true} : (vector<16xf32>, vector<16xf32>, vector<16xi1>) -> (vector<16xi1>, vector<16xf32>, vector<16xf32>)
              %slice3A_378 = vector.extract_strided_slice %masked_sort3A_376 {offsets = [0], sizes = [1], strides = [1]} : vector<16xf32> to vector<1xf32>
              %squeeze3A_379 = vector.extract %slice3A_378[0] : f32 from vector<1xf32>
              %convert_element_type3A_380 = arith.fptosi %squeeze3A_379 : f32 to i32
              %lt3A_381 = vector.broadcast %max3A : i32 to vector<16xi32>
              %lt3A_382 = arith.cmpi slt, %add3A_362, %lt3A_381 : vector<16xi32>
              %broadcast_in_dim3A_383 = vector.broadcast %scan3A_209 : i32 to vector<16xi32>
              %broadcast_in_dim3A_384 = vector.broadcast %convert_element_type3A_380 : i32 to vector<16xi32>
              %select_n3A_385 = arith.select %lt3A_382, %broadcast_in_dim3A_383, %broadcast_in_dim3A_384 : vector<16xi1>, vector<16xi32>
              %select_n3A_386 = arith.select %and3A_367, %get3A_220, %select_n3A_385 : vector<16xi1>, vector<16xi32>
              %swap3A = arith.constant 0 : index
              %swap3A_387 = tpu.vector_load %arg10[%swap3A] {strides = array<i32>} : memref<32xi32, #tpu.memory_space<vmem>>, vector<16xi32>,
              tpu.vector_store %arg10[%swap3A], %select_n3A_386 {strides = array<i32>} : memref<32xi32, #tpu.memory_space<vmem>>, vector<16xi32>,
              %while3A_388 = arith.constant 0 : i32
              %while3A_389:3 = scf.while (%while3A_390 = %while3A_388, %while3A_391 = %scan3A_209, %while3A_392 = %scan3A_210) : (i32, i32, vector<16xf32>) -> (i32, i32, vector<16xf32>) {
                %lt3A_393 = arith.constant 16 : i32
                %lt3A_394 = arith.cmpi slt, %while3A_390, %lt3A_393 : i32
                scf.condition(%lt3A_394) %while3A_390, %while3A_391, %while3A_392 : i32, i32, vector<16xf32>
              } do {
              ^bb0(%while3A_390: i32, %while3A_391: i32, %while3A_392: vector<16xf32>):
                %get3A_393 = arith.index_cast %while3A_390 : i32 to index
                %get3A_394 = tpu.vector_load %arg10[%get3A_393] {strides = array<i32>} : memref<32xi32, #tpu.memory_space<vmem>>, vector<16xi32>,
                %slice3A_395 = vector.extract_strided_slice %get3A_394 {offsets = [0], sizes = [1], strides = [1]} : vector<16xi32> to vector<1xi32>
                %squeeze3A_396 = vector.extract %slice3A_395[0] : i32 from vector<1xi32>
                %eq3A_397 = vector.broadcast %squeeze3A_396 : i32 to vector<16xi32>
                %eq3A_398 = arith.cmpi eq, %select_n3A_386, %eq3A_397 : vector<16xi32>
                %convert_element_type3A_399 = arith.extui %eq3A_398 : vector<16xi1> to vector<16xi32>
                %reduce_sum3A_400 = arith.constant true
                %reduce_sum3A_401 = vector.broadcast %reduce_sum3A_400 : i1 to vector<16xi1>
                %reduce_sum3A_402 = tpu.scan <sum>, %convert_element_type3A_399 masked %reduce_sum3A_401 : vector<16xi32>, vector<16xi1> -> vector<16xi32>
                %reduce_sum3A_403 = vector.extract %reduce_sum3A_402[15] : i32 from vector<16xi32>
                %jit3A_404 = arith.constant 0xFF800000 : f32
                %broadcast_in_dim3A_405 = vector.broadcast %jit3A_404 : f32 to vector<16xf32>
                %select_n3A_406 = arith.select %eq3A_398, %select_n3A_370, %broadcast_in_dim3A_405 : vector<16xi1>, vector<16xf32>
                %ne3A_407 = arith.cmpi ne, %squeeze3A_396, %while3A_391 : i32
                %broadcast_in_dim3A_408 = arith.constant 0xFF800000 : f32
                %broadcast_in_dim3A_409 = vector.broadcast %broadcast_in_dim3A_408 : f32 to vector<16xf32>
                %eq3A_410 = arith.cmpf oeq, %while3A_392, %broadcast_in_dim3A_409 : vector<16xf32>
                %jit3A_411 = arith.constant 0.000000e+00 : f32
                %broadcast_in_dim3A_412 = vector.broadcast %jit3A_411 : f32 to vector<16xf32>
                %select_n3A_413 = arith.select %eq3A_410, %broadcast_in_dim3A_412, %while3A_392 : vector<16xi1>, vector<16xf32>
                %mul3A_414 = arith.mulf %select_n3A_413, %div3A_11 : vector<16xf32>
                %reduce_sum3A_415 = arith.constant true
                %reduce_sum3A_416 = vector.broadcast %reduce_sum3A_415 : i1 to vector<16xi1>
                %reduce_sum3A_417 = tpu.scan <sum>, %mul3A_414 masked %reduce_sum3A_416 : vector<16xf32>, vector<16xi1> -> vector<16xf32>
                %reduce_sum3A_418 = vector.extract %reduce_sum3A_417[15] : f32 from vector<16xf32>
                %sub3A_419 = arith.subi %while3A_391, %mul3A_13 : i32
                %broadcast_in_dim3A_420 = vector.broadcast %sub3A_419 : i32 to vector<16xi32>
                %broadcast_in_dim3A_421 = vector.broadcast %reduce_sum3A_418 : f32 to vector<16xf32>
                %and3A_422 = vector.broadcast %ne3A_407 : i1 to vector<16xi1>
                %and3A_423 = arith.andi %eq3A_2, %and3A_422 : vector<16xi1>
                tpu.vector_store_idx %arg8[%broadcast_in_dim3A_420], %broadcast_in_dim3A_421 masked %and3A_423 : memref<3136xf32, #tpu.memory_space<vmem>>[vector<16xi32>], vector<16xf32>, vector<16xi1>
                %broadcast_in_dim3A_424 = arith.constant 0xFF800000 : f32
                %broadcast_in_dim3A_425 = vector.broadcast %broadcast_in_dim3A_424 : f32 to vector<16xf32>
                %select_n3A_426 = arith.select %ne3A_407, %broadcast_in_dim3A_425, %while3A_392 : vector<16xf32>
                %select_n3A_427 = arith.select %ne3A_407, %squeeze3A_396, %while3A_391 : i32
                %masked_sort3A_428 = arith.constant dense<true> : vector<16xi1>
                %masked_sort3A_429, %masked_sort3A_430, %masked_sort3A_431 = tpu.sort %select_n3A_406, %select_n3A_406 masked %masked_sort3A_428 {descending = true} : (vector<16xf32>, vector<16xf32>, vector<16xi1>) -> (vector<16xi1>, vector<16xf32>, vector<16xf32>)
                %rev3A_432 = arith.constant 15 : i32
                %rev3A_433 = vector.broadcast %rev3A_432 : i32 to vector<16xi32>
                %rev3A_434 = tpu.iota {dimensions = array<i32: 0>} : vector<16xi32>
                %rev3A_435 = arith.subi %rev3A_433, %rev3A_434 : vector<16xi32>
                %rev3A_436 = tpu.dynamic_gather %masked_sort3A_430[%rev3A_435] in [0] : vector<16xf32>, vector<16xi32> -> vector<16xf32>
                %max3A_437 = arith.maximumf %select_n3A_426, %rev3A_436 : vector<16xf32>
                %masked_sort3A_438 = arith.constant dense<true> : vector<16xi1>
                %masked_sort3A_439, %masked_sort3A_440, %masked_sort3A_441 = tpu.sort %max3A_437, %max3A_437 masked %masked_sort3A_438 {descending = true} : (vector<16xf32>, vector<16xf32>, vector<16xi1>) -> (vector<16xi1>, vector<16xf32>, vector<16xf32>)
                %add3A_442 = arith.addi %while3A_390, %reduce_sum3A_403 : i32
                scf.yield %add3A_442, %select_n3A_427, %masked_sort3A_440 : i32, i32, vector<16xf32>
              }
              scf.yield %while3A_389#1, %while3A_389#2 : i32, vector<16xf32>
            }
            %mul3A_337 = arith.constant 2 : i32
            %mul3A_338 = arith.muli %mul3A_337, %mul3A_212 : i32
            %add3A_339 = arith.constant 1 : i32
            %add3A_340 = arith.addi %mul3A_338, %add3A_339 : i32
            %mul3A_341 = arith.constant 16 : i32
            %mul3A_342 = arith.muli %add3A_340, %mul3A_341 : i32
            %add3A_343 = arith.addi %min3A_201, %mul3A_342 : i32
            %ge3A_344 = arith.cmpi sge, %add3A_343, %max3A : i32
            %add3A_345 = arith.constant 16 : i32
            %add3A_346 = arith.addi %add3A_343, %add3A_345 : i32
            %le3A_347 = arith.cmpi sle, %add3A_346, %scan3A_32#2 : i32
            %and3A_348 = arith.andi %ge3A_344, %le3A_347 : i1
            %slice3A_349 = vector.extract_strided_slice %get3A_226 {offsets = [0], sizes = [1], strides = [1]} : vector<16xi32> to vector<1xi32>
            %squeeze3A_350 = vector.extract %slice3A_349[0] : i32 from vector<1xi32>
            %eq3A_351 = arith.cmpi eq, %squeeze3A_350, %cond3A_336#0 : i32
            %slice3A_352 = vector.extract_strided_slice %get3A_226 {offsets = [15], sizes = [1], strides = [1]} : vector<16xi32> to vector<1xi32>
            %squeeze3A_353 = vector.extract %slice3A_352[0] : i32 from vector<1xi32>
            %eq3A_354 = arith.cmpi eq, %squeeze3A_353, %cond3A_336#0 : i32
            %and3A_355 = arith.andi %eq3A_351, %eq3A_354 : i1
            %and3A_356 = arith.andi %and3A_348, %and3A_355 : i1
            %convert_element_type3A_357 = arith.extui %and3A_356 : i1 to i32
            %cond3A_358 = arith.constant 0 : i32
            %cond3A_359 = arith.cmpi ne, %convert_element_type3A_357, %cond3A_358 : i32
            %cond3A_360:2 = scf.if %cond3A_359 -> (i32, vector<16xf32>) {
              %max3A_361 = arith.maximumf %cond3A_336#1, %masked_sort3A_237 : vector<16xf32>
              %masked_sort3A_362 = arith.constant dense<true> : vector<16xi1>
              %masked_sort3A_363, %masked_sort3A_364, %masked_sort3A_365 = tpu.sort %max3A_361, %max3A_361 masked %masked_sort3A_362 {descending = true} : (vector<16xf32>, vector<16xf32>, vector<16xi1>) -> (vector<16xi1>, vector<16xf32>, vector<16xf32>)
              scf.yield %cond3A_336#0, %masked_sort3A_364 : i32, vector<16xf32>
            } else {
              %add3A_361 = vector.broadcast %add3A_343 : i32 to vector<16xi32>
              %add3A_362 = arith.addi %add3A_361, %iota3A : vector<16xi32>
              %ge3A_363 = vector.broadcast %max3A : i32 to vector<16xi32>
              %ge3A_364 = arith.cmpi sge, %add3A_362, %ge3A_363 : vector<16xi32>
              %lt3A_365 = vector.broadcast %scan3A_32#2 : i32 to vector<16xi32>
              %lt3A_366 = arith.cmpi slt, %add3A_362, %lt3A_365 : vector<16xi32>
              %and3A_367 = arith.andi %ge3A_364, %lt3A_366 : vector<16xi1>
              %jit3A_368 = arith.constant 0xFF800000 : f32
              %broadcast_in_dim3A_369 = vector.broadcast %jit3A_368 : f32 to vector<16xf32>
              %select_n3A_370 = arith.select %and3A_367, %get3A_230, %broadcast_in_dim3A_369 : vector<16xi1>, vector<16xf32>
              %broadcast_in_dim3A_371 = vector.broadcast %cond3A_336#0 : i32 to vector<16xi32>
              %select_n3A_372 = arith.select %and3A_367, %get3A_226, %broadcast_in_dim3A_371 : vector<16xi1>, vector<16xi32>
              %convert_element_type3A_373 = arith.sitofp %select_n3A_372 : vector<16xi32> to vector<16xf32>
              %masked_sort3A_374 = arith.constant dense<true> : vector<16xi1>
              %masked_sort3A_375, %masked_sort3A_376, %masked_sort3A_377 = tpu.sort %convert_element_type3A_373, %convert_element_type3A_373 masked %masked_sort3A_374 {descending = true} : (vector<16xf32>, vector<16xf32>, vector<16xi1>) -> (vector<16xi1>, vector<16xf32>, vector<16xf32>)
              %slice3A_378 = vector.extract_strided_slice %masked_sort3A_376 {offsets = [0], sizes = [1], strides = [1]} : vector<16xf32> to vector<1xf32>
              %squeeze3A_379 = vector.extract %slice3A_378[0] : f32 from vector<1xf32>
              %convert_element_type3A_380 = arith.fptosi %squeeze3A_379 : f32 to i32
              %lt3A_381 = vector.broadcast %max3A : i32 to vector<16xi32>
              %lt3A_382 = arith.cmpi slt, %add3A_362, %lt3A_381 : vector<16xi32>
              %broadcast_in_dim3A_383 = vector.broadcast %cond3A_336#0 : i32 to vector<16xi32>
              %broadcast_in_dim3A_384 = vector.broadcast %convert_element_type3A_380 : i32 to vector<16xi32>
              %select_n3A_385 = arith.select %lt3A_382, %broadcast_in_dim3A_383, %broadcast_in_dim3A_384 : vector<16xi1>, vector<16xi32>
              %select_n3A_386 = arith.select %and3A_367, %get3A_226, %select_n3A_385 : vector<16xi1>, vector<16xi32>
              %swap3A = arith.constant 0 : index
              %swap3A_387 = tpu.vector_load %arg10[%swap3A] {strides = array<i32>} : memref<32xi32, #tpu.memory_space<vmem>>, vector<16xi32>,
              tpu.vector_store %arg10[%swap3A], %select_n3A_386 {strides = array<i32>} : memref<32xi32, #tpu.memory_space<vmem>>, vector<16xi32>,
              %while3A_388 = arith.constant 0 : i32
              %while3A_389:3 = scf.while (%while3A_390 = %while3A_388, %while3A_391 = %cond3A_336#0, %while3A_392 = %cond3A_336#1) : (i32, i32, vector<16xf32>) -> (i32, i32, vector<16xf32>) {
                %lt3A_393 = arith.constant 16 : i32
                %lt3A_394 = arith.cmpi slt, %while3A_390, %lt3A_393 : i32
                scf.condition(%lt3A_394) %while3A_390, %while3A_391, %while3A_392 : i32, i32, vector<16xf32>
              } do {
              ^bb0(%while3A_390: i32, %while3A_391: i32, %while3A_392: vector<16xf32>):
                %get3A_393 = arith.index_cast %while3A_390 : i32 to index
                %get3A_394 = tpu.vector_load %arg10[%get3A_393] {strides = array<i32>} : memref<32xi32, #tpu.memory_space<vmem>>, vector<16xi32>,
                %slice3A_395 = vector.extract_strided_slice %get3A_394 {offsets = [0], sizes = [1], strides = [1]} : vector<16xi32> to vector<1xi32>
                %squeeze3A_396 = vector.extract %slice3A_395[0] : i32 from vector<1xi32>
                %eq3A_397 = vector.broadcast %squeeze3A_396 : i32 to vector<16xi32>
                %eq3A_398 = arith.cmpi eq, %select_n3A_386, %eq3A_397 : vector<16xi32>
                %convert_element_type3A_399 = arith.extui %eq3A_398 : vector<16xi1> to vector<16xi32>
                %reduce_sum3A_400 = arith.constant true
                %reduce_sum3A_401 = vector.broadcast %reduce_sum3A_400 : i1 to vector<16xi1>
                %reduce_sum3A_402 = tpu.scan <sum>, %convert_element_type3A_399 masked %reduce_sum3A_401 : vector<16xi32>, vector<16xi1> -> vector<16xi32>
                %reduce_sum3A_403 = vector.extract %reduce_sum3A_402[15] : i32 from vector<16xi32>
                %jit3A_404 = arith.constant 0xFF800000 : f32
                %broadcast_in_dim3A_405 = vector.broadcast %jit3A_404 : f32 to vector<16xf32>
                %select_n3A_406 = arith.select %eq3A_398, %select_n3A_370, %broadcast_in_dim3A_405 : vector<16xi1>, vector<16xf32>
                %ne3A_407 = arith.cmpi ne, %squeeze3A_396, %while3A_391 : i32
                %broadcast_in_dim3A_408 = arith.constant 0xFF800000 : f32
                %broadcast_in_dim3A_409 = vector.broadcast %broadcast_in_dim3A_408 : f32 to vector<16xf32>
                %eq3A_410 = arith.cmpf oeq, %while3A_392, %broadcast_in_dim3A_409 : vector<16xf32>
                %jit3A_411 = arith.constant 0.000000e+00 : f32
                %broadcast_in_dim3A_412 = vector.broadcast %jit3A_411 : f32 to vector<16xf32>
                %select_n3A_413 = arith.select %eq3A_410, %broadcast_in_dim3A_412, %while3A_392 : vector<16xi1>, vector<16xf32>
                %mul3A_414 = arith.mulf %select_n3A_413, %div3A_11 : vector<16xf32>
                %reduce_sum3A_415 = arith.constant true
                %reduce_sum3A_416 = vector.broadcast %reduce_sum3A_415 : i1 to vector<16xi1>
                %reduce_sum3A_417 = tpu.scan <sum>, %mul3A_414 masked %reduce_sum3A_416 : vector<16xf32>, vector<16xi1> -> vector<16xf32>
                %reduce_sum3A_418 = vector.extract %reduce_sum3A_417[15] : f32 from vector<16xf32>
                %sub3A_419 = arith.subi %while3A_391, %mul3A_13 : i32
                %broadcast_in_dim3A_420 = vector.broadcast %sub3A_419 : i32 to vector<16xi32>
                %broadcast_in_dim3A_421 = vector.broadcast %reduce_sum3A_418 : f32 to vector<16xf32>
                %and3A_422 = vector.broadcast %ne3A_407 : i1 to vector<16xi1>
                %and3A_423 = arith.andi %eq3A_2, %and3A_422 : vector<16xi1>
                tpu.vector_store_idx %arg8[%broadcast_in_dim3A_420], %broadcast_in_dim3A_421 masked %and3A_423 : memref<3136xf32, #tpu.memory_space<vmem>>[vector<16xi32>], vector<16xf32>, vector<16xi1>
                %broadcast_in_dim3A_424 = arith.constant 0xFF800000 : f32
                %broadcast_in_dim3A_425 = vector.broadcast %broadcast_in_dim3A_424 : f32 to vector<16xf32>
                %select_n3A_426 = arith.select %ne3A_407, %broadcast_in_dim3A_425, %while3A_392 : vector<16xf32>
                %select_n3A_427 = arith.select %ne3A_407, %squeeze3A_396, %while3A_391 : i32
                %masked_sort3A_428 = arith.constant dense<true> : vector<16xi1>
                %masked_sort3A_429, %masked_sort3A_430, %masked_sort3A_431 = tpu.sort %select_n3A_406, %select_n3A_406 masked %masked_sort3A_428 {descending = true} : (vector<16xf32>, vector<16xf32>, vector<16xi1>) -> (vector<16xi1>, vector<16xf32>, vector<16xf32>)
                %rev3A_432 = arith.constant 15 : i32
                %rev3A_433 = vector.broadcast %rev3A_432 : i32 to vector<16xi32>
                %rev3A_434 = tpu.iota {dimensions = array<i32: 0>} : vector<16xi32>
                %rev3A_435 = arith.subi %rev3A_433, %rev3A_434 : vector<16xi32>
                %rev3A_436 = tpu.dynamic_gather %masked_sort3A_430[%rev3A_435] in [0] : vector<16xf32>, vector<16xi32> -> vector<16xf32>
                %max3A_437 = arith.maximumf %select_n3A_426, %rev3A_436 : vector<16xf32>
                %masked_sort3A_438 = arith.constant dense<true> : vector<16xi1>
                %masked_sort3A_439, %masked_sort3A_440, %masked_sort3A_441 = tpu.sort %max3A_437, %max3A_437 masked %masked_sort3A_438 {descending = true} : (vector<16xf32>, vector<16xf32>, vector<16xi1>) -> (vector<16xi1>, vector<16xf32>, vector<16xf32>)
                %add3A_442 = arith.addi %while3A_390, %reduce_sum3A_403 : i32
                scf.yield %add3A_442, %select_n3A_427, %masked_sort3A_440 : i32, i32, vector<16xf32>
              }
              scf.yield %while3A_389#1, %while3A_389#2 : i32, vector<16xf32>
            }
            scf.yield %cond3A_360#0, %cond3A_360#1 : i32, vector<16xf32>
          }
          %mul3A_259 = arith.constant 2 : i32
          %mul3A_260 = arith.muli %mul3A_259, %scan3A_208 : i32
          %add3A_261 = arith.constant 1 : i32
          %add3A_262 = arith.addi %mul3A_260, %add3A_261 : i32
          %mul3A_263 = arith.constant 2 : i32
          %mul3A_264 = arith.muli %mul3A_263, %add3A_262 : i32
          %mul3A_265 = arith.constant 16 : i32
          %mul3A_266 = arith.muli %mul3A_264, %mul3A_265 : i32
          %add3A_267 = arith.constant 16384 : i32
          %add3A_268 = arith.addi %add3A_267, %mul3A_266 : i32
          %get3A_269 = arith.index_cast %add3A_268 : i32 to index
          %get3A_270 = tpu.vector_load %arg6[%get3A_269] {strides = array<i32>} : memref<32768xi32, #tpu.memory_space<vmem>>, vector<16xi32>,
          %get3A_271 = arith.index_cast %add3A_268 : i32 to index
          %get3A_272 = tpu.vector_load %arg7[%get3A_271] {strides = array<i32>} : memref<32768xf32, #tpu.memory_space<vmem>>, vector<16xf32>,
          %add3A_273 = arith.constant 16 : i32
          %add3A_274 = arith.addi %add3A_268, %add3A_273 : i32
          %get3A_275 = arith.index_cast %add3A_274 : i32 to index
          %get3A_276 = tpu.vector_load %arg6[%get3A_275] {strides = array<i32>} : memref<32768xi32, #tpu.memory_space<vmem>>, vector<16xi32>,
          %add3A_277 = arith.constant 16 : i32
          %add3A_278 = arith.addi %add3A_268, %add3A_277 : i32
          %get3A_279 = arith.index_cast %add3A_278 : i32 to index
          %get3A_280 = tpu.vector_load %arg7[%get3A_279] {strides = array<i32>} : memref<32768xf32, #tpu.memory_space<vmem>>, vector<16xf32>,
          %masked_sort3A_281 = arith.constant dense<true> : vector<16xi1>
          %masked_sort3A_282, %masked_sort3A_283, %masked_sort3A_284 = tpu.sort %get3A_272, %get3A_272 masked %masked_sort3A_281 {descending = true} : (vector<16xf32>, vector<16xf32>, vector<16xi1>) -> (vector<16xi1>, vector<16xf32>, vector<16xf32>)
          %masked_sort3A_285 = arith.constant dense<true> : vector<16xi1>
          %masked_sort3A_286, %masked_sort3A_287, %masked_sort3A_288 = tpu.sort %get3A_280, %get3A_280 masked %masked_sort3A_285 : (vector<16xf32>, vector<16xf32>, vector<16xi1>) -> (vector<16xi1>, vector<16xf32>, vector<16xf32>)
          %mul3A_289 = arith.constant 2 : i32
          %mul3A_290 = arith.muli %mul3A_289, %add3A_262 : i32
          %mul3A_291 = arith.constant 16 : i32
          %mul3A_292 = arith.muli %mul3A_290, %mul3A_291 : i32
          %add3A_293 = arith.addi %min3A_201, %mul3A_292 : i32
          %ge3A_294 = arith.cmpi sge, %add3A_293, %max3A : i32
          %add3A_295 = arith.constant 32 : i32
          %add3A_296 = arith.addi %add3A_293, %add3A_295 : i32
          %le3A_297 = arith.cmpi sle, %add3A_296, %scan3A_32#2 : i32
          %and3A_298 = arith.andi %ge3A_294, %le3A_297 : i1
          %slice3A_299 = vector.extract_strided_slice %get3A_270 {offsets = [0], sizes = [1], strides = [1]} : vector<16xi32> to vector<1xi32>
          %squeeze3A_300 = vector.extract %slice3A_299[0] : i32 from vector<1xi32>
          %eq3A_301 = arith.cmpi eq, %squeeze3A_300, %cond3A_258#0 : i32
          %and3A_302 = arith.andi %and3A_298, %eq3A_301 : i1
          %slice3A_303 = vector.extract_strided_slice %get3A_276 {offsets = [15], sizes = [1], strides = [1]} : vector<16xi32> to vector<1xi32>
          %squeeze3A_304 = vector.extract %slice3A_303[0] : i32 from vector<1xi32>
          %eq3A_305 = arith.cmpi eq, %squeeze3A_304, %cond3A_258#0 : i32
          %and3A_306 = arith.andi %and3A_302, %eq3A_305 : i1
          %convert_element_type3A_307 = arith.extui %and3A_306 : i1 to i32
          %cond3A_308 = arith.constant 0 : i32
          %cond3A_309 = arith.cmpi ne, %convert_element_type3A_307, %cond3A_308 : i32
          %cond3A_310:2 = scf.if %cond3A_309 -> (i32, vector<16xf32>) {
            %max3A_311 = arith.maximumf %masked_sort3A_283, %masked_sort3A_287 : vector<16xf32>
            %masked_sort3A_312 = arith.constant dense<true> : vector<16xi1>
            %masked_sort3A_313, %masked_sort3A_314, %masked_sort3A_315 = tpu.sort %max3A_311, %max3A_311 masked %masked_sort3A_312 : (vector<16xf32>, vector<16xf32>, vector<16xi1>) -> (vector<16xi1>, vector<16xf32>, vector<16xf32>)
            %max3A_316 = arith.maximumf %cond3A_258#1, %masked_sort3A_314 : vector<16xf32>
            %masked_sort3A_317 = arith.constant dense<true> : vector<16xi1>
            %masked_sort3A_318, %masked_sort3A_319, %masked_sort3A_320 = tpu.sort %max3A_316, %max3A_316 masked %masked_sort3A_317 {descending = true} : (vector<16xf32>, vector<16xf32>, vector<16xi1>) -> (vector<16xi1>, vector<16xf32>, vector<16xf32>)
            scf.yield %cond3A_258#0, %masked_sort3A_319 : i32, vector<16xf32>
          } else {
            %mul3A_311 = arith.constant 2 : i32
            %mul3A_312 = arith.muli %mul3A_311, %add3A_262 : i32
            %rev3A = arith.constant 15 : i32
            %rev3A_313 = vector.broadcast %rev3A : i32 to vector<16xi32>
            %rev3A_314 = tpu.iota {dimensions = array<i32: 0>} : vector<16xi32>
            %rev3A_315 = arith.subi %rev3A_313, %rev3A_314 : vector<16xi32>
            %rev3A_316 = tpu.dynamic_gather %masked_sort3A_283[%rev3A_315] in [0] : vector<16xf32>, vector<16xi32> -> vector<16xf32>
            %mul3A_317 = arith.constant 16 : i32
            %mul3A_318 = arith.muli %mul3A_312, %mul3A_317 : i32
            %add3A_319 = arith.addi %min3A_201, %mul3A_318 : i32
            %ge3A_320 = arith.cmpi sge, %add3A_319, %max3A : i32
            %add3A_321 = arith.constant 16 : i32
            %add3A_322 = arith.addi %add3A_319, %add3A_321 : i32
            %le3A_323 = arith.cmpi sle, %add3A_322, %scan3A_32#2 : i32
            %and3A_324 = arith.andi %ge3A_320, %le3A_323 : i1
            %slice3A_325 = vector.extract_strided_slice %get3A_270 {offsets = [0], sizes = [1], strides = [1]} : vector<16xi32> to vector<1xi32>
            %squeeze3A_326 = vector.extract %slice3A_325[0] : i32 from vector<1xi32>
            %eq3A_327 = arith.cmpi eq, %squeeze3A_326, %cond3A_258#0 : i32
            %slice3A_328 = vector.extract_strided_slice %get3A_270 {offsets = [15], sizes = [1], strides = [1]} : vector<16xi32> to vector<1xi32>
            %squeeze3A_329 = vector.extract %slice3A_328[0] : i32 from vector<1xi32>
            %eq3A_330 = arith.cmpi eq, %squeeze3A_329, %cond3A_258#0 : i32
            %and3A_331 = arith.andi %eq3A_327, %eq3A_330 : i1
            %and3A_332 = arith.andi %and3A_324, %and3A_331 : i1
            %convert_element_type3A_333 = arith.extui %and3A_332 : i1 to i32
            %cond3A_334 = arith.constant 0 : i32
            %cond3A_335 = arith.cmpi ne, %convert_element_type3A_333, %cond3A_334 : i32
            %cond3A_336:2 = scf.if %cond3A_335 -> (i32, vector<16xf32>) {
              %max3A_361 = arith.maximumf %cond3A_258#1, %rev3A_316 : vector<16xf32>
              %masked_sort3A_362 = arith.constant dense<true> : vector<16xi1>
              %masked_sort3A_363, %masked_sort3A_364, %masked_sort3A_365 = tpu.sort %max3A_361, %max3A_361 masked %masked_sort3A_362 {descending = true} : (vector<16xf32>, vector<16xf32>, vector<16xi1>) -> (vector<16xi1>, vector<16xf32>, vector<16xf32>)
              scf.yield %cond3A_258#0, %masked_sort3A_364 : i32, vector<16xf32>
            } else {
              %add3A_361 = vector.broadcast %add3A_319 : i32 to vector<16xi32>
              %add3A_362 = arith.addi %add3A_361, %iota3A : vector<16xi32>
              %ge3A_363 = vector.broadcast %max3A : i32 to vector<16xi32>
              %ge3A_364 = arith.cmpi sge, %add3A_362, %ge3A_363 : vector<16xi32>
              %lt3A_365 = vector.broadcast %scan3A_32#2 : i32 to vector<16xi32>
              %lt3A_366 = arith.cmpi slt, %add3A_362, %lt3A_365 : vector<16xi32>
              %and3A_367 = arith.andi %ge3A_364, %lt3A_366 : vector<16xi1>
              %jit3A_368 = arith.constant 0xFF800000 : f32
              %broadcast_in_dim3A_369 = vector.broadcast %jit3A_368 : f32 to vector<16xf32>
              %select_n3A_370 = arith.select %and3A_367, %get3A_272, %broadcast_in_dim3A_369 : vector<16xi1>, vector<16xf32>
              %broadcast_in_dim3A_371 = vector.broadcast %cond3A_258#0 : i32 to vector<16xi32>
              %select_n3A_372 = arith.select %and3A_367, %get3A_270, %broadcast_in_dim3A_371 : vector<16xi1>, vector<16xi32>
              %convert_element_type3A_373 = arith.sitofp %select_n3A_372 : vector<16xi32> to vector<16xf32>
              %masked_sort3A_374 = arith.constant dense<true> : vector<16xi1>
              %masked_sort3A_375, %masked_sort3A_376, %masked_sort3A_377 = tpu.sort %convert_element_type3A_373, %convert_element_type3A_373 masked %masked_sort3A_374 {descending = true} : (vector<16xf32>, vector<16xf32>, vector<16xi1>) -> (vector<16xi1>, vector<16xf32>, vector<16xf32>)
              %slice3A_378 = vector.extract_strided_slice %masked_sort3A_376 {offsets = [0], sizes = [1], strides = [1]} : vector<16xf32> to vector<1xf32>
              %squeeze3A_379 = vector.extract %slice3A_378[0] : f32 from vector<1xf32>
              %convert_element_type3A_380 = arith.fptosi %squeeze3A_379 : f32 to i32
              %lt3A_381 = vector.broadcast %max3A : i32 to vector<16xi32>
              %lt3A_382 = arith.cmpi slt, %add3A_362, %lt3A_381 : vector<16xi32>
              %broadcast_in_dim3A_383 = vector.broadcast %cond3A_258#0 : i32 to vector<16xi32>
              %broadcast_in_dim3A_384 = vector.broadcast %convert_element_type3A_380 : i32 to vector<16xi32>
              %select_n3A_385 = arith.select %lt3A_382, %broadcast_in_dim3A_383, %broadcast_in_dim3A_384 : vector<16xi1>, vector<16xi32>
              %select_n3A_386 = arith.select %and3A_367, %get3A_270, %select_n3A_385 : vector<16xi1>, vector<16xi32>
              %swap3A = arith.constant 0 : index
              %swap3A_387 = tpu.vector_load %arg10[%swap3A] {strides = array<i32>} : memref<32xi32, #tpu.memory_space<vmem>>, vector<16xi32>,
              tpu.vector_store %arg10[%swap3A], %select_n3A_386 {strides = array<i32>} : memref<32xi32, #tpu.memory_space<vmem>>, vector<16xi32>,
              %while3A_388 = arith.constant 0 : i32
              %while3A_389:3 = scf.while (%while3A_390 = %while3A_388, %while3A_391 = %cond3A_258#0, %while3A_392 = %cond3A_258#1) : (i32, i32, vector<16xf32>) -> (i32, i32, vector<16xf32>) {
                %lt3A_393 = arith.constant 16 : i32
                %lt3A_394 = arith.cmpi slt, %while3A_390, %lt3A_393 : i32
                scf.condition(%lt3A_394) %while3A_390, %while3A_391, %while3A_392 : i32, i32, vector<16xf32>
              } do {
              ^bb0(%while3A_390: i32, %while3A_391: i32, %while3A_392: vector<16xf32>):
                %get3A_393 = arith.index_cast %while3A_390 : i32 to index
                %get3A_394 = tpu.vector_load %arg10[%get3A_393] {strides = array<i32>} : memref<32xi32, #tpu.memory_space<vmem>>, vector<16xi32>,
                %slice3A_395 = vector.extract_strided_slice %get3A_394 {offsets = [0], sizes = [1], strides = [1]} : vector<16xi32> to vector<1xi32>
                %squeeze3A_396 = vector.extract %slice3A_395[0] : i32 from vector<1xi32>
                %eq3A_397 = vector.broadcast %squeeze3A_396 : i32 to vector<16xi32>
                %eq3A_398 = arith.cmpi eq, %select_n3A_386, %eq3A_397 : vector<16xi32>
                %convert_element_type3A_399 = arith.extui %eq3A_398 : vector<16xi1> to vector<16xi32>
                %reduce_sum3A_400 = arith.constant true
                %reduce_sum3A_401 = vector.broadcast %reduce_sum3A_400 : i1 to vector<16xi1>
                %reduce_sum3A_402 = tpu.scan <sum>, %convert_element_type3A_399 masked %reduce_sum3A_401 : vector<16xi32>, vector<16xi1> -> vector<16xi32>
                %reduce_sum3A_403 = vector.extract %reduce_sum3A_402[15] : i32 from vector<16xi32>
                %jit3A_404 = arith.constant 0xFF800000 : f32
                %broadcast_in_dim3A_405 = vector.broadcast %jit3A_404 : f32 to vector<16xf32>
                %select_n3A_406 = arith.select %eq3A_398, %select_n3A_370, %broadcast_in_dim3A_405 : vector<16xi1>, vector<16xf32>
                %ne3A_407 = arith.cmpi ne, %squeeze3A_396, %while3A_391 : i32
                %broadcast_in_dim3A_408 = arith.constant 0xFF800000 : f32
                %broadcast_in_dim3A_409 = vector.broadcast %broadcast_in_dim3A_408 : f32 to vector<16xf32>
                %eq3A_410 = arith.cmpf oeq, %while3A_392, %broadcast_in_dim3A_409 : vector<16xf32>
                %jit3A_411 = arith.constant 0.000000e+00 : f32
                %broadcast_in_dim3A_412 = vector.broadcast %jit3A_411 : f32 to vector<16xf32>
                %select_n3A_413 = arith.select %eq3A_410, %broadcast_in_dim3A_412, %while3A_392 : vector<16xi1>, vector<16xf32>
                %mul3A_414 = arith.mulf %select_n3A_413, %div3A_11 : vector<16xf32>
                %reduce_sum3A_415 = arith.constant true
                %reduce_sum3A_416 = vector.broadcast %reduce_sum3A_415 : i1 to vector<16xi1>
                %reduce_sum3A_417 = tpu.scan <sum>, %mul3A_414 masked %reduce_sum3A_416 : vector<16xf32>, vector<16xi1> -> vector<16xf32>
                %reduce_sum3A_418 = vector.extract %reduce_sum3A_417[15] : f32 from vector<16xf32>
                %sub3A_419 = arith.subi %while3A_391, %mul3A_13 : i32
                %broadcast_in_dim3A_420 = vector.broadcast %sub3A_419 : i32 to vector<16xi32>
                %broadcast_in_dim3A_421 = vector.broadcast %reduce_sum3A_418 : f32 to vector<16xf32>
                %and3A_422 = vector.broadcast %ne3A_407 : i1 to vector<16xi1>
                %and3A_423 = arith.andi %eq3A_2, %and3A_422 : vector<16xi1>
                tpu.vector_store_idx %arg8[%broadcast_in_dim3A_420], %broadcast_in_dim3A_421 masked %and3A_423 : memref<3136xf32, #tpu.memory_space<vmem>>[vector<16xi32>], vector<16xf32>, vector<16xi1>
                %broadcast_in_dim3A_424 = arith.constant 0xFF800000 : f32
                %broadcast_in_dim3A_425 = vector.broadcast %broadcast_in_dim3A_424 : f32 to vector<16xf32>
                %select_n3A_426 = arith.select %ne3A_407, %broadcast_in_dim3A_425, %while3A_392 : vector<16xf32>
                %select_n3A_427 = arith.select %ne3A_407, %squeeze3A_396, %while3A_391 : i32
                %masked_sort3A_428 = arith.constant dense<true> : vector<16xi1>
                %masked_sort3A_429, %masked_sort3A_430, %masked_sort3A_431 = tpu.sort %select_n3A_406, %select_n3A_406 masked %masked_sort3A_428 {descending = true} : (vector<16xf32>, vector<16xf32>, vector<16xi1>) -> (vector<16xi1>, vector<16xf32>, vector<16xf32>)
                %rev3A_432 = arith.constant 15 : i32
                %rev3A_433 = vector.broadcast %rev3A_432 : i32 to vector<16xi32>
                %rev3A_434 = tpu.iota {dimensions = array<i32: 0>} : vector<16xi32>
                %rev3A_435 = arith.subi %rev3A_433, %rev3A_434 : vector<16xi32>
                %rev3A_436 = tpu.dynamic_gather %masked_sort3A_430[%rev3A_435] in [0] : vector<16xf32>, vector<16xi32> -> vector<16xf32>
                %max3A_437 = arith.maximumf %select_n3A_426, %rev3A_436 : vector<16xf32>
                %masked_sort3A_438 = arith.constant dense<true> : vector<16xi1>
                %masked_sort3A_439, %masked_sort3A_440, %masked_sort3A_441 = tpu.sort %max3A_437, %max3A_437 masked %masked_sort3A_438 {descending = true} : (vector<16xf32>, vector<16xf32>, vector<16xi1>) -> (vector<16xi1>, vector<16xf32>, vector<16xf32>)
                %add3A_442 = arith.addi %while3A_390, %reduce_sum3A_403 : i32
                scf.yield %add3A_442, %select_n3A_427, %masked_sort3A_440 : i32, i32, vector<16xf32>
              }
              scf.yield %while3A_389#1, %while3A_389#2 : i32, vector<16xf32>
            }
            %mul3A_337 = arith.constant 2 : i32
            %mul3A_338 = arith.muli %mul3A_337, %add3A_262 : i32
            %add3A_339 = arith.constant 1 : i32
            %add3A_340 = arith.addi %mul3A_338, %add3A_339 : i32
            %mul3A_341 = arith.constant 16 : i32
            %mul3A_342 = arith.muli %add3A_340, %mul3A_341 : i32
            %add3A_343 = arith.addi %min3A_201, %mul3A_342 : i32
            %ge3A_344 = arith.cmpi sge, %add3A_343, %max3A : i32
            %add3A_345 = arith.constant 16 : i32
            %add3A_346 = arith.addi %add3A_343, %add3A_345 : i32
            %le3A_347 = arith.cmpi sle, %add3A_346, %scan3A_32#2 : i32
            %and3A_348 = arith.andi %ge3A_344, %le3A_347 : i1
            %slice3A_349 = vector.extract_strided_slice %get3A_276 {offsets = [0], sizes = [1], strides = [1]} : vector<16xi32> to vector<1xi32>
            %squeeze3A_350 = vector.extract %slice3A_349[0] : i32 from vector<1xi32>
            %eq3A_351 = arith.cmpi eq, %squeeze3A_350, %cond3A_336#0 : i32
            %slice3A_352 = vector.extract_strided_slice %get3A_276 {offsets = [15], sizes = [1], strides = [1]} : vector<16xi32> to vector<1xi32>
            %squeeze3A_353 = vector.extract %slice3A_352[0] : i32 from vector<1xi32>
            %eq3A_354 = arith.cmpi eq, %squeeze3A_353, %cond3A_336#0 : i32
            %and3A_355 = arith.andi %eq3A_351, %eq3A_354 : i1
            %and3A_356 = arith.andi %and3A_348, %and3A_355 : i1
            %convert_element_type3A_357 = arith.extui %and3A_356 : i1 to i32
            %cond3A_358 = arith.constant 0 : i32
            %cond3A_359 = arith.cmpi ne, %convert_element_type3A_357, %cond3A_358 : i32
            %cond3A_360:2 = scf.if %cond3A_359 -> (i32, vector<16xf32>) {
              %max3A_361 = arith.maximumf %cond3A_336#1, %masked_sort3A_287 : vector<16xf32>
              %masked_sort3A_362 = arith.constant dense<true> : vector<16xi1>
              %masked_sort3A_363, %masked_sort3A_364, %masked_sort3A_365 = tpu.sort %max3A_361, %max3A_361 masked %masked_sort3A_362 {descending = true} : (vector<16xf32>, vector<16xf32>, vector<16xi1>) -> (vector<16xi1>, vector<16xf32>, vector<16xf32>)
              scf.yield %cond3A_336#0, %masked_sort3A_364 : i32, vector<16xf32>
            } else {
              %add3A_361 = vector.broadcast %add3A_343 : i32 to vector<16xi32>
              %add3A_362 = arith.addi %add3A_361, %iota3A : vector<16xi32>
              %ge3A_363 = vector.broadcast %max3A : i32 to vector<16xi32>
              %ge3A_364 = arith.cmpi sge, %add3A_362, %ge3A_363 : vector<16xi32>
              %lt3A_365 = vector.broadcast %scan3A_32#2 : i32 to vector<16xi32>
              %lt3A_366 = arith.cmpi slt, %add3A_362, %lt3A_365 : vector<16xi32>
              %and3A_367 = arith.andi %ge3A_364, %lt3A_366 : vector<16xi1>
              %jit3A_368 = arith.constant 0xFF800000 : f32
              %broadcast_in_dim3A_369 = vector.broadcast %jit3A_368 : f32 to vector<16xf32>
              %select_n3A_370 = arith.select %and3A_367, %get3A_280, %broadcast_in_dim3A_369 : vector<16xi1>, vector<16xf32>
              %broadcast_in_dim3A_371 = vector.broadcast %cond3A_336#0 : i32 to vector<16xi32>
              %select_n3A_372 = arith.select %and3A_367, %get3A_276, %broadcast_in_dim3A_371 : vector<16xi1>, vector<16xi32>
              %convert_element_type3A_373 = arith.sitofp %select_n3A_372 : vector<16xi32> to vector<16xf32>
              %masked_sort3A_374 = arith.constant dense<true> : vector<16xi1>
              %masked_sort3A_375, %masked_sort3A_376, %masked_sort3A_377 = tpu.sort %convert_element_type3A_373, %convert_element_type3A_373 masked %masked_sort3A_374 {descending = true} : (vector<16xf32>, vector<16xf32>, vector<16xi1>) -> (vector<16xi1>, vector<16xf32>, vector<16xf32>)
              %slice3A_378 = vector.extract_strided_slice %masked_sort3A_376 {offsets = [0], sizes = [1], strides = [1]} : vector<16xf32> to vector<1xf32>
              %squeeze3A_379 = vector.extract %slice3A_378[0] : f32 from vector<1xf32>
              %convert_element_type3A_380 = arith.fptosi %squeeze3A_379 : f32 to i32
              %lt3A_381 = vector.broadcast %max3A : i32 to vector<16xi32>
              %lt3A_382 = arith.cmpi slt, %add3A_362, %lt3A_381 : vector<16xi32>
              %broadcast_in_dim3A_383 = vector.broadcast %cond3A_336#0 : i32 to vector<16xi32>
              %broadcast_in_dim3A_384 = vector.broadcast %convert_element_type3A_380 : i32 to vector<16xi32>
              %select_n3A_385 = arith.select %lt3A_382, %broadcast_in_dim3A_383, %broadcast_in_dim3A_384 : vector<16xi1>, vector<16xi32>
              %select_n3A_386 = arith.select %and3A_367, %get3A_276, %select_n3A_385 : vector<16xi1>, vector<16xi32>
              %swap3A = arith.constant 0 : index
              %swap3A_387 = tpu.vector_load %arg10[%swap3A] {strides = array<i32>} : memref<32xi32, #tpu.memory_space<vmem>>, vector<16xi32>,
              tpu.vector_store %arg10[%swap3A], %select_n3A_386 {strides = array<i32>} : memref<32xi32, #tpu.memory_space<vmem>>, vector<16xi32>,
              %while3A_388 = arith.constant 0 : i32
              %while3A_389:3 = scf.while (%while3A_390 = %while3A_388, %while3A_391 = %cond3A_336#0, %while3A_392 = %cond3A_336#1) : (i32, i32, vector<16xf32>) -> (i32, i32, vector<16xf32>) {
                %lt3A_393 = arith.constant 16 : i32
                %lt3A_394 = arith.cmpi slt, %while3A_390, %lt3A_393 : i32
                scf.condition(%lt3A_394) %while3A_390, %while3A_391, %while3A_392 : i32, i32, vector<16xf32>
              } do {
              ^bb0(%while3A_390: i32, %while3A_391: i32, %while3A_392: vector<16xf32>):
                %get3A_393 = arith.index_cast %while3A_390 : i32 to index
                %get3A_394 = tpu.vector_load %arg10[%get3A_393] {strides = array<i32>} : memref<32xi32, #tpu.memory_space<vmem>>, vector<16xi32>,
                %slice3A_395 = vector.extract_strided_slice %get3A_394 {offsets = [0], sizes = [1], strides = [1]} : vector<16xi32> to vector<1xi32>
                %squeeze3A_396 = vector.extract %slice3A_395[0] : i32 from vector<1xi32>
                %eq3A_397 = vector.broadcast %squeeze3A_396 : i32 to vector<16xi32>
                %eq3A_398 = arith.cmpi eq, %select_n3A_386, %eq3A_397 : vector<16xi32>
                %convert_element_type3A_399 = arith.extui %eq3A_398 : vector<16xi1> to vector<16xi32>
                %reduce_sum3A_400 = arith.constant true
                %reduce_sum3A_401 = vector.broadcast %reduce_sum3A_400 : i1 to vector<16xi1>
                %reduce_sum3A_402 = tpu.scan <sum>, %convert_element_type3A_399 masked %reduce_sum3A_401 : vector<16xi32>, vector<16xi1> -> vector<16xi32>
                %reduce_sum3A_403 = vector.extract %reduce_sum3A_402[15] : i32 from vector<16xi32>
                %jit3A_404 = arith.constant 0xFF800000 : f32
                %broadcast_in_dim3A_405 = vector.broadcast %jit3A_404 : f32 to vector<16xf32>
                %select_n3A_406 = arith.select %eq3A_398, %select_n3A_370, %broadcast_in_dim3A_405 : vector<16xi1>, vector<16xf32>
                %ne3A_407 = arith.cmpi ne, %squeeze3A_396, %while3A_391 : i32
                %broadcast_in_dim3A_408 = arith.constant 0xFF800000 : f32
                %broadcast_in_dim3A_409 = vector.broadcast %broadcast_in_dim3A_408 : f32 to vector<16xf32>
                %eq3A_410 = arith.cmpf oeq, %while3A_392, %broadcast_in_dim3A_409 : vector<16xf32>
                %jit3A_411 = arith.constant 0.000000e+00 : f32
                %broadcast_in_dim3A_412 = vector.broadcast %jit3A_411 : f32 to vector<16xf32>
                %select_n3A_413 = arith.select %eq3A_410, %broadcast_in_dim3A_412, %while3A_392 : vector<16xi1>, vector<16xf32>
                %mul3A_414 = arith.mulf %select_n3A_413, %div3A_11 : vector<16xf32>
                %reduce_sum3A_415 = arith.constant true
                %reduce_sum3A_416 = vector.broadcast %reduce_sum3A_415 : i1 to vector<16xi1>
                %reduce_sum3A_417 = tpu.scan <sum>, %mul3A_414 masked %reduce_sum3A_416 : vector<16xf32>, vector<16xi1> -> vector<16xf32>
                %reduce_sum3A_418 = vector.extract %reduce_sum3A_417[15] : f32 from vector<16xf32>
                %sub3A_419 = arith.subi %while3A_391, %mul3A_13 : i32
                %broadcast_in_dim3A_420 = vector.broadcast %sub3A_419 : i32 to vector<16xi32>
                %broadcast_in_dim3A_421 = vector.broadcast %reduce_sum3A_418 : f32 to vector<16xf32>
                %and3A_422 = vector.broadcast %ne3A_407 : i1 to vector<16xi1>
                %and3A_423 = arith.andi %eq3A_2, %and3A_422 : vector<16xi1>
                tpu.vector_store_idx %arg8[%broadcast_in_dim3A_420], %broadcast_in_dim3A_421 masked %and3A_423 : memref<3136xf32, #tpu.memory_space<vmem>>[vector<16xi32>], vector<16xf32>, vector<16xi1>
                %broadcast_in_dim3A_424 = arith.constant 0xFF800000 : f32
                %broadcast_in_dim3A_425 = vector.broadcast %broadcast_in_dim3A_424 : f32 to vector<16xf32>
                %select_n3A_426 = arith.select %ne3A_407, %broadcast_in_dim3A_425, %while3A_392 : vector<16xf32>
                %select_n3A_427 = arith.select %ne3A_407, %squeeze3A_396, %while3A_391 : i32
                %masked_sort3A_428 = arith.constant dense<true> : vector<16xi1>
                %masked_sort3A_429, %masked_sort3A_430, %masked_sort3A_431 = tpu.sort %select_n3A_406, %select_n3A_406 masked %masked_sort3A_428 {descending = true} : (vector<16xf32>, vector<16xf32>, vector<16xi1>) -> (vector<16xi1>, vector<16xf32>, vector<16xf32>)
                %rev3A_432 = arith.constant 15 : i32
                %rev3A_433 = vector.broadcast %rev3A_432 : i32 to vector<16xi32>
                %rev3A_434 = tpu.iota {dimensions = array<i32: 0>} : vector<16xi32>
                %rev3A_435 = arith.subi %rev3A_433, %rev3A_434 : vector<16xi32>
                %rev3A_436 = tpu.dynamic_gather %masked_sort3A_430[%rev3A_435] in [0] : vector<16xf32>, vector<16xi32> -> vector<16xf32>
                %max3A_437 = arith.maximumf %select_n3A_426, %rev3A_436 : vector<16xf32>
                %masked_sort3A_438 = arith.constant dense<true> : vector<16xi1>
                %masked_sort3A_439, %masked_sort3A_440, %masked_sort3A_441 = tpu.sort %max3A_437, %max3A_437 masked %masked_sort3A_438 {descending = true} : (vector<16xf32>, vector<16xf32>, vector<16xi1>) -> (vector<16xi1>, vector<16xf32>, vector<16xf32>)
                %add3A_442 = arith.addi %while3A_390, %reduce_sum3A_403 : i32
                scf.yield %add3A_442, %select_n3A_427, %masked_sort3A_440 : i32, i32, vector<16xf32>
              }
              scf.yield %while3A_389#1, %while3A_389#2 : i32, vector<16xf32>
            }
            scf.yield %cond3A_360#0, %cond3A_360#1 : i32, vector<16xf32>
          }
          scf.yield %cond3A_310#0, %cond3A_310#1 : i32, vector<16xf32>
        }
        %scan3A_207 = arith.constant 256 : i32
        scf.yield %scan3A_206#0, %scan3A_206#1 : i32, vector<16xf32>
      } else {
        scf.yield %cond3A_162#0, %cond3A_162#1 : i32, vector<16xf32>
      }
      scf.yield %cond3A_171#0, %cond3A_171#1 : i32, vector<16xf32>
    }
    %sub3A_128 = arith.subi %while3A_127#0, %mul3A_13 : i32
    %broadcast_in_dim3A_129 = vector.broadcast %sub3A_128 : i32 to vector<16xi32>
    %broadcast_in_dim3A_130 = arith.constant 0xFF800000 : f32
    %broadcast_in_dim3A_131 = vector.broadcast %broadcast_in_dim3A_130 : f32 to vector<16xf32>
    %eq3A_132 = arith.cmpf oeq, %while3A_127#1, %broadcast_in_dim3A_131 : vector<16xf32>
    %jit3A_133 = arith.constant 0.000000e+00 : f32
    %broadcast_in_dim3A_134 = vector.broadcast %jit3A_133 : f32 to vector<16xf32>
    %select_n3A_135 = arith.select %eq3A_132, %broadcast_in_dim3A_134, %while3A_127#1 : vector<16xi1>, vector<16xf32>
    %mul3A_136 = arith.mulf %select_n3A_135, %div3A_11 : vector<16xf32>
    %reduce_sum3A_137 = arith.constant true
    %reduce_sum3A_138 = vector.broadcast %reduce_sum3A_137 : i1 to vector<16xi1>
    %reduce_sum3A_139 = tpu.scan <sum>, %mul3A_136 masked %reduce_sum3A_138 : vector<16xf32>, vector<16xi1> -> vector<16xf32>
    %reduce_sum3A_140 = vector.extract %reduce_sum3A_139[15] : f32 from vector<16xf32>
    %broadcast_in_dim3A_141 = vector.broadcast %reduce_sum3A_140 : f32 to vector<16xf32>
    tpu.vector_store_idx %arg8[%broadcast_in_dim3A_129], %broadcast_in_dim3A_141 masked %eq3A_2 : memref<3136xf32, #tpu.memory_space<vmem>>[vector<16xi32>], vector<16xf32>, vector<16xi1>
    %ne3A_142 = arith.constant 31 : i32
    %ne3A_143 = arith.cmpi ne, %add3A, %ne3A_142 : i32
    %convert_element_type3A_144 = arith.extui %ne3A_143 : i1 to i32
    %cond3A_145 = arith.constant 0 : i32
    %cond3A_146 = arith.cmpi ne, %convert_element_type3A_144, %cond3A_145 : i32
    scf.if %cond3A_146 {
      "tpu.region"() ({
        %run_scoped3A = tpu.sem_alloc : memref<!tpu.dma_semaphore, #tpu.memory_space<semaphore_mem>>
        %dma_start3A = arith.constant 0 : i32
        %dma_start3A_152 = tpu.memref_slice %arg8[%dma_start3A] : memref<3136xf32, #tpu.memory_space<vmem>> -> memref<3128xf32, #tpu.memory_space<vmem>>
        %dma_start3A_153 = tpu.memref_slice %arg5[%mul3A_13] : memref<100000xf32, #tpu.memory_space<hbm>> -> memref<3128xf32, #tpu.memory_space<hbm>>
        %dma_start3A_154 = tpu.memref_slice %arg5[%mul3A_13] : memref<100000xf32, #tpu.memory_space<hbm>> -> memref<3128xf32, #tpu.memory_space<hbm>>
        %dma_start3A_155 = arith.constant 0 : i32
        %dma_start3A_156 = tpu.memref_slice %arg8[%dma_start3A_155] : memref<3136xf32, #tpu.memory_space<vmem>> -> memref<3128xf32, #tpu.memory_space<vmem>>
        tpu.enqueue_dma source(%dma_start3A_156 : memref<3128xf32, #tpu.memory_space<vmem>>) target(%dma_start3A_154 : memref<3128xf32, #tpu.memory_space<hbm>>) target_semaphore(%run_scoped3A : memref<!tpu.dma_semaphore, #tpu.memory_space<semaphore_mem>>)
        %dma_wait3A = arith.constant 0 : i32
        %dma_wait3A_157 = tpu.memref_slice %arg8[%dma_wait3A] : memref<3136xf32, #tpu.memory_space<vmem>> -> memref<3128xf32, #tpu.memory_space<vmem>>
        %dma_wait3A_158 = tpu.memref_slice %arg5[%mul3A_13] : memref<100000xf32, #tpu.memory_space<hbm>> -> memref<3128xf32, #tpu.memory_space<hbm>>
        %dma_wait3A_159 = tpu.memref_slice %arg5[%mul3A_13] : memref<100000xf32, #tpu.memory_space<hbm>> -> memref<3128xf32, #tpu.memory_space<hbm>>
        %dma_wait3A_160 = arith.constant 0 : i32
        %dma_wait3A_161 = tpu.memref_slice %arg8[%dma_wait3A_160] : memref<3136xf32, #tpu.memory_space<vmem>> -> memref<3128xf32, #tpu.memory_space<vmem>>
        tpu.wait_dma2 semaphore(%run_scoped3A : memref<!tpu.dma_semaphore, #tpu.memory_space<semaphore_mem>>) src(%dma_wait3A_161 : memref<3128xf32, #tpu.memory_space<vmem>>) dst(%dma_wait3A_159 : memref<3128xf32, #tpu.memory_space<hbm>>)
        tpu.yield
      }) : () -> ()
    } else {
    }
    %eq3A_147 = arith.constant 31 : i32
    %eq3A_148 = arith.cmpi eq, %add3A, %eq3A_147 : i32
    %convert_element_type3A_149 = arith.extui %eq3A_148 : i1 to i32
    %cond3A_150 = arith.constant 0 : i32
    %cond3A_151 = arith.cmpi ne, %convert_element_type3A_149, %cond3A_150 : i32
    scf.if %cond3A_151 {
      "tpu.region"() ({
        %run_scoped3A = tpu.sem_alloc : memref<!tpu.dma_semaphore, #tpu.memory_space<semaphore_mem>>
        %dma_start3A = arith.constant 0 : i32
        %dma_start3A_152 = tpu.memref_slice %arg8[%dma_start3A] : memref<3136xf32, #tpu.memory_space<vmem>> -> memref<3032xf32, #tpu.memory_space<vmem>>
        %dma_start3A_153 = tpu.memref_slice %arg5[%mul3A_13] : memref<100000xf32, #tpu.memory_space<hbm>> -> memref<3032xf32, #tpu.memory_space<hbm>>
        %dma_start3A_154 = tpu.memref_slice %arg5[%mul3A_13] : memref<100000xf32, #tpu.memory_space<hbm>> -> memref<3032xf32, #tpu.memory_space<hbm>>
        %dma_start3A_155 = arith.constant 0 : i32
        %dma_start3A_156 = tpu.memref_slice %arg8[%dma_start3A_155] : memref<3136xf32, #tpu.memory_space<vmem>> -> memref<3032xf32, #tpu.memory_space<vmem>>
        tpu.enqueue_dma source(%dma_start3A_156 : memref<3032xf32, #tpu.memory_space<vmem>>) target(%dma_start3A_154 : memref<3032xf32, #tpu.memory_space<hbm>>) target_semaphore(%run_scoped3A : memref<!tpu.dma_semaphore, #tpu.memory_space<semaphore_mem>>)
        %dma_wait3A = arith.constant 0 : i32
        %dma_wait3A_157 = tpu.memref_slice %arg8[%dma_wait3A] : memref<3136xf32, #tpu.memory_space<vmem>> -> memref<3032xf32, #tpu.memory_space<vmem>>
        %dma_wait3A_158 = tpu.memref_slice %arg5[%mul3A_13] : memref<100000xf32, #tpu.memory_space<hbm>> -> memref<3032xf32, #tpu.memory_space<hbm>>
        %dma_wait3A_159 = tpu.memref_slice %arg5[%mul3A_13] : memref<100000xf32, #tpu.memory_space<hbm>> -> memref<3032xf32, #tpu.memory_space<hbm>>
        %dma_wait3A_160 = arith.constant 0 : i32
        %dma_wait3A_161 = tpu.memref_slice %arg8[%dma_wait3A_160] : memref<3136xf32, #tpu.memory_space<vmem>> -> memref<3032xf32, #tpu.memory_space<vmem>>
        tpu.wait_dma2 semaphore(%run_scoped3A : memref<!tpu.dma_semaphore, #tpu.memory_space<semaphore_mem>>) src(%dma_wait3A_161 : memref<3032xf32, #tpu.memory_space<vmem>>) dst(%dma_wait3A_159 : memref<3032xf32, #tpu.memory_space<hbm>>)
        tpu.yield
      }) : () -> ()
    } else {
    }
    return
  }
}

</mosaic_0001>

<sc_bundles>
// kernel: kernel.3.cloned.1.call-start
scs
__scs_entry_jumppad:
0x0: {  	(pc) =	sbr.rel $0x88, $3  }
0x1: {  	(tag) =	ssettag $0x0;
	lr =	simm.s32 $0x1  }
0x2: {  	[smem:$0x3F9E] =	sst lr;
	_ =	strace $0xD0000000  }
0x3: {  	_ = 	snop  }
0x4: {  	_ = 	snop  }
0x5: {  	_ = 	snop  }
0x6: {  	_ = 	snop  }
0x7: {  	_ = 	snop  }
__scs_overlays_trampoline_lowered:
0x8: {  	[smem:$0x3FAD] =	sst s0  }
0x9: {  	[smem:$0x3FAE] =	sst s1  }
0xa: {  	[smem:$0x3FAF] =	sst s2  }
0xb: {  	[smem:$0x3FB0] =	sst s3  }
0xc: {  	[smem:$0x3FB1] =	sst s4  }
0xd: {  	[smem:$0x3FB2] =	sst s5  }
0xe: {  	[smem:$0x3FB3] =	sst s6  }
0xf: {  	[smem:$0x3FB4] =	sst s7  }
0x10: {  	[smem:$0x3FB5] =	sst s8  }
0x11: {  	[smem:$0x3FB6] =	sst s9;
	s0 =	simm.s32 @!p0 $0x0  }
0x12: {  	s1 =	sld [smem:$0x3F9C];
	s0 =	simm.s32 @p0 $0x1  }
0x13: {  	[smem:$0x3FB7] =	sst s0;
	s0 =	simm.s32 @!p1 $0x0  }
0x14: {  	s2 =	sld [smem:$0x3F9B];
	s0 =	simm.s32 @p1 $0x1  }
0x15: {  	[smem:$0x3FB8] =	sst s0;
	s0 =	simm.s32 @!p2 $0x0  }
0x16: {  	s3 =	sld [smem:$0x3FDB];
	s0 =	simm.s32 @p2 $0x1  }
0x17: {  	s4 =	simm.s32 $0x1BF5;
	[smem:$0x3FBA] =	sst s0  }
0x18: {  	s0 =	sld [smem:$0x3F9D];
	_ =	swait.ge [sflag:s4], $0x0  }
0x19: {  	s7 =	sld [smem:$0x3F9E]  }
0x1a: {  	s8 =	sadd.s32 $0xFFFFE003, lr  }
0x1b: {  	s9 =	sadd.s32 $0xFFFFFEF7, lr;
	s5 =	simm.s32 $0xFFFFFFFF;
	p2 =	slt.u32 s8, $0xFFFFF086  }
0x1c: {  	p1 =	slt.u32 s9, $0xF7A;
	s5 =	simm.s32 @!p2 $0x0  }
0x1d: {  	s5 =	simm.s32 @p1 $0x1;
	p0 =	seq.s32 s7, s2  }
0x1e: {  	s7 =	smul.u32 @!p0 $0xF7A, s2;
	p2 =	seq.s32 @!p0 s5, $0x0  }
0x1f: {  	s9 =	smul.u32 $0xF7A, s1;
	s8 =	simm.s32 @!p0 $0x1BF5;
	p2 =	por !p2, p0  }
0x20: {  	[sflag:s8] =	ssyncset.s32 @!p0 $0xFFFFF086;
	s6 =	sadd.s32 @!p0 s3, s7;
	s7 =	simm.s32 @!p0 $0x108  }
0x21: {  	s3 =	sadd.s32 s3, s9;
	s6 =	sadd.s32 @!p0 $0x88, s6;
	s7 =	simm.s32 @p2 $0x1082  }
0x22: {  	[simem:s7], [sflag:s8] =	dma.local @!p0 [hbm:s6], $0xF7A  }
0x23: {  	s9 =	sor.u32 $0xD0000000, s2;
	s6 =	simm.s32 $0x108;
	_ =	swait.ge @!p0 [sflag:s8], $0x0  }
0x24: {  	s3 =	sadd.s32 $0x88, s3;
	s6 =	simm.s32 @!p1 $0x1082;
	[sflag:s4] =	ssyncset.s32 $0xFFFFF086  }
0x25: {  	[simem:s6], [sflag:s4] =	dma.local [hbm:s3], $0xF7A  }
0x26: {  	[smem:$0x3F9E] =	sst s1;
	(tag) =	ssettag s2;
	_ =	strace s9  }
0x27: {  	s1 =	sld [smem:$0x3FAE]  }
0x28: {  	s2 =	sld [smem:$0x3FAF]  }
0x29: {  	s4 =	sld [smem:$0x3FB1]  }
0x2a: {  	p0 =	seq.s32 s5, $0x0;
	s5 =	sld [smem:$0x3FB2]  }
0x2b: {  	s6 =	sld [smem:$0x3FB3]  }
0x2c: {  	s7 =	sld [smem:$0x3FB4]  }
0x2d: {  	s3 =	simm.s32 $0x108;
	s8 =	sld [smem:$0x3FB5]  }
0x2e: {  	s3 =	simm.s32 @!p0 $0x1082;
	s9 =	sld [smem:$0x3FB6]  }
0x2f: {  	lr =	sadd.s32 s0, s3;
	s0 =	sld [smem:$0x3FAD]  }
0x30: {  	s3 =	sld [smem:$0x3FB0]  }
0x31: {  	[smem:$0x3FB9] =	sst s10  }
0x32: {  	s10 =	sld [smem:$0x3FB7];
	_ =	sdelay $0x3  }
0x33: {  	p0 =	seq.s32 s10, $0x1;
	s10 =	sld [smem:$0x3FB9];
	_ =	sdelay $0x3  }
0x34: {  	[smem:$0x3FB9] =	sst s10  }
0x35: {  	s10 =	sld [smem:$0x3FB8];
	_ =	sdelay $0x3  }
0x36: {  	p1 =	seq.s32 s10, $0x1;
	s10 =	sld [smem:$0x3FB9];
	_ =	sdelay $0x3  }
0x37: {  	[smem:$0x3FB9] =	sst s10  }
0x38: {  	s10 =	sld [smem:$0x3FBA]  }
0x39: {  	_ = 	snop;
	(pc) =	sbr.ind lr, $3  }
0x3a: {  	_ = 	snop  }
0x3b: {  	_ = 	snop  }
0x3c: {  	p2 =	seq.s32 s10, $0x1;
	s10 =	sld [smem:$0x3FB9]  }
0x3d: {  	_ =	shalt  }
0x3e: {  	_ =	shalt  }
0x3f: {  	_ =	shalt  }
0x40: {  	_ =	shalt  }
0x41: {  	_ =	shalt  }
0x42: {  	_ =	shalt  }
0x43: {  	_ =	shalt  }
0x44: {  	_ =	shalt  }
0x45: {  	_ =	shalt  }
0x46: {  	_ =	shalt  }
0x47: {  	_ =	shalt  }
0x48: {  	_ =	shalt  }
0x49: {  	_ =	shalt  }
0x4a: {  	_ =	shalt  }
0x4b: {  	_ =	shalt  }
0x4c: {  	_ =	shalt  }
0x4d: {  	_ =	shalt  }
0x4e: {  	_ =	shalt  }
0x4f: {  	_ =	shalt  }
0x50: {  	_ =	shalt  }
0x51: {  	_ =	shalt  }
0x52: {  	_ =	shalt  }
0x53: {  	_ =	shalt  }
0x54: {  	_ =	shalt  }
0x55: {  	_ =	shalt  }
0x56: {  	_ =	shalt  }
0x57: {  	_ =	shalt  }
0x58: {  	_ =	shalt  }
0x59: {  	_ =	shalt  }
0x5a: {  	_ =	shalt  }
0x5b: {  	_ =	shalt  }
0x5c: {  	_ =	shalt  }
0x5d: {  	_ =	shalt  }
0x5e: {  	_ =	shalt  }
0x5f: {  	_ =	shalt  }
0x60: {  	_ =	shalt  }
0x61: {  	_ =	shalt  }
0x62: {  	_ =	shalt  }
0x63: {  	_ =	shalt  }
0x64: {  	_ =	shalt  }
0x65: {  	_ =	shalt  }
0x66: {  	_ =	shalt  }
0x67: {  	_ =	shalt  }
0x68: {  	_ =	shalt  }
0x69: {  	_ =	shalt  }
0x6a: {  	_ =	shalt  }
0x6b: {  	_ =	shalt  }
0x6c: {  	_ =	shalt  }
0x6d: {  	_ =	shalt  }
0x6e: {  	_ =	shalt  }
0x6f: {  	_ =	shalt  }
0x70: {  	_ =	shalt  }
0x71: {  	_ =	shalt  }
0x72: {  	_ =	shalt  }
0x73: {  	_ =	shalt  }
0x74: {  	_ =	shalt  }
0x75: {  	_ =	shalt  }
0x76: {  	_ =	shalt  }
0x77: {  	_ =	shalt  }
0x78: {  	_ =	shalt  }
0x79: {  	_ =	shalt  }
0x7a: {  	_ =	shalt  }
0x7b: {  	_ =	shalt  }
0x7c: {  	_ =	shalt  }
0x7d: {  	_ =	shalt  }
0x7e: {  	_ =	shalt  }
0x7f: {  	_ =	shalt  }
0x80: {  	_ =	shalt  }
0x81: {  	_ =	shalt  }
0x82: {  	_ =	shalt  }
0x83: {  	_ =	shalt  }
0x84: {  	_ =	shalt  }
0x85: {  	_ =	shalt  }
0x86: {  	_ =	shalt  }
0x87: {  	_ =	shalt  }
.Lfunc_end0:
.L_simem_size_0:
called_computation_lowered:
.L_overlay_start_0:
0x88: {  	s2 =	sld [smem:$0x3FD9]  }
0x89: {  	s3 =	sld [smem:$0x3FFE];
	_ =	sdelay $0x1  }
0x8a: {  	s1 =	srdreg.scid  }
0x8b: {  	s0 =	sand.u32 $0x1, s1  }
0x8c: {  	s18 =	sshll.u32 s0, $0xA;
	s2 =	sadd.s32 s3, s2  }
0x8d: {  	s2 =	sadd.s32 s2, s18  }
0x8e: {  	[smem:$0x3FC5] =	sst s2  }
0x8f: {  	_ = 	snop  }
0x90: {  	s2 =	sld [smem:$0x3FC9]  }
0x91: {  	s19 =	sld [smem:$0x3FC8]  }
0x92: {  	s4 =	sld [smem:$0x3FC7]  }
0x93: {  	s5 =	sld [smem:$0x3FD0];
	(tm) =	ssettm $0x1  }
0x94: {  	s6 =	sld [smem:$0x3FFB];
	_ =	sdelay $0x3  }
0x95: {  	_ =	strace s6  }
0x96: {  	s6 =	sld [smem:$0x3FFC];
	_ =	sdelay $0x3  }
0x97: {  	_ =	strace s6  }
0x98: {  	s6 =	sld [smem:$0x3FFD];
	_ =	sdelay $0x3  }
0x99: {  	_ =	strace s6  }
0x9a: {  	_ =	strace $0x8FFFFFFF  }
0x9b: {  	s20 =	sld [smem:$0x3FDB];
	_ =	sdelay $0x1  }
0x9c: {  	s7 =	simm.s32 $_scs_section_size  }
0x9d: {  	s8 =	simm.s32 $_size__tile_overlayer_lowered;
	s9 =	simm.s32 $_tile_overlayer_lowered  }
0x9e: {  	s23 =	simm.s32 $0x1BFF;
	s22 =	sshll.u32 s9, $0x1;
	s6 =	sadd.s32 s7, s20  }
0x9f: {  	s10 =	simm.s32 $0x0;
	s21 =	sshll.u32 s8, $0x1;
	s8 =	sadd.s32 s22, s6  }
0xa0: {  	[timem:s10], [sflag:s23] =	dma.local [hbm:s8], s21  }
0xa1: {  	_ =	swait.ge [sflag:s23], s21  }
0xa2: {  	s7 =	ssub.s32 $0x0, s21;
	[sflag:s23] =	ssyncset.done $0x0  }
0xa3: {  	[sflag:s23] =	ssyncadd.s32 s7;
	_ =	sdelay $0x1  }
0xa4: {  	s24 =	simm.s32 $0x1B8B  }
0xa5: {  	_ =	swait.ge [sflag:s24], $0x1  }
0xa6: {  	[sflag:s24] =	ssyncset.done $0x0  }
0xa7: {  	s25 =	simm.s32 $0x1B8E;
	[sflag:s24] =	ssyncadd.s32 $0xFFFFFFFF  }
0xa8: {  	s26 =	simm.s32 $execute0_lowered;
	[smem:$0x3FD2] =	sst s25  }
0xa9: {  	s7 =	sshll.u32 s26, $0x1;
	_ =	strace $0x80000046;
	[dreg:$0x1] =	wrdreg $0xFFFFFFFF  }
0xaa: {  	s28 =	simm.s32 $_size_execute0_lowered;
	s6 =	sadd.s32 s6, s7;
	[dreg:$0x0] =	wrdreg $0x0  }
0xab: {  	s7 =	sshll.u32 s28, $0x1;
	[dreg:$0x2] =	wrdreg s6  }
0xac: {  	[dreg:$0x3] =	wrdreg s7  }
0xad: {  	[dreg:$0x4] =	wrdreg $0xC0  }
0xae: {  	_ =	task [dreg:s10], $0x5FFFF  }
0xaf: {  	[dreg:$0x1] =	wrdreg $0xFFFFFFFF  }
0xb0: {  	[dreg:$0x0] =	wrdreg $0x60  }
0xb1: {  	[dreg:$0x2] =	wrdreg s2  }
0xb2: {  	[dreg:$0x3] =	wrdreg s19  }
0xb3: {  	[dreg:$0x4] =	wrdreg s4  }
0xb4: {  	[dreg:$0x5] =	wrdreg s5  }
0xb5: {  	[dreg:$0x6] =	wrdreg $0x9  }
0xb6: {  	_ =	task.clear_ibuf [dreg:s10], $0x7FFFF;
	_ =	strace $0x90000046  }
0xb7: {  	s29 =	simm.s32 $0x9;
	_ =	strace $0x80000048  }
0xb8: {  	_ =	swait.ge [sflag:s29], $0x1  }
0xb9: {  	[sflag:s29] =	ssyncadd.s32 $0xFFFFFFFF  }
0xba: {  	_ =	strace $0x90000048  }
0xbb: {  	_ =	sfence  }
0xbc: {  	s30 =	sld [smem:$0x0];
	_ =	sdelay $0x2  }
0xbd: {  	s31 =	sshll.u32 s1, $0xD;
	s1 =	sshrl.u32 s1, $0x2  }
0xbe: {  	s3 =	sand.u32 $0x4000, s31;
	s1 =	sadd.s32 s1, s30  }
0xbf: {  	s0 =	sor.u32 s3, s0;
	s1 =	sshll.u32 s1, $0x11  }
0xc0: {  	s0 =	sor.u32 s1, s0  }
0xc1: {  	s0 =	sadd.s32 $0x8F2B, s0  }
0xc2: {  	[sflag:s0] =	ssyncadd.remote.s32 $0x1  }
0xc3: {  	_ =	sfence.sel $0xFFFF  }
0xc4: {  	[dreg:$0x0] =	wrdreg $0xFFFFFFFF;
	(pc) =	sbr.abs _section_cstart, $3  }
0xc5: {  	[dreg:$0x1] =	wrdreg $0xFFFFFFFF  }
0xc6: {  	_ =	task.clear_ibuf [dreg:s10], $0x2FFFF;
	_ =	strace $0x9FFFFFFF  }
0xc7: {  	(tm) =	ssettm $0x7FFFFFFF  }
tec
execute0_lowered:
.L_overlay_start_1:
0x0: {  	(tag) =	ssettag $0x1  }
0x1: {  	s0 =	rddreg [dreg:$0x0]  }
0x2: {  	s1 =	rddreg [dreg:$0x1]  }
0x3: {  	s2 =	srdreg.scid;
	s4 =	rddreg [dreg:$0x2]  }
0x4: {  	s3 =	rddreg [dreg:$0x3];
	s7 =	stileid.u32;
	s5 =	simm.s32 $0x0  }
0x5: {  	s29 =	simm.s32 $0x20;
	s30 =	simm.s32 $0x10D80;
	s31 =	simm.s32 $0x10E00  }
0x6: {  	s12 =	simm.s32 $0x3;
	s13 =	simm.s32 $0x1;
	s14 =	simm.s32 $0x10000  }
0x7: {  	s15 =	simm.s32 $0x2;
	s2 =	sand.u32 $0x1, s2;
	[smem:$0x7FF] =	sst s5  }
0x8: {  	s16 =	simm.s32 $0x0;
	s6 =	sshll.u32 s2, $0x4;
	_ =	strace $0x80000047  }
.Ltmp0:
0x9: {  	[dreg:$0x7] =	wrdreg s29;
	s6 =	sor.u32 s7, s6;
	(pc) =	sbr.rel .LBB2_1-.Ltmp0, $4  }
0xa: {  	v0 =	vlaneseq.u32;
	s2 =	ssub.s32 $0x2, s2;
	[dreg:$0x6] =	wrdreg s30;
	s7 =	smul.u32 $0xC38, s6  }
0xb: {  	v4 =	vimm.s32 $0x0;
	v5 =	vimm.f32 $0.0e+00;
	s9 =	sadd.s32 $0x2F59, s3;
	v6 =	vmul.u32 $0xFFFFFFFF, v0;
	[dreg:$0x5] =	wrdreg s31;
	s8 =	sshrl.u32 s2, $0x1  }
0xc: {  	vm0 =	vmxor vm0, vm0;
	vm1 =	vmmov $0x1;
	v3 =	vadd.s32 $0x1, v0;
	s2 =	ssub.s32 s2, s8;
	s11 =	sadd.s32 $0xC38, s7;
	s28 =	sshrl.u32 s7, $0x3  }
0xd: {  	v6 =	vadd.s32 $0xF, v6;
	s10 =	smax.u32 s2, $0x1;
	v1 =	vmov s7;
	s8 =	sadd.s32 s3, s28;
	v2 =	vmov s11;
	s11 =	simm.s32 $0x10C80  }
.LBB2_6:
0xe: {  	v9 =	vimm.f32 $-Inf;
	s23 =	smov.u32 s7  }
.LBB2_55:
0xf: {  	vm2 =	veq.f32 v9, $-Inf  }
0x10: {  	v8 =	vsel vm2, $0x0, v9  }
0x11: {  	v7 =	vmul.f32 v8, v7;
	_ =	sdelay $0x1  }
0x12: {  	(xrf2) =	vadd.scan.msk.f32 $0xffff, v7;
	_ =	sdelay $0x6  }
0x13: {  	s2 =	ssub.s32 s23, s7  }
0x14: {  	v7 =	vmov s2;
	_ =	sdelay $0x1  }
0x15: {  	v8, _, _ =	vpop (xrf2)  }
0x16: {  	v8 =	vbroadcast v8, $0xF  }
0x17: {  	p0 =	seq.s32 s6, $0x1F  }
0x18: {  	s3 =	simm.s32 @p0 $0x10000;
	s2 =	simm.s32 @p0 $0x0;
	[tilespmem:v7+s14+$0x0] =	vst.idx.msk $0x1, v8  }
0x19: {  	[hbm4b:s9+s2] =	stream.linear.scatter @p0 [tilespmem:s3], [sflag:$0x3], $0xBD8, $0x38;
	[tilespmem:$0x10E80] =	vst v63  }
0x1a: {  	s2 =	simm.s32 @p0 $0x3  }
0x1b: {  	s16 =	sadd.s32 $0x1, s16;
	_ =	swait.ge @p0 [sflag:s2], $0xBD8  }
0x1c: {  	p1 =	sne.s32 s16, s10;
	[sflag:s2] =	ssyncset.done @p0 $0x0  }
0x1d: {  	s3 =	simm.s32 @!p0 $0x10000;
	[sflag:s2] =	ssyncadd.s32 @p0 $0xFFFFF428;
	s2 =	simm.s32 @!p0 $0x0  }
0x1e: {  	[hbm4b:s8+s2] =	stream.linear.scatter @!p0 [tilespmem:s3], [sflag:$0x3], $0xC38, $0x38;
	[tilespmem:$0x10E80] =	vst v63  }
.Ltmp1:
0x1f: {  	_ = 	snop;
	(pc) =	sbr.rel @!p1 .LBB2_56-.Ltmp1, $4  }
0x20: {  	s2 =	simm.s32 @!p0 $0x3  }
0x21: {  	_ =	swait.ge @!p0 [sflag:s2], $0xC38  }
0x22: {  	[sflag:s2] =	ssyncset.done @!p0 $0x0  }
0x23: {  	[sflag:s2] =	ssyncadd.s32 @!p0 $0xFFFFF3C8  }
.LBB2_1:
0x24: {  	s20 =	simm.s32 $0x61A800  }
0x25: {  	v7 =	vmul.u32 s20, v3;
	_ =	sdelay $0x1  }
0x26: {  	v8 =	vshra.s32 v7, $0x1F  }
0x27: {  	v9 =	vand.u32 $0xF, v7;
	v8 =	vshrl.u32 v8, $0x1C  }
0x28: {  	vm2 =	vlt.s32 v7, $0x1;
	vm3 =	vne.s32 v9, $0x0;
	v7 =	vadd.s32 v8, v7  }
0x29: {  	vm2 =	vmand vm2, vm3;
	v7 =	vshra.s32 v7, $0x4  }
0x2a: {  	[tilespmem:s11], [sflag:$0x3] =	stream.linear.gather [hbm4b:s4+s5], $0x80, $0x38;
	v8 =	vsel vm2, $0xFFFFFFFF, v4;
	v7 =	vadd.s32 s5, v7;
	[tilespmem:$0x10E80] =	vst v63  }
0x2b: {  	_ =	swait.ge [sflag:s12], $0x80;
	v7 =	vadd.s32 v8, v7  }
0x2c: {  	[sflag:s12] =	ssyncset.done $0x0;
	vm2 =	vgt.s32 v7, $0x61A7FF  }
0x2d: {  	s2 =	rddreg [dreg:$0x7];
	[sflag:s12] =	ssyncadd.s32 $0xFFFFFF80;
	v8 =	vsel vm2, $0x61A7FF, v7  }
0x2e: {  	s3 =	rddreg [dreg:$0x6];
	[tilespmem:$0x10D90] =	vst v8  }
0x2f: {  	s17 =	rddreg [dreg:$0x5];
	[tilespmem:$0x10D80] =	vst v8  }
0x30: {  	v7 =	vld [tilespmem:$0x10C80];
	[tilespmem:s17], [sflag:$0x1] =	stream.indirect.gather [hbm4b:s0+s2], $0x1, s3, s2, $0xb8  }
0x31: {  	_ =	swait.ge [sflag:s13], $0x20  }
0x32: {  	[sflag:s13] =	ssyncset.done $0x0  }
0x33: {  	[sflag:s13] =	ssyncadd.s32 $0xFFFFFFE0  }
0x34: {  	v8 =	vld [tilespmem:$0x10E10];
	_ =	sdelay $0x1  }
0x35: {  	v62 =	vld [tilespmem:$0x10E00];
	_ =	sdelay $0x2  }
0x36: {  	v8 =	vsel vm2, $0x40000000, v8  }
0x37: {  	vm3 =	vlt.s32 v8, v2  }
0x38: {  	v8 =	vsel vm2, $0x40000000, v62;
	v63 =	vsel vm3, $0x1, v4  }
0x39: {  	vm2 =	vlt.s32 v8, v1;
	(xrf0) =	vadd.scan.msk.s32 $0xffff, v63  }
0x3a: {  	v8 =	vsel vm2, $0x1, v4  }
0x3b: {  	(xrf0) =	vadd.scan.msk.s32 $0xffff, v8;
	_ =	sdelay $0x3  }
0x3c: {  	v8, _, _ =	vpop (xrf0)  }
0x3d: {  	(v2sf) =	vpush v8, $0xF  }
0x3e: {  	v8, _, _ =	vpop (xrf0)  }
0x3f: {  	(v2sf) =	vpush v8, $0xF;
	_ =	sdelay $0xc  }
0x40: {  	s23 =	spop (v2sf)  }
0x41: {  	s28 =	sadd.s32 $0x1, s23;
	s29 =	smul.u32 s20, s23  }
0x42: {  	s19 =	simm.s32 $0x6;
	s22 =	spop (v2sf);
	s21 =	smul.u32 s20, s28  }
0x43: {  	s17 =	simm.s32 $0x0;
	s25 =	sadd.s32 $0x1, s22;
	s26 =	smul.u32 s20, s22  }
0x44: {  	s30 =	sshra.s32 s29, $0x1F;
	s31 =	sand.u32 $0xF, s29;
	p0 =	slt.s32 s29, $0x1  }
0x45: {  	s18 =	sshrl.u32 s30, $0x1C;
	p1 =	sne.s32 s31, $0x0;
	s2 =	sshra.s32 s26, $0x1F  }
0x46: {  	s24 =	sadd.s32 s18, s29;
	p1 =	por !p0, !p1;
	s18 =	simm.s32 $0x0  }
.LBB2_2:
0x47: {  	p0 =	slt.s32 s26, $0x1;
	s3 =	sand.u32 $0xF, s26  }
0x48: {  	s2 =	sshrl.u32 s2, $0x1C;
	p1 =	por !p1, !p1;
	s28 =	sand.u32 $0xF, s21  }
0x49: {  	p2 =	sne.s32 s3, $0x0;
	p3 =	slt.s32 s21, $0x1;
	s2 =	sadd.s32 s2, s26  }
0x4a: {  	s3 =	smul.u32 s20, s25;
	s20 =	simm.s32 $0x1;
	s26 =	sshra.s32 s21, $0x1F  }
0x4b: {  	p4 =	sne.s32 s28, $0x0;
	p0 =	por !p0, !p2;
	s2 =	sshra.s32 s2, $0x4  }
0x4c: {  	s28 =	sshra.s32 s24, $0x4;
	s24 =	simm.s32 $0x1;
	p5 =	por !p3, !p4  }
0x4d: {  	p0 =	por !p0, !p0;
	p3 =	sgt.s32 s23, $0x0;
	s24 =	simm.s32 @!p1 $0x0  }
0x4e: {  	p6 =	slt.s32 s3, $0x1;
	s30 =	sand.u32 $0xF, s3;
	s25 =	sshra.s32 s3, $0x1F  }
0x4f: {  	p2 =	por !p5, !p5;
	s20 =	simm.s32 @!p0 $0x0;
	s29 =	ssub.s32 s28, s24  }
0x50: {  	s24 =	simm.s32 $0x1;
	s2 =	ssub.s32 s2, s20;
	s20 =	sshrl.u32 s26, $0x1C  }
0x51: {  	s31 =	sshrl.u32 s25, $0x1C;
	p4 =	sne.s32 s30, $0x0;
	s20 =	sadd.s32 s20, s21  }
0x52: {  	s24 =	simm.s32 @!p2 $0x0;
	s21 =	sadd.s32 $0x1, s29;
	s20 =	sshra.s32 s20, $0x4  }
0x53: {  	s3 =	sadd.s32 s31, s3;
	s21 =	simm.s32 @!p3 $0x0;
	s20 =	sadd.s32 s17, s20  }
0x54: {  	p1 =	por !p6, !p4;
	s17 =	sadd.s32 s17, s21;
	s20 =	ssub.s32 s20, s24  }
0x55: {  	p2 =	sgt.s32 s22, $0x0;
	s2 =	sadd.s32 $0x1, s2;
	s21 =	ssub.s32 s20, s17  }
0x56: {  	s3 =	sshra.s32 s3, $0x4;
	p1 =	por !p1, !p1;
	s20 =	simm.s32 $0x1;
	v8 =	vmul.u32 s21, v3  }
0x57: {  	s2 =	simm.s32 @!p2 $0x0;
	s3 =	sadd.s32 s18, s3;
	s20 =	simm.s32 @!p1 $0x0  }
0x58: {  	s18 =	sadd.s32 s18, s2;
	s23 =	ssub.s32 s3, s20;
	v9 =	vshra.s32 v8, $0x1F;
	v10 =	vand.u32 $0xF, v8  }
0x59: {  	vm2 =	vlt.s32 v8, $0x1;
	s20 =	ssub.s32 s23, s18;
	v9 =	vshrl.u32 v9, $0x1C;
	vm3 =	vne.s32 v10, $0x0  }
0x5a: {  	v59 =	vmul.u32 s20, v3;
	v8 =	vadd.s32 v9, v8;
	vm2 =	vmand vm2, vm3  }
0x5b: {  	v8 =	vshra.s32 v8, $0x4;
	v60 =	vsel vm2, $0xFFFFFFFF, v4  }
0x5c: {  	v11 =	vshra.s32 v59, $0x1F;
	v12 =	vand.u32 $0xF, v59;
	v8 =	vadd.s32 s17, v8  }
0x5d: {  	vm4 =	vlt.s32 v59, $0x1;
	v61 =	vshrl.u32 v11, $0x1C;
	v8 =	vadd.s32 v60, v8  }
0x5e: {  	vm3 =	vne.s32 v12, $0x0;
	v10 =	vadd.s32 v61, v59;
	vm2 =	vgt.s32 v8, $0x61A7FF  }
0x5f: {  	vm3 =	vmand vm4, vm3;
	v62 =	vshra.s32 v10, $0x4;
	v8 =	vsel vm2, $0x61A7FF, v8  }
0x60: {  	v9 =	vadd.s32 s18, v62;
	[tilespmem:$0x10D90] =	vst v8;
	v8 =	vsel vm3, $0xFFFFFFFF, v4  }
0x61: {  	v8 =	vadd.s32 v8, v9  }
0x62: {  	s25 =	rddreg [dreg:$0x6];
	vm3 =	vgt.s32 v8, $0x61A7FF  }
0x63: {  	s26 =	rddreg [dreg:$0x5];
	v8 =	vsel vm3, $0x61A7FF, v8  }
0x64: {  	s24 =	rddreg [dreg:$0x7];
	[tilespmem:$0x10D80] =	vst v8  }
0x65: {  	[tilespmem:s26], [sflag:$0x1] =	stream.indirect.gather [hbm4b:s0+s24], $0x1, s25, s24, $0xb8;
	[tilespmem:$0x10E80] =	vst v63  }
0x66: {  	_ =	swait.ge [sflag:s13], $0x20  }
0x67: {  	[sflag:s13] =	ssyncset.done $0x0  }
0x68: {  	[sflag:s13] =	ssyncadd.s32 $0xFFFFFFE0  }
0x69: {  	v8 =	vld [tilespmem:$0x10E10];
	_ =	sdelay $0x1  }
0x6a: {  	v63 =	vld [tilespmem:$0x10E00];
	_ =	sdelay $0x2  }
0x6b: {  	v8 =	vsel vm2, $0x40000000, v8  }
0x6c: {  	vm2 =	vlt.s32 v8, v2  }
0x6d: {  	v9 =	vsel vm3, $0x40000000, v63;
	v8 =	vsel vm2, $0x1, v4  }
0x6e: {  	vm3 =	vlt.s32 v9, v1;
	(xrf0) =	vadd.scan.msk.s32 $0xffff, v8  }
0x6f: {  	v9 =	vsel vm3, $0x1, v4  }
0x70: {  	(xrf0) =	vadd.scan.msk.s32 $0xffff, v9;
	_ =	sdelay $0x3  }
0x71: {  	v8, _, _ =	vpop (xrf0)  }
0x72: {  	(v2sf) =	vpush v8, $0xF  }
0x73: {  	v9, _, _ =	vpop (xrf0)  }
0x74: {  	(v2sf) =	vpush v9, $0xF;
	_ =	sdelay $0xc  }
0x75: {  	s23 =	spop (v2sf)  }
0x76: {  	p0 =	sne.s32 s19, $0x1;
	s3 =	smul.u32 s21, s23  }
.Ltmp2:
0x77: {  	s28 =	sadd.s32 $0x1, s23;
	s22 =	spop (v2sf);
	(pc) =	sbr.rel @p0 .LBB2_2-.Ltmp2, $4  }
0x78: {  	s19 =	sadd.s32 $0xFFFFFFFF, s19;
	s25 =	sadd.s32 $0x1, s22;
	s21 =	smul.u32 s21, s28  }
0x79: {  	s26 =	smul.u32 s20, s22;
	s29 =	sshra.s32 s3, $0x1F;
	s30 =	sand.u32 $0xF, s3  }
0x7a: {  	p5 =	slt.s32 s3, $0x1;
	s31 =	sshrl.u32 s29, $0x1C;
	p6 =	sne.s32 s30, $0x0  }
0x7b: {  	s2 =	sshra.s32 s26, $0x1F;
	s24 =	sadd.s32 s31, s3;
	p1 =	por !p5, !p6  }
0x7c: {  	s3 =	sand.u32 $0xF, s26;
	p0 =	slt.s32 s26, $0x1;
	s2 =	sshrl.u32 s2, $0x1C  }
0x7d: {  	p1 =	por !p1, !p1;
	s19 =	simm.s32 $0x1;
	p2 =	sne.s32 s3, $0x0  }
0x7e: {  	s20 =	sshra.s32 s24, $0x4;
	s3 =	simm.s32 $0x1;
	p0 =	por !p0, !p2  }
0x7f: {  	s2 =	sadd.s32 s2, s26;
	s3 =	simm.s32 @!p1 $0x0;
	p0 =	por !p0, !p0  }
0x80: {  	s2 =	sshra.s32 s2, $0x4;
	s3 =	ssub.s32 s20, s3;
	s19 =	simm.s32 @!p0 $0x0  }
0x81: {  	p0 =	sgt.s32 s23, $0x0;
	s3 =	sadd.s32 $0x1, s3;
	s2 =	ssub.s32 s2, s19  }
0x82: {  	s3 =	simm.s32 @!p0 $0x0;
	p0 =	sgt.s32 s22, $0x0;
	s2 =	sadd.s32 $0x1, s2  }
0x83: {  	s21 =	simm.s32 $0x0;
	s2 =	simm.s32 @!p0 $0x0  }
0x84: {  	s17 =	sadd.s32 s17, s3;
	s18 =	sadd.s32 s18, s2;
	s2 =	simm.s32 $0x40  }
.LBB2_4:
0x85: {  	p0 =	sne.s32 s2, $0x30C0;
	[tilespmem:s21+$0x10000] =	vst v5;
	s3 =	smov.u32 s2;
	s2 =	sadd.s32 $0x40, s2  }
.Ltmp3:
0x86: {  	(pc) =	sbr.rel @p0 .LBB2_4-.Ltmp3, $2  }
0x87: {  	_ =	sdelay $0x2  }
0x88: {  	s21 =	sshra.s32 s3, $0x2  }
0x89: {  	(xrf1) =	vsort.dscd.msk.f32 $0xffff, v7, v7;
	_ =	sdelay $0xd  }
0x8a: {  	v8, _, _ =	vpop (xrf1)  }
0x8b: {  	v8 =	vbroadcast v8, $0x0;
	_ =	sdelay $0x1  }
0x8c: {  	v7 =	vsub.f32 v7, v8;
	_ =	sdelay $0x1  }
0x8d: {  	v7 =	vmul.f32 $1.442695020e+00, v7;
	_ =	sdelay $0x1  }
0x8e: {  	s2 =	sand.u32 $0x7, s18;
	(erf) = vpow2.f32 v7  }
0x8f: {  	s3 =	sshra.s32 s18, $0x1F;
	p0 =	slt.s32 s18, $0x1;
	p1 =	sne.s32 s2, $0x0  }
0x90: {  	s25 =	sshrl.u32 s3, $0x1D;
	p0 =	por !p0, !p1  }
0x91: {  	s3 =	simm.s32 $0x1;
	s2 =	sadd.s32 s25, s18;
	p0 =	por !p0, !p0  }
0x92: {  	s2 =	sshrl.u32 s2, $0x3;
	s3 =	simm.s32 @!p0 $0x0  }
0x93: {  	s2 =	ssub.s32 s2, s3  }
0x94: {  	s19 =	sshll.u32 s2, $0x3  }
0x95: {  	s2 =	ssub.s32 s17, s19  }
0x96: {  	s2 =	sadd.s32 $0x3FFF, s2  }
0x97: {  	s26 =	sand.u32 $0x3FFF, s2;
	v7 =	vpop (erf)  }
0x98: {  	s20 =	sshra.s32 s2, $0x1F;
	p3 =	slt.s32 s2, $0x1;
	p4 =	sne.s32 s26, $0x0;
	(xrf2) =	vadd.scan.msk.f32 $0xffff, v7  }
0x99: {  	s28 =	sshrl.u32 s20, $0x12;
	p0 =	por !p3, !p4  }
0x9a: {  	s3 =	simm.s32 $0x1;
	s2 =	sadd.s32 s28, s2;
	p0 =	por !p0, !p0  }
0x9b: {  	s2 =	sshra.s32 s2, $0xE;
	s3 =	simm.s32 @!p0 $0x0  }
0x9c: {  	s20 =	ssub.s32 s2, s3  }
0x9d: {  	p0 =	slt.s32 s20, $0x1  }
0x9e: {  	p1 =	slt.s32 @!p0 s19, $0x616800  }
0x9f: {  	s2 =	smov.u32 s19;
	p1 =	por !p1, p0  }
0xa0: {  	s2 =	simm.s32 @p1 $0x616800  }
0xa1: {  	s29 =	sadd.s32 $0x1, s20;
	p5 =	slt.s32 s20, $0x0;
	s2 =	sshrl.u32 @!p0 s2, $0x3  }
0xa2: {  	[tilespmem:s21+$0x10000] =	vst v5;
	s21 =	simm.s32 @!p0 $0x0;
	s30 =	sand.u32 $0x1, s29;
	s3 =	sadd.s32 @!p0 s0, s2;
	v8, _, _ =	vpop (xrf2)  }
0xa3: {  	[tilespmem:s21], [sflag:$0x1] =	stream.linear.gather @!p0 [hbm4b:s3+s21], $0x4000, $0x38;
	v8 =	vbroadcast v8, $0xF;
	[tilespmem:$0x10E80] =	vst v63  }
0xa4: {  	p6 =	seq.s32 s30, $0x1;
	s2 =	sadd.s32 @!p0 s1, s2;
	s3 =	simm.s32 @!p0 $0x8000  }
0xa5: {  	[tilespmem:s3], [sflag:$0x1] =	stream.linear.gather @!p0 [hbm4b:s2+s21], $0x4000, $0x38;
	(erf) = vrcp.f32 v8;
	[tilespmem:$0x10E80] =	vst v63  }
0xa6: {  	s31 =	sshrl.u32 s29, $0x1F;
	p0 =	por !p5, !p6  }
0xa7: {  	s2 =	sadd.s32 s31, s29;
	s3 =	simm.s32 $0x1;
	p0 =	por !p0, !p0  }
0xa8: {  	s2 =	sshra.s32 s2, $0x1;
	s3 =	simm.s32 @!p0 $0x0  }
0xa9: {  	s21 =	ssub.s32 s2, s3  }
0xaa: {  	p0 =	slt.s32 s21, $0x1  }
.Ltmp4:
0xab: {  	_ = 	snop;
	(pc) =	sbr.rel @p0 .LBB2_6-.Ltmp4, $3  }
0xac: {  	_ =	sdelay $0x1  }
0xad: {  	v8 =	vpop (erf)  }
0xae: {  	v7 =	vmul.f32 v8, v7  }
.Ltmp5:
0xaf: {  	(pc) =	sbr.rel .LBB2_8-.Ltmp5, $2  }
0xb0: {  	_ =	sdelay $0x2  }
0xb1: {  	v8 =	vmov s17;
	s22 =	simm.s32 $0x0;
	v9 =	vimm.f32 $-Inf;
	s23 =	smov.u32 s7  }
.LBB2_54:
0xb2: {  	s22 =	sadd.s32 $0x1, s22  }
0xb3: {  	p0 =	sne.s32 s22, s21  }
.Ltmp6:
0xb4: {  	_ = 	snop;
	(pc) =	sbr.rel @!p0 .LBB2_55-.Ltmp6, $1  }
0xb5: {  	_ =	sdelay $0x3  }
.LBB2_8:
0xb6: {  	s25 =	sshll.u32 s22, $0x1  }
0xb7: {  	p1 =	sge.s32 s25, s20  }
.Ltmp7:
0xb8: {  	_ = 	snop;
	(pc) =	sbr.rel @p1 .LBB2_31-.Ltmp7, $3  }
0xb9: {  	_ =	sdelay $0x1  }
0xba: {  	s24 =	sshllo.u32 s22, $0x1  }
0xbb: {  	p0 =	sge.s32 s24, s20  }
0xbc: {  	s2 =	sshll.u32 @!p0 s24, $0xE  }
0xbd: {  	s2 =	sadd.s32 @!p0 s19, s2  }
0xbe: {  	p1 =	slt.s32 @!p0 s2, $0x616800  }
0xbf: {  	p1 =	por !p1, p0  }
0xc0: {  	s2 =	simm.s32 @p1 $0x616800  }
0xc1: {  	s2 =	sshrl.u32 @!p0 s2, $0x3  }
0xc2: {  	s26 =	simm.s32 @!p0 $0x0;
	s28 =	simm.s32 @!p0 $0x4000;
	s3 =	sadd.s32 @!p0 s0, s2  }
0xc3: {  	[tilespmem:s28], [sflag:$0x2] =	stream.linear.gather @!p0 [hbm4b:s3+s26], $0x4000, $0x38;
	[tilespmem:$0x10E80] =	vst v63  }
0xc4: {  	s2 =	sadd.s32 @!p0 s1, s2;
	s3 =	simm.s32 @!p0 $0xC000  }
0xc5: {  	[tilespmem:s3], [sflag:$0x2] =	stream.linear.gather @!p0 [hbm4b:s2+s26], $0x4000, $0x38;
	[tilespmem:$0x10E80] =	vst v63  }
0xc6: {  	_ =	swait.ge [sflag:s13], $0x4000  }
.Ltmp8:
0xc7: {  	s31 =	sshll.u32 s22, $0xF;
	[sflag:s13] =	ssyncset.done $0x0;
	(pc) =	sbr.rel .LBB2_10-.Ltmp8, $4  }
0xc8: {  	s26 =	sadd.s32 s19, s31;
	[sflag:s13] =	ssyncadd.s32 $0xFFFFC000  }
0xc9: {  	p1 =	slt.s32 s26, $0x616800;
	p2 =	sgt.s32 s18, s26;
	_ =	swait.ge [sflag:s13], $0x4000  }
0xca: {  	s28 =	smov.u32 s26;
	s26 =	smov.u32 @p2 s18;
	[sflag:s13] =	ssyncset.done $0x0  }
0xcb: {  	s29 =	simm.s32 $0x0;
	s28 =	simm.s32 @!p1 $0x616800;
	v10 =	vmov s26;
	[sflag:s13] =	ssyncadd.s32 $0xFFFFC000  }
.LBB2_21:
0xcc: {  	v11 =	vmax.f32 v16, v13  }
0xcd: {  	(xrf1) =	vsort.ascd.msk.f32 $0xffff, v11, v11;
	_ =	sdelay $0xd  }
0xce: {  	v11, _, _ =	vpop (xrf1)  }
0xcf: {  	v9 =	vmax.f32 v9, v11  }
0xd0: {  	(xrf1) =	vsort.dscd.msk.f32 $0xffff, v9, v9;
	_ =	sdelay $0xd  }
0xd1: {  	v9, _, _ =	vpop (xrf1)  }
.LBB2_30:
0xd2: {  	s29 =	sadd.s32 $0x1, s29  }
0xd3: {  	p1 =	sne.s32 s29, $0x100  }
.Ltmp9:
0xd4: {  	_ = 	snop;
	(pc) =	sbr.rel @!p1 .LBB2_31-.Ltmp9, $1  }
0xd5: {  	_ =	sdelay $0x3  }
.LBB2_10:
0xd6: {  	s30 =	sshll.u32 s29, $0x6  }
0xd7: {  	v15 =	vld [tilespmem:s30+$0x0];
	_ =	sdelay $0x4  }
0xd8: {  	v12 =	vld [tilespmem:s30+$0x10];
	(v2sf) =	vpush v15, $0x0;
	_ =	sdelay $0x4  }
0xd9: {  	(v2sf) =	vpush v12, $0xF;
	_ =	sdelay $0x1  }
0xda: {  	v14 =	vld [tilespmem:s30+$0x8000]  }
0xdb: {  	v11 =	vld [tilespmem:s30+$0x8010];
	_ =	sdelay $0x3  }
0xdc: {  	(xrf1) =	vsort.dscd.msk.f32 $0xffff, v14, v14  }
0xdd: {  	(xrf1) =	vsort.ascd.msk.f32 $0xffff, v11, v11;
	_ =	sdelay $0x1  }
0xde: {  	s3 =	spop (v2sf)  }
0xdf: {  	s2 =	sadd.s32 s28, s30;
	p1 =	sne.s32 s3, s23  }
0xe0: {  	p2 =	slt.s32 @!p1 s2, s26  }
0xe1: {  	s31 =	sadd.s32 $0x20, s2;
	p1 =	por p1, p2  }
0xe2: {  	p2 =	sgt.s32 @!p1 s31, s17  }
0xe3: {  	s31 =	spop (v2sf);
	p1 =	por p1, p2  }
0xe4: {  	p2 =	sne.s32 @!p1 s31, s23  }
0xe5: {  	p1 =	por p1, p2  }
.Ltmp10:
0xe6: {  	_ = 	snop;
	(pc) =	sbr.rel @p1 .LBB2_12-.Ltmp10, $3  }
0xe7: {  	_ =	sdelay $0x1  }
0xe8: {  	v16, _, _ =	vpop (xrf1)  }
0xe9: {  	v13, _, _ =	vpop (xrf1)  }
0xea: {  	v11 =	vmax.f32 v16, v13  }
0xeb: {  	(xrf1) =	vsort.ascd.msk.f32 $0xffff, v11, v11;
	_ =	sdelay $0xd  }
0xec: {  	v11, _, _ =	vpop (xrf1)  }
0xed: {  	v9 =	vmax.f32 v9, v11  }
0xee: {  	(xrf1) =	vsort.dscd.msk.f32 $0xffff, v9, v9;
	_ =	sdelay $0xd  }
0xef: {  	v9, _, _ =	vpop (xrf1)  }
.LBB2_20:
0xf0: {  	s2 =	sor.u32 $0x20, s30  }
0xf1: {  	v15 =	vld [tilespmem:s2+$0x0];
	_ =	sdelay $0x3  }
0xf2: {  	s31 =	sor.u32 $0x30, s30  }
0xf3: {  	v12 =	vld [tilespmem:s31+$0x0];
	(v2sf) =	vpush v15, $0x0;
	_ =	sdelay $0x4  }
0xf4: {  	(v2sf) =	vpush v12, $0xF;
	_ =	sdelay $0x1  }
0xf5: {  	v14 =	vld [tilespmem:s30+$0x8020]  }
0xf6: {  	v11 =	vld [tilespmem:s30+$0x8030];
	_ =	sdelay $0x3  }
0xf7: {  	(xrf1) =	vsort.dscd.msk.f32 $0xffff, v14, v14  }
0xf8: {  	(xrf1) =	vsort.ascd.msk.f32 $0xffff, v11, v11;
	_ =	sdelay $0x1  }
0xf9: {  	s3 =	spop (v2sf)  }
0xfa: {  	s2 =	sadd.s32 s28, s2;
	p1 =	sne.s32 s3, s23  }
0xfb: {  	p2 =	slt.s32 @!p1 s2, s26  }
0xfc: {  	s30 =	sadd.s32 $0x20, s2;
	p1 =	por p1, p2  }
0xfd: {  	p2 =	sgt.s32 @!p1 s30, s17  }
0xfe: {  	s30 =	spop (v2sf);
	p1 =	por p1, p2  }
0xff: {  	p2 =	sne.s32 @!p1 s30, s23  }
0x100: {  	p1 =	por p1, p2  }
.Ltmp11:
0x101: {  	_ = 	snop;
	(pc) =	sbr.rel @!p1 .LBB2_21-.Ltmp11, $3  }
0x102: {  	_ =	sdelay $0x1  }
0x103: {  	v16, _, _ =	vpop (xrf1)  }
0x104: {  	v13, _, _ =	vpop (xrf1)  }
0x105: {  	(v2sf) =	vpush v15, $0xF;
	_ =	sdelay $0xa  }
0x106: {  	p1 =	slt.s32 s2, s26  }
0x107: {  	p2 =	sne.s32 @!p1 s3, s23  }
0x108: {  	s3 =	sadd.s32 $0x10, s2;
	p1 =	por p1, p2  }
0x109: {  	p2 =	sgt.s32 @!p1 s3, s17  }
0x10a: {  	p1 =	por p1, p2;
	s3 =	spop (v2sf)  }
0x10b: {  	p2 =	sne.s32 @!p1 s3, s23  }
0x10c: {  	p1 =	por p1, p2  }
.Ltmp12:
0x10d: {  	_ = 	snop;
	(pc) =	sbr.rel @p1 .LBB2_24-.Ltmp12, $1  }
0x10e: {  	_ =	sdelay $0x3  }
0x10f: {  	v14 =	vperm.xlane v16, v6;
	_ =	sdelay $0x1  }
0x110: {  	v9 =	vmax.f32 v9, v14  }
0x111: {  	(xrf1) =	vsort.dscd.msk.f32 $0xffff, v9, v9;
	_ =	sdelay $0xd  }
0x112: {  	v9, _, _ =	vpop (xrf1)  }
.LBB2_26:
0x113: {  	(v2sf) =	vpush v12, $0x0;
	_ =	sdelay $0xb  }
0x114: {  	s2 =	sadd.s32 s28, s31  }
0x115: {  	p1 =	slt.s32 s2, s26;
	s3 =	sadd.s32 $0x10, s2  }
0x116: {  	p2 =	sgt.s32 @!p1 s3, s17  }
0x117: {  	p1 =	por p1, p2;
	s3 =	spop (v2sf)  }
0x118: {  	p2 =	sne.s32 @!p1 s3, s23  }
0x119: {  	p1 =	por p1, p2  }
0x11a: {  	p2 =	sne.s32 @!p1 s30, s23  }
0x11b: {  	p1 =	por p1, p2  }
.Ltmp13:
0x11c: {  	_ = 	snop;
	(pc) =	sbr.rel @p1 .LBB2_28-.Ltmp13, $1  }
0x11d: {  	_ =	sdelay $0x3  }
0x11e: {  	v9 =	vmax.f32 v9, v13  }
0x11f: {  	(xrf1) =	vsort.dscd.msk.f32 $0xffff, v9, v9;
	_ =	sdelay $0x9  }
.Ltmp14:
0x120: {  	_ = 	snop;
	(pc) =	sbr.rel .LBB2_30-.Ltmp14, $2  }
0x121: {  	_ =	sdelay $0x2  }
0x122: {  	s23 =	smov.u32 s30;
	v9, _, _ =	vpop (xrf1)  }
.LBB2_12:
0x123: {  	(v2sf) =	vpush v15, $0xF;
	_ =	sdelay $0xa  }
0x124: {  	p1 =	slt.s32 s2, s26  }
0x125: {  	p2 =	sne.s32 @!p1 s3, s23  }
0x126: {  	s3 =	sadd.s32 $0x10, s2;
	p1 =	por p1, p2  }
0x127: {  	p2 =	sgt.s32 @!p1 s3, s17  }
0x128: {  	p1 =	por p1, p2;
	s3 =	spop (v2sf)  }
0x129: {  	p2 =	sne.s32 @!p1 s3, s23  }
0x12a: {  	p1 =	por p1, p2  }
.Ltmp15:
0x12b: {  	_ = 	snop;
	(pc) =	sbr.rel @p1 .LBB2_14-.Ltmp15, $1  }
0x12c: {  	_ =	sdelay $0x3  }
0x12d: {  	v14 =	vperm.xlane v16, v6;
	_ =	sdelay $0x1  }
0x12e: {  	v9 =	vmax.f32 v9, v14  }
0x12f: {  	(xrf1) =	vsort.dscd.msk.f32 $0xffff, v9, v9;
	_ =	sdelay $0xd  }
0x130: {  	v9, _, _ =	vpop (xrf1)  }
.LBB2_16:
0x131: {  	(v2sf) =	vpush v12, $0x0;
	_ =	sdelay $0xa  }
0x132: {  	s2 =	sor.u32 $0x10, s30  }
0x133: {  	s2 =	sadd.s32 s28, s2  }
0x134: {  	p1 =	slt.s32 s2, s26;
	s3 =	sadd.s32 $0x10, s2  }
0x135: {  	p2 =	sgt.s32 @!p1 s3, s17  }
0x136: {  	p1 =	por p1, p2;
	s3 =	spop (v2sf)  }
0x137: {  	p2 =	sne.s32 @!p1 s3, s23  }
0x138: {  	p1 =	por p1, p2  }
0x139: {  	p2 =	sne.s32 @!p1 s31, s23  }
0x13a: {  	p1 =	por p1, p2  }
.Ltmp16:
0x13b: {  	_ = 	snop;
	(pc) =	sbr.rel @p1 .LBB2_18-.Ltmp16, $1  }
0x13c: {  	_ =	sdelay $0x3  }
0x13d: {  	v9 =	vmax.f32 v9, v13  }
0x13e: {  	(xrf1) =	vsort.dscd.msk.f32 $0xffff, v9, v9;
	_ =	sdelay $0x9  }
.Ltmp17:
0x13f: {  	_ = 	snop;
	(pc) =	sbr.rel .LBB2_20-.Ltmp17, $2  }
0x140: {  	_ =	sdelay $0x2  }
0x141: {  	s23 =	smov.u32 s31;
	v9, _, _ =	vpop (xrf1)  }
.LBB2_28:
0x142: {  	v13 =	vadd.s32 s2, v0  }
0x143: {  	vm2 =	vge.s32 v13, v10;
	vm3 =	vlt.s32 v13, v8  }
0x144: {  	vm2 =	vmand vm2, vm3  }
0x145: {  	v14 =	vnsel vm2, s23, v12  }
0x146: {  	v14 =	vcvt.s32.f32 v14;
	_ =	sdelay $0x1  }
0x147: {  	(xrf1) =	vsort.dscd.msk.f32 $0xffff, v14, v14;
	_ =	sdelay $0xd  }
0x148: {  	v14, _, _ =	vpop (xrf1)  }
0x149: {  	(v2sf) =	vpush v14, $0x0;
	_ =	sdelay $0xe  }
0x14a: {  	s31 =	spop (v2sf)  }
0x14b: {  	s2 =	scvt.f32.s32 s31;
	_ =	sdelay $0x1  }
0x14c: {  	vm3 =	vlt.s32 v13, v10;
	v13 =	vmov s2  }
0x14d: {  	v13 =	vsel vm3, s23, v13  }
0x14e: {  	v12 =	vsel vm2, v12, v13  }
0x14f: {  	s2 =	simm.s32 $0x0;
	[tilespmem:$0x10D00] =	vst v12  }
.LBB2_29:
0x150: {  	v13 =	vld [tilespmem:s2+$0x10D00];
	_ =	sdelay $0x4  }
0x151: {  	v14 =	vbroadcast v13, $0x0;
	_ =	sdelay $0x1  }
0x152: {  	vm3 =	veq.s32 v12, v14  }
0x153: {  	vm4 =	vmand vm2, vm3  }
0x154: {  	v14 =	vnsel vm4, $0xFF800000, v11  }
0x155: {  	(xrf1) =	vsort.dscd.msk.f32 $0xffff, v14, v14  }
0x156: {  	(v2sf) =	vpush v13, $0x0;
	_ =	sdelay $0x1  }
0x157: {  	v13 =	vsel vm3, $0x1, v4  }
0x158: {  	(xrf0) =	vadd.scan.msk.s32 $0xffff, v13;
	_ =	sdelay $0x5  }
0x159: {  	v13, _, _ =	vpop (xrf0)  }
0x15a: {  	(v2sf) =	vpush v13, $0xF;
	_ =	sdelay $0x2  }
0x15b: {  	v14, _, _ =	vpop (xrf1)  }
0x15c: {  	v13 =	vperm.xlane v14, v6  }
0x15d: {  	s3 =	smov.u32 s23;
	vm3 =	veq.f32 v9, $-Inf;
	s23 =	spop (v2sf)  }
0x15e: {  	p1 =	sne.s32 s23, s3;
	v14 =	vsel vm3, $0x0, v9;
	v9 =	vmax.f32 v9, v13  }
0x15f: {  	v14 =	vmul.f32 v14, v7;
	v9 =	vpsel p1, v13, v9  }
0x160: {  	(xrf1) =	vsort.dscd.msk.f32 $0xffff, v9, v9  }
0x161: {  	(xrf2) =	vadd.scan.msk.f32 $0xffff, v14;
	_ =	sdelay $0x4  }
0x162: {  	vm3 =	vmmov vm0  }
0x163: {  	vm3 =	vmneg @p1 vm3;
	s31 =	spop (v2sf)  }
0x164: {  	s3 =	ssub.s32 s3, s7;
	vm3 =	vmand vm3, vm1;
	s2 =	sadd.s32 s2, s31  }
0x165: {  	v9 =	vmov s3;
	p1 =	slt.s32 s2, $0x10  }
.Ltmp18:
0x166: {  	_ = 	snop;
	(pc) =	sbr.rel @p1 .LBB2_29-.Ltmp18, $3  }
0x167: {  	v13, _, _ =	vpop (xrf2)  }
0x168: {  	v13 =	vbroadcast v13, $0xF;
	_ =	sdelay $0x1  }
0x169: {  	[tilespmem:v9+s14+$0x0] =	vst.idx.msk vm3, v13;
	v9, _, _ =	vpop (xrf1)  }
.Ltmp19:
0x16a: {  	_ = 	snop;
	(pc) =	sbr.rel .LBB2_30-.Ltmp19, $1  }
0x16b: {  	_ =	sdelay $0x3  }
.LBB2_18:
0x16c: {  	v13 =	vadd.s32 s2, v0  }
0x16d: {  	vm2 =	vge.s32 v13, v10;
	vm3 =	vlt.s32 v13, v8  }
0x16e: {  	vm2 =	vmand vm2, vm3  }
0x16f: {  	v14 =	vnsel vm2, s23, v12  }
0x170: {  	v14 =	vcvt.s32.f32 v14;
	_ =	sdelay $0x1  }
0x171: {  	(xrf1) =	vsort.dscd.msk.f32 $0xffff, v14, v14;
	_ =	sdelay $0xd  }
0x172: {  	v14, _, _ =	vpop (xrf1)  }
0x173: {  	(v2sf) =	vpush v14, $0x0;
	_ =	sdelay $0xe  }
0x174: {  	s31 =	spop (v2sf)  }
0x175: {  	s2 =	scvt.f32.s32 s31;
	_ =	sdelay $0x1  }
0x176: {  	vm3 =	vlt.s32 v13, v10;
	v13 =	vmov s2  }
0x177: {  	v13 =	vsel vm3, s23, v13  }
0x178: {  	v12 =	vsel vm2, v12, v13  }
0x179: {  	s2 =	simm.s32 $0x0;
	[tilespmem:$0x10D00] =	vst v12  }
.LBB2_19:
0x17a: {  	v13 =	vld [tilespmem:s2+$0x10D00];
	_ =	sdelay $0x4  }
0x17b: {  	v14 =	vbroadcast v13, $0x0;
	_ =	sdelay $0x1  }
0x17c: {  	vm3 =	veq.s32 v12, v14  }
0x17d: {  	vm4 =	vmand vm2, vm3  }
0x17e: {  	v14 =	vnsel vm4, $0xFF800000, v11  }
0x17f: {  	(xrf1) =	vsort.dscd.msk.f32 $0xffff, v14, v14  }
0x180: {  	(v2sf) =	vpush v13, $0x0;
	_ =	sdelay $0x1  }
0x181: {  	v13 =	vsel vm3, $0x1, v4  }
0x182: {  	(xrf0) =	vadd.scan.msk.s32 $0xffff, v13;
	_ =	sdelay $0x5  }
0x183: {  	v13, _, _ =	vpop (xrf0)  }
0x184: {  	(v2sf) =	vpush v13, $0xF;
	_ =	sdelay $0x2  }
0x185: {  	v14, _, _ =	vpop (xrf1)  }
0x186: {  	v13 =	vperm.xlane v14, v6  }
0x187: {  	s3 =	smov.u32 s23;
	vm3 =	veq.f32 v9, $-Inf;
	s23 =	spop (v2sf)  }
0x188: {  	p1 =	sne.s32 s23, s3;
	v14 =	vsel vm3, $0x0, v9;
	v9 =	vmax.f32 v9, v13  }
0x189: {  	v14 =	vmul.f32 v14, v7;
	v9 =	vpsel p1, v13, v9  }
0x18a: {  	(xrf1) =	vsort.dscd.msk.f32 $0xffff, v9, v9  }
0x18b: {  	(xrf2) =	vadd.scan.msk.f32 $0xffff, v14;
	_ =	sdelay $0x4  }
0x18c: {  	vm3 =	vmmov vm0  }
0x18d: {  	vm3 =	vmneg @p1 vm3;
	s31 =	spop (v2sf)  }
0x18e: {  	s3 =	ssub.s32 s3, s7;
	vm3 =	vmand vm3, vm1;
	s2 =	sadd.s32 s2, s31  }
0x18f: {  	v9 =	vmov s3;
	p1 =	slt.s32 s2, $0x10  }
.Ltmp20:
0x190: {  	_ = 	snop;
	(pc) =	sbr.rel @p1 .LBB2_19-.Ltmp20, $3  }
0x191: {  	v13, _, _ =	vpop (xrf2)  }
0x192: {  	v13 =	vbroadcast v13, $0xF;
	_ =	sdelay $0x1  }
0x193: {  	[tilespmem:v9+s14+$0x0] =	vst.idx.msk vm3, v13;
	v9, _, _ =	vpop (xrf1)  }
.Ltmp21:
0x194: {  	_ = 	snop;
	(pc) =	sbr.rel .LBB2_20-.Ltmp21, $1  }
0x195: {  	_ =	sdelay $0x3  }
.LBB2_24:
0x196: {  	v16 =	vadd.s32 s2, v0  }
0x197: {  	vm2 =	vge.s32 v16, v10;
	vm3 =	vlt.s32 v16, v8  }
0x198: {  	vm2 =	vmand vm2, vm3  }
0x199: {  	v17 =	vnsel vm2, s23, v15  }
0x19a: {  	v17 =	vcvt.s32.f32 v17;
	_ =	sdelay $0x1  }
0x19b: {  	(xrf1) =	vsort.dscd.msk.f32 $0xffff, v17, v17;
	_ =	sdelay $0xd  }
0x19c: {  	v17, _, _ =	vpop (xrf1)  }
0x19d: {  	(v2sf) =	vpush v17, $0x0;
	_ =	sdelay $0xe  }
0x19e: {  	s3 =	spop (v2sf)  }
0x19f: {  	s2 =	scvt.f32.s32 s3;
	_ =	sdelay $0x1  }
0x1a0: {  	vm3 =	vlt.s32 v16, v10;
	v16 =	vmov s2  }
0x1a1: {  	v16 =	vsel vm3, s23, v16  }
0x1a2: {  	v15 =	vsel vm2, v15, v16  }
0x1a3: {  	s2 =	simm.s32 $0x0;
	[tilespmem:$0x10D00] =	vst v15  }
.LBB2_25:
0x1a4: {  	v16 =	vld [tilespmem:s2+$0x10D00];
	_ =	sdelay $0x4  }
0x1a5: {  	v17 =	vbroadcast v16, $0x0;
	_ =	sdelay $0x1  }
0x1a6: {  	vm3 =	veq.s32 v15, v17  }
0x1a7: {  	vm4 =	vmand vm2, vm3  }
0x1a8: {  	v17 =	vnsel vm4, $0xFF800000, v14  }
0x1a9: {  	(xrf1) =	vsort.dscd.msk.f32 $0xffff, v17, v17  }
0x1aa: {  	(v2sf) =	vpush v16, $0x0;
	_ =	sdelay $0x1  }
0x1ab: {  	v16 =	vsel vm3, $0x1, v4  }
0x1ac: {  	(xrf0) =	vadd.scan.msk.s32 $0xffff, v16;
	_ =	sdelay $0x5  }
0x1ad: {  	v16, _, _ =	vpop (xrf0)  }
0x1ae: {  	(v2sf) =	vpush v16, $0xF;
	_ =	sdelay $0x2  }
0x1af: {  	v17, _, _ =	vpop (xrf1)  }
0x1b0: {  	v16 =	vperm.xlane v17, v6  }
0x1b1: {  	s3 =	smov.u32 s23;
	vm3 =	veq.f32 v9, $-Inf;
	s23 =	spop (v2sf)  }
0x1b2: {  	p1 =	sne.s32 s23, s3;
	v17 =	vsel vm3, $0x0, v9;
	v9 =	vmax.f32 v9, v16  }
0x1b3: {  	v17 =	vmul.f32 v17, v7;
	v9 =	vpsel p1, v16, v9  }
0x1b4: {  	(xrf1) =	vsort.dscd.msk.f32 $0xffff, v9, v9  }
0x1b5: {  	(xrf2) =	vadd.scan.msk.f32 $0xffff, v17;
	_ =	sdelay $0x4  }
0x1b6: {  	s3 =	ssub.s32 s3, s7;
	vm3 =	vmmov vm0  }
0x1b7: {  	vm3 =	vmneg @p1 vm3;
	v9 =	vmov s3;
	s3 =	spop (v2sf)  }
0x1b8: {  	vm3 =	vmand vm3, vm1;
	s2 =	sadd.s32 s2, s3  }
0x1b9: {  	p1 =	slt.s32 s2, $0x10  }
.Ltmp22:
0x1ba: {  	_ = 	snop;
	(pc) =	sbr.rel @p1 .LBB2_25-.Ltmp22, $3  }
0x1bb: {  	v16, _, _ =	vpop (xrf2)  }
0x1bc: {  	v16 =	vbroadcast v16, $0xF;
	_ =	sdelay $0x1  }
0x1bd: {  	[tilespmem:v9+s14+$0x0] =	vst.idx.msk vm3, v16;
	v9, _, _ =	vpop (xrf1)  }
.Ltmp23:
0x1be: {  	_ = 	snop;
	(pc) =	sbr.rel .LBB2_26-.Ltmp23, $1  }
0x1bf: {  	_ =	sdelay $0x3  }
.LBB2_14:
0x1c0: {  	v16 =	vadd.s32 s2, v0  }
0x1c1: {  	vm2 =	vge.s32 v16, v10;
	vm3 =	vlt.s32 v16, v8  }
0x1c2: {  	vm2 =	vmand vm2, vm3  }
0x1c3: {  	v17 =	vnsel vm2, s23, v15  }
0x1c4: {  	v17 =	vcvt.s32.f32 v17;
	_ =	sdelay $0x1  }
0x1c5: {  	(xrf1) =	vsort.dscd.msk.f32 $0xffff, v17, v17;
	_ =	sdelay $0xd  }
0x1c6: {  	v17, _, _ =	vpop (xrf1)  }
0x1c7: {  	(v2sf) =	vpush v17, $0x0;
	_ =	sdelay $0xe  }
0x1c8: {  	s3 =	spop (v2sf)  }
0x1c9: {  	s2 =	scvt.f32.s32 s3;
	_ =	sdelay $0x1  }
0x1ca: {  	vm3 =	vlt.s32 v16, v10;
	v16 =	vmov s2  }
0x1cb: {  	v16 =	vsel vm3, s23, v16  }
0x1cc: {  	v15 =	vsel vm2, v15, v16  }
0x1cd: {  	s2 =	simm.s32 $0x0;
	[tilespmem:$0x10D00] =	vst v15  }
.LBB2_15:
0x1ce: {  	v16 =	vld [tilespmem:s2+$0x10D00];
	_ =	sdelay $0x4  }
0x1cf: {  	v17 =	vbroadcast v16, $0x0;
	_ =	sdelay $0x1  }
0x1d0: {  	vm3 =	veq.s32 v15, v17  }
0x1d1: {  	vm4 =	vmand vm2, vm3  }
0x1d2: {  	v17 =	vnsel vm4, $0xFF800000, v14  }
0x1d3: {  	(xrf1) =	vsort.dscd.msk.f32 $0xffff, v17, v17  }
0x1d4: {  	(v2sf) =	vpush v16, $0x0;
	_ =	sdelay $0x1  }
0x1d5: {  	v16 =	vsel vm3, $0x1, v4  }
0x1d6: {  	(xrf0) =	vadd.scan.msk.s32 $0xffff, v16;
	_ =	sdelay $0x5  }
0x1d7: {  	v16, _, _ =	vpop (xrf0)  }
0x1d8: {  	(v2sf) =	vpush v16, $0xF;
	_ =	sdelay $0x2  }
0x1d9: {  	v17, _, _ =	vpop (xrf1)  }
0x1da: {  	v16 =	vperm.xlane v17, v6  }
0x1db: {  	s3 =	smov.u32 s23;
	vm3 =	veq.f32 v9, $-Inf;
	s23 =	spop (v2sf)  }
0x1dc: {  	p1 =	sne.s32 s23, s3;
	v17 =	vsel vm3, $0x0, v9;
	v9 =	vmax.f32 v9, v16  }
0x1dd: {  	v17 =	vmul.f32 v17, v7;
	v9 =	vpsel p1, v16, v9  }
0x1de: {  	(xrf1) =	vsort.dscd.msk.f32 $0xffff, v9, v9  }
0x1df: {  	(xrf2) =	vadd.scan.msk.f32 $0xffff, v17;
	_ =	sdelay $0x4  }
0x1e0: {  	s3 =	ssub.s32 s3, s7;
	vm3 =	vmmov vm0  }
0x1e1: {  	vm3 =	vmneg @p1 vm3;
	v9 =	vmov s3;
	s3 =	spop (v2sf)  }
0x1e2: {  	vm3 =	vmand vm3, vm1;
	s2 =	sadd.s32 s2, s3  }
0x1e3: {  	p1 =	slt.s32 s2, $0x10  }
.Ltmp24:
0x1e4: {  	_ = 	snop;
	(pc) =	sbr.rel @p1 .LBB2_15-.Ltmp24, $3  }
0x1e5: {  	v16, _, _ =	vpop (xrf2)  }
0x1e6: {  	v16 =	vbroadcast v16, $0xF;
	_ =	sdelay $0x1  }
0x1e7: {  	[tilespmem:v9+s14+$0x0] =	vst.idx.msk vm3, v16;
	v9, _, _ =	vpop (xrf1)  }
.Ltmp25:
0x1e8: {  	_ = 	snop;
	(pc) =	sbr.rel .LBB2_16-.Ltmp25, $1  }
0x1e9: {  	_ =	sdelay $0x3  }
.LBB2_31:
.Ltmp26:
0x1ea: {  	(pc) =	sbr.rel @p0 .LBB2_54-.Ltmp26, $1  }
0x1eb: {  	_ =	sdelay $0x3  }
0x1ec: {  	s2 =	sadd.s32 $0x2, s25  }
0x1ed: {  	p0 =	sge.s32 s2, s20  }
0x1ee: {  	s2 =	sshll.u32 @!p0 s2, $0xE  }
0x1ef: {  	s2 =	sadd.s32 @!p0 s19, s2  }
0x1f0: {  	p1 =	slt.s32 @!p0 s2, $0x616800  }
0x1f1: {  	p1 =	por !p1, p0  }
0x1f2: {  	s2 =	simm.s32 @p1 $0x616800  }
0x1f3: {  	s2 =	sshrl.u32 @!p0 s2, $0x3  }
0x1f4: {  	s25 =	simm.s32 @!p0 $0x0;
	s3 =	sadd.s32 @!p0 s0, s2  }
0x1f5: {  	[tilespmem:s25], [sflag:$0x1] =	stream.linear.gather @!p0 [hbm4b:s3+s25], $0x4000, $0x38;
	[tilespmem:$0x10E80] =	vst v63  }
0x1f6: {  	s2 =	sadd.s32 @!p0 s1, s2;
	s3 =	simm.s32 @!p0 $0x8000  }
0x1f7: {  	[tilespmem:s3], [sflag:$0x1] =	stream.linear.gather @!p0 [hbm4b:s2+s25], $0x4000, $0x38;
	[tilespmem:$0x10E80] =	vst v63  }
0x1f8: {  	_ =	swait.ge [sflag:s15], $0x4000  }
.Ltmp27:
0x1f9: {  	s31 =	sshll.u32 s24, $0xE;
	[sflag:s15] =	ssyncset.done $0x0;
	(pc) =	sbr.rel .LBB2_33-.Ltmp27, $4  }
0x1fa: {  	s24 =	sadd.s32 s19, s31;
	[sflag:s15] =	ssyncadd.s32 $0xFFFFC000  }
0x1fb: {  	p1 =	sgt.s32 s18, s24;
	p0 =	slt.s32 s24, $0x616800;
	_ =	swait.ge [sflag:s15], $0x4000  }
0x1fc: {  	s25 =	smov.u32 s24;
	s24 =	smov.u32 @p1 s18;
	[sflag:s15] =	ssyncset.done $0x0  }
0x1fd: {  	s26 =	simm.s32 $0x0;
	s25 =	simm.s32 @!p0 $0x616800;
	v10 =	vmov s24;
	[sflag:s15] =	ssyncadd.s32 $0xFFFFC000  }
.LBB2_44:
0x1fe: {  	v11 =	vmax.f32 v16, v13  }
0x1ff: {  	(xrf1) =	vsort.ascd.msk.f32 $0xffff, v11, v11;
	_ =	sdelay $0xd  }
0x200: {  	v11, _, _ =	vpop (xrf1)  }
0x201: {  	v9 =	vmax.f32 v9, v11  }
0x202: {  	(xrf1) =	vsort.dscd.msk.f32 $0xffff, v9, v9;
	_ =	sdelay $0xd  }
0x203: {  	v9, _, _ =	vpop (xrf1)  }
.LBB2_53:
0x204: {  	s26 =	sadd.s32 $0x1, s26  }
0x205: {  	p0 =	sne.s32 s26, $0x100  }
.Ltmp28:
0x206: {  	_ = 	snop;
	(pc) =	sbr.rel @!p0 .LBB2_54-.Ltmp28, $1  }
0x207: {  	_ =	sdelay $0x3  }
.LBB2_33:
0x208: {  	s28 =	sshll.u32 s26, $0x6  }
0x209: {  	s2 =	sor.u32 $0x4000, s28  }
0x20a: {  	v15 =	vld [tilespmem:s2+$0x0];
	_ =	sdelay $0x3  }
0x20b: {  	s31 =	sor.u32 $0x4010, s28  }
0x20c: {  	v12 =	vld [tilespmem:s31+$0x0];
	(v2sf) =	vpush v15, $0x0;
	_ =	sdelay $0x4  }
0x20d: {  	(v2sf) =	vpush v12, $0xF;
	_ =	sdelay $0x1  }
0x20e: {  	v14 =	vld [tilespmem:s28+$0xC000]  }
0x20f: {  	v11 =	vld [tilespmem:s28+$0xC010];
	_ =	sdelay $0x3  }
0x210: {  	(xrf1) =	vsort.dscd.msk.f32 $0xffff, v14, v14  }
0x211: {  	(xrf1) =	vsort.ascd.msk.f32 $0xffff, v11, v11;
	_ =	sdelay $0x1  }
0x212: {  	s3 =	spop (v2sf)  }
0x213: {  	s2 =	sadd.s32 s25, s28;
	p0 =	sne.s32 s3, s23  }
0x214: {  	p1 =	slt.s32 @!p0 s2, s24  }
0x215: {  	s29 =	sadd.s32 $0x20, s2;
	p0 =	por p0, p1  }
0x216: {  	p1 =	sgt.s32 @!p0 s29, s17  }
0x217: {  	s29 =	spop (v2sf);
	p0 =	por p0, p1  }
0x218: {  	p1 =	sne.s32 @!p0 s29, s23  }
0x219: {  	p0 =	por p0, p1  }
.Ltmp29:
0x21a: {  	_ = 	snop;
	(pc) =	sbr.rel @p0 .LBB2_35-.Ltmp29, $3  }
0x21b: {  	_ =	sdelay $0x1  }
0x21c: {  	v16, _, _ =	vpop (xrf1)  }
0x21d: {  	v13, _, _ =	vpop (xrf1)  }
0x21e: {  	v11 =	vmax.f32 v16, v13  }
0x21f: {  	(xrf1) =	vsort.ascd.msk.f32 $0xffff, v11, v11;
	_ =	sdelay $0xd  }
0x220: {  	v11, _, _ =	vpop (xrf1)  }
0x221: {  	v9 =	vmax.f32 v9, v11  }
0x222: {  	(xrf1) =	vsort.dscd.msk.f32 $0xffff, v9, v9;
	_ =	sdelay $0xd  }
0x223: {  	v9, _, _ =	vpop (xrf1)  }
.LBB2_43:
0x224: {  	s2 =	sor.u32 $0x4020, s28  }
0x225: {  	v15 =	vld [tilespmem:s2+$0x0];
	_ =	sdelay $0x3  }
0x226: {  	s3 =	sor.u32 $0x4030, s28  }
0x227: {  	v12 =	vld [tilespmem:s3+$0x0];
	(v2sf) =	vpush v15, $0x0;
	_ =	sdelay $0x4  }
0x228: {  	(v2sf) =	vpush v12, $0xF;
	_ =	sdelay $0x1  }
0x229: {  	v14 =	vld [tilespmem:s28+$0xC020]  }
0x22a: {  	v11 =	vld [tilespmem:s28+$0xC030];
	_ =	sdelay $0x3  }
0x22b: {  	(xrf1) =	vsort.dscd.msk.f32 $0xffff, v14, v14  }
0x22c: {  	(xrf1) =	vsort.ascd.msk.f32 $0xffff, v11, v11;
	_ =	sdelay $0x1  }
0x22d: {  	s29 =	sadd.s32 s28, s25;
	s31 =	spop (v2sf)  }
0x22e: {  	s2 =	sadd.s32 $0x20, s29;
	p0 =	sne.s32 s31, s23  }
0x22f: {  	p1 =	slt.s32 @!p0 s2, s24  }
0x230: {  	s30 =	sadd.s32 $0x40, s29;
	p0 =	por p0, p1  }
0x231: {  	p1 =	sgt.s32 @!p0 s30, s17  }
0x232: {  	s28 =	spop (v2sf);
	p0 =	por p0, p1  }
0x233: {  	p1 =	sne.s32 @!p0 s28, s23  }
0x234: {  	p0 =	por p0, p1  }
.Ltmp30:
0x235: {  	_ = 	snop;
	(pc) =	sbr.rel @!p0 .LBB2_44-.Ltmp30, $3  }
0x236: {  	_ =	sdelay $0x1  }
0x237: {  	v16, _, _ =	vpop (xrf1)  }
0x238: {  	v13, _, _ =	vpop (xrf1)  }
0x239: {  	(v2sf) =	vpush v15, $0xF;
	_ =	sdelay $0xa  }
0x23a: {  	p0 =	slt.s32 s2, s24  }
0x23b: {  	p1 =	sne.s32 @!p0 s31, s23  }
0x23c: {  	s3 =	sadd.s32 $0x10, s2;
	p0 =	por p0, p1  }
0x23d: {  	p1 =	sgt.s32 @!p0 s3, s17  }
0x23e: {  	p0 =	por p0, p1;
	s3 =	spop (v2sf)  }
0x23f: {  	p1 =	sne.s32 @!p0 s3, s23  }
0x240: {  	p0 =	por p0, p1  }
.Ltmp31:
0x241: {  	_ = 	snop;
	(pc) =	sbr.rel @p0 .LBB2_47-.Ltmp31, $1  }
0x242: {  	_ =	sdelay $0x3  }
0x243: {  	v14 =	vperm.xlane v16, v6;
	_ =	sdelay $0x1  }
0x244: {  	v9 =	vmax.f32 v9, v14  }
0x245: {  	(xrf1) =	vsort.dscd.msk.f32 $0xffff, v9, v9;
	_ =	sdelay $0xd  }
0x246: {  	v9, _, _ =	vpop (xrf1)  }
.LBB2_49:
0x247: {  	(v2sf) =	vpush v12, $0x0;
	_ =	sdelay $0xb  }
0x248: {  	s2 =	sadd.s32 $0x30, s29  }
0x249: {  	p0 =	slt.s32 s2, s24  }
0x24a: {  	p1 =	sgt.s32 @!p0 s30, s17  }
0x24b: {  	p0 =	por p0, p1;
	s3 =	spop (v2sf)  }
0x24c: {  	p1 =	sne.s32 @!p0 s3, s23  }
0x24d: {  	p0 =	por p0, p1  }
0x24e: {  	p1 =	sne.s32 @!p0 s28, s23  }
0x24f: {  	p0 =	por p0, p1  }
.Ltmp32:
0x250: {  	_ = 	snop;
	(pc) =	sbr.rel @p0 .LBB2_51-.Ltmp32, $1  }
0x251: {  	_ =	sdelay $0x3  }
0x252: {  	v9 =	vmax.f32 v9, v13  }
0x253: {  	(xrf1) =	vsort.dscd.msk.f32 $0xffff, v9, v9;
	_ =	sdelay $0x9  }
.Ltmp33:
0x254: {  	_ = 	snop;
	(pc) =	sbr.rel .LBB2_53-.Ltmp33, $2  }
0x255: {  	_ =	sdelay $0x2  }
0x256: {  	s23 =	smov.u32 s28;
	v9, _, _ =	vpop (xrf1)  }
.LBB2_35:
0x257: {  	(v2sf) =	vpush v15, $0xF;
	_ =	sdelay $0xa  }
0x258: {  	p0 =	slt.s32 s2, s24  }
0x259: {  	p1 =	sne.s32 @!p0 s3, s23  }
0x25a: {  	s3 =	sadd.s32 $0x10, s2;
	p0 =	por p0, p1  }
0x25b: {  	p1 =	sgt.s32 @!p0 s3, s17  }
0x25c: {  	p0 =	por p0, p1;
	s3 =	spop (v2sf)  }
0x25d: {  	p1 =	sne.s32 @!p0 s3, s23  }
0x25e: {  	p0 =	por p0, p1  }
.Ltmp34:
0x25f: {  	_ = 	snop;
	(pc) =	sbr.rel @p0 .LBB2_37-.Ltmp34, $1  }
0x260: {  	_ =	sdelay $0x3  }
0x261: {  	v14 =	vperm.xlane v16, v6;
	_ =	sdelay $0x1  }
0x262: {  	v9 =	vmax.f32 v9, v14  }
0x263: {  	(xrf1) =	vsort.dscd.msk.f32 $0xffff, v9, v9;
	_ =	sdelay $0xd  }
0x264: {  	v9, _, _ =	vpop (xrf1)  }
.LBB2_39:
0x265: {  	(v2sf) =	vpush v12, $0x0;
	_ =	sdelay $0xa  }
0x266: {  	s3 =	sadd.s32 s28, s25  }
0x267: {  	s2 =	sadd.s32 $0x10, s3  }
0x268: {  	s3 =	sadd.s32 $0x20, s3;
	p0 =	slt.s32 s2, s24  }
0x269: {  	p1 =	sgt.s32 @!p0 s3, s17  }
0x26a: {  	p0 =	por p0, p1;
	s3 =	spop (v2sf)  }
0x26b: {  	p1 =	sne.s32 @!p0 s3, s23  }
0x26c: {  	p0 =	por p0, p1  }
0x26d: {  	p1 =	sne.s32 @!p0 s29, s23  }
0x26e: {  	p0 =	por p0, p1  }
.Ltmp35:
0x26f: {  	_ = 	snop;
	(pc) =	sbr.rel @p0 .LBB2_41-.Ltmp35, $1  }
0x270: {  	_ =	sdelay $0x3  }
0x271: {  	v9 =	vmax.f32 v9, v13  }
0x272: {  	(xrf1) =	vsort.dscd.msk.f32 $0xffff, v9, v9;
	_ =	sdelay $0x9  }
.Ltmp36:
0x273: {  	_ = 	snop;
	(pc) =	sbr.rel .LBB2_43-.Ltmp36, $2  }
0x274: {  	_ =	sdelay $0x2  }
0x275: {  	s23 =	smov.u32 s29;
	v9, _, _ =	vpop (xrf1)  }
.LBB2_51:
0x276: {  	v13 =	vadd.s32 s2, v0  }
0x277: {  	vm2 =	vge.s32 v13, v10;
	vm3 =	vlt.s32 v13, v8  }
0x278: {  	vm2 =	vmand vm2, vm3  }
0x279: {  	v14 =	vnsel vm2, s23, v12  }
0x27a: {  	v14 =	vcvt.s32.f32 v14;
	_ =	sdelay $0x1  }
0x27b: {  	(xrf1) =	vsort.dscd.msk.f32 $0xffff, v14, v14;
	_ =	sdelay $0xd  }
0x27c: {  	v14, _, _ =	vpop (xrf1)  }
0x27d: {  	(v2sf) =	vpush v14, $0x0;
	_ =	sdelay $0xe  }
0x27e: {  	s31 =	spop (v2sf)  }
0x27f: {  	s2 =	scvt.f32.s32 s31;
	_ =	sdelay $0x1  }
0x280: {  	vm3 =	vlt.s32 v13, v10;
	v13 =	vmov s2  }
0x281: {  	v13 =	vsel vm3, s23, v13  }
0x282: {  	v12 =	vsel vm2, v12, v13  }
0x283: {  	s2 =	simm.s32 $0x0;
	[tilespmem:$0x10D00] =	vst v12  }
.LBB2_52:
0x284: {  	v13 =	vld [tilespmem:s2+$0x10D00];
	_ =	sdelay $0x4  }
0x285: {  	v14 =	vbroadcast v13, $0x0;
	_ =	sdelay $0x1  }
0x286: {  	vm3 =	veq.s32 v12, v14  }
0x287: {  	vm4 =	vmand vm2, vm3  }
0x288: {  	v14 =	vnsel vm4, $0xFF800000, v11  }
0x289: {  	(xrf1) =	vsort.dscd.msk.f32 $0xffff, v14, v14  }
0x28a: {  	(v2sf) =	vpush v13, $0x0;
	_ =	sdelay $0x1  }
0x28b: {  	v13 =	vsel vm3, $0x1, v4  }
0x28c: {  	(xrf0) =	vadd.scan.msk.s32 $0xffff, v13;
	_ =	sdelay $0x5  }
0x28d: {  	v13, _, _ =	vpop (xrf0)  }
0x28e: {  	(v2sf) =	vpush v13, $0xF;
	_ =	sdelay $0x2  }
0x28f: {  	v14, _, _ =	vpop (xrf1)  }
0x290: {  	v13 =	vperm.xlane v14, v6  }
0x291: {  	s3 =	smov.u32 s23;
	vm3 =	veq.f32 v9, $-Inf;
	s23 =	spop (v2sf)  }
0x292: {  	p0 =	sne.s32 s23, s3;
	v14 =	vsel vm3, $0x0, v9;
	v9 =	vmax.f32 v9, v13  }
0x293: {  	v14 =	vmul.f32 v14, v7;
	v9 =	vpsel p0, v13, v9  }
0x294: {  	(xrf1) =	vsort.dscd.msk.f32 $0xffff, v9, v9  }
0x295: {  	(xrf2) =	vadd.scan.msk.f32 $0xffff, v14;
	_ =	sdelay $0x4  }
0x296: {  	vm3 =	vmmov vm0  }
0x297: {  	vm3 =	vmneg @p0 vm3;
	s31 =	spop (v2sf)  }
0x298: {  	s3 =	ssub.s32 s3, s7;
	vm3 =	vmand vm3, vm1;
	s2 =	sadd.s32 s2, s31  }
0x299: {  	v9 =	vmov s3;
	p0 =	slt.s32 s2, $0x10  }
.Ltmp37:
0x29a: {  	_ = 	snop;
	(pc) =	sbr.rel @p0 .LBB2_52-.Ltmp37, $3  }
0x29b: {  	v13, _, _ =	vpop (xrf2)  }
0x29c: {  	v13 =	vbroadcast v13, $0xF;
	_ =	sdelay $0x1  }
0x29d: {  	[tilespmem:v9+s14+$0x0] =	vst.idx.msk vm3, v13;
	v9, _, _ =	vpop (xrf1)  }
.Ltmp38:
0x29e: {  	_ = 	snop;
	(pc) =	sbr.rel .LBB2_53-.Ltmp38, $1  }
0x29f: {  	_ =	sdelay $0x3  }
.LBB2_41:
0x2a0: {  	v13 =	vadd.s32 s2, v0  }
0x2a1: {  	vm2 =	vge.s32 v13, v10;
	vm3 =	vlt.s32 v13, v8  }
0x2a2: {  	vm2 =	vmand vm2, vm3  }
0x2a3: {  	v14 =	vnsel vm2, s23, v12  }
0x2a4: {  	v14 =	vcvt.s32.f32 v14;
	_ =	sdelay $0x1  }
0x2a5: {  	(xrf1) =	vsort.dscd.msk.f32 $0xffff, v14, v14;
	_ =	sdelay $0xd  }
0x2a6: {  	v14, _, _ =	vpop (xrf1)  }
0x2a7: {  	(v2sf) =	vpush v14, $0x0;
	_ =	sdelay $0xe  }
0x2a8: {  	s31 =	spop (v2sf)  }
0x2a9: {  	s2 =	scvt.f32.s32 s31;
	_ =	sdelay $0x1  }
0x2aa: {  	vm3 =	vlt.s32 v13, v10;
	v13 =	vmov s2  }
0x2ab: {  	v13 =	vsel vm3, s23, v13  }
0x2ac: {  	v12 =	vsel vm2, v12, v13  }
0x2ad: {  	s2 =	simm.s32 $0x0;
	[tilespmem:$0x10D00] =	vst v12  }
.LBB2_42:
0x2ae: {  	v13 =	vld [tilespmem:s2+$0x10D00];
	_ =	sdelay $0x4  }
0x2af: {  	v14 =	vbroadcast v13, $0x0;
	_ =	sdelay $0x1  }
0x2b0: {  	vm3 =	veq.s32 v12, v14  }
0x2b1: {  	vm4 =	vmand vm2, vm3  }
0x2b2: {  	v14 =	vnsel vm4, $0xFF800000, v11  }
0x2b3: {  	(xrf1) =	vsort.dscd.msk.f32 $0xffff, v14, v14  }
0x2b4: {  	(v2sf) =	vpush v13, $0x0;
	_ =	sdelay $0x1  }
0x2b5: {  	v13 =	vsel vm3, $0x1, v4  }
0x2b6: {  	(xrf0) =	vadd.scan.msk.s32 $0xffff, v13;
	_ =	sdelay $0x5  }
0x2b7: {  	v13, _, _ =	vpop (xrf0)  }
0x2b8: {  	(v2sf) =	vpush v13, $0xF;
	_ =	sdelay $0x2  }
0x2b9: {  	v14, _, _ =	vpop (xrf1)  }
0x2ba: {  	v13 =	vperm.xlane v14, v6  }
0x2bb: {  	s3 =	smov.u32 s23;
	vm3 =	veq.f32 v9, $-Inf;
	s23 =	spop (v2sf)  }
0x2bc: {  	p0 =	sne.s32 s23, s3;
	v14 =	vsel vm3, $0x0, v9;
	v9 =	vmax.f32 v9, v13  }
0x2bd: {  	v14 =	vmul.f32 v14, v7;
	v9 =	vpsel p0, v13, v9  }
0x2be: {  	(xrf1) =	vsort.dscd.msk.f32 $0xffff, v9, v9  }
0x2bf: {  	(xrf2) =	vadd.scan.msk.f32 $0xffff, v14;
	_ =	sdelay $0x4  }
0x2c0: {  	vm3 =	vmmov vm0  }
0x2c1: {  	vm3 =	vmneg @p0 vm3;
	s31 =	spop (v2sf)  }
0x2c2: {  	s3 =	ssub.s32 s3, s7;
	vm3 =	vmand vm3, vm1;
	s2 =	sadd.s32 s2, s31  }
0x2c3: {  	v9 =	vmov s3;
	p0 =	slt.s32 s2, $0x10  }
.Ltmp39:
0x2c4: {  	_ = 	snop;
	(pc) =	sbr.rel @p0 .LBB2_42-.Ltmp39, $3  }
0x2c5: {  	v13, _, _ =	vpop (xrf2)  }
0x2c6: {  	v13 =	vbroadcast v13, $0xF;
	_ =	sdelay $0x1  }
0x2c7: {  	[tilespmem:v9+s14+$0x0] =	vst.idx.msk vm3, v13;
	v9, _, _ =	vpop (xrf1)  }
.Ltmp40:
0x2c8: {  	_ = 	snop;
	(pc) =	sbr.rel .LBB2_43-.Ltmp40, $1  }
0x2c9: {  	_ =	sdelay $0x3  }
.LBB2_47:
0x2ca: {  	v16 =	vadd.s32 s2, v0  }
0x2cb: {  	vm2 =	vge.s32 v16, v10;
	vm3 =	vlt.s32 v16, v8  }
0x2cc: {  	vm2 =	vmand vm2, vm3  }
0x2cd: {  	v17 =	vnsel vm2, s23, v15  }
0x2ce: {  	v17 =	vcvt.s32.f32 v17;
	_ =	sdelay $0x1  }
0x2cf: {  	(xrf1) =	vsort.dscd.msk.f32 $0xffff, v17, v17;
	_ =	sdelay $0xd  }
0x2d0: {  	v17, _, _ =	vpop (xrf1)  }
0x2d1: {  	(v2sf) =	vpush v17, $0x0;
	_ =	sdelay $0xe  }
0x2d2: {  	s31 =	spop (v2sf)  }
0x2d3: {  	s2 =	scvt.f32.s32 s31;
	_ =	sdelay $0x1  }
0x2d4: {  	vm3 =	vlt.s32 v16, v10;
	v16 =	vmov s2  }
0x2d5: {  	v16 =	vsel vm3, s23, v16  }
0x2d6: {  	v15 =	vsel vm2, v15, v16  }
0x2d7: {  	s2 =	simm.s32 $0x0;
	[tilespmem:$0x10D00] =	vst v15  }
.LBB2_48:
0x2d8: {  	v16 =	vld [tilespmem:s2+$0x10D00];
	_ =	sdelay $0x4  }
0x2d9: {  	v17 =	vbroadcast v16, $0x0;
	_ =	sdelay $0x1  }
0x2da: {  	vm3 =	veq.s32 v15, v17  }
0x2db: {  	vm4 =	vmand vm2, vm3  }
0x2dc: {  	v17 =	vnsel vm4, $0xFF800000, v14  }
0x2dd: {  	(xrf1) =	vsort.dscd.msk.f32 $0xffff, v17, v17  }
0x2de: {  	(v2sf) =	vpush v16, $0x0;
	_ =	sdelay $0x1  }
0x2df: {  	v16 =	vsel vm3, $0x1, v4  }
0x2e0: {  	(xrf0) =	vadd.scan.msk.s32 $0xffff, v16;
	_ =	sdelay $0x5  }
0x2e1: {  	v16, _, _ =	vpop (xrf0)  }
0x2e2: {  	(v2sf) =	vpush v16, $0xF;
	_ =	sdelay $0x2  }
0x2e3: {  	v17, _, _ =	vpop (xrf1)  }
0x2e4: {  	v16 =	vperm.xlane v17, v6  }
0x2e5: {  	s3 =	smov.u32 s23;
	vm3 =	veq.f32 v9, $-Inf;
	s23 =	spop (v2sf)  }
0x2e6: {  	p0 =	sne.s32 s23, s3;
	v17 =	vsel vm3, $0x0, v9;
	v9 =	vmax.f32 v9, v16  }
0x2e7: {  	v17 =	vmul.f32 v17, v7;
	v9 =	vpsel p0, v16, v9  }
0x2e8: {  	(xrf1) =	vsort.dscd.msk.f32 $0xffff, v9, v9  }
0x2e9: {  	(xrf2) =	vadd.scan.msk.f32 $0xffff, v17;
	_ =	sdelay $0x4  }
0x2ea: {  	vm3 =	vmmov vm0  }
0x2eb: {  	vm3 =	vmneg @p0 vm3;
	s31 =	spop (v2sf)  }
0x2ec: {  	s3 =	ssub.s32 s3, s7;
	vm3 =	vmand vm3, vm1;
	s2 =	sadd.s32 s2, s31  }
0x2ed: {  	v9 =	vmov s3;
	p0 =	slt.s32 s2, $0x10  }
.Ltmp41:
0x2ee: {  	_ = 	snop;
	(pc) =	sbr.rel @p0 .LBB2_48-.Ltmp41, $3  }
0x2ef: {  	v16, _, _ =	vpop (xrf2)  }
0x2f0: {  	v16 =	vbroadcast v16, $0xF;
	_ =	sdelay $0x1  }
0x2f1: {  	[tilespmem:v9+s14+$0x0] =	vst.idx.msk vm3, v16;
	v9, _, _ =	vpop (xrf1)  }
.Ltmp42:
0x2f2: {  	_ = 	snop;
	(pc) =	sbr.rel .LBB2_49-.Ltmp42, $1  }
0x2f3: {  	_ =	sdelay $0x3  }
.LBB2_37:
0x2f4: {  	v16 =	vadd.s32 s2, v0  }
0x2f5: {  	vm2 =	vge.s32 v16, v10;
	vm3 =	vlt.s32 v16, v8  }
0x2f6: {  	vm2 =	vmand vm2, vm3  }
0x2f7: {  	v17 =	vnsel vm2, s23, v15  }
0x2f8: {  	v17 =	vcvt.s32.f32 v17;
	_ =	sdelay $0x1  }
0x2f9: {  	(xrf1) =	vsort.dscd.msk.f32 $0xffff, v17, v17;
	_ =	sdelay $0xd  }
0x2fa: {  	v17, _, _ =	vpop (xrf1)  }
0x2fb: {  	(v2sf) =	vpush v17, $0x0;
	_ =	sdelay $0xe  }
0x2fc: {  	s31 =	spop (v2sf)  }
0x2fd: {  	s2 =	scvt.f32.s32 s31;
	_ =	sdelay $0x1  }
0x2fe: {  	vm3 =	vlt.s32 v16, v10;
	v16 =	vmov s2  }
0x2ff: {  	v16 =	vsel vm3, s23, v16  }
0x300: {  	v15 =	vsel vm2, v15, v16  }
0x301: {  	s2 =	simm.s32 $0x0;
	[tilespmem:$0x10D00] =	vst v15  }
.LBB2_38:
0x302: {  	v16 =	vld [tilespmem:s2+$0x10D00];
	_ =	sdelay $0x4  }
0x303: {  	v17 =	vbroadcast v16, $0x0;
	_ =	sdelay $0x1  }
0x304: {  	vm3 =	veq.s32 v15, v17  }
0x305: {  	vm4 =	vmand vm2, vm3  }
0x306: {  	v17 =	vnsel vm4, $0xFF800000, v14  }
0x307: {  	(xrf1) =	vsort.dscd.msk.f32 $0xffff, v17, v17  }
0x308: {  	(v2sf) =	vpush v16, $0x0;
	_ =	sdelay $0x1  }
0x309: {  	v16 =	vsel vm3, $0x1, v4  }
0x30a: {  	(xrf0) =	vadd.scan.msk.s32 $0xffff, v16;
	_ =	sdelay $0x5  }
0x30b: {  	v16, _, _ =	vpop (xrf0)  }
0x30c: {  	(v2sf) =	vpush v16, $0xF;
	_ =	sdelay $0x2  }
0x30d: {  	v17, _, _ =	vpop (xrf1)  }
0x30e: {  	v16 =	vperm.xlane v17, v6  }
0x30f: {  	s3 =	smov.u32 s23;
	vm3 =	veq.f32 v9, $-Inf;
	s23 =	spop (v2sf)  }
0x310: {  	p0 =	sne.s32 s23, s3;
	v17 =	vsel vm3, $0x0, v9;
	v9 =	vmax.f32 v9, v16  }
0x311: {  	v17 =	vmul.f32 v17, v7;
	v9 =	vpsel p0, v16, v9  }
0x312: {  	(xrf1) =	vsort.dscd.msk.f32 $0xffff, v9, v9  }
0x313: {  	(xrf2) =	vadd.scan.msk.f32 $0xffff, v17;
	_ =	sdelay $0x4  }
0x314: {  	vm3 =	vmmov vm0  }
0x315: {  	vm3 =	vmneg @p0 vm3;
	s31 =	spop (v2sf)  }
0x316: {  	s3 =	ssub.s32 s3, s7;
	vm3 =	vmand vm3, vm1;
	s2 =	sadd.s32 s2, s31  }
0x317: {  	v9 =	vmov s3;
	p0 =	slt.s32 s2, $0x10  }
.Ltmp43:
0x318: {  	_ = 	snop;
	(pc) =	sbr.rel @p0 .LBB2_38-.Ltmp43, $3  }
0x319: {  	v16, _, _ =	vpop (xrf2)  }
0x31a: {  	v16 =	vbroadcast v16, $0xF;
	_ =	sdelay $0x1  }
0x31b: {  	[tilespmem:v9+s14+$0x0] =	vst.idx.msk vm3, v16;
	v9, _, _ =	vpop (xrf1)  }
.Ltmp44:
0x31c: {  	_ = 	snop;
	(pc) =	sbr.rel .LBB2_39-.Ltmp44, $1  }
0x31d: {  	_ =	sdelay $0x3  }
.LBB2_56:
0x31e: {  	_ =	sfence.sel $0x180000  }
0x31f: {  	[bflag:$0x0] =	sbarrier.arrive $0xFFFF  }
0x320: {  	_ =	strace $0x90000047  }
0x321: {  	s0 =	stileid.u32;
	[bflag:$0x2] =	sbarrier.arrive $0xFFFF  }
0x322: {  	p0 =	sne.s32 s0, $0x0;
	s0 =	rddreg [dreg:$0x4]  }
0x323: {  	s0 =	sadd.s32 @!p0 $0x100000, s0  }
0x324: {  	[sflag:s0] =	ssyncadd.tile.s32 @!p0 $0x1;
	_ =	shalt  }
.Lfunc_end2:
_tile_overlayer_lowered:
.L_overlay_start_2:
0x325: {  	(tag) =	ssettag $0x2  }
0x326: {  	s0 =	rddreg [dreg:$0x0];
	s2 =	stileid.u32  }
0x327: {  	s1 =	rddreg [dreg:$0x1];
	p0 =	sne.s32 s2, $0x0  }
0x328: {  	s3 =	rddreg [dreg:$0x2];
	[bflag:$0x3] =	sbarrier.arrive $0xFFFF;
	s2 =	simm.s32 @!p0 $0x1C03  }
0x329: {  	[timem:s3], [sflag:s2] =	dma.local @!p0 [hbm:s0], s1  }
0x32a: {  	s0 =	simm.s32 @!p0 $0x3  }
0x32b: {  	_ =	swait.ge @!p0 [sflag:s0], s1  }
0x32c: {  	s1 =	ssub.s32 @!p0 $0x0, s1;
	[sflag:s0] =	ssyncset.done @!p0 $0x0  }
0x32d: {  	[sflag:s0] =	ssyncadd.s32 @!p0 s1  }
0x32e: {  	[bflag:$0x3] =	sbarrier.arrive $0xFFFF  }
0x32f: {  	_ =	shalt  }

</sc_bundles>
